<compile_context>
chip_gen: v7x
topology: tpu7x:2x2x1
jax: 0.10.2.dev20260603
libtpu: 0.0.44.dev20260713+nightly
codegen_flags: <defaults>
</compile_context>

<pallas_src>
import functools

import jax
import jax.numpy as jnp
from jax import lax
from jax.experimental import pallas as pl
from jax.experimental.pallas import tpu as pltpu
from jax.experimental.pallas import tpu_sc as plsc

N = 1_000_000
CA = 4000
_BOUNDS = (0, 248_000, 496_000, 744_000, N)
NW = 32
EPSILON = 1e-7

_mesh = plsc.VectorSubcoreMesh(core_axis_name="c", subcore_axis_name="s")


def _make_part(nanch, lab_off):
    nchunks = nanch // CA

    @functools.partial(
        pl.kernel,
        out_type=jax.ShapeDtypeStruct((NW, 128), jnp.float32),
        mesh=_mesh,
        compiler_params=pltpu.CompilerParams(use_tc_tiling_on_sc=False),
        scratch_types=[
            pltpu.VMEM((2, 4, CA), jnp.float32),
            pltpu.VMEM((2, 4, CA), jnp.float32),
            pltpu.VMEM((2, CA), jnp.int32),
            pltpu.VMEM((128,), jnp.float32),
            pltpu.SemaphoreType.DMA((2,)),
            pltpu.SemaphoreType.DMA((2,)),
            pltpu.SemaphoreType.DMA((2,)),
        ],
    )
    def _part(t_hbm, r_hbm, lab_hbm, out_hbm,
              tv, rv, lv, accv, tsem, rsem, lsem):
        wid = lax.axis_index("s") * 2 + lax.axis_index("c")
        zero = jnp.zeros((16,), jnp.float32)
        one = jnp.ones((16,), jnp.float32)

        nch = jnp.where(wid < (nchunks % NW), nchunks // NW + 1,
                        nchunks // NW)

        def copies(k):
            c = wid + k * NW
            buf = lax.rem(k, 2)
            return (
                pltpu.make_async_copy(t_hbm.at[:, pl.ds(c * CA, CA)],
                                      tv.at[buf], tsem.at[buf]),
                pltpu.make_async_copy(r_hbm.at[:, pl.ds(c * CA, CA)],
                                      rv.at[buf], rsem.at[buf]),
                pltpu.make_async_copy(lab_hbm.at[pl.ds(lab_off + c * CA, CA)],
                                      lv.at[buf], lsem.at[buf]),
            )

        def start(k):
            for cp in copies(k):
                cp.start()

        start(0)

        def chunk_body(k, carry):
            @pl.when(k + 1 < nch)
            def _prefetch():
                start(k + 1)

            for cp in copies(k):
                cp.wait()
            buf = lax.rem(k, 2)

            def group_body(g2, acc):
                acc_a, acc_p, acc_s = acc
                for half in range(2):
                    g = g2 * 2 + half
                    lab16 = lv[buf, pl.ds(g * 16, 16)]
                    w = jnp.where(lab16 == 1, one, zero)
                    acc_p = acc_p + w
                    acc_s = acc_s + lab16.astype(jnp.float32)
                    for j in range(4):
                        t = tv[buf, j, pl.ds(g * 16, 16)]
                        r = rv[buf, j, pl.ds(g * 16, 16)]
                        x = t - r
                        ax = jnp.abs(x)
                        u = jnp.minimum(ax, 1.0)
                        acc_a = acc_a + (u * (ax + ax - u)) * w
                return acc_a, acc_p, acc_s

            return lax.fori_loop(0, CA // 32, group_body, carry)

        acc_a, acc_p, acc_s = lax.fori_loop(0, nch, chunk_body,
                                            (zero, zero, zero))
        accv[pl.ds(0, 16)] = acc_a
        accv[pl.ds(16, 16)] = acc_p
        accv[pl.ds(32, 16)] = acc_s
        accv[pl.ds(48, 16)] = zero
        accv[pl.ds(64, 16)] = zero
        accv[pl.ds(80, 16)] = zero
        accv[pl.ds(96, 16)] = zero
        accv[pl.ds(112, 16)] = zero
        pltpu.sync_copy(accv, out_hbm.at[wid])

    return _part


_NPARTS = len(_BOUNDS) - 1
_parts = [_make_part(_BOUNDS[i + 1] - _BOUNDS[i], _BOUNDS[i])
          for i in range(_NPARTS)]


def kernel(rpn_bbox_targets, rpn_regression, rpn_labels):
    parts = None
    for i in range(_NPARTS):
        lo, hi = _BOUNDS[i], _BOUNDS[i + 1]
        tq = jnp.transpose(lax.slice(rpn_bbox_targets, (lo, 0), (hi, 4)))
        rq = jnp.transpose(lax.slice(rpn_regression, (lo, 0), (hi, 4)))
        p = _parts[i](tq, rq, rpn_labels)
        parts = p if parts is None else parts + p
    a = 0.5 * jnp.sum(parts[:, 0:16])
    npos = jnp.sum(parts[:, 16:32])
    lsum = jnp.sum(parts[:, 32:48])
    nvalid = jnp.float32(N) - npos + lsum
    b = nvalid * EPSILON + npos
    return a / b

# --- scband reference (transcript-rebuilt; emitter-appended) ---
"""Pipeline reference for scband-regression-loss-51058571215229 (READ-ONLY COPY).

The authoritative reference and input builder live on the scoring server;
editing this copy changes nothing except your own understanding.
"""

import jax, jax.numpy as jnp
import numpy as np

EPSILON = 1e-7  # keras.backend.epsilon()

def setup_inputs(seed: int = 0) -> dict:
    key = jax.random.key(seed)
    k1, k2, k3 = jax.random.split(key, 3)
    N = 1000000
    rpn_bbox_targets = jax.random.normal(k1, (N, 4), dtype=jnp.float32)
    rpn_regression = jax.random.normal(k2, (N, 4), dtype=jnp.float32)
    # labels in {-1, 0, 1}: -1 = ignore, 0 = negative, 1 = positive
    rpn_labels = jax.random.randint(k3, (N,), -1, 2, dtype=jnp.int32)
    return {
        "rpn_bbox_targets": rpn_bbox_targets,
        "rpn_regression": rpn_regression,
        "rpn_labels": rpn_labels,
    }

def reference(rpn_bbox_targets, rpn_regression, rpn_labels):
    # Faithful translation of RegressionLoss._loss. The original gathers rows
    # where labels != -1; here we keep static shapes and apply the equivalent
    # validity mask (mathematically identical since invalid rows are zeroed
    # out of both the numerator and the denominator).
    rpn_regression = jnp.reshape(rpn_regression, (-1, 4))
    valid = (rpn_labels != -1)
    vf = valid.astype(jnp.float32)

    x = rpn_bbox_targets - rpn_regression  # [N, 4]
    mask = (jnp.abs(x) <= 1.0).astype(jnp.float32)

    # a_x: 1 where label is positive (!=0) among valid anchors, else 0
    a_x = jnp.where(rpn_labels != 0, jnp.ones_like(vf), jnp.zeros_like(vf)) * vf
    # smooth-L1 per element
    a_y = mask * (0.5 * x * x) + (1.0 - mask) * (jnp.abs(x) - 0.5)  # [N, 4]

    a = jnp.matmul(a_x[None, :], a_y)  # [1, 4]
    a = jnp.sum(a)
    # b = sum over valid anchors of (epsilon + a_x)
    b = jnp.sum(vf * EPSILON + a_x)
    loss = 1.0 * (a / b)
    return loss

if __name__ == "__main__":
    import jax
    _d = setup_inputs()
    print(jax.jit(kernel)(*tuple(_d.values())))

</pallas_src>

<mosaic_0001>
#map = affine_map<(d0, d1) -> (0, 0)>
#map1 = affine_map<(d0, d1) -> (0)>
module attributes {stable_mosaic.version = 14 : i64} {
  func.func @_part(%arg0: i32, %arg1: i32, %arg2: memref<4x256000xf32, #tpu.memory_space<hbm>>, %arg3: memref<4x256000xf32, #tpu.memory_space<hbm>>, %arg4: memref<1000000xi32, #tpu.memory_space<hbm>>, %arg5: memref<32x128xf32, #tpu.memory_space<hbm>>, %arg6: memref<2x4x4000xf32, #tpu.memory_space<vmem>>, %arg7: memref<2x4x4000xf32, #tpu.memory_space<vmem>>, %arg8: memref<2x4000xi32, #tpu.memory_space<vmem>>, %arg9: memref<128xf32, #tpu.memory_space<vmem>>, %arg10: memref<2x!tpu.dma_semaphore, #tpu.memory_space<semaphore_mem>>, %arg11: memref<2x!tpu.dma_semaphore, #tpu.memory_space<semaphore_mem>>, %arg12: memref<2x!tpu.dma_semaphore, #tpu.memory_space<semaphore_mem>>) attributes {dimension_semantics = [#tpu.dimension_semantics<core_parallel>, #tpu.dimension_semantics<subcore_parallel>], iteration_bounds = array<i64: 2, 16>, scalar_prefetch = 0 : i64, scratch_operands = 7 : i64, tpu.core_type = #tpu.core_type<sc_vector_subcore>, window_params = [{transform_indices = #map}, {transform_indices = #map}, {transform_indices = #map1}, {transform_indices = #map}]} {
    %mul3A = arith.constant 2 : i32
    %mul3A_0 = arith.muli %arg1, %mul3A : i32
    %add3A = arith.addi %mul3A_0, %arg0 : i32
    %broadcast_in_dim3A = arith.constant 0.000000e+00 : f32
    %broadcast_in_dim3A_1 = vector.broadcast %broadcast_in_dim3A : f32 to vector<16xf32>
    %broadcast_in_dim3A_2 = arith.constant 1.000000e+00 : f32
    %broadcast_in_dim3A_3 = vector.broadcast %broadcast_in_dim3A_2 : f32 to vector<16xf32>
    %lt3A = arith.constant 0 : i32
    %lt3A_4 = arith.cmpi slt, %add3A, %lt3A : i32
    %jit3A = arith.constant 3 : i32
    %jit3A_5 = arith.constant 2 : i32
    %select_n3A = arith.select %lt3A_4, %jit3A, %jit3A_5 : i32
    %add3A_6 = arith.constant 0 : i32
    %add3A_7 = arith.addi %add3A, %add3A_6 : i32
    %rem3A = arith.constant 0 : i32
    %rem3A_8 = arith.constant 2 : i32
    %rem3A_9 = arith.remsi %rem3A, %rem3A_8 : i32
    %mul3A_10 = arith.constant 4000 : i32
    %mul3A_11 = arith.muli %add3A_7, %mul3A_10 : i32
    %mul3A_12 = arith.constant 4000 : i32
    %mul3A_13 = arith.muli %add3A_7, %mul3A_12 : i32
    %mul3A_14 = arith.constant 4000 : i32
    %mul3A_15 = arith.muli %add3A_7, %mul3A_14 : i32
    %add3A_16 = arith.constant 744000 : i32
    %add3A_17 = arith.addi %add3A_16, %mul3A_15 : i32
    %dma_start3A = arith.constant 0 : i32
    %dma_start3A_18 = arith.constant 0 : i32
    %dma_start3A_19 = tpu.memref_slice %arg6[%rem3A_9, %dma_start3A, %dma_start3A_18] : memref<2x4x4000xf32, #tpu.memory_space<vmem>> -> memref<1x4x4000xf32, #tpu.memory_space<vmem>>
    %dma_start3A_20 = tpu.memref_squeeze %dma_start3A_19 : memref<1x4x4000xf32, #tpu.memory_space<vmem>> -> memref<4x4000xf32, #tpu.memory_space<vmem>>
    %dma_start3A_21 = arith.constant 0 : i32
    %dma_start3A_22 = tpu.memref_slice %arg2[%dma_start3A_21, %mul3A_11] : memref<4x256000xf32, #tpu.memory_space<hbm>> -> memref<4x4000xf32, #tpu.memory_space<hbm>>
    %dma_start3A_23 = tpu.memref_slice %arg10[%rem3A_9] : memref<2x!tpu.dma_semaphore, #tpu.memory_space<semaphore_mem>> -> memref<1x!tpu.dma_semaphore, #tpu.memory_space<semaphore_mem>>
    %dma_start3A_24 = tpu.memref_squeeze %dma_start3A_23 : memref<1x!tpu.dma_semaphore, #tpu.memory_space<semaphore_mem>> -> memref<!tpu.dma_semaphore, #tpu.memory_space<semaphore_mem>>
    %dma_start3A_25 = arith.constant 0 : i32
    %dma_start3A_26 = arith.constant 0 : i32
    %dma_start3A_27 = tpu.memref_slice %arg6[%rem3A_9, %dma_start3A_25, %dma_start3A_26] : memref<2x4x4000xf32, #tpu.memory_space<vmem>> -> memref<1x4x4000xf32, #tpu.memory_space<vmem>>
    %dma_start3A_28 = tpu.memref_squeeze %dma_start3A_27 : memref<1x4x4000xf32, #tpu.memory_space<vmem>> -> memref<4x4000xf32, #tpu.memory_space<vmem>>
    %dma_start3A_29 = arith.constant 0 : i32
    %dma_start3A_30 = tpu.memref_slice %arg2[%dma_start3A_29, %mul3A_11] : memref<4x256000xf32, #tpu.memory_space<hbm>> -> memref<4x4000xf32, #tpu.memory_space<hbm>>
    tpu.enqueue_dma source(%dma_start3A_30 : memref<4x4000xf32, #tpu.memory_space<hbm>>) target(%dma_start3A_28 : memref<4x4000xf32, #tpu.memory_space<vmem>>) target_semaphore(%dma_start3A_24 : memref<!tpu.dma_semaphore, #tpu.memory_space<semaphore_mem>>)
    %dma_start3A_31 = arith.constant 0 : i32
    %dma_start3A_32 = arith.constant 0 : i32
    %dma_start3A_33 = tpu.memref_slice %arg7[%rem3A_9, %dma_start3A_31, %dma_start3A_32] : memref<2x4x4000xf32, #tpu.memory_space<vmem>> -> memref<1x4x4000xf32, #tpu.memory_space<vmem>>
    %dma_start3A_34 = tpu.memref_squeeze %dma_start3A_33 : memref<1x4x4000xf32, #tpu.memory_space<vmem>> -> memref<4x4000xf32, #tpu.memory_space<vmem>>
    %dma_start3A_35 = arith.constant 0 : i32
    %dma_start3A_36 = tpu.memref_slice %arg3[%dma_start3A_35, %mul3A_13] : memref<4x256000xf32, #tpu.memory_space<hbm>> -> memref<4x4000xf32, #tpu.memory_space<hbm>>
    %dma_start3A_37 = tpu.memref_slice %arg11[%rem3A_9] : memref<2x!tpu.dma_semaphore, #tpu.memory_space<semaphore_mem>> -> memref<1x!tpu.dma_semaphore, #tpu.memory_space<semaphore_mem>>
    %dma_start3A_38 = tpu.memref_squeeze %dma_start3A_37 : memref<1x!tpu.dma_semaphore, #tpu.memory_space<semaphore_mem>> -> memref<!tpu.dma_semaphore, #tpu.memory_space<semaphore_mem>>
    %dma_start3A_39 = arith.constant 0 : i32
    %dma_start3A_40 = arith.constant 0 : i32
    %dma_start3A_41 = tpu.memref_slice %arg7[%rem3A_9, %dma_start3A_39, %dma_start3A_40] : memref<2x4x4000xf32, #tpu.memory_space<vmem>> -> memref<1x4x4000xf32, #tpu.memory_space<vmem>>
    %dma_start3A_42 = tpu.memref_squeeze %dma_start3A_41 : memref<1x4x4000xf32, #tpu.memory_space<vmem>> -> memref<4x4000xf32, #tpu.memory_space<vmem>>
    %dma_start3A_43 = arith.constant 0 : i32
    %dma_start3A_44 = tpu.memref_slice %arg3[%dma_start3A_43, %mul3A_13] : memref<4x256000xf32, #tpu.memory_space<hbm>> -> memref<4x4000xf32, #tpu.memory_space<hbm>>
    tpu.enqueue_dma source(%dma_start3A_44 : memref<4x4000xf32, #tpu.memory_space<hbm>>) target(%dma_start3A_42 : memref<4x4000xf32, #tpu.memory_space<vmem>>) target_semaphore(%dma_start3A_38 : memref<!tpu.dma_semaphore, #tpu.memory_space<semaphore_mem>>)
    %dma_start3A_45 = arith.constant 0 : i32
    %dma_start3A_46 = tpu.memref_slice %arg8[%rem3A_9, %dma_start3A_45] : memref<2x4000xi32, #tpu.memory_space<vmem>> -> memref<1x4000xi32, #tpu.memory_space<vmem>>
    %dma_start3A_47 = tpu.memref_squeeze %dma_start3A_46 : memref<1x4000xi32, #tpu.memory_space<vmem>> -> memref<4000xi32, #tpu.memory_space<vmem>>
    %dma_start3A_48 = tpu.memref_slice %arg4[%add3A_17] : memref<1000000xi32, #tpu.memory_space<hbm>> -> memref<4000xi32, #tpu.memory_space<hbm>>
    %dma_start3A_49 = tpu.memref_slice %arg12[%rem3A_9] : memref<2x!tpu.dma_semaphore, #tpu.memory_space<semaphore_mem>> -> memref<1x!tpu.dma_semaphore, #tpu.memory_space<semaphore_mem>>
    %dma_start3A_50 = tpu.memref_squeeze %dma_start3A_49 : memref<1x!tpu.dma_semaphore, #tpu.memory_space<semaphore_mem>> -> memref<!tpu.dma_semaphore, #tpu.memory_space<semaphore_mem>>
    %dma_start3A_51 = arith.constant 0 : i32
    %dma_start3A_52 = tpu.memref_slice %arg8[%rem3A_9, %dma_start3A_51] : memref<2x4000xi32, #tpu.memory_space<vmem>> -> memref<1x4000xi32, #tpu.memory_space<vmem>>
    %dma_start3A_53 = tpu.memref_squeeze %dma_start3A_52 : memref<1x4000xi32, #tpu.memory_space<vmem>> -> memref<4000xi32, #tpu.memory_space<vmem>>
    %dma_start3A_54 = tpu.memref_slice %arg4[%add3A_17] : memref<1000000xi32, #tpu.memory_space<hbm>> -> memref<4000xi32, #tpu.memory_space<hbm>>
    tpu.enqueue_dma source(%dma_start3A_54 : memref<4000xi32, #tpu.memory_space<hbm>>) target(%dma_start3A_53 : memref<4000xi32, #tpu.memory_space<vmem>>) target_semaphore(%dma_start3A_50 : memref<!tpu.dma_semaphore, #tpu.memory_space<semaphore_mem>>)
    %while3A = arith.constant 0 : i32
    %while3A_55 = arith.subi %select_n3A, %while3A : i32
    %while3A_56 = arith.addi %while3A, %while3A_55 : i32
    %while3A_57 = arith.constant 1 : i32
    %while3A_58 = arith.divsi %while3A_55, %while3A_57 : i32
    %while3A_59 = arith.muli %while3A_58, %while3A_57 : i32
    %while3A_60 = arith.addi %while3A, %while3A_59 : i32
    %while3A_61 = arith.constant 1 : i32
    %while3A_62:3 = scf.for %while3A_96 = %while3A to %while3A_60 step %while3A_61 iter_args(%while3A_97 = %broadcast_in_dim3A_1, %while3A_98 = %broadcast_in_dim3A_1, %while3A_99 = %broadcast_in_dim3A_1) -> (vector<16xf32>, vector<16xf32>, vector<16xf32>)  : i32 {
      %add3A_100 = arith.constant 1 : i32
      %add3A_101 = arith.addi %while3A_96, %add3A_100 : i32
      %lt3A_102 = arith.cmpi slt, %add3A_101, %select_n3A : i32
      %convert_element_type3A = arith.extui %lt3A_102 : i1 to i32
      %cond3A = arith.constant 0 : i32
      %cond3A_103 = arith.cmpi ne, %convert_element_type3A, %cond3A : i32
      scf.if %cond3A_103 {
        %add3A_161 = arith.constant 1 : i32
        %add3A_162 = arith.addi %while3A_96, %add3A_161 : i32
        %mul3A_163 = arith.constant 32 : i32
        %mul3A_164 = arith.muli %add3A_162, %mul3A_163 : i32
        %add3A_165 = arith.addi %add3A, %mul3A_164 : i32
        %rem3A_166 = arith.constant 2 : i32
        %rem3A_167 = arith.remsi %add3A_162, %rem3A_166 : i32
        %mul3A_168 = arith.constant 4000 : i32
        %mul3A_169 = arith.muli %add3A_165, %mul3A_168 : i32
        %mul3A_170 = arith.constant 4000 : i32
        %mul3A_171 = arith.muli %add3A_165, %mul3A_170 : i32
        %mul3A_172 = arith.constant 4000 : i32
        %mul3A_173 = arith.muli %add3A_165, %mul3A_172 : i32
        %add3A_174 = arith.constant 744000 : i32
        %add3A_175 = arith.addi %add3A_174, %mul3A_173 : i32
        %dma_start3A_176 = arith.constant 0 : i32
        %dma_start3A_177 = arith.constant 0 : i32
        %dma_start3A_178 = tpu.memref_slice %arg6[%rem3A_167, %dma_start3A_176, %dma_start3A_177] : memref<2x4x4000xf32, #tpu.memory_space<vmem>> -> memref<1x4x4000xf32, #tpu.memory_space<vmem>>
        %dma_start3A_179 = tpu.memref_squeeze %dma_start3A_178 : memref<1x4x4000xf32, #tpu.memory_space<vmem>> -> memref<4x4000xf32, #tpu.memory_space<vmem>>
        %dma_start3A_180 = arith.constant 0 : i32
        %dma_start3A_181 = tpu.memref_slice %arg2[%dma_start3A_180, %mul3A_169] : memref<4x256000xf32, #tpu.memory_space<hbm>> -> memref<4x4000xf32, #tpu.memory_space<hbm>>
        %dma_start3A_182 = tpu.memref_slice %arg10[%rem3A_167] : memref<2x!tpu.dma_semaphore, #tpu.memory_space<semaphore_mem>> -> memref<1x!tpu.dma_semaphore, #tpu.memory_space<semaphore_mem>>
        %dma_start3A_183 = tpu.memref_squeeze %dma_start3A_182 : memref<1x!tpu.dma_semaphore, #tpu.memory_space<semaphore_mem>> -> memref<!tpu.dma_semaphore, #tpu.memory_space<semaphore_mem>>
        %dma_start3A_184 = arith.constant 0 : i32
        %dma_start3A_185 = arith.constant 0 : i32
        %dma_start3A_186 = tpu.memref_slice %arg6[%rem3A_167, %dma_start3A_184, %dma_start3A_185] : memref<2x4x4000xf32, #tpu.memory_space<vmem>> -> memref<1x4x4000xf32, #tpu.memory_space<vmem>>
        %dma_start3A_187 = tpu.memref_squeeze %dma_start3A_186 : memref<1x4x4000xf32, #tpu.memory_space<vmem>> -> memref<4x4000xf32, #tpu.memory_space<vmem>>
        %dma_start3A_188 = arith.constant 0 : i32
        %dma_start3A_189 = tpu.memref_slice %arg2[%dma_start3A_188, %mul3A_169] : memref<4x256000xf32, #tpu.memory_space<hbm>> -> memref<4x4000xf32, #tpu.memory_space<hbm>>
        tpu.enqueue_dma source(%dma_start3A_189 : memref<4x4000xf32, #tpu.memory_space<hbm>>) target(%dma_start3A_187 : memref<4x4000xf32, #tpu.memory_space<vmem>>) target_semaphore(%dma_start3A_183 : memref<!tpu.dma_semaphore, #tpu.memory_space<semaphore_mem>>)
        %dma_start3A_190 = arith.constant 0 : i32
        %dma_start3A_191 = arith.constant 0 : i32
        %dma_start3A_192 = tpu.memref_slice %arg7[%rem3A_167, %dma_start3A_190, %dma_start3A_191] : memref<2x4x4000xf32, #tpu.memory_space<vmem>> -> memref<1x4x4000xf32, #tpu.memory_space<vmem>>
        %dma_start3A_193 = tpu.memref_squeeze %dma_start3A_192 : memref<1x4x4000xf32, #tpu.memory_space<vmem>> -> memref<4x4000xf32, #tpu.memory_space<vmem>>
        %dma_start3A_194 = arith.constant 0 : i32
        %dma_start3A_195 = tpu.memref_slice %arg3[%dma_start3A_194, %mul3A_171] : memref<4x256000xf32, #tpu.memory_space<hbm>> -> memref<4x4000xf32, #tpu.memory_space<hbm>>
        %dma_start3A_196 = tpu.memref_slice %arg11[%rem3A_167] : memref<2x!tpu.dma_semaphore, #tpu.memory_space<semaphore_mem>> -> memref<1x!tpu.dma_semaphore, #tpu.memory_space<semaphore_mem>>
        %dma_start3A_197 = tpu.memref_squeeze %dma_start3A_196 : memref<1x!tpu.dma_semaphore, #tpu.memory_space<semaphore_mem>> -> memref<!tpu.dma_semaphore, #tpu.memory_space<semaphore_mem>>
        %dma_start3A_198 = arith.constant 0 : i32
        %dma_start3A_199 = arith.constant 0 : i32
        %dma_start3A_200 = tpu.memref_slice %arg7[%rem3A_167, %dma_start3A_198, %dma_start3A_199] : memref<2x4x4000xf32, #tpu.memory_space<vmem>> -> memref<1x4x4000xf32, #tpu.memory_space<vmem>>
        %dma_start3A_201 = tpu.memref_squeeze %dma_start3A_200 : memref<1x4x4000xf32, #tpu.memory_space<vmem>> -> memref<4x4000xf32, #tpu.memory_space<vmem>>
        %dma_start3A_202 = arith.constant 0 : i32
        %dma_start3A_203 = tpu.memref_slice %arg3[%dma_start3A_202, %mul3A_171] : memref<4x256000xf32, #tpu.memory_space<hbm>> -> memref<4x4000xf32, #tpu.memory_space<hbm>>
        tpu.enqueue_dma source(%dma_start3A_203 : memref<4x4000xf32, #tpu.memory_space<hbm>>) target(%dma_start3A_201 : memref<4x4000xf32, #tpu.memory_space<vmem>>) target_semaphore(%dma_start3A_197 : memref<!tpu.dma_semaphore, #tpu.memory_space<semaphore_mem>>)
        %dma_start3A_204 = arith.constant 0 : i32
        %dma_start3A_205 = tpu.memref_slice %arg8[%rem3A_167, %dma_start3A_204] : memref<2x4000xi32, #tpu.memory_space<vmem>> -> memref<1x4000xi32, #tpu.memory_space<vmem>>
        %dma_start3A_206 = tpu.memref_squeeze %dma_start3A_205 : memref<1x4000xi32, #tpu.memory_space<vmem>> -> memref<4000xi32, #tpu.memory_space<vmem>>
        %dma_start3A_207 = tpu.memref_slice %arg4[%add3A_175] : memref<1000000xi32, #tpu.memory_space<hbm>> -> memref<4000xi32, #tpu.memory_space<hbm>>
        %dma_start3A_208 = tpu.memref_slice %arg12[%rem3A_167] : memref<2x!tpu.dma_semaphore, #tpu.memory_space<semaphore_mem>> -> memref<1x!tpu.dma_semaphore, #tpu.memory_space<semaphore_mem>>
        %dma_start3A_209 = tpu.memref_squeeze %dma_start3A_208 : memref<1x!tpu.dma_semaphore, #tpu.memory_space<semaphore_mem>> -> memref<!tpu.dma_semaphore, #tpu.memory_space<semaphore_mem>>
        %dma_start3A_210 = arith.constant 0 : i32
        %dma_start3A_211 = tpu.memref_slice %arg8[%rem3A_167, %dma_start3A_210] : memref<2x4000xi32, #tpu.memory_space<vmem>> -> memref<1x4000xi32, #tpu.memory_space<vmem>>
        %dma_start3A_212 = tpu.memref_squeeze %dma_start3A_211 : memref<1x4000xi32, #tpu.memory_space<vmem>> -> memref<4000xi32, #tpu.memory_space<vmem>>
        %dma_start3A_213 = tpu.memref_slice %arg4[%add3A_175] : memref<1000000xi32, #tpu.memory_space<hbm>> -> memref<4000xi32, #tpu.memory_space<hbm>>
        tpu.enqueue_dma source(%dma_start3A_213 : memref<4000xi32, #tpu.memory_space<hbm>>) target(%dma_start3A_212 : memref<4000xi32, #tpu.memory_space<vmem>>) target_semaphore(%dma_start3A_209 : memref<!tpu.dma_semaphore, #tpu.memory_space<semaphore_mem>>)
      } else {
      }
      %mul3A_104 = arith.constant 32 : i32
      %mul3A_105 = arith.muli %while3A_96, %mul3A_104 : i32
      %add3A_106 = arith.addi %add3A, %mul3A_105 : i32
      %rem3A_107 = arith.constant 2 : i32
      %rem3A_108 = arith.remsi %while3A_96, %rem3A_107 : i32
      %mul3A_109 = arith.constant 4000 : i32
      %mul3A_110 = arith.muli %add3A_106, %mul3A_109 : i32
      %mul3A_111 = arith.constant 4000 : i32
      %mul3A_112 = arith.muli %add3A_106, %mul3A_111 : i32
      %mul3A_113 = arith.constant 4000 : i32
      %mul3A_114 = arith.muli %add3A_106, %mul3A_113 : i32
      %add3A_115 = arith.constant 744000 : i32
      %add3A_116 = arith.addi %add3A_115, %mul3A_114 : i32
      %dma_wait3A = arith.constant 0 : i32
      %dma_wait3A_117 = arith.constant 0 : i32
      %dma_wait3A_118 = tpu.memref_slice %arg6[%rem3A_108, %dma_wait3A, %dma_wait3A_117] : memref<2x4x4000xf32, #tpu.memory_space<vmem>> -> memref<1x4x4000xf32, #tpu.memory_space<vmem>>
      %dma_wait3A_119 = tpu.memref_squeeze %dma_wait3A_118 : memref<1x4x4000xf32, #tpu.memory_space<vmem>> -> memref<4x4000xf32, #tpu.memory_space<vmem>>
      %dma_wait3A_120 = arith.constant 0 : i32
      %dma_wait3A_121 = tpu.memref_slice %arg2[%dma_wait3A_120, %mul3A_110] : memref<4x256000xf32, #tpu.memory_space<hbm>> -> memref<4x4000xf32, #tpu.memory_space<hbm>>
      %dma_wait3A_122 = tpu.memref_slice %arg10[%rem3A_108] : memref<2x!tpu.dma_semaphore, #tpu.memory_space<semaphore_mem>> -> memref<1x!tpu.dma_semaphore, #tpu.memory_space<semaphore_mem>>
      %dma_wait3A_123 = tpu.memref_squeeze %dma_wait3A_122 : memref<1x!tpu.dma_semaphore, #tpu.memory_space<semaphore_mem>> -> memref<!tpu.dma_semaphore, #tpu.memory_space<semaphore_mem>>
      %dma_wait3A_124 = arith.constant 0 : i32
      %dma_wait3A_125 = arith.constant 0 : i32
      %dma_wait3A_126 = tpu.memref_slice %arg6[%rem3A_108, %dma_wait3A_124, %dma_wait3A_125] : memref<2x4x4000xf32, #tpu.memory_space<vmem>> -> memref<1x4x4000xf32, #tpu.memory_space<vmem>>
      %dma_wait3A_127 = tpu.memref_squeeze %dma_wait3A_126 : memref<1x4x4000xf32, #tpu.memory_space<vmem>> -> memref<4x4000xf32, #tpu.memory_space<vmem>>
      %dma_wait3A_128 = arith.constant 0 : i32
      %dma_wait3A_129 = tpu.memref_slice %arg2[%dma_wait3A_128, %mul3A_110] : memref<4x256000xf32, #tpu.memory_space<hbm>> -> memref<4x4000xf32, #tpu.memory_space<hbm>>
      tpu.wait_dma2 semaphore(%dma_wait3A_123 : memref<!tpu.dma_semaphore, #tpu.memory_space<semaphore_mem>>) src(%dma_wait3A_129 : memref<4x4000xf32, #tpu.memory_space<hbm>>) dst(%dma_wait3A_127 : memref<4x4000xf32, #tpu.memory_space<vmem>>)
      %dma_wait3A_130 = arith.constant 0 : i32
      %dma_wait3A_131 = arith.constant 0 : i32
      %dma_wait3A_132 = tpu.memref_slice %arg7[%rem3A_108, %dma_wait3A_130, %dma_wait3A_131] : memref<2x4x4000xf32, #tpu.memory_space<vmem>> -> memref<1x4x4000xf32, #tpu.memory_space<vmem>>
      %dma_wait3A_133 = tpu.memref_squeeze %dma_wait3A_132 : memref<1x4x4000xf32, #tpu.memory_space<vmem>> -> memref<4x4000xf32, #tpu.memory_space<vmem>>
      %dma_wait3A_134 = arith.constant 0 : i32
      %dma_wait3A_135 = tpu.memref_slice %arg3[%dma_wait3A_134, %mul3A_112] : memref<4x256000xf32, #tpu.memory_space<hbm>> -> memref<4x4000xf32, #tpu.memory_space<hbm>>
      %dma_wait3A_136 = tpu.memref_slice %arg11[%rem3A_108] : memref<2x!tpu.dma_semaphore, #tpu.memory_space<semaphore_mem>> -> memref<1x!tpu.dma_semaphore, #tpu.memory_space<semaphore_mem>>
      %dma_wait3A_137 = tpu.memref_squeeze %dma_wait3A_136 : memref<1x!tpu.dma_semaphore, #tpu.memory_space<semaphore_mem>> -> memref<!tpu.dma_semaphore, #tpu.memory_space<semaphore_mem>>
      %dma_wait3A_138 = arith.constant 0 : i32
      %dma_wait3A_139 = arith.constant 0 : i32
      %dma_wait3A_140 = tpu.memref_slice %arg7[%rem3A_108, %dma_wait3A_138, %dma_wait3A_139] : memref<2x4x4000xf32, #tpu.memory_space<vmem>> -> memref<1x4x4000xf32, #tpu.memory_space<vmem>>
      %dma_wait3A_141 = tpu.memref_squeeze %dma_wait3A_140 : memref<1x4x4000xf32, #tpu.memory_space<vmem>> -> memref<4x4000xf32, #tpu.memory_space<vmem>>
      %dma_wait3A_142 = arith.constant 0 : i32
      %dma_wait3A_143 = tpu.memref_slice %arg3[%dma_wait3A_142, %mul3A_112] : memref<4x256000xf32, #tpu.memory_space<hbm>> -> memref<4x4000xf32, #tpu.memory_space<hbm>>
      tpu.wait_dma2 semaphore(%dma_wait3A_137 : memref<!tpu.dma_semaphore, #tpu.memory_space<semaphore_mem>>) src(%dma_wait3A_143 : memref<4x4000xf32, #tpu.memory_space<hbm>>) dst(%dma_wait3A_141 : memref<4x4000xf32, #tpu.memory_space<vmem>>)
      %dma_wait3A_144 = arith.constant 0 : i32
      %dma_wait3A_145 = tpu.memref_slice %arg8[%rem3A_108, %dma_wait3A_144] : memref<2x4000xi32, #tpu.memory_space<vmem>> -> memref<1x4000xi32, #tpu.memory_space<vmem>>
      %dma_wait3A_146 = tpu.memref_squeeze %dma_wait3A_145 : memref<1x4000xi32, #tpu.memory_space<vmem>> -> memref<4000xi32, #tpu.memory_space<vmem>>
      %dma_wait3A_147 = tpu.memref_slice %arg4[%add3A_116] : memref<1000000xi32, #tpu.memory_space<hbm>> -> memref<4000xi32, #tpu.memory_space<hbm>>
      %dma_wait3A_148 = tpu.memref_slice %arg12[%rem3A_108] : memref<2x!tpu.dma_semaphore, #tpu.memory_space<semaphore_mem>> -> memref<1x!tpu.dma_semaphore, #tpu.memory_space<semaphore_mem>>
      %dma_wait3A_149 = tpu.memref_squeeze %dma_wait3A_148 : memref<1x!tpu.dma_semaphore, #tpu.memory_space<semaphore_mem>> -> memref<!tpu.dma_semaphore, #tpu.memory_space<semaphore_mem>>
      %dma_wait3A_150 = arith.constant 0 : i32
      %dma_wait3A_151 = tpu.memref_slice %arg8[%rem3A_108, %dma_wait3A_150] : memref<2x4000xi32, #tpu.memory_space<vmem>> -> memref<1x4000xi32, #tpu.memory_space<vmem>>
      %dma_wait3A_152 = tpu.memref_squeeze %dma_wait3A_151 : memref<1x4000xi32, #tpu.memory_space<vmem>> -> memref<4000xi32, #tpu.memory_space<vmem>>
      %dma_wait3A_153 = tpu.memref_slice %arg4[%add3A_116] : memref<1000000xi32, #tpu.memory_space<hbm>> -> memref<4000xi32, #tpu.memory_space<hbm>>
      tpu.wait_dma2 semaphore(%dma_wait3A_149 : memref<!tpu.dma_semaphore, #tpu.memory_space<semaphore_mem>>) src(%dma_wait3A_153 : memref<4000xi32, #tpu.memory_space<hbm>>) dst(%dma_wait3A_152 : memref<4000xi32, #tpu.memory_space<vmem>>)
      %rem3A_154 = arith.constant 2 : i32
      %rem3A_155 = arith.remsi %while3A_96, %rem3A_154 : i32
      %scan3A = arith.constant 0 : i32
      %scan3A_156 = arith.constant 125 : i32
      %scan3A_157 = arith.addi %scan3A, %scan3A_156 : i32
      %scan3A_158 = arith.constant 1 : i32
      %scan3A_159:3 = scf.for %scan3A_161 = %scan3A to %scan3A_157 step %scan3A_158 iter_args(%scan3A_162 = %while3A_97, %scan3A_163 = %while3A_98, %scan3A_164 = %while3A_99) -> (vector<16xf32>, vector<16xf32>, vector<16xf32>)  : i32 {
        %mul3A_165 = arith.constant 2 : i32
        %mul3A_166 = arith.muli %scan3A_161, %mul3A_165 : i32
        %add3A_167 = arith.constant 0 : i32
        %add3A_168 = arith.addi %mul3A_166, %add3A_167 : i32
        %mul3A_169 = arith.constant 16 : i32
        %mul3A_170 = arith.muli %add3A_168, %mul3A_169 : i32
        %get3A = arith.index_cast %rem3A_155 : i32 to index
        %get3A_171 = arith.index_cast %mul3A_170 : i32 to index
        %get3A_172 = tpu.vector_load %arg8[%get3A, %get3A_171] {strides = array<i32>} : memref<2x4000xi32, #tpu.memory_space<vmem>>, vector<1x16xi32>,
        %get3A_173 = vector.shape_cast %get3A_172 : vector<1x16xi32> to vector<16xi32>
        %eq3A = arith.constant 1 : i32
        %eq3A_174 = vector.broadcast %eq3A : i32 to vector<16xi32>
        %eq3A_175 = arith.cmpi eq, %get3A_173, %eq3A_174 : vector<16xi32>
        %select_n3A_176 = arith.select %eq3A_175, %broadcast_in_dim3A_3, %broadcast_in_dim3A_1 : vector<16xi1>, vector<16xf32>
        %add3A_177 = arith.addf %scan3A_163, %select_n3A_176 : vector<16xf32>
        %convert_element_type3A_178 = arith.sitofp %get3A_173 : vector<16xi32> to vector<16xf32>
        %add3A_179 = arith.addf %scan3A_164, %convert_element_type3A_178 : vector<16xf32>
        %mul3A_180 = arith.constant 16 : i32
        %mul3A_181 = arith.muli %add3A_168, %mul3A_180 : i32
        %get3A_182 = arith.constant 0 : i32
        %get3A_183 = arith.index_cast %rem3A_155 : i32 to index
        %get3A_184 = arith.index_cast %get3A_182 : i32 to index
        %get3A_185 = arith.index_cast %mul3A_181 : i32 to index
        %get3A_186 = tpu.vector_load %arg6[%get3A_183, %get3A_184, %get3A_185] {strides = array<i32>} : memref<2x4x4000xf32, #tpu.memory_space<vmem>>, vector<1x1x16xf32>,
        %get3A_187 = vector.shape_cast %get3A_186 : vector<1x1x16xf32> to vector<16xf32>
        %mul3A_188 = arith.constant 16 : i32
        %mul3A_189 = arith.muli %add3A_168, %mul3A_188 : i32
        %get3A_190 = arith.constant 0 : i32
        %get3A_191 = arith.index_cast %rem3A_155 : i32 to index
        %get3A_192 = arith.index_cast %get3A_190 : i32 to index
        %get3A_193 = arith.index_cast %mul3A_189 : i32 to index
        %get3A_194 = tpu.vector_load %arg7[%get3A_191, %get3A_192, %get3A_193] {strides = array<i32>} : memref<2x4x4000xf32, #tpu.memory_space<vmem>>, vector<1x1x16xf32>,
        %get3A_195 = vector.shape_cast %get3A_194 : vector<1x1x16xf32> to vector<16xf32>
        %sub3A = arith.subf %get3A_187, %get3A_195 : vector<16xf32>
        %abs3A = math.absf %sub3A : vector<16xf32>
        %min3A = arith.constant 1.000000e+00 : f32
        %min3A_196 = vector.broadcast %min3A : f32 to vector<16xf32>
        %min3A_197 = arith.minimumf %abs3A, %min3A_196 : vector<16xf32>
        %add3A_198 = arith.addf %abs3A, %abs3A : vector<16xf32>
        %sub3A_199 = arith.subf %add3A_198, %min3A_197 : vector<16xf32>
        %mul3A_200 = arith.mulf %min3A_197, %sub3A_199 : vector<16xf32>
        %mul3A_201 = arith.mulf %mul3A_200, %select_n3A_176 : vector<16xf32>
        %add3A_202 = arith.addf %scan3A_162, %mul3A_201 : vector<16xf32>
        %mul3A_203 = arith.constant 16 : i32
        %mul3A_204 = arith.muli %add3A_168, %mul3A_203 : i32
        %get3A_205 = arith.constant 1 : i32
        %get3A_206 = arith.index_cast %rem3A_155 : i32 to index
        %get3A_207 = arith.index_cast %get3A_205 : i32 to index
        %get3A_208 = arith.index_cast %mul3A_204 : i32 to index
        %get3A_209 = tpu.vector_load %arg6[%get3A_206, %get3A_207, %get3A_208] {strides = array<i32>} : memref<2x4x4000xf32, #tpu.memory_space<vmem>>, vector<1x1x16xf32>,
        %get3A_210 = vector.shape_cast %get3A_209 : vector<1x1x16xf32> to vector<16xf32>
        %mul3A_211 = arith.constant 16 : i32
        %mul3A_212 = arith.muli %add3A_168, %mul3A_211 : i32
        %get3A_213 = arith.constant 1 : i32
        %get3A_214 = arith.index_cast %rem3A_155 : i32 to index
        %get3A_215 = arith.index_cast %get3A_213 : i32 to index
        %get3A_216 = arith.index_cast %mul3A_212 : i32 to index
        %get3A_217 = tpu.vector_load %arg7[%get3A_214, %get3A_215, %get3A_216] {strides = array<i32>} : memref<2x4x4000xf32, #tpu.memory_space<vmem>>, vector<1x1x16xf32>,
        %get3A_218 = vector.shape_cast %get3A_217 : vector<1x1x16xf32> to vector<16xf32>
        %sub3A_219 = arith.subf %get3A_210, %get3A_218 : vector<16xf32>
        %abs3A_220 = math.absf %sub3A_219 : vector<16xf32>
        %min3A_221 = arith.constant 1.000000e+00 : f32
        %min3A_222 = vector.broadcast %min3A_221 : f32 to vector<16xf32>
        %min3A_223 = arith.minimumf %abs3A_220, %min3A_222 : vector<16xf32>
        %add3A_224 = arith.addf %abs3A_220, %abs3A_220 : vector<16xf32>
        %sub3A_225 = arith.subf %add3A_224, %min3A_223 : vector<16xf32>
        %mul3A_226 = arith.mulf %min3A_223, %sub3A_225 : vector<16xf32>
        %mul3A_227 = arith.mulf %mul3A_226, %select_n3A_176 : vector<16xf32>
        %add3A_228 = arith.addf %add3A_202, %mul3A_227 : vector<16xf32>
        %mul3A_229 = arith.constant 16 : i32
        %mul3A_230 = arith.muli %add3A_168, %mul3A_229 : i32
        %get3A_231 = arith.constant 2 : i32
        %get3A_232 = arith.index_cast %rem3A_155 : i32 to index
        %get3A_233 = arith.index_cast %get3A_231 : i32 to index
        %get3A_234 = arith.index_cast %mul3A_230 : i32 to index
        %get3A_235 = tpu.vector_load %arg6[%get3A_232, %get3A_233, %get3A_234] {strides = array<i32>} : memref<2x4x4000xf32, #tpu.memory_space<vmem>>, vector<1x1x16xf32>,
        %get3A_236 = vector.shape_cast %get3A_235 : vector<1x1x16xf32> to vector<16xf32>
        %mul3A_237 = arith.constant 16 : i32
        %mul3A_238 = arith.muli %add3A_168, %mul3A_237 : i32
        %get3A_239 = arith.constant 2 : i32
        %get3A_240 = arith.index_cast %rem3A_155 : i32 to index
        %get3A_241 = arith.index_cast %get3A_239 : i32 to index
        %get3A_242 = arith.index_cast %mul3A_238 : i32 to index
        %get3A_243 = tpu.vector_load %arg7[%get3A_240, %get3A_241, %get3A_242] {strides = array<i32>} : memref<2x4x4000xf32, #tpu.memory_space<vmem>>, vector<1x1x16xf32>,
        %get3A_244 = vector.shape_cast %get3A_243 : vector<1x1x16xf32> to vector<16xf32>
        %sub3A_245 = arith.subf %get3A_236, %get3A_244 : vector<16xf32>
        %abs3A_246 = math.absf %sub3A_245 : vector<16xf32>
        %min3A_247 = arith.constant 1.000000e+00 : f32
        %min3A_248 = vector.broadcast %min3A_247 : f32 to vector<16xf32>
        %min3A_249 = arith.minimumf %abs3A_246, %min3A_248 : vector<16xf32>
        %add3A_250 = arith.addf %abs3A_246, %abs3A_246 : vector<16xf32>
        %sub3A_251 = arith.subf %add3A_250, %min3A_249 : vector<16xf32>
        %mul3A_252 = arith.mulf %min3A_249, %sub3A_251 : vector<16xf32>
        %mul3A_253 = arith.mulf %mul3A_252, %select_n3A_176 : vector<16xf32>
        %add3A_254 = arith.addf %add3A_228, %mul3A_253 : vector<16xf32>
        %mul3A_255 = arith.constant 16 : i32
        %mul3A_256 = arith.muli %add3A_168, %mul3A_255 : i32
        %get3A_257 = arith.constant 3 : i32
        %get3A_258 = arith.index_cast %rem3A_155 : i32 to index
        %get3A_259 = arith.index_cast %get3A_257 : i32 to index
        %get3A_260 = arith.index_cast %mul3A_256 : i32 to index
        %get3A_261 = tpu.vector_load %arg6[%get3A_258, %get3A_259, %get3A_260] {strides = array<i32>} : memref<2x4x4000xf32, #tpu.memory_space<vmem>>, vector<1x1x16xf32>,
        %get3A_262 = vector.shape_cast %get3A_261 : vector<1x1x16xf32> to vector<16xf32>
        %mul3A_263 = arith.constant 16 : i32
        %mul3A_264 = arith.muli %add3A_168, %mul3A_263 : i32
        %get3A_265 = arith.constant 3 : i32
        %get3A_266 = arith.index_cast %rem3A_155 : i32 to index
        %get3A_267 = arith.index_cast %get3A_265 : i32 to index
        %get3A_268 = arith.index_cast %mul3A_264 : i32 to index
        %get3A_269 = tpu.vector_load %arg7[%get3A_266, %get3A_267, %get3A_268] {strides = array<i32>} : memref<2x4x4000xf32, #tpu.memory_space<vmem>>, vector<1x1x16xf32>,
        %get3A_270 = vector.shape_cast %get3A_269 : vector<1x1x16xf32> to vector<16xf32>
        %sub3A_271 = arith.subf %get3A_262, %get3A_270 : vector<16xf32>
        %abs3A_272 = math.absf %sub3A_271 : vector<16xf32>
        %min3A_273 = arith.constant 1.000000e+00 : f32
        %min3A_274 = vector.broadcast %min3A_273 : f32 to vector<16xf32>
        %min3A_275 = arith.minimumf %abs3A_272, %min3A_274 : vector<16xf32>
        %add3A_276 = arith.addf %abs3A_272, %abs3A_272 : vector<16xf32>
        %sub3A_277 = arith.subf %add3A_276, %min3A_275 : vector<16xf32>
        %mul3A_278 = arith.mulf %min3A_275, %sub3A_277 : vector<16xf32>
        %mul3A_279 = arith.mulf %mul3A_278, %select_n3A_176 : vector<16xf32>
        %add3A_280 = arith.addf %add3A_254, %mul3A_279 : vector<16xf32>
        %mul3A_281 = arith.constant 2 : i32
        %mul3A_282 = arith.muli %scan3A_161, %mul3A_281 : i32
        %add3A_283 = arith.constant 1 : i32
        %add3A_284 = arith.addi %mul3A_282, %add3A_283 : i32
        %mul3A_285 = arith.constant 16 : i32
        %mul3A_286 = arith.muli %add3A_284, %mul3A_285 : i32
        %get3A_287 = arith.index_cast %rem3A_155 : i32 to index
        %get3A_288 = arith.index_cast %mul3A_286 : i32 to index
        %get3A_289 = tpu.vector_load %arg8[%get3A_287, %get3A_288] {strides = array<i32>} : memref<2x4000xi32, #tpu.memory_space<vmem>>, vector<1x16xi32>,
        %get3A_290 = vector.shape_cast %get3A_289 : vector<1x16xi32> to vector<16xi32>
        %eq3A_291 = arith.constant 1 : i32
        %eq3A_292 = vector.broadcast %eq3A_291 : i32 to vector<16xi32>
        %eq3A_293 = arith.cmpi eq, %get3A_290, %eq3A_292 : vector<16xi32>
        %select_n3A_294 = arith.select %eq3A_293, %broadcast_in_dim3A_3, %broadcast_in_dim3A_1 : vector<16xi1>, vector<16xf32>
        %add3A_295 = arith.addf %add3A_177, %select_n3A_294 : vector<16xf32>
        %convert_element_type3A_296 = arith.sitofp %get3A_290 : vector<16xi32> to vector<16xf32>
        %add3A_297 = arith.addf %add3A_179, %convert_element_type3A_296 : vector<16xf32>
        %mul3A_298 = arith.constant 16 : i32
        %mul3A_299 = arith.muli %add3A_284, %mul3A_298 : i32
        %get3A_300 = arith.constant 0 : i32
        %get3A_301 = arith.index_cast %rem3A_155 : i32 to index
        %get3A_302 = arith.index_cast %get3A_300 : i32 to index
        %get3A_303 = arith.index_cast %mul3A_299 : i32 to index
        %get3A_304 = tpu.vector_load %arg6[%get3A_301, %get3A_302, %get3A_303] {strides = array<i32>} : memref<2x4x4000xf32, #tpu.memory_space<vmem>>, vector<1x1x16xf32>,
        %get3A_305 = vector.shape_cast %get3A_304 : vector<1x1x16xf32> to vector<16xf32>
        %mul3A_306 = arith.constant 16 : i32
        %mul3A_307 = arith.muli %add3A_284, %mul3A_306 : i32
        %get3A_308 = arith.constant 0 : i32
        %get3A_309 = arith.index_cast %rem3A_155 : i32 to index
        %get3A_310 = arith.index_cast %get3A_308 : i32 to index
        %get3A_311 = arith.index_cast %mul3A_307 : i32 to index
        %get3A_312 = tpu.vector_load %arg7[%get3A_309, %get3A_310, %get3A_311] {strides = array<i32>} : memref<2x4x4000xf32, #tpu.memory_space<vmem>>, vector<1x1x16xf32>,
        %get3A_313 = vector.shape_cast %get3A_312 : vector<1x1x16xf32> to vector<16xf32>
        %sub3A_314 = arith.subf %get3A_305, %get3A_313 : vector<16xf32>
        %abs3A_315 = math.absf %sub3A_314 : vector<16xf32>
        %min3A_316 = arith.constant 1.000000e+00 : f32
        %min3A_317 = vector.broadcast %min3A_316 : f32 to vector<16xf32>
        %min3A_318 = arith.minimumf %abs3A_315, %min3A_317 : vector<16xf32>
        %add3A_319 = arith.addf %abs3A_315, %abs3A_315 : vector<16xf32>
        %sub3A_320 = arith.subf %add3A_319, %min3A_318 : vector<16xf32>
        %mul3A_321 = arith.mulf %min3A_318, %sub3A_320 : vector<16xf32>
        %mul3A_322 = arith.mulf %mul3A_321, %select_n3A_294 : vector<16xf32>
        %add3A_323 = arith.addf %add3A_280, %mul3A_322 : vector<16xf32>
        %mul3A_324 = arith.constant 16 : i32
        %mul3A_325 = arith.muli %add3A_284, %mul3A_324 : i32
        %get3A_326 = arith.constant 1 : i32
        %get3A_327 = arith.index_cast %rem3A_155 : i32 to index
        %get3A_328 = arith.index_cast %get3A_326 : i32 to index
        %get3A_329 = arith.index_cast %mul3A_325 : i32 to index
        %get3A_330 = tpu.vector_load %arg6[%get3A_327, %get3A_328, %get3A_329] {strides = array<i32>} : memref<2x4x4000xf32, #tpu.memory_space<vmem>>, vector<1x1x16xf32>,
        %get3A_331 = vector.shape_cast %get3A_330 : vector<1x1x16xf32> to vector<16xf32>
        %mul3A_332 = arith.constant 16 : i32
        %mul3A_333 = arith.muli %add3A_284, %mul3A_332 : i32
        %get3A_334 = arith.constant 1 : i32
        %get3A_335 = arith.index_cast %rem3A_155 : i32 to index
        %get3A_336 = arith.index_cast %get3A_334 : i32 to index
        %get3A_337 = arith.index_cast %mul3A_333 : i32 to index
        %get3A_338 = tpu.vector_load %arg7[%get3A_335, %get3A_336, %get3A_337] {strides = array<i32>} : memref<2x4x4000xf32, #tpu.memory_space<vmem>>, vector<1x1x16xf32>,
        %get3A_339 = vector.shape_cast %get3A_338 : vector<1x1x16xf32> to vector<16xf32>
        %sub3A_340 = arith.subf %get3A_331, %get3A_339 : vector<16xf32>
        %abs3A_341 = math.absf %sub3A_340 : vector<16xf32>
        %min3A_342 = arith.constant 1.000000e+00 : f32
        %min3A_343 = vector.broadcast %min3A_342 : f32 to vector<16xf32>
        %min3A_344 = arith.minimumf %abs3A_341, %min3A_343 : vector<16xf32>
        %add3A_345 = arith.addf %abs3A_341, %abs3A_341 : vector<16xf32>
        %sub3A_346 = arith.subf %add3A_345, %min3A_344 : vector<16xf32>
        %mul3A_347 = arith.mulf %min3A_344, %sub3A_346 : vector<16xf32>
        %mul3A_348 = arith.mulf %mul3A_347, %select_n3A_294 : vector<16xf32>
        %add3A_349 = arith.addf %add3A_323, %mul3A_348 : vector<16xf32>
        %mul3A_350 = arith.constant 16 : i32
        %mul3A_351 = arith.muli %add3A_284, %mul3A_350 : i32
        %get3A_352 = arith.constant 2 : i32
        %get3A_353 = arith.index_cast %rem3A_155 : i32 to index
        %get3A_354 = arith.index_cast %get3A_352 : i32 to index
        %get3A_355 = arith.index_cast %mul3A_351 : i32 to index
        %get3A_356 = tpu.vector_load %arg6[%get3A_353, %get3A_354, %get3A_355] {strides = array<i32>} : memref<2x4x4000xf32, #tpu.memory_space<vmem>>, vector<1x1x16xf32>,
        %get3A_357 = vector.shape_cast %get3A_356 : vector<1x1x16xf32> to vector<16xf32>
        %mul3A_358 = arith.constant 16 : i32
        %mul3A_359 = arith.muli %add3A_284, %mul3A_358 : i32
        %get3A_360 = arith.constant 2 : i32
        %get3A_361 = arith.index_cast %rem3A_155 : i32 to index
        %get3A_362 = arith.index_cast %get3A_360 : i32 to index
        %get3A_363 = arith.index_cast %mul3A_359 : i32 to index
        %get3A_364 = tpu.vector_load %arg7[%get3A_361, %get3A_362, %get3A_363] {strides = array<i32>} : memref<2x4x4000xf32, #tpu.memory_space<vmem>>, vector<1x1x16xf32>,
        %get3A_365 = vector.shape_cast %get3A_364 : vector<1x1x16xf32> to vector<16xf32>
        %sub3A_366 = arith.subf %get3A_357, %get3A_365 : vector<16xf32>
        %abs3A_367 = math.absf %sub3A_366 : vector<16xf32>
        %min3A_368 = arith.constant 1.000000e+00 : f32
        %min3A_369 = vector.broadcast %min3A_368 : f32 to vector<16xf32>
        %min3A_370 = arith.minimumf %abs3A_367, %min3A_369 : vector<16xf32>
        %add3A_371 = arith.addf %abs3A_367, %abs3A_367 : vector<16xf32>
        %sub3A_372 = arith.subf %add3A_371, %min3A_370 : vector<16xf32>
        %mul3A_373 = arith.mulf %min3A_370, %sub3A_372 : vector<16xf32>
        %mul3A_374 = arith.mulf %mul3A_373, %select_n3A_294 : vector<16xf32>
        %add3A_375 = arith.addf %add3A_349, %mul3A_374 : vector<16xf32>
        %mul3A_376 = arith.constant 16 : i32
        %mul3A_377 = arith.muli %add3A_284, %mul3A_376 : i32
        %get3A_378 = arith.constant 3 : i32
        %get3A_379 = arith.index_cast %rem3A_155 : i32 to index
        %get3A_380 = arith.index_cast %get3A_378 : i32 to index
        %get3A_381 = arith.index_cast %mul3A_377 : i32 to index
        %get3A_382 = tpu.vector_load %arg6[%get3A_379, %get3A_380, %get3A_381] {strides = array<i32>} : memref<2x4x4000xf32, #tpu.memory_space<vmem>>, vector<1x1x16xf32>,
        %get3A_383 = vector.shape_cast %get3A_382 : vector<1x1x16xf32> to vector<16xf32>
        %mul3A_384 = arith.constant 16 : i32
        %mul3A_385 = arith.muli %add3A_284, %mul3A_384 : i32
        %get3A_386 = arith.constant 3 : i32
        %get3A_387 = arith.index_cast %rem3A_155 : i32 to index
        %get3A_388 = arith.index_cast %get3A_386 : i32 to index
        %get3A_389 = arith.index_cast %mul3A_385 : i32 to index
        %get3A_390 = tpu.vector_load %arg7[%get3A_387, %get3A_388, %get3A_389] {strides = array<i32>} : memref<2x4x4000xf32, #tpu.memory_space<vmem>>, vector<1x1x16xf32>,
        %get3A_391 = vector.shape_cast %get3A_390 : vector<1x1x16xf32> to vector<16xf32>
        %sub3A_392 = arith.subf %get3A_383, %get3A_391 : vector<16xf32>
        %abs3A_393 = math.absf %sub3A_392 : vector<16xf32>
        %min3A_394 = arith.constant 1.000000e+00 : f32
        %min3A_395 = vector.broadcast %min3A_394 : f32 to vector<16xf32>
        %min3A_396 = arith.minimumf %abs3A_393, %min3A_395 : vector<16xf32>
        %add3A_397 = arith.addf %abs3A_393, %abs3A_393 : vector<16xf32>
        %sub3A_398 = arith.subf %add3A_397, %min3A_396 : vector<16xf32>
        %mul3A_399 = arith.mulf %min3A_396, %sub3A_398 : vector<16xf32>
        %mul3A_400 = arith.mulf %mul3A_399, %select_n3A_294 : vector<16xf32>
        %add3A_401 = arith.addf %add3A_375, %mul3A_400 : vector<16xf32>
        scf.yield %add3A_401, %add3A_295, %add3A_297 : vector<16xf32>, vector<16xf32>, vector<16xf32>
      }
      %scan3A_160 = arith.constant 125 : i32
      scf.yield %scan3A_159#0, %scan3A_159#1, %scan3A_159#2 : vector<16xf32>, vector<16xf32>, vector<16xf32>
    }
    %while3A_63 = arith.constant 1 : i32
    %while3A_64:3 = scf.for %while3A_96 = %while3A_60 to %while3A_56 step %while3A_63 iter_args(%while3A_97 = %while3A_62#0, %while3A_98 = %while3A_62#1, %while3A_99 = %while3A_62#2) -> (vector<16xf32>, vector<16xf32>, vector<16xf32>)  : i32 {
      %add3A_100 = arith.constant 1 : i32
      %add3A_101 = arith.addi %while3A_96, %add3A_100 : i32
      %lt3A_102 = arith.cmpi slt, %add3A_101, %select_n3A : i32
      %convert_element_type3A = arith.extui %lt3A_102 : i1 to i32
      %cond3A = arith.constant 0 : i32
      %cond3A_103 = arith.cmpi ne, %convert_element_type3A, %cond3A : i32
      scf.if %cond3A_103 {
        %add3A_161 = arith.constant 1 : i32
        %add3A_162 = arith.addi %while3A_96, %add3A_161 : i32
        %mul3A_163 = arith.constant 32 : i32
        %mul3A_164 = arith.muli %add3A_162, %mul3A_163 : i32
        %add3A_165 = arith.addi %add3A, %mul3A_164 : i32
        %rem3A_166 = arith.constant 2 : i32
        %rem3A_167 = arith.remsi %add3A_162, %rem3A_166 : i32
        %mul3A_168 = arith.constant 4000 : i32
        %mul3A_169 = arith.muli %add3A_165, %mul3A_168 : i32
        %mul3A_170 = arith.constant 4000 : i32
        %mul3A_171 = arith.muli %add3A_165, %mul3A_170 : i32
        %mul3A_172 = arith.constant 4000 : i32
        %mul3A_173 = arith.muli %add3A_165, %mul3A_172 : i32
        %add3A_174 = arith.constant 744000 : i32
        %add3A_175 = arith.addi %add3A_174, %mul3A_173 : i32
        %dma_start3A_176 = arith.constant 0 : i32
        %dma_start3A_177 = arith.constant 0 : i32
        %dma_start3A_178 = tpu.memref_slice %arg6[%rem3A_167, %dma_start3A_176, %dma_start3A_177] : memref<2x4x4000xf32, #tpu.memory_space<vmem>> -> memref<1x4x4000xf32, #tpu.memory_space<vmem>>
        %dma_start3A_179 = tpu.memref_squeeze %dma_start3A_178 : memref<1x4x4000xf32, #tpu.memory_space<vmem>> -> memref<4x4000xf32, #tpu.memory_space<vmem>>
        %dma_start3A_180 = arith.constant 0 : i32
        %dma_start3A_181 = tpu.memref_slice %arg2[%dma_start3A_180, %mul3A_169] : memref<4x256000xf32, #tpu.memory_space<hbm>> -> memref<4x4000xf32, #tpu.memory_space<hbm>>
        %dma_start3A_182 = tpu.memref_slice %arg10[%rem3A_167] : memref<2x!tpu.dma_semaphore, #tpu.memory_space<semaphore_mem>> -> memref<1x!tpu.dma_semaphore, #tpu.memory_space<semaphore_mem>>
        %dma_start3A_183 = tpu.memref_squeeze %dma_start3A_182 : memref<1x!tpu.dma_semaphore, #tpu.memory_space<semaphore_mem>> -> memref<!tpu.dma_semaphore, #tpu.memory_space<semaphore_mem>>
        %dma_start3A_184 = arith.constant 0 : i32
        %dma_start3A_185 = arith.constant 0 : i32
        %dma_start3A_186 = tpu.memref_slice %arg6[%rem3A_167, %dma_start3A_184, %dma_start3A_185] : memref<2x4x4000xf32, #tpu.memory_space<vmem>> -> memref<1x4x4000xf32, #tpu.memory_space<vmem>>
        %dma_start3A_187 = tpu.memref_squeeze %dma_start3A_186 : memref<1x4x4000xf32, #tpu.memory_space<vmem>> -> memref<4x4000xf32, #tpu.memory_space<vmem>>
        %dma_start3A_188 = arith.constant 0 : i32
        %dma_start3A_189 = tpu.memref_slice %arg2[%dma_start3A_188, %mul3A_169] : memref<4x256000xf32, #tpu.memory_space<hbm>> -> memref<4x4000xf32, #tpu.memory_space<hbm>>
        tpu.enqueue_dma source(%dma_start3A_189 : memref<4x4000xf32, #tpu.memory_space<hbm>>) target(%dma_start3A_187 : memref<4x4000xf32, #tpu.memory_space<vmem>>) target_semaphore(%dma_start3A_183 : memref<!tpu.dma_semaphore, #tpu.memory_space<semaphore_mem>>)
        %dma_start3A_190 = arith.constant 0 : i32
        %dma_start3A_191 = arith.constant 0 : i32
        %dma_start3A_192 = tpu.memref_slice %arg7[%rem3A_167, %dma_start3A_190, %dma_start3A_191] : memref<2x4x4000xf32, #tpu.memory_space<vmem>> -> memref<1x4x4000xf32, #tpu.memory_space<vmem>>
        %dma_start3A_193 = tpu.memref_squeeze %dma_start3A_192 : memref<1x4x4000xf32, #tpu.memory_space<vmem>> -> memref<4x4000xf32, #tpu.memory_space<vmem>>
        %dma_start3A_194 = arith.constant 0 : i32
        %dma_start3A_195 = tpu.memref_slice %arg3[%dma_start3A_194, %mul3A_171] : memref<4x256000xf32, #tpu.memory_space<hbm>> -> memref<4x4000xf32, #tpu.memory_space<hbm>>
        %dma_start3A_196 = tpu.memref_slice %arg11[%rem3A_167] : memref<2x!tpu.dma_semaphore, #tpu.memory_space<semaphore_mem>> -> memref<1x!tpu.dma_semaphore, #tpu.memory_space<semaphore_mem>>
        %dma_start3A_197 = tpu.memref_squeeze %dma_start3A_196 : memref<1x!tpu.dma_semaphore, #tpu.memory_space<semaphore_mem>> -> memref<!tpu.dma_semaphore, #tpu.memory_space<semaphore_mem>>
        %dma_start3A_198 = arith.constant 0 : i32
        %dma_start3A_199 = arith.constant 0 : i32
        %dma_start3A_200 = tpu.memref_slice %arg7[%rem3A_167, %dma_start3A_198, %dma_start3A_199] : memref<2x4x4000xf32, #tpu.memory_space<vmem>> -> memref<1x4x4000xf32, #tpu.memory_space<vmem>>
        %dma_start3A_201 = tpu.memref_squeeze %dma_start3A_200 : memref<1x4x4000xf32, #tpu.memory_space<vmem>> -> memref<4x4000xf32, #tpu.memory_space<vmem>>
        %dma_start3A_202 = arith.constant 0 : i32
        %dma_start3A_203 = tpu.memref_slice %arg3[%dma_start3A_202, %mul3A_171] : memref<4x256000xf32, #tpu.memory_space<hbm>> -> memref<4x4000xf32, #tpu.memory_space<hbm>>
        tpu.enqueue_dma source(%dma_start3A_203 : memref<4x4000xf32, #tpu.memory_space<hbm>>) target(%dma_start3A_201 : memref<4x4000xf32, #tpu.memory_space<vmem>>) target_semaphore(%dma_start3A_197 : memref<!tpu.dma_semaphore, #tpu.memory_space<semaphore_mem>>)
        %dma_start3A_204 = arith.constant 0 : i32
        %dma_start3A_205 = tpu.memref_slice %arg8[%rem3A_167, %dma_start3A_204] : memref<2x4000xi32, #tpu.memory_space<vmem>> -> memref<1x4000xi32, #tpu.memory_space<vmem>>
        %dma_start3A_206 = tpu.memref_squeeze %dma_start3A_205 : memref<1x4000xi32, #tpu.memory_space<vmem>> -> memref<4000xi32, #tpu.memory_space<vmem>>
        %dma_start3A_207 = tpu.memref_slice %arg4[%add3A_175] : memref<1000000xi32, #tpu.memory_space<hbm>> -> memref<4000xi32, #tpu.memory_space<hbm>>
        %dma_start3A_208 = tpu.memref_slice %arg12[%rem3A_167] : memref<2x!tpu.dma_semaphore, #tpu.memory_space<semaphore_mem>> -> memref<1x!tpu.dma_semaphore, #tpu.memory_space<semaphore_mem>>
        %dma_start3A_209 = tpu.memref_squeeze %dma_start3A_208 : memref<1x!tpu.dma_semaphore, #tpu.memory_space<semaphore_mem>> -> memref<!tpu.dma_semaphore, #tpu.memory_space<semaphore_mem>>
        %dma_start3A_210 = arith.constant 0 : i32
        %dma_start3A_211 = tpu.memref_slice %arg8[%rem3A_167, %dma_start3A_210] : memref<2x4000xi32, #tpu.memory_space<vmem>> -> memref<1x4000xi32, #tpu.memory_space<vmem>>
        %dma_start3A_212 = tpu.memref_squeeze %dma_start3A_211 : memref<1x4000xi32, #tpu.memory_space<vmem>> -> memref<4000xi32, #tpu.memory_space<vmem>>
        %dma_start3A_213 = tpu.memref_slice %arg4[%add3A_175] : memref<1000000xi32, #tpu.memory_space<hbm>> -> memref<4000xi32, #tpu.memory_space<hbm>>
        tpu.enqueue_dma source(%dma_start3A_213 : memref<4000xi32, #tpu.memory_space<hbm>>) target(%dma_start3A_212 : memref<4000xi32, #tpu.memory_space<vmem>>) target_semaphore(%dma_start3A_209 : memref<!tpu.dma_semaphore, #tpu.memory_space<semaphore_mem>>)
      } else {
      }
      %mul3A_104 = arith.constant 32 : i32
      %mul3A_105 = arith.muli %while3A_96, %mul3A_104 : i32
      %add3A_106 = arith.addi %add3A, %mul3A_105 : i32
      %rem3A_107 = arith.constant 2 : i32
      %rem3A_108 = arith.remsi %while3A_96, %rem3A_107 : i32
      %mul3A_109 = arith.constant 4000 : i32
      %mul3A_110 = arith.muli %add3A_106, %mul3A_109 : i32
      %mul3A_111 = arith.constant 4000 : i32
      %mul3A_112 = arith.muli %add3A_106, %mul3A_111 : i32
      %mul3A_113 = arith.constant 4000 : i32
      %mul3A_114 = arith.muli %add3A_106, %mul3A_113 : i32
      %add3A_115 = arith.constant 744000 : i32
      %add3A_116 = arith.addi %add3A_115, %mul3A_114 : i32
      %dma_wait3A = arith.constant 0 : i32
      %dma_wait3A_117 = arith.constant 0 : i32
      %dma_wait3A_118 = tpu.memref_slice %arg6[%rem3A_108, %dma_wait3A, %dma_wait3A_117] : memref<2x4x4000xf32, #tpu.memory_space<vmem>> -> memref<1x4x4000xf32, #tpu.memory_space<vmem>>
      %dma_wait3A_119 = tpu.memref_squeeze %dma_wait3A_118 : memref<1x4x4000xf32, #tpu.memory_space<vmem>> -> memref<4x4000xf32, #tpu.memory_space<vmem>>
      %dma_wait3A_120 = arith.constant 0 : i32
      %dma_wait3A_121 = tpu.memref_slice %arg2[%dma_wait3A_120, %mul3A_110] : memref<4x256000xf32, #tpu.memory_space<hbm>> -> memref<4x4000xf32, #tpu.memory_space<hbm>>
      %dma_wait3A_122 = tpu.memref_slice %arg10[%rem3A_108] : memref<2x!tpu.dma_semaphore, #tpu.memory_space<semaphore_mem>> -> memref<1x!tpu.dma_semaphore, #tpu.memory_space<semaphore_mem>>
      %dma_wait3A_123 = tpu.memref_squeeze %dma_wait3A_122 : memref<1x!tpu.dma_semaphore, #tpu.memory_space<semaphore_mem>> -> memref<!tpu.dma_semaphore, #tpu.memory_space<semaphore_mem>>
      %dma_wait3A_124 = arith.constant 0 : i32
      %dma_wait3A_125 = arith.constant 0 : i32
      %dma_wait3A_126 = tpu.memref_slice %arg6[%rem3A_108, %dma_wait3A_124, %dma_wait3A_125] : memref<2x4x4000xf32, #tpu.memory_space<vmem>> -> memref<1x4x4000xf32, #tpu.memory_space<vmem>>
      %dma_wait3A_127 = tpu.memref_squeeze %dma_wait3A_126 : memref<1x4x4000xf32, #tpu.memory_space<vmem>> -> memref<4x4000xf32, #tpu.memory_space<vmem>>
      %dma_wait3A_128 = arith.constant 0 : i32
      %dma_wait3A_129 = tpu.memref_slice %arg2[%dma_wait3A_128, %mul3A_110] : memref<4x256000xf32, #tpu.memory_space<hbm>> -> memref<4x4000xf32, #tpu.memory_space<hbm>>
      tpu.wait_dma2 semaphore(%dma_wait3A_123 : memref<!tpu.dma_semaphore, #tpu.memory_space<semaphore_mem>>) src(%dma_wait3A_129 : memref<4x4000xf32, #tpu.memory_space<hbm>>) dst(%dma_wait3A_127 : memref<4x4000xf32, #tpu.memory_space<vmem>>)
      %dma_wait3A_130 = arith.constant 0 : i32
      %dma_wait3A_131 = arith.constant 0 : i32
      %dma_wait3A_132 = tpu.memref_slice %arg7[%rem3A_108, %dma_wait3A_130, %dma_wait3A_131] : memref<2x4x4000xf32, #tpu.memory_space<vmem>> -> memref<1x4x4000xf32, #tpu.memory_space<vmem>>
      %dma_wait3A_133 = tpu.memref_squeeze %dma_wait3A_132 : memref<1x4x4000xf32, #tpu.memory_space<vmem>> -> memref<4x4000xf32, #tpu.memory_space<vmem>>
      %dma_wait3A_134 = arith.constant 0 : i32
      %dma_wait3A_135 = tpu.memref_slice %arg3[%dma_wait3A_134, %mul3A_112] : memref<4x256000xf32, #tpu.memory_space<hbm>> -> memref<4x4000xf32, #tpu.memory_space<hbm>>
      %dma_wait3A_136 = tpu.memref_slice %arg11[%rem3A_108] : memref<2x!tpu.dma_semaphore, #tpu.memory_space<semaphore_mem>> -> memref<1x!tpu.dma_semaphore, #tpu.memory_space<semaphore_mem>>
      %dma_wait3A_137 = tpu.memref_squeeze %dma_wait3A_136 : memref<1x!tpu.dma_semaphore, #tpu.memory_space<semaphore_mem>> -> memref<!tpu.dma_semaphore, #tpu.memory_space<semaphore_mem>>
      %dma_wait3A_138 = arith.constant 0 : i32
      %dma_wait3A_139 = arith.constant 0 : i32
      %dma_wait3A_140 = tpu.memref_slice %arg7[%rem3A_108, %dma_wait3A_138, %dma_wait3A_139] : memref<2x4x4000xf32, #tpu.memory_space<vmem>> -> memref<1x4x4000xf32, #tpu.memory_space<vmem>>
      %dma_wait3A_141 = tpu.memref_squeeze %dma_wait3A_140 : memref<1x4x4000xf32, #tpu.memory_space<vmem>> -> memref<4x4000xf32, #tpu.memory_space<vmem>>
      %dma_wait3A_142 = arith.constant 0 : i32
      %dma_wait3A_143 = tpu.memref_slice %arg3[%dma_wait3A_142, %mul3A_112] : memref<4x256000xf32, #tpu.memory_space<hbm>> -> memref<4x4000xf32, #tpu.memory_space<hbm>>
      tpu.wait_dma2 semaphore(%dma_wait3A_137 : memref<!tpu.dma_semaphore, #tpu.memory_space<semaphore_mem>>) src(%dma_wait3A_143 : memref<4x4000xf32, #tpu.memory_space<hbm>>) dst(%dma_wait3A_141 : memref<4x4000xf32, #tpu.memory_space<vmem>>)
      %dma_wait3A_144 = arith.constant 0 : i32
      %dma_wait3A_145 = tpu.memref_slice %arg8[%rem3A_108, %dma_wait3A_144] : memref<2x4000xi32, #tpu.memory_space<vmem>> -> memref<1x4000xi32, #tpu.memory_space<vmem>>
      %dma_wait3A_146 = tpu.memref_squeeze %dma_wait3A_145 : memref<1x4000xi32, #tpu.memory_space<vmem>> -> memref<4000xi32, #tpu.memory_space<vmem>>
      %dma_wait3A_147 = tpu.memref_slice %arg4[%add3A_116] : memref<1000000xi32, #tpu.memory_space<hbm>> -> memref<4000xi32, #tpu.memory_space<hbm>>
      %dma_wait3A_148 = tpu.memref_slice %arg12[%rem3A_108] : memref<2x!tpu.dma_semaphore, #tpu.memory_space<semaphore_mem>> -> memref<1x!tpu.dma_semaphore, #tpu.memory_space<semaphore_mem>>
      %dma_wait3A_149 = tpu.memref_squeeze %dma_wait3A_148 : memref<1x!tpu.dma_semaphore, #tpu.memory_space<semaphore_mem>> -> memref<!tpu.dma_semaphore, #tpu.memory_space<semaphore_mem>>
      %dma_wait3A_150 = arith.constant 0 : i32
      %dma_wait3A_151 = tpu.memref_slice %arg8[%rem3A_108, %dma_wait3A_150] : memref<2x4000xi32, #tpu.memory_space<vmem>> -> memref<1x4000xi32, #tpu.memory_space<vmem>>
      %dma_wait3A_152 = tpu.memref_squeeze %dma_wait3A_151 : memref<1x4000xi32, #tpu.memory_space<vmem>> -> memref<4000xi32, #tpu.memory_space<vmem>>
      %dma_wait3A_153 = tpu.memref_slice %arg4[%add3A_116] : memref<1000000xi32, #tpu.memory_space<hbm>> -> memref<4000xi32, #tpu.memory_space<hbm>>
      tpu.wait_dma2 semaphore(%dma_wait3A_149 : memref<!tpu.dma_semaphore, #tpu.memory_space<semaphore_mem>>) src(%dma_wait3A_153 : memref<4000xi32, #tpu.memory_space<hbm>>) dst(%dma_wait3A_152 : memref<4000xi32, #tpu.memory_space<vmem>>)
      %rem3A_154 = arith.constant 2 : i32
      %rem3A_155 = arith.remsi %while3A_96, %rem3A_154 : i32
      %scan3A = arith.constant 0 : i32
      %scan3A_156 = arith.constant 125 : i32
      %scan3A_157 = arith.addi %scan3A, %scan3A_156 : i32
      %scan3A_158 = arith.constant 1 : i32
      %scan3A_159:3 = scf.for %scan3A_161 = %scan3A to %scan3A_157 step %scan3A_158 iter_args(%scan3A_162 = %while3A_97, %scan3A_163 = %while3A_98, %scan3A_164 = %while3A_99) -> (vector<16xf32>, vector<16xf32>, vector<16xf32>)  : i32 {
        %mul3A_165 = arith.constant 2 : i32
        %mul3A_166 = arith.muli %scan3A_161, %mul3A_165 : i32
        %add3A_167 = arith.constant 0 : i32
        %add3A_168 = arith.addi %mul3A_166, %add3A_167 : i32
        %mul3A_169 = arith.constant 16 : i32
        %mul3A_170 = arith.muli %add3A_168, %mul3A_169 : i32
        %get3A = arith.index_cast %rem3A_155 : i32 to index
        %get3A_171 = arith.index_cast %mul3A_170 : i32 to index
        %get3A_172 = tpu.vector_load %arg8[%get3A, %get3A_171] {strides = array<i32>} : memref<2x4000xi32, #tpu.memory_space<vmem>>, vector<1x16xi32>,
        %get3A_173 = vector.shape_cast %get3A_172 : vector<1x16xi32> to vector<16xi32>
        %eq3A = arith.constant 1 : i32
        %eq3A_174 = vector.broadcast %eq3A : i32 to vector<16xi32>
        %eq3A_175 = arith.cmpi eq, %get3A_173, %eq3A_174 : vector<16xi32>
        %select_n3A_176 = arith.select %eq3A_175, %broadcast_in_dim3A_3, %broadcast_in_dim3A_1 : vector<16xi1>, vector<16xf32>
        %add3A_177 = arith.addf %scan3A_163, %select_n3A_176 : vector<16xf32>
        %convert_element_type3A_178 = arith.sitofp %get3A_173 : vector<16xi32> to vector<16xf32>
        %add3A_179 = arith.addf %scan3A_164, %convert_element_type3A_178 : vector<16xf32>
        %mul3A_180 = arith.constant 16 : i32
        %mul3A_181 = arith.muli %add3A_168, %mul3A_180 : i32
        %get3A_182 = arith.constant 0 : i32
        %get3A_183 = arith.index_cast %rem3A_155 : i32 to index
        %get3A_184 = arith.index_cast %get3A_182 : i32 to index
        %get3A_185 = arith.index_cast %mul3A_181 : i32 to index
        %get3A_186 = tpu.vector_load %arg6[%get3A_183, %get3A_184, %get3A_185] {strides = array<i32>} : memref<2x4x4000xf32, #tpu.memory_space<vmem>>, vector<1x1x16xf32>,
        %get3A_187 = vector.shape_cast %get3A_186 : vector<1x1x16xf32> to vector<16xf32>
        %mul3A_188 = arith.constant 16 : i32
        %mul3A_189 = arith.muli %add3A_168, %mul3A_188 : i32
        %get3A_190 = arith.constant 0 : i32
        %get3A_191 = arith.index_cast %rem3A_155 : i32 to index
        %get3A_192 = arith.index_cast %get3A_190 : i32 to index
        %get3A_193 = arith.index_cast %mul3A_189 : i32 to index
        %get3A_194 = tpu.vector_load %arg7[%get3A_191, %get3A_192, %get3A_193] {strides = array<i32>} : memref<2x4x4000xf32, #tpu.memory_space<vmem>>, vector<1x1x16xf32>,
        %get3A_195 = vector.shape_cast %get3A_194 : vector<1x1x16xf32> to vector<16xf32>
        %sub3A = arith.subf %get3A_187, %get3A_195 : vector<16xf32>
        %abs3A = math.absf %sub3A : vector<16xf32>
        %min3A = arith.constant 1.000000e+00 : f32
        %min3A_196 = vector.broadcast %min3A : f32 to vector<16xf32>
        %min3A_197 = arith.minimumf %abs3A, %min3A_196 : vector<16xf32>
        %add3A_198 = arith.addf %abs3A, %abs3A : vector<16xf32>
        %sub3A_199 = arith.subf %add3A_198, %min3A_197 : vector<16xf32>
        %mul3A_200 = arith.mulf %min3A_197, %sub3A_199 : vector<16xf32>
        %mul3A_201 = arith.mulf %mul3A_200, %select_n3A_176 : vector<16xf32>
        %add3A_202 = arith.addf %scan3A_162, %mul3A_201 : vector<16xf32>
        %mul3A_203 = arith.constant 16 : i32
        %mul3A_204 = arith.muli %add3A_168, %mul3A_203 : i32
        %get3A_205 = arith.constant 1 : i32
        %get3A_206 = arith.index_cast %rem3A_155 : i32 to index
        %get3A_207 = arith.index_cast %get3A_205 : i32 to index
        %get3A_208 = arith.index_cast %mul3A_204 : i32 to index
        %get3A_209 = tpu.vector_load %arg6[%get3A_206, %get3A_207, %get3A_208] {strides = array<i32>} : memref<2x4x4000xf32, #tpu.memory_space<vmem>>, vector<1x1x16xf32>,
        %get3A_210 = vector.shape_cast %get3A_209 : vector<1x1x16xf32> to vector<16xf32>
        %mul3A_211 = arith.constant 16 : i32
        %mul3A_212 = arith.muli %add3A_168, %mul3A_211 : i32
        %get3A_213 = arith.constant 1 : i32
        %get3A_214 = arith.index_cast %rem3A_155 : i32 to index
        %get3A_215 = arith.index_cast %get3A_213 : i32 to index
        %get3A_216 = arith.index_cast %mul3A_212 : i32 to index
        %get3A_217 = tpu.vector_load %arg7[%get3A_214, %get3A_215, %get3A_216] {strides = array<i32>} : memref<2x4x4000xf32, #tpu.memory_space<vmem>>, vector<1x1x16xf32>,
        %get3A_218 = vector.shape_cast %get3A_217 : vector<1x1x16xf32> to vector<16xf32>
        %sub3A_219 = arith.subf %get3A_210, %get3A_218 : vector<16xf32>
        %abs3A_220 = math.absf %sub3A_219 : vector<16xf32>
        %min3A_221 = arith.constant 1.000000e+00 : f32
        %min3A_222 = vector.broadcast %min3A_221 : f32 to vector<16xf32>
        %min3A_223 = arith.minimumf %abs3A_220, %min3A_222 : vector<16xf32>
        %add3A_224 = arith.addf %abs3A_220, %abs3A_220 : vector<16xf32>
        %sub3A_225 = arith.subf %add3A_224, %min3A_223 : vector<16xf32>
        %mul3A_226 = arith.mulf %min3A_223, %sub3A_225 : vector<16xf32>
        %mul3A_227 = arith.mulf %mul3A_226, %select_n3A_176 : vector<16xf32>
        %add3A_228 = arith.addf %add3A_202, %mul3A_227 : vector<16xf32>
        %mul3A_229 = arith.constant 16 : i32
        %mul3A_230 = arith.muli %add3A_168, %mul3A_229 : i32
        %get3A_231 = arith.constant 2 : i32
        %get3A_232 = arith.index_cast %rem3A_155 : i32 to index
        %get3A_233 = arith.index_cast %get3A_231 : i32 to index
        %get3A_234 = arith.index_cast %mul3A_230 : i32 to index
        %get3A_235 = tpu.vector_load %arg6[%get3A_232, %get3A_233, %get3A_234] {strides = array<i32>} : memref<2x4x4000xf32, #tpu.memory_space<vmem>>, vector<1x1x16xf32>,
        %get3A_236 = vector.shape_cast %get3A_235 : vector<1x1x16xf32> to vector<16xf32>
        %mul3A_237 = arith.constant 16 : i32
        %mul3A_238 = arith.muli %add3A_168, %mul3A_237 : i32
        %get3A_239 = arith.constant 2 : i32
        %get3A_240 = arith.index_cast %rem3A_155 : i32 to index
        %get3A_241 = arith.index_cast %get3A_239 : i32 to index
        %get3A_242 = arith.index_cast %mul3A_238 : i32 to index
        %get3A_243 = tpu.vector_load %arg7[%get3A_240, %get3A_241, %get3A_242] {strides = array<i32>} : memref<2x4x4000xf32, #tpu.memory_space<vmem>>, vector<1x1x16xf32>,
        %get3A_244 = vector.shape_cast %get3A_243 : vector<1x1x16xf32> to vector<16xf32>
        %sub3A_245 = arith.subf %get3A_236, %get3A_244 : vector<16xf32>
        %abs3A_246 = math.absf %sub3A_245 : vector<16xf32>
        %min3A_247 = arith.constant 1.000000e+00 : f32
        %min3A_248 = vector.broadcast %min3A_247 : f32 to vector<16xf32>
        %min3A_249 = arith.minimumf %abs3A_246, %min3A_248 : vector<16xf32>
        %add3A_250 = arith.addf %abs3A_246, %abs3A_246 : vector<16xf32>
        %sub3A_251 = arith.subf %add3A_250, %min3A_249 : vector<16xf32>
        %mul3A_252 = arith.mulf %min3A_249, %sub3A_251 : vector<16xf32>
        %mul3A_253 = arith.mulf %mul3A_252, %select_n3A_176 : vector<16xf32>
        %add3A_254 = arith.addf %add3A_228, %mul3A_253 : vector<16xf32>
        %mul3A_255 = arith.constant 16 : i32
        %mul3A_256 = arith.muli %add3A_168, %mul3A_255 : i32
        %get3A_257 = arith.constant 3 : i32
        %get3A_258 = arith.index_cast %rem3A_155 : i32 to index
        %get3A_259 = arith.index_cast %get3A_257 : i32 to index
        %get3A_260 = arith.index_cast %mul3A_256 : i32 to index
        %get3A_261 = tpu.vector_load %arg6[%get3A_258, %get3A_259, %get3A_260] {strides = array<i32>} : memref<2x4x4000xf32, #tpu.memory_space<vmem>>, vector<1x1x16xf32>,
        %get3A_262 = vector.shape_cast %get3A_261 : vector<1x1x16xf32> to vector<16xf32>
        %mul3A_263 = arith.constant 16 : i32
        %mul3A_264 = arith.muli %add3A_168, %mul3A_263 : i32
        %get3A_265 = arith.constant 3 : i32
        %get3A_266 = arith.index_cast %rem3A_155 : i32 to index
        %get3A_267 = arith.index_cast %get3A_265 : i32 to index
        %get3A_268 = arith.index_cast %mul3A_264 : i32 to index
        %get3A_269 = tpu.vector_load %arg7[%get3A_266, %get3A_267, %get3A_268] {strides = array<i32>} : memref<2x4x4000xf32, #tpu.memory_space<vmem>>, vector<1x1x16xf32>,
        %get3A_270 = vector.shape_cast %get3A_269 : vector<1x1x16xf32> to vector<16xf32>
        %sub3A_271 = arith.subf %get3A_262, %get3A_270 : vector<16xf32>
        %abs3A_272 = math.absf %sub3A_271 : vector<16xf32>
        %min3A_273 = arith.constant 1.000000e+00 : f32
        %min3A_274 = vector.broadcast %min3A_273 : f32 to vector<16xf32>
        %min3A_275 = arith.minimumf %abs3A_272, %min3A_274 : vector<16xf32>
        %add3A_276 = arith.addf %abs3A_272, %abs3A_272 : vector<16xf32>
        %sub3A_277 = arith.subf %add3A_276, %min3A_275 : vector<16xf32>
        %mul3A_278 = arith.mulf %min3A_275, %sub3A_277 : vector<16xf32>
        %mul3A_279 = arith.mulf %mul3A_278, %select_n3A_176 : vector<16xf32>
        %add3A_280 = arith.addf %add3A_254, %mul3A_279 : vector<16xf32>
        %mul3A_281 = arith.constant 2 : i32
        %mul3A_282 = arith.muli %scan3A_161, %mul3A_281 : i32
        %add3A_283 = arith.constant 1 : i32
        %add3A_284 = arith.addi %mul3A_282, %add3A_283 : i32
        %mul3A_285 = arith.constant 16 : i32
        %mul3A_286 = arith.muli %add3A_284, %mul3A_285 : i32
        %get3A_287 = arith.index_cast %rem3A_155 : i32 to index
        %get3A_288 = arith.index_cast %mul3A_286 : i32 to index
        %get3A_289 = tpu.vector_load %arg8[%get3A_287, %get3A_288] {strides = array<i32>} : memref<2x4000xi32, #tpu.memory_space<vmem>>, vector<1x16xi32>,
        %get3A_290 = vector.shape_cast %get3A_289 : vector<1x16xi32> to vector<16xi32>
        %eq3A_291 = arith.constant 1 : i32
        %eq3A_292 = vector.broadcast %eq3A_291 : i32 to vector<16xi32>
        %eq3A_293 = arith.cmpi eq, %get3A_290, %eq3A_292 : vector<16xi32>
        %select_n3A_294 = arith.select %eq3A_293, %broadcast_in_dim3A_3, %broadcast_in_dim3A_1 : vector<16xi1>, vector<16xf32>
        %add3A_295 = arith.addf %add3A_177, %select_n3A_294 : vector<16xf32>
        %convert_element_type3A_296 = arith.sitofp %get3A_290 : vector<16xi32> to vector<16xf32>
        %add3A_297 = arith.addf %add3A_179, %convert_element_type3A_296 : vector<16xf32>
        %mul3A_298 = arith.constant 16 : i32
        %mul3A_299 = arith.muli %add3A_284, %mul3A_298 : i32
        %get3A_300 = arith.constant 0 : i32
        %get3A_301 = arith.index_cast %rem3A_155 : i32 to index
        %get3A_302 = arith.index_cast %get3A_300 : i32 to index
        %get3A_303 = arith.index_cast %mul3A_299 : i32 to index
        %get3A_304 = tpu.vector_load %arg6[%get3A_301, %get3A_302, %get3A_303] {strides = array<i32>} : memref<2x4x4000xf32, #tpu.memory_space<vmem>>, vector<1x1x16xf32>,
        %get3A_305 = vector.shape_cast %get3A_304 : vector<1x1x16xf32> to vector<16xf32>
        %mul3A_306 = arith.constant 16 : i32
        %mul3A_307 = arith.muli %add3A_284, %mul3A_306 : i32
        %get3A_308 = arith.constant 0 : i32
        %get3A_309 = arith.index_cast %rem3A_155 : i32 to index
        %get3A_310 = arith.index_cast %get3A_308 : i32 to index
        %get3A_311 = arith.index_cast %mul3A_307 : i32 to index
        %get3A_312 = tpu.vector_load %arg7[%get3A_309, %get3A_310, %get3A_311] {strides = array<i32>} : memref<2x4x4000xf32, #tpu.memory_space<vmem>>, vector<1x1x16xf32>,
        %get3A_313 = vector.shape_cast %get3A_312 : vector<1x1x16xf32> to vector<16xf32>
        %sub3A_314 = arith.subf %get3A_305, %get3A_313 : vector<16xf32>
        %abs3A_315 = math.absf %sub3A_314 : vector<16xf32>
        %min3A_316 = arith.constant 1.000000e+00 : f32
        %min3A_317 = vector.broadcast %min3A_316 : f32 to vector<16xf32>
        %min3A_318 = arith.minimumf %abs3A_315, %min3A_317 : vector<16xf32>
        %add3A_319 = arith.addf %abs3A_315, %abs3A_315 : vector<16xf32>
        %sub3A_320 = arith.subf %add3A_319, %min3A_318 : vector<16xf32>
        %mul3A_321 = arith.mulf %min3A_318, %sub3A_320 : vector<16xf32>
        %mul3A_322 = arith.mulf %mul3A_321, %select_n3A_294 : vector<16xf32>
        %add3A_323 = arith.addf %add3A_280, %mul3A_322 : vector<16xf32>
        %mul3A_324 = arith.constant 16 : i32
        %mul3A_325 = arith.muli %add3A_284, %mul3A_324 : i32
        %get3A_326 = arith.constant 1 : i32
        %get3A_327 = arith.index_cast %rem3A_155 : i32 to index
        %get3A_328 = arith.index_cast %get3A_326 : i32 to index
        %get3A_329 = arith.index_cast %mul3A_325 : i32 to index
        %get3A_330 = tpu.vector_load %arg6[%get3A_327, %get3A_328, %get3A_329] {strides = array<i32>} : memref<2x4x4000xf32, #tpu.memory_space<vmem>>, vector<1x1x16xf32>,
        %get3A_331 = vector.shape_cast %get3A_330 : vector<1x1x16xf32> to vector<16xf32>
        %mul3A_332 = arith.constant 16 : i32
        %mul3A_333 = arith.muli %add3A_284, %mul3A_332 : i32
        %get3A_334 = arith.constant 1 : i32
        %get3A_335 = arith.index_cast %rem3A_155 : i32 to index
        %get3A_336 = arith.index_cast %get3A_334 : i32 to index
        %get3A_337 = arith.index_cast %mul3A_333 : i32 to index
        %get3A_338 = tpu.vector_load %arg7[%get3A_335, %get3A_336, %get3A_337] {strides = array<i32>} : memref<2x4x4000xf32, #tpu.memory_space<vmem>>, vector<1x1x16xf32>,
        %get3A_339 = vector.shape_cast %get3A_338 : vector<1x1x16xf32> to vector<16xf32>
        %sub3A_340 = arith.subf %get3A_331, %get3A_339 : vector<16xf32>
        %abs3A_341 = math.absf %sub3A_340 : vector<16xf32>
        %min3A_342 = arith.constant 1.000000e+00 : f32
        %min3A_343 = vector.broadcast %min3A_342 : f32 to vector<16xf32>
        %min3A_344 = arith.minimumf %abs3A_341, %min3A_343 : vector<16xf32>
        %add3A_345 = arith.addf %abs3A_341, %abs3A_341 : vector<16xf32>
        %sub3A_346 = arith.subf %add3A_345, %min3A_344 : vector<16xf32>
        %mul3A_347 = arith.mulf %min3A_344, %sub3A_346 : vector<16xf32>
        %mul3A_348 = arith.mulf %mul3A_347, %select_n3A_294 : vector<16xf32>
        %add3A_349 = arith.addf %add3A_323, %mul3A_348 : vector<16xf32>
        %mul3A_350 = arith.constant 16 : i32
        %mul3A_351 = arith.muli %add3A_284, %mul3A_350 : i32
        %get3A_352 = arith.constant 2 : i32
        %get3A_353 = arith.index_cast %rem3A_155 : i32 to index
        %get3A_354 = arith.index_cast %get3A_352 : i32 to index
        %get3A_355 = arith.index_cast %mul3A_351 : i32 to index
        %get3A_356 = tpu.vector_load %arg6[%get3A_353, %get3A_354, %get3A_355] {strides = array<i32>} : memref<2x4x4000xf32, #tpu.memory_space<vmem>>, vector<1x1x16xf32>,
        %get3A_357 = vector.shape_cast %get3A_356 : vector<1x1x16xf32> to vector<16xf32>
        %mul3A_358 = arith.constant 16 : i32
        %mul3A_359 = arith.muli %add3A_284, %mul3A_358 : i32
        %get3A_360 = arith.constant 2 : i32
        %get3A_361 = arith.index_cast %rem3A_155 : i32 to index
        %get3A_362 = arith.index_cast %get3A_360 : i32 to index
        %get3A_363 = arith.index_cast %mul3A_359 : i32 to index
        %get3A_364 = tpu.vector_load %arg7[%get3A_361, %get3A_362, %get3A_363] {strides = array<i32>} : memref<2x4x4000xf32, #tpu.memory_space<vmem>>, vector<1x1x16xf32>,
        %get3A_365 = vector.shape_cast %get3A_364 : vector<1x1x16xf32> to vector<16xf32>
        %sub3A_366 = arith.subf %get3A_357, %get3A_365 : vector<16xf32>
        %abs3A_367 = math.absf %sub3A_366 : vector<16xf32>
        %min3A_368 = arith.constant 1.000000e+00 : f32
        %min3A_369 = vector.broadcast %min3A_368 : f32 to vector<16xf32>
        %min3A_370 = arith.minimumf %abs3A_367, %min3A_369 : vector<16xf32>
        %add3A_371 = arith.addf %abs3A_367, %abs3A_367 : vector<16xf32>
        %sub3A_372 = arith.subf %add3A_371, %min3A_370 : vector<16xf32>
        %mul3A_373 = arith.mulf %min3A_370, %sub3A_372 : vector<16xf32>
        %mul3A_374 = arith.mulf %mul3A_373, %select_n3A_294 : vector<16xf32>
        %add3A_375 = arith.addf %add3A_349, %mul3A_374 : vector<16xf32>
        %mul3A_376 = arith.constant 16 : i32
        %mul3A_377 = arith.muli %add3A_284, %mul3A_376 : i32
        %get3A_378 = arith.constant 3 : i32
        %get3A_379 = arith.index_cast %rem3A_155 : i32 to index
        %get3A_380 = arith.index_cast %get3A_378 : i32 to index
        %get3A_381 = arith.index_cast %mul3A_377 : i32 to index
        %get3A_382 = tpu.vector_load %arg6[%get3A_379, %get3A_380, %get3A_381] {strides = array<i32>} : memref<2x4x4000xf32, #tpu.memory_space<vmem>>, vector<1x1x16xf32>,
        %get3A_383 = vector.shape_cast %get3A_382 : vector<1x1x16xf32> to vector<16xf32>
        %mul3A_384 = arith.constant 16 : i32
        %mul3A_385 = arith.muli %add3A_284, %mul3A_384 : i32
        %get3A_386 = arith.constant 3 : i32
        %get3A_387 = arith.index_cast %rem3A_155 : i32 to index
        %get3A_388 = arith.index_cast %get3A_386 : i32 to index
        %get3A_389 = arith.index_cast %mul3A_385 : i32 to index
        %get3A_390 = tpu.vector_load %arg7[%get3A_387, %get3A_388, %get3A_389] {strides = array<i32>} : memref<2x4x4000xf32, #tpu.memory_space<vmem>>, vector<1x1x16xf32>,
        %get3A_391 = vector.shape_cast %get3A_390 : vector<1x1x16xf32> to vector<16xf32>
        %sub3A_392 = arith.subf %get3A_383, %get3A_391 : vector<16xf32>
        %abs3A_393 = math.absf %sub3A_392 : vector<16xf32>
        %min3A_394 = arith.constant 1.000000e+00 : f32
        %min3A_395 = vector.broadcast %min3A_394 : f32 to vector<16xf32>
        %min3A_396 = arith.minimumf %abs3A_393, %min3A_395 : vector<16xf32>
        %add3A_397 = arith.addf %abs3A_393, %abs3A_393 : vector<16xf32>
        %sub3A_398 = arith.subf %add3A_397, %min3A_396 : vector<16xf32>
        %mul3A_399 = arith.mulf %min3A_396, %sub3A_398 : vector<16xf32>
        %mul3A_400 = arith.mulf %mul3A_399, %select_n3A_294 : vector<16xf32>
        %add3A_401 = arith.addf %add3A_375, %mul3A_400 : vector<16xf32>
        scf.yield %add3A_401, %add3A_295, %add3A_297 : vector<16xf32>, vector<16xf32>, vector<16xf32>
      }
      %scan3A_160 = arith.constant 125 : i32
      scf.yield %scan3A_159#0, %scan3A_159#1, %scan3A_159#2 : vector<16xf32>, vector<16xf32>, vector<16xf32>
    }
    %swap3A = arith.constant 0 : index
    %swap3A_65 = tpu.vector_load %arg9[%swap3A] {strides = array<i32>} : memref<128xf32, #tpu.memory_space<vmem>>, vector<16xf32>,
    %swap3A_66 = vector.shape_cast %swap3A_65 : vector<16xf32> to vector<16xf32>
    %swap3A_67 = vector.shape_cast %while3A_64#0 : vector<16xf32> to vector<16xf32>
    tpu.vector_store %arg9[%swap3A], %swap3A_67 {strides = array<i32>} : memref<128xf32, #tpu.memory_space<vmem>>, vector<16xf32>,
    %swap3A_68 = arith.constant 16 : index
    %swap3A_69 = tpu.vector_load %arg9[%swap3A_68] {strides = array<i32>} : memref<128xf32, #tpu.memory_space<vmem>>, vector<16xf32>,
    %swap3A_70 = vector.shape_cast %swap3A_69 : vector<16xf32> to vector<16xf32>
    %swap3A_71 = vector.shape_cast %while3A_64#1 : vector<16xf32> to vector<16xf32>
    tpu.vector_store %arg9[%swap3A_68], %swap3A_71 {strides = array<i32>} : memref<128xf32, #tpu.memory_space<vmem>>, vector<16xf32>,
    %swap3A_72 = arith.constant 32 : index
    %swap3A_73 = tpu.vector_load %arg9[%swap3A_72] {strides = array<i32>} : memref<128xf32, #tpu.memory_space<vmem>>, vector<16xf32>,
    %swap3A_74 = vector.shape_cast %swap3A_73 : vector<16xf32> to vector<16xf32>
    %swap3A_75 = vector.shape_cast %while3A_64#2 : vector<16xf32> to vector<16xf32>
    tpu.vector_store %arg9[%swap3A_72], %swap3A_75 {strides = array<i32>} : memref<128xf32, #tpu.memory_space<vmem>>, vector<16xf32>,
    %swap3A_76 = arith.constant 48 : index
    %swap3A_77 = tpu.vector_load %arg9[%swap3A_76] {strides = array<i32>} : memref<128xf32, #tpu.memory_space<vmem>>, vector<16xf32>,
    %swap3A_78 = vector.shape_cast %swap3A_77 : vector<16xf32> to vector<16xf32>
    %swap3A_79 = vector.shape_cast %broadcast_in_dim3A_1 : vector<16xf32> to vector<16xf32>
    tpu.vector_store %arg9[%swap3A_76], %swap3A_79 {strides = array<i32>} : memref<128xf32, #tpu.memory_space<vmem>>, vector<16xf32>,
    %swap3A_80 = arith.constant 64 : index
    %swap3A_81 = tpu.vector_load %arg9[%swap3A_80] {strides = array<i32>} : memref<128xf32, #tpu.memory_space<vmem>>, vector<16xf32>,
    %swap3A_82 = vector.shape_cast %swap3A_81 : vector<16xf32> to vector<16xf32>
    %swap3A_83 = vector.shape_cast %broadcast_in_dim3A_1 : vector<16xf32> to vector<16xf32>
    tpu.vector_store %arg9[%swap3A_80], %swap3A_83 {strides = array<i32>} : memref<128xf32, #tpu.memory_space<vmem>>, vector<16xf32>,
    %swap3A_84 = arith.constant 80 : index
    %swap3A_85 = tpu.vector_load %arg9[%swap3A_84] {strides = array<i32>} : memref<128xf32, #tpu.memory_space<vmem>>, vector<16xf32>,
    %swap3A_86 = vector.shape_cast %swap3A_85 : vector<16xf32> to vector<16xf32>
    %swap3A_87 = vector.shape_cast %broadcast_in_dim3A_1 : vector<16xf32> to vector<16xf32>
    tpu.vector_store %arg9[%swap3A_84], %swap3A_87 {strides = array<i32>} : memref<128xf32, #tpu.memory_space<vmem>>, vector<16xf32>,
    %swap3A_88 = arith.constant 96 : index
    %swap3A_89 = tpu.vector_load %arg9[%swap3A_88] {strides = array<i32>} : memref<128xf32, #tpu.memory_space<vmem>>, vector<16xf32>,
    %swap3A_90 = vector.shape_cast %swap3A_89 : vector<16xf32> to vector<16xf32>
    %swap3A_91 = vector.shape_cast %broadcast_in_dim3A_1 : vector<16xf32> to vector<16xf32>
    tpu.vector_store %arg9[%swap3A_88], %swap3A_91 {strides = array<i32>} : memref<128xf32, #tpu.memory_space<vmem>>, vector<16xf32>,
    %swap3A_92 = arith.constant 112 : index
    %swap3A_93 = tpu.vector_load %arg9[%swap3A_92] {strides = array<i32>} : memref<128xf32, #tpu.memory_space<vmem>>, vector<16xf32>,
    %swap3A_94 = vector.shape_cast %swap3A_93 : vector<16xf32> to vector<16xf32>
    %swap3A_95 = vector.shape_cast %broadcast_in_dim3A_1 : vector<16xf32> to vector<16xf32>
    tpu.vector_store %arg9[%swap3A_92], %swap3A_95 {strides = array<i32>} : memref<128xf32, #tpu.memory_space<vmem>>, vector<16xf32>,
    "tpu.region"() ({
      %run_scoped3A = tpu.sem_alloc : memref<!tpu.dma_semaphore, #tpu.memory_space<semaphore_mem>>
      %dma_start3A_96 = arith.constant 0 : i32
      %dma_start3A_97 = tpu.memref_slice %arg5[%add3A, %dma_start3A_96] : memref<32x128xf32, #tpu.memory_space<hbm>> -> memref<1x128xf32, #tpu.memory_space<hbm>>
      %dma_start3A_98 = tpu.memref_squeeze %dma_start3A_97 : memref<1x128xf32, #tpu.memory_space<hbm>> -> memref<128xf32, #tpu.memory_space<hbm>>
      %dma_start3A_99 = arith.constant 0 : i32
      %dma_start3A_100 = tpu.memref_slice %arg5[%add3A, %dma_start3A_99] : memref<32x128xf32, #tpu.memory_space<hbm>> -> memref<1x128xf32, #tpu.memory_space<hbm>>
      %dma_start3A_101 = tpu.memref_squeeze %dma_start3A_100 : memref<1x128xf32, #tpu.memory_space<hbm>> -> memref<128xf32, #tpu.memory_space<hbm>>
      tpu.enqueue_dma source(%arg9 : memref<128xf32, #tpu.memory_space<vmem>>) target(%dma_start3A_101 : memref<128xf32, #tpu.memory_space<hbm>>) target_semaphore(%run_scoped3A : memref<!tpu.dma_semaphore, #tpu.memory_space<semaphore_mem>>)
      %dma_wait3A = arith.constant 0 : i32
      %dma_wait3A_102 = tpu.memref_slice %arg5[%add3A, %dma_wait3A] : memref<32x128xf32, #tpu.memory_space<hbm>> -> memref<1x128xf32, #tpu.memory_space<hbm>>
      %dma_wait3A_103 = tpu.memref_squeeze %dma_wait3A_102 : memref<1x128xf32, #tpu.memory_space<hbm>> -> memref<128xf32, #tpu.memory_space<hbm>>
      %dma_wait3A_104 = arith.constant 0 : i32
      %dma_wait3A_105 = tpu.memref_slice %arg5[%add3A, %dma_wait3A_104] : memref<32x128xf32, #tpu.memory_space<hbm>> -> memref<1x128xf32, #tpu.memory_space<hbm>>
      %dma_wait3A_106 = tpu.memref_squeeze %dma_wait3A_105 : memref<1x128xf32, #tpu.memory_space<hbm>> -> memref<128xf32, #tpu.memory_space<hbm>>
      tpu.wait_dma2 semaphore(%run_scoped3A : memref<!tpu.dma_semaphore, #tpu.memory_space<semaphore_mem>>) src(%arg9 : memref<128xf32, #tpu.memory_space<vmem>>) dst(%dma_wait3A_106 : memref<128xf32, #tpu.memory_space<hbm>>)
      tpu.yield
    }) : () -> ()
    return
  }
}

#map = affine_map<(d0, d1) -> (0, 0)>
#map1 = affine_map<(d0, d1) -> (0)>
module attributes {stable_mosaic.version = 14 : i64} {
  func.func @_part(%arg0: i32, %arg1: i32, %arg2: memref<4x248000xf32, #tpu.memory_space<hbm>>, %arg3: memref<4x248000xf32, #tpu.memory_space<hbm>>, %arg4: memref<1000000xi32, #tpu.memory_space<hbm>>, %arg5: memref<32x128xf32, #tpu.memory_space<hbm>>, %arg6: memref<2x4x4000xf32, #tpu.memory_space<vmem>>, %arg7: memref<2x4x4000xf32, #tpu.memory_space<vmem>>, %arg8: memref<2x4000xi32, #tpu.memory_space<vmem>>, %arg9: memref<128xf32, #tpu.memory_space<vmem>>, %arg10: memref<2x!tpu.dma_semaphore, #tpu.memory_space<semaphore_mem>>, %arg11: memref<2x!tpu.dma_semaphore, #tpu.memory_space<semaphore_mem>>, %arg12: memref<2x!tpu.dma_semaphore, #tpu.memory_space<semaphore_mem>>) attributes {dimension_semantics = [#tpu.dimension_semantics<core_parallel>, #tpu.dimension_semantics<subcore_parallel>], iteration_bounds = array<i64: 2, 16>, scalar_prefetch = 0 : i64, scratch_operands = 7 : i64, tpu.core_type = #tpu.core_type<sc_vector_subcore>, window_params = [{transform_indices = #map}, {transform_indices = #map}, {transform_indices = #map1}, {transform_indices = #map}]} {
    %mul3A = arith.constant 2 : i32
    %mul3A_0 = arith.muli %arg1, %mul3A : i32
    %add3A = arith.addi %mul3A_0, %arg0 : i32
    %broadcast_in_dim3A = arith.constant 0.000000e+00 : f32
    %broadcast_in_dim3A_1 = vector.broadcast %broadcast_in_dim3A : f32 to vector<16xf32>
    %broadcast_in_dim3A_2 = arith.constant 1.000000e+00 : f32
    %broadcast_in_dim3A_3 = vector.broadcast %broadcast_in_dim3A_2 : f32 to vector<16xf32>
    %lt3A = arith.constant 30 : i32
    %lt3A_4 = arith.cmpi slt, %add3A, %lt3A : i32
    %jit3A = arith.constant 2 : i32
    %jit3A_5 = arith.constant 1 : i32
    %select_n3A = arith.select %lt3A_4, %jit3A, %jit3A_5 : i32
    %add3A_6 = arith.constant 0 : i32
    %add3A_7 = arith.addi %add3A, %add3A_6 : i32
    %rem3A = arith.constant 0 : i32
    %rem3A_8 = arith.constant 2 : i32
    %rem3A_9 = arith.remsi %rem3A, %rem3A_8 : i32
    %mul3A_10 = arith.constant 4000 : i32
    %mul3A_11 = arith.muli %add3A_7, %mul3A_10 : i32
    %mul3A_12 = arith.constant 4000 : i32
    %mul3A_13 = arith.muli %add3A_7, %mul3A_12 : i32
    %mul3A_14 = arith.constant 4000 : i32
    %mul3A_15 = arith.muli %add3A_7, %mul3A_14 : i32
    %add3A_16 = arith.constant 496000 : i32
    %add3A_17 = arith.addi %add3A_16, %mul3A_15 : i32
    %dma_start3A = arith.constant 0 : i32
    %dma_start3A_18 = arith.constant 0 : i32
    %dma_start3A_19 = tpu.memref_slice %arg6[%rem3A_9, %dma_start3A, %dma_start3A_18] : memref<2x4x4000xf32, #tpu.memory_space<vmem>> -> memref<1x4x4000xf32, #tpu.memory_space<vmem>>
    %dma_start3A_20 = tpu.memref_squeeze %dma_start3A_19 : memref<1x4x4000xf32, #tpu.memory_space<vmem>> -> memref<4x4000xf32, #tpu.memory_space<vmem>>
    %dma_start3A_21 = arith.constant 0 : i32
    %dma_start3A_22 = tpu.memref_slice %arg2[%dma_start3A_21, %mul3A_11] : memref<4x248000xf32, #tpu.memory_space<hbm>> -> memref<4x4000xf32, #tpu.memory_space<hbm>>
    %dma_start3A_23 = tpu.memref_slice %arg10[%rem3A_9] : memref<2x!tpu.dma_semaphore, #tpu.memory_space<semaphore_mem>> -> memref<1x!tpu.dma_semaphore, #tpu.memory_space<semaphore_mem>>
    %dma_start3A_24 = tpu.memref_squeeze %dma_start3A_23 : memref<1x!tpu.dma_semaphore, #tpu.memory_space<semaphore_mem>> -> memref<!tpu.dma_semaphore, #tpu.memory_space<semaphore_mem>>
    %dma_start3A_25 = arith.constant 0 : i32
    %dma_start3A_26 = arith.constant 0 : i32
    %dma_start3A_27 = tpu.memref_slice %arg6[%rem3A_9, %dma_start3A_25, %dma_start3A_26] : memref<2x4x4000xf32, #tpu.memory_space<vmem>> -> memref<1x4x4000xf32, #tpu.memory_space<vmem>>
    %dma_start3A_28 = tpu.memref_squeeze %dma_start3A_27 : memref<1x4x4000xf32, #tpu.memory_space<vmem>> -> memref<4x4000xf32, #tpu.memory_space<vmem>>
    %dma_start3A_29 = arith.constant 0 : i32
    %dma_start3A_30 = tpu.memref_slice %arg2[%dma_start3A_29, %mul3A_11] : memref<4x248000xf32, #tpu.memory_space<hbm>> -> memref<4x4000xf32, #tpu.memory_space<hbm>>
    tpu.enqueue_dma source(%dma_start3A_30 : memref<4x4000xf32, #tpu.memory_space<hbm>>) target(%dma_start3A_28 : memref<4x4000xf32, #tpu.memory_space<vmem>>) target_semaphore(%dma_start3A_24 : memref<!tpu.dma_semaphore, #tpu.memory_space<semaphore_mem>>)
    %dma_start3A_31 = arith.constant 0 : i32
    %dma_start3A_32 = arith.constant 0 : i32
    %dma_start3A_33 = tpu.memref_slice %arg7[%rem3A_9, %dma_start3A_31, %dma_start3A_32] : memref<2x4x4000xf32, #tpu.memory_space<vmem>> -> memref<1x4x4000xf32, #tpu.memory_space<vmem>>
    %dma_start3A_34 = tpu.memref_squeeze %dma_start3A_33 : memref<1x4x4000xf32, #tpu.memory_space<vmem>> -> memref<4x4000xf32, #tpu.memory_space<vmem>>
    %dma_start3A_35 = arith.constant 0 : i32
    %dma_start3A_36 = tpu.memref_slice %arg3[%dma_start3A_35, %mul3A_13] : memref<4x248000xf32, #tpu.memory_space<hbm>> -> memref<4x4000xf32, #tpu.memory_space<hbm>>
    %dma_start3A_37 = tpu.memref_slice %arg11[%rem3A_9] : memref<2x!tpu.dma_semaphore, #tpu.memory_space<semaphore_mem>> -> memref<1x!tpu.dma_semaphore, #tpu.memory_space<semaphore_mem>>
    %dma_start3A_38 = tpu.memref_squeeze %dma_start3A_37 : memref<1x!tpu.dma_semaphore, #tpu.memory_space<semaphore_mem>> -> memref<!tpu.dma_semaphore, #tpu.memory_space<semaphore_mem>>
    %dma_start3A_39 = arith.constant 0 : i32
    %dma_start3A_40 = arith.constant 0 : i32
    %dma_start3A_41 = tpu.memref_slice %arg7[%rem3A_9, %dma_start3A_39, %dma_start3A_40] : memref<2x4x4000xf32, #tpu.memory_space<vmem>> -> memref<1x4x4000xf32, #tpu.memory_space<vmem>>
    %dma_start3A_42 = tpu.memref_squeeze %dma_start3A_41 : memref<1x4x4000xf32, #tpu.memory_space<vmem>> -> memref<4x4000xf32, #tpu.memory_space<vmem>>
    %dma_start3A_43 = arith.constant 0 : i32
    %dma_start3A_44 = tpu.memref_slice %arg3[%dma_start3A_43, %mul3A_13] : memref<4x248000xf32, #tpu.memory_space<hbm>> -> memref<4x4000xf32, #tpu.memory_space<hbm>>
    tpu.enqueue_dma source(%dma_start3A_44 : memref<4x4000xf32, #tpu.memory_space<hbm>>) target(%dma_start3A_42 : memref<4x4000xf32, #tpu.memory_space<vmem>>) target_semaphore(%dma_start3A_38 : memref<!tpu.dma_semaphore, #tpu.memory_space<semaphore_mem>>)
    %dma_start3A_45 = arith.constant 0 : i32
    %dma_start3A_46 = tpu.memref_slice %arg8[%rem3A_9, %dma_start3A_45] : memref<2x4000xi32, #tpu.memory_space<vmem>> -> memref<1x4000xi32, #tpu.memory_space<vmem>>
    %dma_start3A_47 = tpu.memref_squeeze %dma_start3A_46 : memref<1x4000xi32, #tpu.memory_space<vmem>> -> memref<4000xi32, #tpu.memory_space<vmem>>
    %dma_start3A_48 = tpu.memref_slice %arg4[%add3A_17] : memref<1000000xi32, #tpu.memory_space<hbm>> -> memref<4000xi32, #tpu.memory_space<hbm>>
    %dma_start3A_49 = tpu.memref_slice %arg12[%rem3A_9] : memref<2x!tpu.dma_semaphore, #tpu.memory_space<semaphore_mem>> -> memref<1x!tpu.dma_semaphore, #tpu.memory_space<semaphore_mem>>
    %dma_start3A_50 = tpu.memref_squeeze %dma_start3A_49 : memref<1x!tpu.dma_semaphore, #tpu.memory_space<semaphore_mem>> -> memref<!tpu.dma_semaphore, #tpu.memory_space<semaphore_mem>>
    %dma_start3A_51 = arith.constant 0 : i32
    %dma_start3A_52 = tpu.memref_slice %arg8[%rem3A_9, %dma_start3A_51] : memref<2x4000xi32, #tpu.memory_space<vmem>> -> memref<1x4000xi32, #tpu.memory_space<vmem>>
    %dma_start3A_53 = tpu.memref_squeeze %dma_start3A_52 : memref<1x4000xi32, #tpu.memory_space<vmem>> -> memref<4000xi32, #tpu.memory_space<vmem>>
    %dma_start3A_54 = tpu.memref_slice %arg4[%add3A_17] : memref<1000000xi32, #tpu.memory_space<hbm>> -> memref<4000xi32, #tpu.memory_space<hbm>>
    tpu.enqueue_dma source(%dma_start3A_54 : memref<4000xi32, #tpu.memory_space<hbm>>) target(%dma_start3A_53 : memref<4000xi32, #tpu.memory_space<vmem>>) target_semaphore(%dma_start3A_50 : memref<!tpu.dma_semaphore, #tpu.memory_space<semaphore_mem>>)
    %while3A = arith.constant 0 : i32
    %while3A_55 = arith.subi %select_n3A, %while3A : i32
    %while3A_56 = arith.addi %while3A, %while3A_55 : i32
    %while3A_57 = arith.constant 1 : i32
    %while3A_58 = arith.divsi %while3A_55, %while3A_57 : i32
    %while3A_59 = arith.muli %while3A_58, %while3A_57 : i32
    %while3A_60 = arith.addi %while3A, %while3A_59 : i32
    %while3A_61 = arith.constant 1 : i32
    %while3A_62:3 = scf.for %while3A_96 = %while3A to %while3A_60 step %while3A_61 iter_args(%while3A_97 = %broadcast_in_dim3A_1, %while3A_98 = %broadcast_in_dim3A_1, %while3A_99 = %broadcast_in_dim3A_1) -> (vector<16xf32>, vector<16xf32>, vector<16xf32>)  : i32 {
      %add3A_100 = arith.constant 1 : i32
      %add3A_101 = arith.addi %while3A_96, %add3A_100 : i32
      %lt3A_102 = arith.cmpi slt, %add3A_101, %select_n3A : i32
      %convert_element_type3A = arith.extui %lt3A_102 : i1 to i32
      %cond3A = arith.constant 0 : i32
      %cond3A_103 = arith.cmpi ne, %convert_element_type3A, %cond3A : i32
      scf.if %cond3A_103 {
        %add3A_161 = arith.constant 1 : i32
        %add3A_162 = arith.addi %while3A_96, %add3A_161 : i32
        %mul3A_163 = arith.constant 32 : i32
        %mul3A_164 = arith.muli %add3A_162, %mul3A_163 : i32
        %add3A_165 = arith.addi %add3A, %mul3A_164 : i32
        %rem3A_166 = arith.constant 2 : i32
        %rem3A_167 = arith.remsi %add3A_162, %rem3A_166 : i32
        %mul3A_168 = arith.constant 4000 : i32
        %mul3A_169 = arith.muli %add3A_165, %mul3A_168 : i32
        %mul3A_170 = arith.constant 4000 : i32
        %mul3A_171 = arith.muli %add3A_165, %mul3A_170 : i32
        %mul3A_172 = arith.constant 4000 : i32
        %mul3A_173 = arith.muli %add3A_165, %mul3A_172 : i32
        %add3A_174 = arith.constant 496000 : i32
        %add3A_175 = arith.addi %add3A_174, %mul3A_173 : i32
        %dma_start3A_176 = arith.constant 0 : i32
        %dma_start3A_177 = arith.constant 0 : i32
        %dma_start3A_178 = tpu.memref_slice %arg6[%rem3A_167, %dma_start3A_176, %dma_start3A_177] : memref<2x4x4000xf32, #tpu.memory_space<vmem>> -> memref<1x4x4000xf32, #tpu.memory_space<vmem>>
        %dma_start3A_179 = tpu.memref_squeeze %dma_start3A_178 : memref<1x4x4000xf32, #tpu.memory_space<vmem>> -> memref<4x4000xf32, #tpu.memory_space<vmem>>
        %dma_start3A_180 = arith.constant 0 : i32
        %dma_start3A_181 = tpu.memref_slice %arg2[%dma_start3A_180, %mul3A_169] : memref<4x248000xf32, #tpu.memory_space<hbm>> -> memref<4x4000xf32, #tpu.memory_space<hbm>>
        %dma_start3A_182 = tpu.memref_slice %arg10[%rem3A_167] : memref<2x!tpu.dma_semaphore, #tpu.memory_space<semaphore_mem>> -> memref<1x!tpu.dma_semaphore, #tpu.memory_space<semaphore_mem>>
        %dma_start3A_183 = tpu.memref_squeeze %dma_start3A_182 : memref<1x!tpu.dma_semaphore, #tpu.memory_space<semaphore_mem>> -> memref<!tpu.dma_semaphore, #tpu.memory_space<semaphore_mem>>
        %dma_start3A_184 = arith.constant 0 : i32
        %dma_start3A_185 = arith.constant 0 : i32
        %dma_start3A_186 = tpu.memref_slice %arg6[%rem3A_167, %dma_start3A_184, %dma_start3A_185] : memref<2x4x4000xf32, #tpu.memory_space<vmem>> -> memref<1x4x4000xf32, #tpu.memory_space<vmem>>
        %dma_start3A_187 = tpu.memref_squeeze %dma_start3A_186 : memref<1x4x4000xf32, #tpu.memory_space<vmem>> -> memref<4x4000xf32, #tpu.memory_space<vmem>>
        %dma_start3A_188 = arith.constant 0 : i32
        %dma_start3A_189 = tpu.memref_slice %arg2[%dma_start3A_188, %mul3A_169] : memref<4x248000xf32, #tpu.memory_space<hbm>> -> memref<4x4000xf32, #tpu.memory_space<hbm>>
        tpu.enqueue_dma source(%dma_start3A_189 : memref<4x4000xf32, #tpu.memory_space<hbm>>) target(%dma_start3A_187 : memref<4x4000xf32, #tpu.memory_space<vmem>>) target_semaphore(%dma_start3A_183 : memref<!tpu.dma_semaphore, #tpu.memory_space<semaphore_mem>>)
        %dma_start3A_190 = arith.constant 0 : i32
        %dma_start3A_191 = arith.constant 0 : i32
        %dma_start3A_192 = tpu.memref_slice %arg7[%rem3A_167, %dma_start3A_190, %dma_start3A_191] : memref<2x4x4000xf32, #tpu.memory_space<vmem>> -> memref<1x4x4000xf32, #tpu.memory_space<vmem>>
        %dma_start3A_193 = tpu.memref_squeeze %dma_start3A_192 : memref<1x4x4000xf32, #tpu.memory_space<vmem>> -> memref<4x4000xf32, #tpu.memory_space<vmem>>
        %dma_start3A_194 = arith.constant 0 : i32
        %dma_start3A_195 = tpu.memref_slice %arg3[%dma_start3A_194, %mul3A_171] : memref<4x248000xf32, #tpu.memory_space<hbm>> -> memref<4x4000xf32, #tpu.memory_space<hbm>>
        %dma_start3A_196 = tpu.memref_slice %arg11[%rem3A_167] : memref<2x!tpu.dma_semaphore, #tpu.memory_space<semaphore_mem>> -> memref<1x!tpu.dma_semaphore, #tpu.memory_space<semaphore_mem>>
        %dma_start3A_197 = tpu.memref_squeeze %dma_start3A_196 : memref<1x!tpu.dma_semaphore, #tpu.memory_space<semaphore_mem>> -> memref<!tpu.dma_semaphore, #tpu.memory_space<semaphore_mem>>
        %dma_start3A_198 = arith.constant 0 : i32
        %dma_start3A_199 = arith.constant 0 : i32
        %dma_start3A_200 = tpu.memref_slice %arg7[%rem3A_167, %dma_start3A_198, %dma_start3A_199] : memref<2x4x4000xf32, #tpu.memory_space<vmem>> -> memref<1x4x4000xf32, #tpu.memory_space<vmem>>
        %dma_start3A_201 = tpu.memref_squeeze %dma_start3A_200 : memref<1x4x4000xf32, #tpu.memory_space<vmem>> -> memref<4x4000xf32, #tpu.memory_space<vmem>>
        %dma_start3A_202 = arith.constant 0 : i32
        %dma_start3A_203 = tpu.memref_slice %arg3[%dma_start3A_202, %mul3A_171] : memref<4x248000xf32, #tpu.memory_space<hbm>> -> memref<4x4000xf32, #tpu.memory_space<hbm>>
        tpu.enqueue_dma source(%dma_start3A_203 : memref<4x4000xf32, #tpu.memory_space<hbm>>) target(%dma_start3A_201 : memref<4x4000xf32, #tpu.memory_space<vmem>>) target_semaphore(%dma_start3A_197 : memref<!tpu.dma_semaphore, #tpu.memory_space<semaphore_mem>>)
        %dma_start3A_204 = arith.constant 0 : i32
        %dma_start3A_205 = tpu.memref_slice %arg8[%rem3A_167, %dma_start3A_204] : memref<2x4000xi32, #tpu.memory_space<vmem>> -> memref<1x4000xi32, #tpu.memory_space<vmem>>
        %dma_start3A_206 = tpu.memref_squeeze %dma_start3A_205 : memref<1x4000xi32, #tpu.memory_space<vmem>> -> memref<4000xi32, #tpu.memory_space<vmem>>
        %dma_start3A_207 = tpu.memref_slice %arg4[%add3A_175] : memref<1000000xi32, #tpu.memory_space<hbm>> -> memref<4000xi32, #tpu.memory_space<hbm>>
        %dma_start3A_208 = tpu.memref_slice %arg12[%rem3A_167] : memref<2x!tpu.dma_semaphore, #tpu.memory_space<semaphore_mem>> -> memref<1x!tpu.dma_semaphore, #tpu.memory_space<semaphore_mem>>
        %dma_start3A_209 = tpu.memref_squeeze %dma_start3A_208 : memref<1x!tpu.dma_semaphore, #tpu.memory_space<semaphore_mem>> -> memref<!tpu.dma_semaphore, #tpu.memory_space<semaphore_mem>>
        %dma_start3A_210 = arith.constant 0 : i32
        %dma_start3A_211 = tpu.memref_slice %arg8[%rem3A_167, %dma_start3A_210] : memref<2x4000xi32, #tpu.memory_space<vmem>> -> memref<1x4000xi32, #tpu.memory_space<vmem>>
        %dma_start3A_212 = tpu.memref_squeeze %dma_start3A_211 : memref<1x4000xi32, #tpu.memory_space<vmem>> -> memref<4000xi32, #tpu.memory_space<vmem>>
        %dma_start3A_213 = tpu.memref_slice %arg4[%add3A_175] : memref<1000000xi32, #tpu.memory_space<hbm>> -> memref<4000xi32, #tpu.memory_space<hbm>>
        tpu.enqueue_dma source(%dma_start3A_213 : memref<4000xi32, #tpu.memory_space<hbm>>) target(%dma_start3A_212 : memref<4000xi32, #tpu.memory_space<vmem>>) target_semaphore(%dma_start3A_209 : memref<!tpu.dma_semaphore, #tpu.memory_space<semaphore_mem>>)
      } else {
      }
      %mul3A_104 = arith.constant 32 : i32
      %mul3A_105 = arith.muli %while3A_96, %mul3A_104 : i32
      %add3A_106 = arith.addi %add3A, %mul3A_105 : i32
      %rem3A_107 = arith.constant 2 : i32
      %rem3A_108 = arith.remsi %while3A_96, %rem3A_107 : i32
      %mul3A_109 = arith.constant 4000 : i32
      %mul3A_110 = arith.muli %add3A_106, %mul3A_109 : i32
      %mul3A_111 = arith.constant 4000 : i32
      %mul3A_112 = arith.muli %add3A_106, %mul3A_111 : i32
      %mul3A_113 = arith.constant 4000 : i32
      %mul3A_114 = arith.muli %add3A_106, %mul3A_113 : i32
      %add3A_115 = arith.constant 496000 : i32
      %add3A_116 = arith.addi %add3A_115, %mul3A_114 : i32
      %dma_wait3A = arith.constant 0 : i32
      %dma_wait3A_117 = arith.constant 0 : i32
      %dma_wait3A_118 = tpu.memref_slice %arg6[%rem3A_108, %dma_wait3A, %dma_wait3A_117] : memref<2x4x4000xf32, #tpu.memory_space<vmem>> -> memref<1x4x4000xf32, #tpu.memory_space<vmem>>
      %dma_wait3A_119 = tpu.memref_squeeze %dma_wait3A_118 : memref<1x4x4000xf32, #tpu.memory_space<vmem>> -> memref<4x4000xf32, #tpu.memory_space<vmem>>
      %dma_wait3A_120 = arith.constant 0 : i32
      %dma_wait3A_121 = tpu.memref_slice %arg2[%dma_wait3A_120, %mul3A_110] : memref<4x248000xf32, #tpu.memory_space<hbm>> -> memref<4x4000xf32, #tpu.memory_space<hbm>>
      %dma_wait3A_122 = tpu.memref_slice %arg10[%rem3A_108] : memref<2x!tpu.dma_semaphore, #tpu.memory_space<semaphore_mem>> -> memref<1x!tpu.dma_semaphore, #tpu.memory_space<semaphore_mem>>
      %dma_wait3A_123 = tpu.memref_squeeze %dma_wait3A_122 : memref<1x!tpu.dma_semaphore, #tpu.memory_space<semaphore_mem>> -> memref<!tpu.dma_semaphore, #tpu.memory_space<semaphore_mem>>
      %dma_wait3A_124 = arith.constant 0 : i32
      %dma_wait3A_125 = arith.constant 0 : i32
      %dma_wait3A_126 = tpu.memref_slice %arg6[%rem3A_108, %dma_wait3A_124, %dma_wait3A_125] : memref<2x4x4000xf32, #tpu.memory_space<vmem>> -> memref<1x4x4000xf32, #tpu.memory_space<vmem>>
      %dma_wait3A_127 = tpu.memref_squeeze %dma_wait3A_126 : memref<1x4x4000xf32, #tpu.memory_space<vmem>> -> memref<4x4000xf32, #tpu.memory_space<vmem>>
      %dma_wait3A_128 = arith.constant 0 : i32
      %dma_wait3A_129 = tpu.memref_slice %arg2[%dma_wait3A_128, %mul3A_110] : memref<4x248000xf32, #tpu.memory_space<hbm>> -> memref<4x4000xf32, #tpu.memory_space<hbm>>
      tpu.wait_dma2 semaphore(%dma_wait3A_123 : memref<!tpu.dma_semaphore, #tpu.memory_space<semaphore_mem>>) src(%dma_wait3A_129 : memref<4x4000xf32, #tpu.memory_space<hbm>>) dst(%dma_wait3A_127 : memref<4x4000xf32, #tpu.memory_space<vmem>>)
      %dma_wait3A_130 = arith.constant 0 : i32
      %dma_wait3A_131 = arith.constant 0 : i32
      %dma_wait3A_132 = tpu.memref_slice %arg7[%rem3A_108, %dma_wait3A_130, %dma_wait3A_131] : memref<2x4x4000xf32, #tpu.memory_space<vmem>> -> memref<1x4x4000xf32, #tpu.memory_space<vmem>>
      %dma_wait3A_133 = tpu.memref_squeeze %dma_wait3A_132 : memref<1x4x4000xf32, #tpu.memory_space<vmem>> -> memref<4x4000xf32, #tpu.memory_space<vmem>>
      %dma_wait3A_134 = arith.constant 0 : i32
      %dma_wait3A_135 = tpu.memref_slice %arg3[%dma_wait3A_134, %mul3A_112] : memref<4x248000xf32, #tpu.memory_space<hbm>> -> memref<4x4000xf32, #tpu.memory_space<hbm>>
      %dma_wait3A_136 = tpu.memref_slice %arg11[%rem3A_108] : memref<2x!tpu.dma_semaphore, #tpu.memory_space<semaphore_mem>> -> memref<1x!tpu.dma_semaphore, #tpu.memory_space<semaphore_mem>>
      %dma_wait3A_137 = tpu.memref_squeeze %dma_wait3A_136 : memref<1x!tpu.dma_semaphore, #tpu.memory_space<semaphore_mem>> -> memref<!tpu.dma_semaphore, #tpu.memory_space<semaphore_mem>>
      %dma_wait3A_138 = arith.constant 0 : i32
      %dma_wait3A_139 = arith.constant 0 : i32
      %dma_wait3A_140 = tpu.memref_slice %arg7[%rem3A_108, %dma_wait3A_138, %dma_wait3A_139] : memref<2x4x4000xf32, #tpu.memory_space<vmem>> -> memref<1x4x4000xf32, #tpu.memory_space<vmem>>
      %dma_wait3A_141 = tpu.memref_squeeze %dma_wait3A_140 : memref<1x4x4000xf32, #tpu.memory_space<vmem>> -> memref<4x4000xf32, #tpu.memory_space<vmem>>
      %dma_wait3A_142 = arith.constant 0 : i32
      %dma_wait3A_143 = tpu.memref_slice %arg3[%dma_wait3A_142, %mul3A_112] : memref<4x248000xf32, #tpu.memory_space<hbm>> -> memref<4x4000xf32, #tpu.memory_space<hbm>>
      tpu.wait_dma2 semaphore(%dma_wait3A_137 : memref<!tpu.dma_semaphore, #tpu.memory_space<semaphore_mem>>) src(%dma_wait3A_143 : memref<4x4000xf32, #tpu.memory_space<hbm>>) dst(%dma_wait3A_141 : memref<4x4000xf32, #tpu.memory_space<vmem>>)
      %dma_wait3A_144 = arith.constant 0 : i32
      %dma_wait3A_145 = tpu.memref_slice %arg8[%rem3A_108, %dma_wait3A_144] : memref<2x4000xi32, #tpu.memory_space<vmem>> -> memref<1x4000xi32, #tpu.memory_space<vmem>>
      %dma_wait3A_146 = tpu.memref_squeeze %dma_wait3A_145 : memref<1x4000xi32, #tpu.memory_space<vmem>> -> memref<4000xi32, #tpu.memory_space<vmem>>
      %dma_wait3A_147 = tpu.memref_slice %arg4[%add3A_116] : memref<1000000xi32, #tpu.memory_space<hbm>> -> memref<4000xi32, #tpu.memory_space<hbm>>
      %dma_wait3A_148 = tpu.memref_slice %arg12[%rem3A_108] : memref<2x!tpu.dma_semaphore, #tpu.memory_space<semaphore_mem>> -> memref<1x!tpu.dma_semaphore, #tpu.memory_space<semaphore_mem>>
      %dma_wait3A_149 = tpu.memref_squeeze %dma_wait3A_148 : memref<1x!tpu.dma_semaphore, #tpu.memory_space<semaphore_mem>> -> memref<!tpu.dma_semaphore, #tpu.memory_space<semaphore_mem>>
      %dma_wait3A_150 = arith.constant 0 : i32
      %dma_wait3A_151 = tpu.memref_slice %arg8[%rem3A_108, %dma_wait3A_150] : memref<2x4000xi32, #tpu.memory_space<vmem>> -> memref<1x4000xi32, #tpu.memory_space<vmem>>
      %dma_wait3A_152 = tpu.memref_squeeze %dma_wait3A_151 : memref<1x4000xi32, #tpu.memory_space<vmem>> -> memref<4000xi32, #tpu.memory_space<vmem>>
      %dma_wait3A_153 = tpu.memref_slice %arg4[%add3A_116] : memref<1000000xi32, #tpu.memory_space<hbm>> -> memref<4000xi32, #tpu.memory_space<hbm>>
      tpu.wait_dma2 semaphore(%dma_wait3A_149 : memref<!tpu.dma_semaphore, #tpu.memory_space<semaphore_mem>>) src(%dma_wait3A_153 : memref<4000xi32, #tpu.memory_space<hbm>>) dst(%dma_wait3A_152 : memref<4000xi32, #tpu.memory_space<vmem>>)
      %rem3A_154 = arith.constant 2 : i32
      %rem3A_155 = arith.remsi %while3A_96, %rem3A_154 : i32
      %scan3A = arith.constant 0 : i32
      %scan3A_156 = arith.constant 125 : i32
      %scan3A_157 = arith.addi %scan3A, %scan3A_156 : i32
      %scan3A_158 = arith.constant 1 : i32
      %scan3A_159:3 = scf.for %scan3A_161 = %scan3A to %scan3A_157 step %scan3A_158 iter_args(%scan3A_162 = %while3A_97, %scan3A_163 = %while3A_98, %scan3A_164 = %while3A_99) -> (vector<16xf32>, vector<16xf32>, vector<16xf32>)  : i32 {
        %mul3A_165 = arith.constant 2 : i32
        %mul3A_166 = arith.muli %scan3A_161, %mul3A_165 : i32
        %add3A_167 = arith.constant 0 : i32
        %add3A_168 = arith.addi %mul3A_166, %add3A_167 : i32
        %mul3A_169 = arith.constant 16 : i32
        %mul3A_170 = arith.muli %add3A_168, %mul3A_169 : i32
        %get3A = arith.index_cast %rem3A_155 : i32 to index
        %get3A_171 = arith.index_cast %mul3A_170 : i32 to index
        %get3A_172 = tpu.vector_load %arg8[%get3A, %get3A_171] {strides = array<i32>} : memref<2x4000xi32, #tpu.memory_space<vmem>>, vector<1x16xi32>,
        %get3A_173 = vector.shape_cast %get3A_172 : vector<1x16xi32> to vector<16xi32>
        %eq3A = arith.constant 1 : i32
        %eq3A_174 = vector.broadcast %eq3A : i32 to vector<16xi32>
        %eq3A_175 = arith.cmpi eq, %get3A_173, %eq3A_174 : vector<16xi32>
        %select_n3A_176 = arith.select %eq3A_175, %broadcast_in_dim3A_3, %broadcast_in_dim3A_1 : vector<16xi1>, vector<16xf32>
        %add3A_177 = arith.addf %scan3A_163, %select_n3A_176 : vector<16xf32>
        %convert_element_type3A_178 = arith.sitofp %get3A_173 : vector<16xi32> to vector<16xf32>
        %add3A_179 = arith.addf %scan3A_164, %convert_element_type3A_178 : vector<16xf32>
        %mul3A_180 = arith.constant 16 : i32
        %mul3A_181 = arith.muli %add3A_168, %mul3A_180 : i32
        %get3A_182 = arith.constant 0 : i32
        %get3A_183 = arith.index_cast %rem3A_155 : i32 to index
        %get3A_184 = arith.index_cast %get3A_182 : i32 to index
        %get3A_185 = arith.index_cast %mul3A_181 : i32 to index
        %get3A_186 = tpu.vector_load %arg6[%get3A_183, %get3A_184, %get3A_185] {strides = array<i32>} : memref<2x4x4000xf32, #tpu.memory_space<vmem>>, vector<1x1x16xf32>,
        %get3A_187 = vector.shape_cast %get3A_186 : vector<1x1x16xf32> to vector<16xf32>
        %mul3A_188 = arith.constant 16 : i32
        %mul3A_189 = arith.muli %add3A_168, %mul3A_188 : i32
        %get3A_190 = arith.constant 0 : i32
        %get3A_191 = arith.index_cast %rem3A_155 : i32 to index
        %get3A_192 = arith.index_cast %get3A_190 : i32 to index
        %get3A_193 = arith.index_cast %mul3A_189 : i32 to index
        %get3A_194 = tpu.vector_load %arg7[%get3A_191, %get3A_192, %get3A_193] {strides = array<i32>} : memref<2x4x4000xf32, #tpu.memory_space<vmem>>, vector<1x1x16xf32>,
        %get3A_195 = vector.shape_cast %get3A_194 : vector<1x1x16xf32> to vector<16xf32>
        %sub3A = arith.subf %get3A_187, %get3A_195 : vector<16xf32>
        %abs3A = math.absf %sub3A : vector<16xf32>
        %min3A = arith.constant 1.000000e+00 : f32
        %min3A_196 = vector.broadcast %min3A : f32 to vector<16xf32>
        %min3A_197 = arith.minimumf %abs3A, %min3A_196 : vector<16xf32>
        %add3A_198 = arith.addf %abs3A, %abs3A : vector<16xf32>
        %sub3A_199 = arith.subf %add3A_198, %min3A_197 : vector<16xf32>
        %mul3A_200 = arith.mulf %min3A_197, %sub3A_199 : vector<16xf32>
        %mul3A_201 = arith.mulf %mul3A_200, %select_n3A_176 : vector<16xf32>
        %add3A_202 = arith.addf %scan3A_162, %mul3A_201 : vector<16xf32>
        %mul3A_203 = arith.constant 16 : i32
        %mul3A_204 = arith.muli %add3A_168, %mul3A_203 : i32
        %get3A_205 = arith.constant 1 : i32
        %get3A_206 = arith.index_cast %rem3A_155 : i32 to index
        %get3A_207 = arith.index_cast %get3A_205 : i32 to index
        %get3A_208 = arith.index_cast %mul3A_204 : i32 to index
        %get3A_209 = tpu.vector_load %arg6[%get3A_206, %get3A_207, %get3A_208] {strides = array<i32>} : memref<2x4x4000xf32, #tpu.memory_space<vmem>>, vector<1x1x16xf32>,
        %get3A_210 = vector.shape_cast %get3A_209 : vector<1x1x16xf32> to vector<16xf32>
        %mul3A_211 = arith.constant 16 : i32
        %mul3A_212 = arith.muli %add3A_168, %mul3A_211 : i32
        %get3A_213 = arith.constant 1 : i32
        %get3A_214 = arith.index_cast %rem3A_155 : i32 to index
        %get3A_215 = arith.index_cast %get3A_213 : i32 to index
        %get3A_216 = arith.index_cast %mul3A_212 : i32 to index
        %get3A_217 = tpu.vector_load %arg7[%get3A_214, %get3A_215, %get3A_216] {strides = array<i32>} : memref<2x4x4000xf32, #tpu.memory_space<vmem>>, vector<1x1x16xf32>,
        %get3A_218 = vector.shape_cast %get3A_217 : vector<1x1x16xf32> to vector<16xf32>
        %sub3A_219 = arith.subf %get3A_210, %get3A_218 : vector<16xf32>
        %abs3A_220 = math.absf %sub3A_219 : vector<16xf32>
        %min3A_221 = arith.constant 1.000000e+00 : f32
        %min3A_222 = vector.broadcast %min3A_221 : f32 to vector<16xf32>
        %min3A_223 = arith.minimumf %abs3A_220, %min3A_222 : vector<16xf32>
        %add3A_224 = arith.addf %abs3A_220, %abs3A_220 : vector<16xf32>
        %sub3A_225 = arith.subf %add3A_224, %min3A_223 : vector<16xf32>
        %mul3A_226 = arith.mulf %min3A_223, %sub3A_225 : vector<16xf32>
        %mul3A_227 = arith.mulf %mul3A_226, %select_n3A_176 : vector<16xf32>
        %add3A_228 = arith.addf %add3A_202, %mul3A_227 : vector<16xf32>
        %mul3A_229 = arith.constant 16 : i32
        %mul3A_230 = arith.muli %add3A_168, %mul3A_229 : i32
        %get3A_231 = arith.constant 2 : i32
        %get3A_232 = arith.index_cast %rem3A_155 : i32 to index
        %get3A_233 = arith.index_cast %get3A_231 : i32 to index
        %get3A_234 = arith.index_cast %mul3A_230 : i32 to index
        %get3A_235 = tpu.vector_load %arg6[%get3A_232, %get3A_233, %get3A_234] {strides = array<i32>} : memref<2x4x4000xf32, #tpu.memory_space<vmem>>, vector<1x1x16xf32>,
        %get3A_236 = vector.shape_cast %get3A_235 : vector<1x1x16xf32> to vector<16xf32>
        %mul3A_237 = arith.constant 16 : i32
        %mul3A_238 = arith.muli %add3A_168, %mul3A_237 : i32
        %get3A_239 = arith.constant 2 : i32
        %get3A_240 = arith.index_cast %rem3A_155 : i32 to index
        %get3A_241 = arith.index_cast %get3A_239 : i32 to index
        %get3A_242 = arith.index_cast %mul3A_238 : i32 to index
        %get3A_243 = tpu.vector_load %arg7[%get3A_240, %get3A_241, %get3A_242] {strides = array<i32>} : memref<2x4x4000xf32, #tpu.memory_space<vmem>>, vector<1x1x16xf32>,
        %get3A_244 = vector.shape_cast %get3A_243 : vector<1x1x16xf32> to vector<16xf32>
        %sub3A_245 = arith.subf %get3A_236, %get3A_244 : vector<16xf32>
        %abs3A_246 = math.absf %sub3A_245 : vector<16xf32>
        %min3A_247 = arith.constant 1.000000e+00 : f32
        %min3A_248 = vector.broadcast %min3A_247 : f32 to vector<16xf32>
        %min3A_249 = arith.minimumf %abs3A_246, %min3A_248 : vector<16xf32>
        %add3A_250 = arith.addf %abs3A_246, %abs3A_246 : vector<16xf32>
        %sub3A_251 = arith.subf %add3A_250, %min3A_249 : vector<16xf32>
        %mul3A_252 = arith.mulf %min3A_249, %sub3A_251 : vector<16xf32>
        %mul3A_253 = arith.mulf %mul3A_252, %select_n3A_176 : vector<16xf32>
        %add3A_254 = arith.addf %add3A_228, %mul3A_253 : vector<16xf32>
        %mul3A_255 = arith.constant 16 : i32
        %mul3A_256 = arith.muli %add3A_168, %mul3A_255 : i32
        %get3A_257 = arith.constant 3 : i32
        %get3A_258 = arith.index_cast %rem3A_155 : i32 to index
        %get3A_259 = arith.index_cast %get3A_257 : i32 to index
        %get3A_260 = arith.index_cast %mul3A_256 : i32 to index
        %get3A_261 = tpu.vector_load %arg6[%get3A_258, %get3A_259, %get3A_260] {strides = array<i32>} : memref<2x4x4000xf32, #tpu.memory_space<vmem>>, vector<1x1x16xf32>,
        %get3A_262 = vector.shape_cast %get3A_261 : vector<1x1x16xf32> to vector<16xf32>
        %mul3A_263 = arith.constant 16 : i32
        %mul3A_264 = arith.muli %add3A_168, %mul3A_263 : i32
        %get3A_265 = arith.constant 3 : i32
        %get3A_266 = arith.index_cast %rem3A_155 : i32 to index
        %get3A_267 = arith.index_cast %get3A_265 : i32 to index
        %get3A_268 = arith.index_cast %mul3A_264 : i32 to index
        %get3A_269 = tpu.vector_load %arg7[%get3A_266, %get3A_267, %get3A_268] {strides = array<i32>} : memref<2x4x4000xf32, #tpu.memory_space<vmem>>, vector<1x1x16xf32>,
        %get3A_270 = vector.shape_cast %get3A_269 : vector<1x1x16xf32> to vector<16xf32>
        %sub3A_271 = arith.subf %get3A_262, %get3A_270 : vector<16xf32>
        %abs3A_272 = math.absf %sub3A_271 : vector<16xf32>
        %min3A_273 = arith.constant 1.000000e+00 : f32
        %min3A_274 = vector.broadcast %min3A_273 : f32 to vector<16xf32>
        %min3A_275 = arith.minimumf %abs3A_272, %min3A_274 : vector<16xf32>
        %add3A_276 = arith.addf %abs3A_272, %abs3A_272 : vector<16xf32>
        %sub3A_277 = arith.subf %add3A_276, %min3A_275 : vector<16xf32>
        %mul3A_278 = arith.mulf %min3A_275, %sub3A_277 : vector<16xf32>
        %mul3A_279 = arith.mulf %mul3A_278, %select_n3A_176 : vector<16xf32>
        %add3A_280 = arith.addf %add3A_254, %mul3A_279 : vector<16xf32>
        %mul3A_281 = arith.constant 2 : i32
        %mul3A_282 = arith.muli %scan3A_161, %mul3A_281 : i32
        %add3A_283 = arith.constant 1 : i32
        %add3A_284 = arith.addi %mul3A_282, %add3A_283 : i32
        %mul3A_285 = arith.constant 16 : i32
        %mul3A_286 = arith.muli %add3A_284, %mul3A_285 : i32
        %get3A_287 = arith.index_cast %rem3A_155 : i32 to index
        %get3A_288 = arith.index_cast %mul3A_286 : i32 to index
        %get3A_289 = tpu.vector_load %arg8[%get3A_287, %get3A_288] {strides = array<i32>} : memref<2x4000xi32, #tpu.memory_space<vmem>>, vector<1x16xi32>,
        %get3A_290 = vector.shape_cast %get3A_289 : vector<1x16xi32> to vector<16xi32>
        %eq3A_291 = arith.constant 1 : i32
        %eq3A_292 = vector.broadcast %eq3A_291 : i32 to vector<16xi32>
        %eq3A_293 = arith.cmpi eq, %get3A_290, %eq3A_292 : vector<16xi32>
        %select_n3A_294 = arith.select %eq3A_293, %broadcast_in_dim3A_3, %broadcast_in_dim3A_1 : vector<16xi1>, vector<16xf32>
        %add3A_295 = arith.addf %add3A_177, %select_n3A_294 : vector<16xf32>
        %convert_element_type3A_296 = arith.sitofp %get3A_290 : vector<16xi32> to vector<16xf32>
        %add3A_297 = arith.addf %add3A_179, %convert_element_type3A_296 : vector<16xf32>
        %mul3A_298 = arith.constant 16 : i32
        %mul3A_299 = arith.muli %add3A_284, %mul3A_298 : i32
        %get3A_300 = arith.constant 0 : i32
        %get3A_301 = arith.index_cast %rem3A_155 : i32 to index
        %get3A_302 = arith.index_cast %get3A_300 : i32 to index
        %get3A_303 = arith.index_cast %mul3A_299 : i32 to index
        %get3A_304 = tpu.vector_load %arg6[%get3A_301, %get3A_302, %get3A_303] {strides = array<i32>} : memref<2x4x4000xf32, #tpu.memory_space<vmem>>, vector<1x1x16xf32>,
        %get3A_305 = vector.shape_cast %get3A_304 : vector<1x1x16xf32> to vector<16xf32>
        %mul3A_306 = arith.constant 16 : i32
        %mul3A_307 = arith.muli %add3A_284, %mul3A_306 : i32
        %get3A_308 = arith.constant 0 : i32
        %get3A_309 = arith.index_cast %rem3A_155 : i32 to index
        %get3A_310 = arith.index_cast %get3A_308 : i32 to index
        %get3A_311 = arith.index_cast %mul3A_307 : i32 to index
        %get3A_312 = tpu.vector_load %arg7[%get3A_309, %get3A_310, %get3A_311] {strides = array<i32>} : memref<2x4x4000xf32, #tpu.memory_space<vmem>>, vector<1x1x16xf32>,
        %get3A_313 = vector.shape_cast %get3A_312 : vector<1x1x16xf32> to vector<16xf32>
        %sub3A_314 = arith.subf %get3A_305, %get3A_313 : vector<16xf32>
        %abs3A_315 = math.absf %sub3A_314 : vector<16xf32>
        %min3A_316 = arith.constant 1.000000e+00 : f32
        %min3A_317 = vector.broadcast %min3A_316 : f32 to vector<16xf32>
        %min3A_318 = arith.minimumf %abs3A_315, %min3A_317 : vector<16xf32>
        %add3A_319 = arith.addf %abs3A_315, %abs3A_315 : vector<16xf32>
        %sub3A_320 = arith.subf %add3A_319, %min3A_318 : vector<16xf32>
        %mul3A_321 = arith.mulf %min3A_318, %sub3A_320 : vector<16xf32>
        %mul3A_322 = arith.mulf %mul3A_321, %select_n3A_294 : vector<16xf32>
        %add3A_323 = arith.addf %add3A_280, %mul3A_322 : vector<16xf32>
        %mul3A_324 = arith.constant 16 : i32
        %mul3A_325 = arith.muli %add3A_284, %mul3A_324 : i32
        %get3A_326 = arith.constant 1 : i32
        %get3A_327 = arith.index_cast %rem3A_155 : i32 to index
        %get3A_328 = arith.index_cast %get3A_326 : i32 to index
        %get3A_329 = arith.index_cast %mul3A_325 : i32 to index
        %get3A_330 = tpu.vector_load %arg6[%get3A_327, %get3A_328, %get3A_329] {strides = array<i32>} : memref<2x4x4000xf32, #tpu.memory_space<vmem>>, vector<1x1x16xf32>,
        %get3A_331 = vector.shape_cast %get3A_330 : vector<1x1x16xf32> to vector<16xf32>
        %mul3A_332 = arith.constant 16 : i32
        %mul3A_333 = arith.muli %add3A_284, %mul3A_332 : i32
        %get3A_334 = arith.constant 1 : i32
        %get3A_335 = arith.index_cast %rem3A_155 : i32 to index
        %get3A_336 = arith.index_cast %get3A_334 : i32 to index
        %get3A_337 = arith.index_cast %mul3A_333 : i32 to index
        %get3A_338 = tpu.vector_load %arg7[%get3A_335, %get3A_336, %get3A_337] {strides = array<i32>} : memref<2x4x4000xf32, #tpu.memory_space<vmem>>, vector<1x1x16xf32>,
        %get3A_339 = vector.shape_cast %get3A_338 : vector<1x1x16xf32> to vector<16xf32>
        %sub3A_340 = arith.subf %get3A_331, %get3A_339 : vector<16xf32>
        %abs3A_341 = math.absf %sub3A_340 : vector<16xf32>
        %min3A_342 = arith.constant 1.000000e+00 : f32
        %min3A_343 = vector.broadcast %min3A_342 : f32 to vector<16xf32>
        %min3A_344 = arith.minimumf %abs3A_341, %min3A_343 : vector<16xf32>
        %add3A_345 = arith.addf %abs3A_341, %abs3A_341 : vector<16xf32>
        %sub3A_346 = arith.subf %add3A_345, %min3A_344 : vector<16xf32>
        %mul3A_347 = arith.mulf %min3A_344, %sub3A_346 : vector<16xf32>
        %mul3A_348 = arith.mulf %mul3A_347, %select_n3A_294 : vector<16xf32>
        %add3A_349 = arith.addf %add3A_323, %mul3A_348 : vector<16xf32>
        %mul3A_350 = arith.constant 16 : i32
        %mul3A_351 = arith.muli %add3A_284, %mul3A_350 : i32
        %get3A_352 = arith.constant 2 : i32
        %get3A_353 = arith.index_cast %rem3A_155 : i32 to index
        %get3A_354 = arith.index_cast %get3A_352 : i32 to index
        %get3A_355 = arith.index_cast %mul3A_351 : i32 to index
        %get3A_356 = tpu.vector_load %arg6[%get3A_353, %get3A_354, %get3A_355] {strides = array<i32>} : memref<2x4x4000xf32, #tpu.memory_space<vmem>>, vector<1x1x16xf32>,
        %get3A_357 = vector.shape_cast %get3A_356 : vector<1x1x16xf32> to vector<16xf32>
        %mul3A_358 = arith.constant 16 : i32
        %mul3A_359 = arith.muli %add3A_284, %mul3A_358 : i32
        %get3A_360 = arith.constant 2 : i32
        %get3A_361 = arith.index_cast %rem3A_155 : i32 to index
        %get3A_362 = arith.index_cast %get3A_360 : i32 to index
        %get3A_363 = arith.index_cast %mul3A_359 : i32 to index
        %get3A_364 = tpu.vector_load %arg7[%get3A_361, %get3A_362, %get3A_363] {strides = array<i32>} : memref<2x4x4000xf32, #tpu.memory_space<vmem>>, vector<1x1x16xf32>,
        %get3A_365 = vector.shape_cast %get3A_364 : vector<1x1x16xf32> to vector<16xf32>
        %sub3A_366 = arith.subf %get3A_357, %get3A_365 : vector<16xf32>
        %abs3A_367 = math.absf %sub3A_366 : vector<16xf32>
        %min3A_368 = arith.constant 1.000000e+00 : f32
        %min3A_369 = vector.broadcast %min3A_368 : f32 to vector<16xf32>
        %min3A_370 = arith.minimumf %abs3A_367, %min3A_369 : vector<16xf32>
        %add3A_371 = arith.addf %abs3A_367, %abs3A_367 : vector<16xf32>
        %sub3A_372 = arith.subf %add3A_371, %min3A_370 : vector<16xf32>
        %mul3A_373 = arith.mulf %min3A_370, %sub3A_372 : vector<16xf32>
        %mul3A_374 = arith.mulf %mul3A_373, %select_n3A_294 : vector<16xf32>
        %add3A_375 = arith.addf %add3A_349, %mul3A_374 : vector<16xf32>
        %mul3A_376 = arith.constant 16 : i32
        %mul3A_377 = arith.muli %add3A_284, %mul3A_376 : i32
        %get3A_378 = arith.constant 3 : i32
        %get3A_379 = arith.index_cast %rem3A_155 : i32 to index
        %get3A_380 = arith.index_cast %get3A_378 : i32 to index
        %get3A_381 = arith.index_cast %mul3A_377 : i32 to index
        %get3A_382 = tpu.vector_load %arg6[%get3A_379, %get3A_380, %get3A_381] {strides = array<i32>} : memref<2x4x4000xf32, #tpu.memory_space<vmem>>, vector<1x1x16xf32>,
        %get3A_383 = vector.shape_cast %get3A_382 : vector<1x1x16xf32> to vector<16xf32>
        %mul3A_384 = arith.constant 16 : i32
        %mul3A_385 = arith.muli %add3A_284, %mul3A_384 : i32
        %get3A_386 = arith.constant 3 : i32
        %get3A_387 = arith.index_cast %rem3A_155 : i32 to index
        %get3A_388 = arith.index_cast %get3A_386 : i32 to index
        %get3A_389 = arith.index_cast %mul3A_385 : i32 to index
        %get3A_390 = tpu.vector_load %arg7[%get3A_387, %get3A_388, %get3A_389] {strides = array<i32>} : memref<2x4x4000xf32, #tpu.memory_space<vmem>>, vector<1x1x16xf32>,
        %get3A_391 = vector.shape_cast %get3A_390 : vector<1x1x16xf32> to vector<16xf32>
        %sub3A_392 = arith.subf %get3A_383, %get3A_391 : vector<16xf32>
        %abs3A_393 = math.absf %sub3A_392 : vector<16xf32>
        %min3A_394 = arith.constant 1.000000e+00 : f32
        %min3A_395 = vector.broadcast %min3A_394 : f32 to vector<16xf32>
        %min3A_396 = arith.minimumf %abs3A_393, %min3A_395 : vector<16xf32>
        %add3A_397 = arith.addf %abs3A_393, %abs3A_393 : vector<16xf32>
        %sub3A_398 = arith.subf %add3A_397, %min3A_396 : vector<16xf32>
        %mul3A_399 = arith.mulf %min3A_396, %sub3A_398 : vector<16xf32>
        %mul3A_400 = arith.mulf %mul3A_399, %select_n3A_294 : vector<16xf32>
        %add3A_401 = arith.addf %add3A_375, %mul3A_400 : vector<16xf32>
        scf.yield %add3A_401, %add3A_295, %add3A_297 : vector<16xf32>, vector<16xf32>, vector<16xf32>
      }
      %scan3A_160 = arith.constant 125 : i32
      scf.yield %scan3A_159#0, %scan3A_159#1, %scan3A_159#2 : vector<16xf32>, vector<16xf32>, vector<16xf32>
    }
    %while3A_63 = arith.constant 1 : i32
    %while3A_64:3 = scf.for %while3A_96 = %while3A_60 to %while3A_56 step %while3A_63 iter_args(%while3A_97 = %while3A_62#0, %while3A_98 = %while3A_62#1, %while3A_99 = %while3A_62#2) -> (vector<16xf32>, vector<16xf32>, vector<16xf32>)  : i32 {
      %add3A_100 = arith.constant 1 : i32
      %add3A_101 = arith.addi %while3A_96, %add3A_100 : i32
      %lt3A_102 = arith.cmpi slt, %add3A_101, %select_n3A : i32
      %convert_element_type3A = arith.extui %lt3A_102 : i1 to i32
      %cond3A = arith.constant 0 : i32
      %cond3A_103 = arith.cmpi ne, %convert_element_type3A, %cond3A : i32
      scf.if %cond3A_103 {
        %add3A_161 = arith.constant 1 : i32
        %add3A_162 = arith.addi %while3A_96, %add3A_161 : i32
        %mul3A_163 = arith.constant 32 : i32
        %mul3A_164 = arith.muli %add3A_162, %mul3A_163 : i32
        %add3A_165 = arith.addi %add3A, %mul3A_164 : i32
        %rem3A_166 = arith.constant 2 : i32
        %rem3A_167 = arith.remsi %add3A_162, %rem3A_166 : i32
        %mul3A_168 = arith.constant 4000 : i32
        %mul3A_169 = arith.muli %add3A_165, %mul3A_168 : i32
        %mul3A_170 = arith.constant 4000 : i32
        %mul3A_171 = arith.muli %add3A_165, %mul3A_170 : i32
        %mul3A_172 = arith.constant 4000 : i32
        %mul3A_173 = arith.muli %add3A_165, %mul3A_172 : i32
        %add3A_174 = arith.constant 496000 : i32
        %add3A_175 = arith.addi %add3A_174, %mul3A_173 : i32
        %dma_start3A_176 = arith.constant 0 : i32
        %dma_start3A_177 = arith.constant 0 : i32
        %dma_start3A_178 = tpu.memref_slice %arg6[%rem3A_167, %dma_start3A_176, %dma_start3A_177] : memref<2x4x4000xf32, #tpu.memory_space<vmem>> -> memref<1x4x4000xf32, #tpu.memory_space<vmem>>
        %dma_start3A_179 = tpu.memref_squeeze %dma_start3A_178 : memref<1x4x4000xf32, #tpu.memory_space<vmem>> -> memref<4x4000xf32, #tpu.memory_space<vmem>>
        %dma_start3A_180 = arith.constant 0 : i32
        %dma_start3A_181 = tpu.memref_slice %arg2[%dma_start3A_180, %mul3A_169] : memref<4x248000xf32, #tpu.memory_space<hbm>> -> memref<4x4000xf32, #tpu.memory_space<hbm>>
        %dma_start3A_182 = tpu.memref_slice %arg10[%rem3A_167] : memref<2x!tpu.dma_semaphore, #tpu.memory_space<semaphore_mem>> -> memref<1x!tpu.dma_semaphore, #tpu.memory_space<semaphore_mem>>
        %dma_start3A_183 = tpu.memref_squeeze %dma_start3A_182 : memref<1x!tpu.dma_semaphore, #tpu.memory_space<semaphore_mem>> -> memref<!tpu.dma_semaphore, #tpu.memory_space<semaphore_mem>>
        %dma_start3A_184 = arith.constant 0 : i32
        %dma_start3A_185 = arith.constant 0 : i32
        %dma_start3A_186 = tpu.memref_slice %arg6[%rem3A_167, %dma_start3A_184, %dma_start3A_185] : memref<2x4x4000xf32, #tpu.memory_space<vmem>> -> memref<1x4x4000xf32, #tpu.memory_space<vmem>>
        %dma_start3A_187 = tpu.memref_squeeze %dma_start3A_186 : memref<1x4x4000xf32, #tpu.memory_space<vmem>> -> memref<4x4000xf32, #tpu.memory_space<vmem>>
        %dma_start3A_188 = arith.constant 0 : i32
        %dma_start3A_189 = tpu.memref_slice %arg2[%dma_start3A_188, %mul3A_169] : memref<4x248000xf32, #tpu.memory_space<hbm>> -> memref<4x4000xf32, #tpu.memory_space<hbm>>
        tpu.enqueue_dma source(%dma_start3A_189 : memref<4x4000xf32, #tpu.memory_space<hbm>>) target(%dma_start3A_187 : memref<4x4000xf32, #tpu.memory_space<vmem>>) target_semaphore(%dma_start3A_183 : memref<!tpu.dma_semaphore, #tpu.memory_space<semaphore_mem>>)
        %dma_start3A_190 = arith.constant 0 : i32
        %dma_start3A_191 = arith.constant 0 : i32
        %dma_start3A_192 = tpu.memref_slice %arg7[%rem3A_167, %dma_start3A_190, %dma_start3A_191] : memref<2x4x4000xf32, #tpu.memory_space<vmem>> -> memref<1x4x4000xf32, #tpu.memory_space<vmem>>
        %dma_start3A_193 = tpu.memref_squeeze %dma_start3A_192 : memref<1x4x4000xf32, #tpu.memory_space<vmem>> -> memref<4x4000xf32, #tpu.memory_space<vmem>>
        %dma_start3A_194 = arith.constant 0 : i32
        %dma_start3A_195 = tpu.memref_slice %arg3[%dma_start3A_194, %mul3A_171] : memref<4x248000xf32, #tpu.memory_space<hbm>> -> memref<4x4000xf32, #tpu.memory_space<hbm>>
        %dma_start3A_196 = tpu.memref_slice %arg11[%rem3A_167] : memref<2x!tpu.dma_semaphore, #tpu.memory_space<semaphore_mem>> -> memref<1x!tpu.dma_semaphore, #tpu.memory_space<semaphore_mem>>
        %dma_start3A_197 = tpu.memref_squeeze %dma_start3A_196 : memref<1x!tpu.dma_semaphore, #tpu.memory_space<semaphore_mem>> -> memref<!tpu.dma_semaphore, #tpu.memory_space<semaphore_mem>>
        %dma_start3A_198 = arith.constant 0 : i32
        %dma_start3A_199 = arith.constant 0 : i32
        %dma_start3A_200 = tpu.memref_slice %arg7[%rem3A_167, %dma_start3A_198, %dma_start3A_199] : memref<2x4x4000xf32, #tpu.memory_space<vmem>> -> memref<1x4x4000xf32, #tpu.memory_space<vmem>>
        %dma_start3A_201 = tpu.memref_squeeze %dma_start3A_200 : memref<1x4x4000xf32, #tpu.memory_space<vmem>> -> memref<4x4000xf32, #tpu.memory_space<vmem>>
        %dma_start3A_202 = arith.constant 0 : i32
        %dma_start3A_203 = tpu.memref_slice %arg3[%dma_start3A_202, %mul3A_171] : memref<4x248000xf32, #tpu.memory_space<hbm>> -> memref<4x4000xf32, #tpu.memory_space<hbm>>
        tpu.enqueue_dma source(%dma_start3A_203 : memref<4x4000xf32, #tpu.memory_space<hbm>>) target(%dma_start3A_201 : memref<4x4000xf32, #tpu.memory_space<vmem>>) target_semaphore(%dma_start3A_197 : memref<!tpu.dma_semaphore, #tpu.memory_space<semaphore_mem>>)
        %dma_start3A_204 = arith.constant 0 : i32
        %dma_start3A_205 = tpu.memref_slice %arg8[%rem3A_167, %dma_start3A_204] : memref<2x4000xi32, #tpu.memory_space<vmem>> -> memref<1x4000xi32, #tpu.memory_space<vmem>>
        %dma_start3A_206 = tpu.memref_squeeze %dma_start3A_205 : memref<1x4000xi32, #tpu.memory_space<vmem>> -> memref<4000xi32, #tpu.memory_space<vmem>>
        %dma_start3A_207 = tpu.memref_slice %arg4[%add3A_175] : memref<1000000xi32, #tpu.memory_space<hbm>> -> memref<4000xi32, #tpu.memory_space<hbm>>
        %dma_start3A_208 = tpu.memref_slice %arg12[%rem3A_167] : memref<2x!tpu.dma_semaphore, #tpu.memory_space<semaphore_mem>> -> memref<1x!tpu.dma_semaphore, #tpu.memory_space<semaphore_mem>>
        %dma_start3A_209 = tpu.memref_squeeze %dma_start3A_208 : memref<1x!tpu.dma_semaphore, #tpu.memory_space<semaphore_mem>> -> memref<!tpu.dma_semaphore, #tpu.memory_space<semaphore_mem>>
        %dma_start3A_210 = arith.constant 0 : i32
        %dma_start3A_211 = tpu.memref_slice %arg8[%rem3A_167, %dma_start3A_210] : memref<2x4000xi32, #tpu.memory_space<vmem>> -> memref<1x4000xi32, #tpu.memory_space<vmem>>
        %dma_start3A_212 = tpu.memref_squeeze %dma_start3A_211 : memref<1x4000xi32, #tpu.memory_space<vmem>> -> memref<4000xi32, #tpu.memory_space<vmem>>
        %dma_start3A_213 = tpu.memref_slice %arg4[%add3A_175] : memref<1000000xi32, #tpu.memory_space<hbm>> -> memref<4000xi32, #tpu.memory_space<hbm>>
        tpu.enqueue_dma source(%dma_start3A_213 : memref<4000xi32, #tpu.memory_space<hbm>>) target(%dma_start3A_212 : memref<4000xi32, #tpu.memory_space<vmem>>) target_semaphore(%dma_start3A_209 : memref<!tpu.dma_semaphore, #tpu.memory_space<semaphore_mem>>)
      } else {
      }
      %mul3A_104 = arith.constant 32 : i32
      %mul3A_105 = arith.muli %while3A_96, %mul3A_104 : i32
      %add3A_106 = arith.addi %add3A, %mul3A_105 : i32
      %rem3A_107 = arith.constant 2 : i32
      %rem3A_108 = arith.remsi %while3A_96, %rem3A_107 : i32
      %mul3A_109 = arith.constant 4000 : i32
      %mul3A_110 = arith.muli %add3A_106, %mul3A_109 : i32
      %mul3A_111 = arith.constant 4000 : i32
      %mul3A_112 = arith.muli %add3A_106, %mul3A_111 : i32
      %mul3A_113 = arith.constant 4000 : i32
      %mul3A_114 = arith.muli %add3A_106, %mul3A_113 : i32
      %add3A_115 = arith.constant 496000 : i32
      %add3A_116 = arith.addi %add3A_115, %mul3A_114 : i32
      %dma_wait3A = arith.constant 0 : i32
      %dma_wait3A_117 = arith.constant 0 : i32
      %dma_wait3A_118 = tpu.memref_slice %arg6[%rem3A_108, %dma_wait3A, %dma_wait3A_117] : memref<2x4x4000xf32, #tpu.memory_space<vmem>> -> memref<1x4x4000xf32, #tpu.memory_space<vmem>>
      %dma_wait3A_119 = tpu.memref_squeeze %dma_wait3A_118 : memref<1x4x4000xf32, #tpu.memory_space<vmem>> -> memref<4x4000xf32, #tpu.memory_space<vmem>>
      %dma_wait3A_120 = arith.constant 0 : i32
      %dma_wait3A_121 = tpu.memref_slice %arg2[%dma_wait3A_120, %mul3A_110] : memref<4x248000xf32, #tpu.memory_space<hbm>> -> memref<4x4000xf32, #tpu.memory_space<hbm>>
      %dma_wait3A_122 = tpu.memref_slice %arg10[%rem3A_108] : memref<2x!tpu.dma_semaphore, #tpu.memory_space<semaphore_mem>> -> memref<1x!tpu.dma_semaphore, #tpu.memory_space<semaphore_mem>>
      %dma_wait3A_123 = tpu.memref_squeeze %dma_wait3A_122 : memref<1x!tpu.dma_semaphore, #tpu.memory_space<semaphore_mem>> -> memref<!tpu.dma_semaphore, #tpu.memory_space<semaphore_mem>>
      %dma_wait3A_124 = arith.constant 0 : i32
      %dma_wait3A_125 = arith.constant 0 : i32
      %dma_wait3A_126 = tpu.memref_slice %arg6[%rem3A_108, %dma_wait3A_124, %dma_wait3A_125] : memref<2x4x4000xf32, #tpu.memory_space<vmem>> -> memref<1x4x4000xf32, #tpu.memory_space<vmem>>
      %dma_wait3A_127 = tpu.memref_squeeze %dma_wait3A_126 : memref<1x4x4000xf32, #tpu.memory_space<vmem>> -> memref<4x4000xf32, #tpu.memory_space<vmem>>
      %dma_wait3A_128 = arith.constant 0 : i32
      %dma_wait3A_129 = tpu.memref_slice %arg2[%dma_wait3A_128, %mul3A_110] : memref<4x248000xf32, #tpu.memory_space<hbm>> -> memref<4x4000xf32, #tpu.memory_space<hbm>>
      tpu.wait_dma2 semaphore(%dma_wait3A_123 : memref<!tpu.dma_semaphore, #tpu.memory_space<semaphore_mem>>) src(%dma_wait3A_129 : memref<4x4000xf32, #tpu.memory_space<hbm>>) dst(%dma_wait3A_127 : memref<4x4000xf32, #tpu.memory_space<vmem>>)
      %dma_wait3A_130 = arith.constant 0 : i32
      %dma_wait3A_131 = arith.constant 0 : i32
      %dma_wait3A_132 = tpu.memref_slice %arg7[%rem3A_108, %dma_wait3A_130, %dma_wait3A_131] : memref<2x4x4000xf32, #tpu.memory_space<vmem>> -> memref<1x4x4000xf32, #tpu.memory_space<vmem>>
      %dma_wait3A_133 = tpu.memref_squeeze %dma_wait3A_132 : memref<1x4x4000xf32, #tpu.memory_space<vmem>> -> memref<4x4000xf32, #tpu.memory_space<vmem>>
      %dma_wait3A_134 = arith.constant 0 : i32
      %dma_wait3A_135 = tpu.memref_slice %arg3[%dma_wait3A_134, %mul3A_112] : memref<4x248000xf32, #tpu.memory_space<hbm>> -> memref<4x4000xf32, #tpu.memory_space<hbm>>
      %dma_wait3A_136 = tpu.memref_slice %arg11[%rem3A_108] : memref<2x!tpu.dma_semaphore, #tpu.memory_space<semaphore_mem>> -> memref<1x!tpu.dma_semaphore, #tpu.memory_space<semaphore_mem>>
      %dma_wait3A_137 = tpu.memref_squeeze %dma_wait3A_136 : memref<1x!tpu.dma_semaphore, #tpu.memory_space<semaphore_mem>> -> memref<!tpu.dma_semaphore, #tpu.memory_space<semaphore_mem>>
      %dma_wait3A_138 = arith.constant 0 : i32
      %dma_wait3A_139 = arith.constant 0 : i32
      %dma_wait3A_140 = tpu.memref_slice %arg7[%rem3A_108, %dma_wait3A_138, %dma_wait3A_139] : memref<2x4x4000xf32, #tpu.memory_space<vmem>> -> memref<1x4x4000xf32, #tpu.memory_space<vmem>>
      %dma_wait3A_141 = tpu.memref_squeeze %dma_wait3A_140 : memref<1x4x4000xf32, #tpu.memory_space<vmem>> -> memref<4x4000xf32, #tpu.memory_space<vmem>>
      %dma_wait3A_142 = arith.constant 0 : i32
      %dma_wait3A_143 = tpu.memref_slice %arg3[%dma_wait3A_142, %mul3A_112] : memref<4x248000xf32, #tpu.memory_space<hbm>> -> memref<4x4000xf32, #tpu.memory_space<hbm>>
      tpu.wait_dma2 semaphore(%dma_wait3A_137 : memref<!tpu.dma_semaphore, #tpu.memory_space<semaphore_mem>>) src(%dma_wait3A_143 : memref<4x4000xf32, #tpu.memory_space<hbm>>) dst(%dma_wait3A_141 : memref<4x4000xf32, #tpu.memory_space<vmem>>)
      %dma_wait3A_144 = arith.constant 0 : i32
      %dma_wait3A_145 = tpu.memref_slice %arg8[%rem3A_108, %dma_wait3A_144] : memref<2x4000xi32, #tpu.memory_space<vmem>> -> memref<1x4000xi32, #tpu.memory_space<vmem>>
      %dma_wait3A_146 = tpu.memref_squeeze %dma_wait3A_145 : memref<1x4000xi32, #tpu.memory_space<vmem>> -> memref<4000xi32, #tpu.memory_space<vmem>>
      %dma_wait3A_147 = tpu.memref_slice %arg4[%add3A_116] : memref<1000000xi32, #tpu.memory_space<hbm>> -> memref<4000xi32, #tpu.memory_space<hbm>>
      %dma_wait3A_148 = tpu.memref_slice %arg12[%rem3A_108] : memref<2x!tpu.dma_semaphore, #tpu.memory_space<semaphore_mem>> -> memref<1x!tpu.dma_semaphore, #tpu.memory_space<semaphore_mem>>
      %dma_wait3A_149 = tpu.memref_squeeze %dma_wait3A_148 : memref<1x!tpu.dma_semaphore, #tpu.memory_space<semaphore_mem>> -> memref<!tpu.dma_semaphore, #tpu.memory_space<semaphore_mem>>
      %dma_wait3A_150 = arith.constant 0 : i32
      %dma_wait3A_151 = tpu.memref_slice %arg8[%rem3A_108, %dma_wait3A_150] : memref<2x4000xi32, #tpu.memory_space<vmem>> -> memref<1x4000xi32, #tpu.memory_space<vmem>>
      %dma_wait3A_152 = tpu.memref_squeeze %dma_wait3A_151 : memref<1x4000xi32, #tpu.memory_space<vmem>> -> memref<4000xi32, #tpu.memory_space<vmem>>
      %dma_wait3A_153 = tpu.memref_slice %arg4[%add3A_116] : memref<1000000xi32, #tpu.memory_space<hbm>> -> memref<4000xi32, #tpu.memory_space<hbm>>
      tpu.wait_dma2 semaphore(%dma_wait3A_149 : memref<!tpu.dma_semaphore, #tpu.memory_space<semaphore_mem>>) src(%dma_wait3A_153 : memref<4000xi32, #tpu.memory_space<hbm>>) dst(%dma_wait3A_152 : memref<4000xi32, #tpu.memory_space<vmem>>)
      %rem3A_154 = arith.constant 2 : i32
      %rem3A_155 = arith.remsi %while3A_96, %rem3A_154 : i32
      %scan3A = arith.constant 0 : i32
      %scan3A_156 = arith.constant 125 : i32
      %scan3A_157 = arith.addi %scan3A, %scan3A_156 : i32
      %scan3A_158 = arith.constant 1 : i32
      %scan3A_159:3 = scf.for %scan3A_161 = %scan3A to %scan3A_157 step %scan3A_158 iter_args(%scan3A_162 = %while3A_97, %scan3A_163 = %while3A_98, %scan3A_164 = %while3A_99) -> (vector<16xf32>, vector<16xf32>, vector<16xf32>)  : i32 {
        %mul3A_165 = arith.constant 2 : i32
        %mul3A_166 = arith.muli %scan3A_161, %mul3A_165 : i32
        %add3A_167 = arith.constant 0 : i32
        %add3A_168 = arith.addi %mul3A_166, %add3A_167 : i32
        %mul3A_169 = arith.constant 16 : i32
        %mul3A_170 = arith.muli %add3A_168, %mul3A_169 : i32
        %get3A = arith.index_cast %rem3A_155 : i32 to index
        %get3A_171 = arith.index_cast %mul3A_170 : i32 to index
        %get3A_172 = tpu.vector_load %arg8[%get3A, %get3A_171] {strides = array<i32>} : memref<2x4000xi32, #tpu.memory_space<vmem>>, vector<1x16xi32>,
        %get3A_173 = vector.shape_cast %get3A_172 : vector<1x16xi32> to vector<16xi32>
        %eq3A = arith.constant 1 : i32
        %eq3A_174 = vector.broadcast %eq3A : i32 to vector<16xi32>
        %eq3A_175 = arith.cmpi eq, %get3A_173, %eq3A_174 : vector<16xi32>
        %select_n3A_176 = arith.select %eq3A_175, %broadcast_in_dim3A_3, %broadcast_in_dim3A_1 : vector<16xi1>, vector<16xf32>
        %add3A_177 = arith.addf %scan3A_163, %select_n3A_176 : vector<16xf32>
        %convert_element_type3A_178 = arith.sitofp %get3A_173 : vector<16xi32> to vector<16xf32>
        %add3A_179 = arith.addf %scan3A_164, %convert_element_type3A_178 : vector<16xf32>
        %mul3A_180 = arith.constant 16 : i32
        %mul3A_181 = arith.muli %add3A_168, %mul3A_180 : i32
        %get3A_182 = arith.constant 0 : i32
        %get3A_183 = arith.index_cast %rem3A_155 : i32 to index
        %get3A_184 = arith.index_cast %get3A_182 : i32 to index
        %get3A_185 = arith.index_cast %mul3A_181 : i32 to index
        %get3A_186 = tpu.vector_load %arg6[%get3A_183, %get3A_184, %get3A_185] {strides = array<i32>} : memref<2x4x4000xf32, #tpu.memory_space<vmem>>, vector<1x1x16xf32>,
        %get3A_187 = vector.shape_cast %get3A_186 : vector<1x1x16xf32> to vector<16xf32>
        %mul3A_188 = arith.constant 16 : i32
        %mul3A_189 = arith.muli %add3A_168, %mul3A_188 : i32
        %get3A_190 = arith.constant 0 : i32
        %get3A_191 = arith.index_cast %rem3A_155 : i32 to index
        %get3A_192 = arith.index_cast %get3A_190 : i32 to index
        %get3A_193 = arith.index_cast %mul3A_189 : i32 to index
        %get3A_194 = tpu.vector_load %arg7[%get3A_191, %get3A_192, %get3A_193] {strides = array<i32>} : memref<2x4x4000xf32, #tpu.memory_space<vmem>>, vector<1x1x16xf32>,
        %get3A_195 = vector.shape_cast %get3A_194 : vector<1x1x16xf32> to vector<16xf32>
        %sub3A = arith.subf %get3A_187, %get3A_195 : vector<16xf32>
        %abs3A = math.absf %sub3A : vector<16xf32>
        %min3A = arith.constant 1.000000e+00 : f32
        %min3A_196 = vector.broadcast %min3A : f32 to vector<16xf32>
        %min3A_197 = arith.minimumf %abs3A, %min3A_196 : vector<16xf32>
        %add3A_198 = arith.addf %abs3A, %abs3A : vector<16xf32>
        %sub3A_199 = arith.subf %add3A_198, %min3A_197 : vector<16xf32>
        %mul3A_200 = arith.mulf %min3A_197, %sub3A_199 : vector<16xf32>
        %mul3A_201 = arith.mulf %mul3A_200, %select_n3A_176 : vector<16xf32>
        %add3A_202 = arith.addf %scan3A_162, %mul3A_201 : vector<16xf32>
        %mul3A_203 = arith.constant 16 : i32
        %mul3A_204 = arith.muli %add3A_168, %mul3A_203 : i32
        %get3A_205 = arith.constant 1 : i32
        %get3A_206 = arith.index_cast %rem3A_155 : i32 to index
        %get3A_207 = arith.index_cast %get3A_205 : i32 to index
        %get3A_208 = arith.index_cast %mul3A_204 : i32 to index
        %get3A_209 = tpu.vector_load %arg6[%get3A_206, %get3A_207, %get3A_208] {strides = array<i32>} : memref<2x4x4000xf32, #tpu.memory_space<vmem>>, vector<1x1x16xf32>,
        %get3A_210 = vector.shape_cast %get3A_209 : vector<1x1x16xf32> to vector<16xf32>
        %mul3A_211 = arith.constant 16 : i32
        %mul3A_212 = arith.muli %add3A_168, %mul3A_211 : i32
        %get3A_213 = arith.constant 1 : i32
        %get3A_214 = arith.index_cast %rem3A_155 : i32 to index
        %get3A_215 = arith.index_cast %get3A_213 : i32 to index
        %get3A_216 = arith.index_cast %mul3A_212 : i32 to index
        %get3A_217 = tpu.vector_load %arg7[%get3A_214, %get3A_215, %get3A_216] {strides = array<i32>} : memref<2x4x4000xf32, #tpu.memory_space<vmem>>, vector<1x1x16xf32>,
        %get3A_218 = vector.shape_cast %get3A_217 : vector<1x1x16xf32> to vector<16xf32>
        %sub3A_219 = arith.subf %get3A_210, %get3A_218 : vector<16xf32>
        %abs3A_220 = math.absf %sub3A_219 : vector<16xf32>
        %min3A_221 = arith.constant 1.000000e+00 : f32
        %min3A_222 = vector.broadcast %min3A_221 : f32 to vector<16xf32>
        %min3A_223 = arith.minimumf %abs3A_220, %min3A_222 : vector<16xf32>
        %add3A_224 = arith.addf %abs3A_220, %abs3A_220 : vector<16xf32>
        %sub3A_225 = arith.subf %add3A_224, %min3A_223 : vector<16xf32>
        %mul3A_226 = arith.mulf %min3A_223, %sub3A_225 : vector<16xf32>
        %mul3A_227 = arith.mulf %mul3A_226, %select_n3A_176 : vector<16xf32>
        %add3A_228 = arith.addf %add3A_202, %mul3A_227 : vector<16xf32>
        %mul3A_229 = arith.constant 16 : i32
        %mul3A_230 = arith.muli %add3A_168, %mul3A_229 : i32
        %get3A_231 = arith.constant 2 : i32
        %get3A_232 = arith.index_cast %rem3A_155 : i32 to index
        %get3A_233 = arith.index_cast %get3A_231 : i32 to index
        %get3A_234 = arith.index_cast %mul3A_230 : i32 to index
        %get3A_235 = tpu.vector_load %arg6[%get3A_232, %get3A_233, %get3A_234] {strides = array<i32>} : memref<2x4x4000xf32, #tpu.memory_space<vmem>>, vector<1x1x16xf32>,
        %get3A_236 = vector.shape_cast %get3A_235 : vector<1x1x16xf32> to vector<16xf32>
        %mul3A_237 = arith.constant 16 : i32
        %mul3A_238 = arith.muli %add3A_168, %mul3A_237 : i32
        %get3A_239 = arith.constant 2 : i32
        %get3A_240 = arith.index_cast %rem3A_155 : i32 to index
        %get3A_241 = arith.index_cast %get3A_239 : i32 to index
        %get3A_242 = arith.index_cast %mul3A_238 : i32 to index
        %get3A_243 = tpu.vector_load %arg7[%get3A_240, %get3A_241, %get3A_242] {strides = array<i32>} : memref<2x4x4000xf32, #tpu.memory_space<vmem>>, vector<1x1x16xf32>,
        %get3A_244 = vector.shape_cast %get3A_243 : vector<1x1x16xf32> to vector<16xf32>
        %sub3A_245 = arith.subf %get3A_236, %get3A_244 : vector<16xf32>
        %abs3A_246 = math.absf %sub3A_245 : vector<16xf32>
        %min3A_247 = arith.constant 1.000000e+00 : f32
        %min3A_248 = vector.broadcast %min3A_247 : f32 to vector<16xf32>
        %min3A_249 = arith.minimumf %abs3A_246, %min3A_248 : vector<16xf32>
        %add3A_250 = arith.addf %abs3A_246, %abs3A_246 : vector<16xf32>
        %sub3A_251 = arith.subf %add3A_250, %min3A_249 : vector<16xf32>
        %mul3A_252 = arith.mulf %min3A_249, %sub3A_251 : vector<16xf32>
        %mul3A_253 = arith.mulf %mul3A_252, %select_n3A_176 : vector<16xf32>
        %add3A_254 = arith.addf %add3A_228, %mul3A_253 : vector<16xf32>
        %mul3A_255 = arith.constant 16 : i32
        %mul3A_256 = arith.muli %add3A_168, %mul3A_255 : i32
        %get3A_257 = arith.constant 3 : i32
        %get3A_258 = arith.index_cast %rem3A_155 : i32 to index
        %get3A_259 = arith.index_cast %get3A_257 : i32 to index
        %get3A_260 = arith.index_cast %mul3A_256 : i32 to index
        %get3A_261 = tpu.vector_load %arg6[%get3A_258, %get3A_259, %get3A_260] {strides = array<i32>} : memref<2x4x4000xf32, #tpu.memory_space<vmem>>, vector<1x1x16xf32>,
        %get3A_262 = vector.shape_cast %get3A_261 : vector<1x1x16xf32> to vector<16xf32>
        %mul3A_263 = arith.constant 16 : i32
        %mul3A_264 = arith.muli %add3A_168, %mul3A_263 : i32
        %get3A_265 = arith.constant 3 : i32
        %get3A_266 = arith.index_cast %rem3A_155 : i32 to index
        %get3A_267 = arith.index_cast %get3A_265 : i32 to index
        %get3A_268 = arith.index_cast %mul3A_264 : i32 to index
        %get3A_269 = tpu.vector_load %arg7[%get3A_266, %get3A_267, %get3A_268] {strides = array<i32>} : memref<2x4x4000xf32, #tpu.memory_space<vmem>>, vector<1x1x16xf32>,
        %get3A_270 = vector.shape_cast %get3A_269 : vector<1x1x16xf32> to vector<16xf32>
        %sub3A_271 = arith.subf %get3A_262, %get3A_270 : vector<16xf32>
        %abs3A_272 = math.absf %sub3A_271 : vector<16xf32>
        %min3A_273 = arith.constant 1.000000e+00 : f32
        %min3A_274 = vector.broadcast %min3A_273 : f32 to vector<16xf32>
        %min3A_275 = arith.minimumf %abs3A_272, %min3A_274 : vector<16xf32>
        %add3A_276 = arith.addf %abs3A_272, %abs3A_272 : vector<16xf32>
        %sub3A_277 = arith.subf %add3A_276, %min3A_275 : vector<16xf32>
        %mul3A_278 = arith.mulf %min3A_275, %sub3A_277 : vector<16xf32>
        %mul3A_279 = arith.mulf %mul3A_278, %select_n3A_176 : vector<16xf32>
        %add3A_280 = arith.addf %add3A_254, %mul3A_279 : vector<16xf32>
        %mul3A_281 = arith.constant 2 : i32
        %mul3A_282 = arith.muli %scan3A_161, %mul3A_281 : i32
        %add3A_283 = arith.constant 1 : i32
        %add3A_284 = arith.addi %mul3A_282, %add3A_283 : i32
        %mul3A_285 = arith.constant 16 : i32
        %mul3A_286 = arith.muli %add3A_284, %mul3A_285 : i32
        %get3A_287 = arith.index_cast %rem3A_155 : i32 to index
        %get3A_288 = arith.index_cast %mul3A_286 : i32 to index
        %get3A_289 = tpu.vector_load %arg8[%get3A_287, %get3A_288] {strides = array<i32>} : memref<2x4000xi32, #tpu.memory_space<vmem>>, vector<1x16xi32>,
        %get3A_290 = vector.shape_cast %get3A_289 : vector<1x16xi32> to vector<16xi32>
        %eq3A_291 = arith.constant 1 : i32
        %eq3A_292 = vector.broadcast %eq3A_291 : i32 to vector<16xi32>
        %eq3A_293 = arith.cmpi eq, %get3A_290, %eq3A_292 : vector<16xi32>
        %select_n3A_294 = arith.select %eq3A_293, %broadcast_in_dim3A_3, %broadcast_in_dim3A_1 : vector<16xi1>, vector<16xf32>
        %add3A_295 = arith.addf %add3A_177, %select_n3A_294 : vector<16xf32>
        %convert_element_type3A_296 = arith.sitofp %get3A_290 : vector<16xi32> to vector<16xf32>
        %add3A_297 = arith.addf %add3A_179, %convert_element_type3A_296 : vector<16xf32>
        %mul3A_298 = arith.constant 16 : i32
        %mul3A_299 = arith.muli %add3A_284, %mul3A_298 : i32
        %get3A_300 = arith.constant 0 : i32
        %get3A_301 = arith.index_cast %rem3A_155 : i32 to index
        %get3A_302 = arith.index_cast %get3A_300 : i32 to index
        %get3A_303 = arith.index_cast %mul3A_299 : i32 to index
        %get3A_304 = tpu.vector_load %arg6[%get3A_301, %get3A_302, %get3A_303] {strides = array<i32>} : memref<2x4x4000xf32, #tpu.memory_space<vmem>>, vector<1x1x16xf32>,
        %get3A_305 = vector.shape_cast %get3A_304 : vector<1x1x16xf32> to vector<16xf32>
        %mul3A_306 = arith.constant 16 : i32
        %mul3A_307 = arith.muli %add3A_284, %mul3A_306 : i32
        %get3A_308 = arith.constant 0 : i32
        %get3A_309 = arith.index_cast %rem3A_155 : i32 to index
        %get3A_310 = arith.index_cast %get3A_308 : i32 to index
        %get3A_311 = arith.index_cast %mul3A_307 : i32 to index
        %get3A_312 = tpu.vector_load %arg7[%get3A_309, %get3A_310, %get3A_311] {strides = array<i32>} : memref<2x4x4000xf32, #tpu.memory_space<vmem>>, vector<1x1x16xf32>,
        %get3A_313 = vector.shape_cast %get3A_312 : vector<1x1x16xf32> to vector<16xf32>
        %sub3A_314 = arith.subf %get3A_305, %get3A_313 : vector<16xf32>
        %abs3A_315 = math.absf %sub3A_314 : vector<16xf32>
        %min3A_316 = arith.constant 1.000000e+00 : f32
        %min3A_317 = vector.broadcast %min3A_316 : f32 to vector<16xf32>
        %min3A_318 = arith.minimumf %abs3A_315, %min3A_317 : vector<16xf32>
        %add3A_319 = arith.addf %abs3A_315, %abs3A_315 : vector<16xf32>
        %sub3A_320 = arith.subf %add3A_319, %min3A_318 : vector<16xf32>
        %mul3A_321 = arith.mulf %min3A_318, %sub3A_320 : vector<16xf32>
        %mul3A_322 = arith.mulf %mul3A_321, %select_n3A_294 : vector<16xf32>
        %add3A_323 = arith.addf %add3A_280, %mul3A_322 : vector<16xf32>
        %mul3A_324 = arith.constant 16 : i32
        %mul3A_325 = arith.muli %add3A_284, %mul3A_324 : i32
        %get3A_326 = arith.constant 1 : i32
        %get3A_327 = arith.index_cast %rem3A_155 : i32 to index
        %get3A_328 = arith.index_cast %get3A_326 : i32 to index
        %get3A_329 = arith.index_cast %mul3A_325 : i32 to index
        %get3A_330 = tpu.vector_load %arg6[%get3A_327, %get3A_328, %get3A_329] {strides = array<i32>} : memref<2x4x4000xf32, #tpu.memory_space<vmem>>, vector<1x1x16xf32>,
        %get3A_331 = vector.shape_cast %get3A_330 : vector<1x1x16xf32> to vector<16xf32>
        %mul3A_332 = arith.constant 16 : i32
        %mul3A_333 = arith.muli %add3A_284, %mul3A_332 : i32
        %get3A_334 = arith.constant 1 : i32
        %get3A_335 = arith.index_cast %rem3A_155 : i32 to index
        %get3A_336 = arith.index_cast %get3A_334 : i32 to index
        %get3A_337 = arith.index_cast %mul3A_333 : i32 to index
        %get3A_338 = tpu.vector_load %arg7[%get3A_335, %get3A_336, %get3A_337] {strides = array<i32>} : memref<2x4x4000xf32, #tpu.memory_space<vmem>>, vector<1x1x16xf32>,
        %get3A_339 = vector.shape_cast %get3A_338 : vector<1x1x16xf32> to vector<16xf32>
        %sub3A_340 = arith.subf %get3A_331, %get3A_339 : vector<16xf32>
        %abs3A_341 = math.absf %sub3A_340 : vector<16xf32>
        %min3A_342 = arith.constant 1.000000e+00 : f32
        %min3A_343 = vector.broadcast %min3A_342 : f32 to vector<16xf32>
        %min3A_344 = arith.minimumf %abs3A_341, %min3A_343 : vector<16xf32>
        %add3A_345 = arith.addf %abs3A_341, %abs3A_341 : vector<16xf32>
        %sub3A_346 = arith.subf %add3A_345, %min3A_344 : vector<16xf32>
        %mul3A_347 = arith.mulf %min3A_344, %sub3A_346 : vector<16xf32>
        %mul3A_348 = arith.mulf %mul3A_347, %select_n3A_294 : vector<16xf32>
        %add3A_349 = arith.addf %add3A_323, %mul3A_348 : vector<16xf32>
        %mul3A_350 = arith.constant 16 : i32
        %mul3A_351 = arith.muli %add3A_284, %mul3A_350 : i32
        %get3A_352 = arith.constant 2 : i32
        %get3A_353 = arith.index_cast %rem3A_155 : i32 to index
        %get3A_354 = arith.index_cast %get3A_352 : i32 to index
        %get3A_355 = arith.index_cast %mul3A_351 : i32 to index
        %get3A_356 = tpu.vector_load %arg6[%get3A_353, %get3A_354, %get3A_355] {strides = array<i32>} : memref<2x4x4000xf32, #tpu.memory_space<vmem>>, vector<1x1x16xf32>,
        %get3A_357 = vector.shape_cast %get3A_356 : vector<1x1x16xf32> to vector<16xf32>
        %mul3A_358 = arith.constant 16 : i32
        %mul3A_359 = arith.muli %add3A_284, %mul3A_358 : i32
        %get3A_360 = arith.constant 2 : i32
        %get3A_361 = arith.index_cast %rem3A_155 : i32 to index
        %get3A_362 = arith.index_cast %get3A_360 : i32 to index
        %get3A_363 = arith.index_cast %mul3A_359 : i32 to index
        %get3A_364 = tpu.vector_load %arg7[%get3A_361, %get3A_362, %get3A_363] {strides = array<i32>} : memref<2x4x4000xf32, #tpu.memory_space<vmem>>, vector<1x1x16xf32>,
        %get3A_365 = vector.shape_cast %get3A_364 : vector<1x1x16xf32> to vector<16xf32>
        %sub3A_366 = arith.subf %get3A_357, %get3A_365 : vector<16xf32>
        %abs3A_367 = math.absf %sub3A_366 : vector<16xf32>
        %min3A_368 = arith.constant 1.000000e+00 : f32
        %min3A_369 = vector.broadcast %min3A_368 : f32 to vector<16xf32>
        %min3A_370 = arith.minimumf %abs3A_367, %min3A_369 : vector<16xf32>
        %add3A_371 = arith.addf %abs3A_367, %abs3A_367 : vector<16xf32>
        %sub3A_372 = arith.subf %add3A_371, %min3A_370 : vector<16xf32>
        %mul3A_373 = arith.mulf %min3A_370, %sub3A_372 : vector<16xf32>
        %mul3A_374 = arith.mulf %mul3A_373, %select_n3A_294 : vector<16xf32>
        %add3A_375 = arith.addf %add3A_349, %mul3A_374 : vector<16xf32>
        %mul3A_376 = arith.constant 16 : i32
        %mul3A_377 = arith.muli %add3A_284, %mul3A_376 : i32
        %get3A_378 = arith.constant 3 : i32
        %get3A_379 = arith.index_cast %rem3A_155 : i32 to index
        %get3A_380 = arith.index_cast %get3A_378 : i32 to index
        %get3A_381 = arith.index_cast %mul3A_377 : i32 to index
        %get3A_382 = tpu.vector_load %arg6[%get3A_379, %get3A_380, %get3A_381] {strides = array<i32>} : memref<2x4x4000xf32, #tpu.memory_space<vmem>>, vector<1x1x16xf32>,
        %get3A_383 = vector.shape_cast %get3A_382 : vector<1x1x16xf32> to vector<16xf32>
        %mul3A_384 = arith.constant 16 : i32
        %mul3A_385 = arith.muli %add3A_284, %mul3A_384 : i32
        %get3A_386 = arith.constant 3 : i32
        %get3A_387 = arith.index_cast %rem3A_155 : i32 to index
        %get3A_388 = arith.index_cast %get3A_386 : i32 to index
        %get3A_389 = arith.index_cast %mul3A_385 : i32 to index
        %get3A_390 = tpu.vector_load %arg7[%get3A_387, %get3A_388, %get3A_389] {strides = array<i32>} : memref<2x4x4000xf32, #tpu.memory_space<vmem>>, vector<1x1x16xf32>,
        %get3A_391 = vector.shape_cast %get3A_390 : vector<1x1x16xf32> to vector<16xf32>
        %sub3A_392 = arith.subf %get3A_383, %get3A_391 : vector<16xf32>
        %abs3A_393 = math.absf %sub3A_392 : vector<16xf32>
        %min3A_394 = arith.constant 1.000000e+00 : f32
        %min3A_395 = vector.broadcast %min3A_394 : f32 to vector<16xf32>
        %min3A_396 = arith.minimumf %abs3A_393, %min3A_395 : vector<16xf32>
        %add3A_397 = arith.addf %abs3A_393, %abs3A_393 : vector<16xf32>
        %sub3A_398 = arith.subf %add3A_397, %min3A_396 : vector<16xf32>
        %mul3A_399 = arith.mulf %min3A_396, %sub3A_398 : vector<16xf32>
        %mul3A_400 = arith.mulf %mul3A_399, %select_n3A_294 : vector<16xf32>
        %add3A_401 = arith.addf %add3A_375, %mul3A_400 : vector<16xf32>
        scf.yield %add3A_401, %add3A_295, %add3A_297 : vector<16xf32>, vector<16xf32>, vector<16xf32>
      }
      %scan3A_160 = arith.constant 125 : i32
      scf.yield %scan3A_159#0, %scan3A_159#1, %scan3A_159#2 : vector<16xf32>, vector<16xf32>, vector<16xf32>
    }
    %swap3A = arith.constant 0 : index
    %swap3A_65 = tpu.vector_load %arg9[%swap3A] {strides = array<i32>} : memref<128xf32, #tpu.memory_space<vmem>>, vector<16xf32>,
    %swap3A_66 = vector.shape_cast %swap3A_65 : vector<16xf32> to vector<16xf32>
    %swap3A_67 = vector.shape_cast %while3A_64#0 : vector<16xf32> to vector<16xf32>
    tpu.vector_store %arg9[%swap3A], %swap3A_67 {strides = array<i32>} : memref<128xf32, #tpu.memory_space<vmem>>, vector<16xf32>,
    %swap3A_68 = arith.constant 16 : index
    %swap3A_69 = tpu.vector_load %arg9[%swap3A_68] {strides = array<i32>} : memref<128xf32, #tpu.memory_space<vmem>>, vector<16xf32>,
    %swap3A_70 = vector.shape_cast %swap3A_69 : vector<16xf32> to vector<16xf32>
    %swap3A_71 = vector.shape_cast %while3A_64#1 : vector<16xf32> to vector<16xf32>
    tpu.vector_store %arg9[%swap3A_68], %swap3A_71 {strides = array<i32>} : memref<128xf32, #tpu.memory_space<vmem>>, vector<16xf32>,
    %swap3A_72 = arith.constant 32 : index
    %swap3A_73 = tpu.vector_load %arg9[%swap3A_72] {strides = array<i32>} : memref<128xf32, #tpu.memory_space<vmem>>, vector<16xf32>,
    %swap3A_74 = vector.shape_cast %swap3A_73 : vector<16xf32> to vector<16xf32>
    %swap3A_75 = vector.shape_cast %while3A_64#2 : vector<16xf32> to vector<16xf32>
    tpu.vector_store %arg9[%swap3A_72], %swap3A_75 {strides = array<i32>} : memref<128xf32, #tpu.memory_space<vmem>>, vector<16xf32>,
    %swap3A_76 = arith.constant 48 : index
    %swap3A_77 = tpu.vector_load %arg9[%swap3A_76] {strides = array<i32>} : memref<128xf32, #tpu.memory_space<vmem>>, vector<16xf32>,
    %swap3A_78 = vector.shape_cast %swap3A_77 : vector<16xf32> to vector<16xf32>
    %swap3A_79 = vector.shape_cast %broadcast_in_dim3A_1 : vector<16xf32> to vector<16xf32>
    tpu.vector_store %arg9[%swap3A_76], %swap3A_79 {strides = array<i32>} : memref<128xf32, #tpu.memory_space<vmem>>, vector<16xf32>,
    %swap3A_80 = arith.constant 64 : index
    %swap3A_81 = tpu.vector_load %arg9[%swap3A_80] {strides = array<i32>} : memref<128xf32, #tpu.memory_space<vmem>>, vector<16xf32>,
    %swap3A_82 = vector.shape_cast %swap3A_81 : vector<16xf32> to vector<16xf32>
    %swap3A_83 = vector.shape_cast %broadcast_in_dim3A_1 : vector<16xf32> to vector<16xf32>
    tpu.vector_store %arg9[%swap3A_80], %swap3A_83 {strides = array<i32>} : memref<128xf32, #tpu.memory_space<vmem>>, vector<16xf32>,
    %swap3A_84 = arith.constant 80 : index
    %swap3A_85 = tpu.vector_load %arg9[%swap3A_84] {strides = array<i32>} : memref<128xf32, #tpu.memory_space<vmem>>, vector<16xf32>,
    %swap3A_86 = vector.shape_cast %swap3A_85 : vector<16xf32> to vector<16xf32>
    %swap3A_87 = vector.shape_cast %broadcast_in_dim3A_1 : vector<16xf32> to vector<16xf32>
    tpu.vector_store %arg9[%swap3A_84], %swap3A_87 {strides = array<i32>} : memref<128xf32, #tpu.memory_space<vmem>>, vector<16xf32>,
    %swap3A_88 = arith.constant 96 : index
    %swap3A_89 = tpu.vector_load %arg9[%swap3A_88] {strides = array<i32>} : memref<128xf32, #tpu.memory_space<vmem>>, vector<16xf32>,
    %swap3A_90 = vector.shape_cast %swap3A_89 : vector<16xf32> to vector<16xf32>
    %swap3A_91 = vector.shape_cast %broadcast_in_dim3A_1 : vector<16xf32> to vector<16xf32>
    tpu.vector_store %arg9[%swap3A_88], %swap3A_91 {strides = array<i32>} : memref<128xf32, #tpu.memory_space<vmem>>, vector<16xf32>,
    %swap3A_92 = arith.constant 112 : index
    %swap3A_93 = tpu.vector_load %arg9[%swap3A_92] {strides = array<i32>} : memref<128xf32, #tpu.memory_space<vmem>>, vector<16xf32>,
    %swap3A_94 = vector.shape_cast %swap3A_93 : vector<16xf32> to vector<16xf32>
    %swap3A_95 = vector.shape_cast %broadcast_in_dim3A_1 : vector<16xf32> to vector<16xf32>
    tpu.vector_store %arg9[%swap3A_92], %swap3A_95 {strides = array<i32>} : memref<128xf32, #tpu.memory_space<vmem>>, vector<16xf32>,
    "tpu.region"() ({
      %run_scoped3A = tpu.sem_alloc : memref<!tpu.dma_semaphore, #tpu.memory_space<semaphore_mem>>
      %dma_start3A_96 = arith.constant 0 : i32
      %dma_start3A_97 = tpu.memref_slice %arg5[%add3A, %dma_start3A_96] : memref<32x128xf32, #tpu.memory_space<hbm>> -> memref<1x128xf32, #tpu.memory_space<hbm>>
      %dma_start3A_98 = tpu.memref_squeeze %dma_start3A_97 : memref<1x128xf32, #tpu.memory_space<hbm>> -> memref<128xf32, #tpu.memory_space<hbm>>
      %dma_start3A_99 = arith.constant 0 : i32
      %dma_start3A_100 = tpu.memref_slice %arg5[%add3A, %dma_start3A_99] : memref<32x128xf32, #tpu.memory_space<hbm>> -> memref<1x128xf32, #tpu.memory_space<hbm>>
      %dma_start3A_101 = tpu.memref_squeeze %dma_start3A_100 : memref<1x128xf32, #tpu.memory_space<hbm>> -> memref<128xf32, #tpu.memory_space<hbm>>
      tpu.enqueue_dma source(%arg9 : memref<128xf32, #tpu.memory_space<vmem>>) target(%dma_start3A_101 : memref<128xf32, #tpu.memory_space<hbm>>) target_semaphore(%run_scoped3A : memref<!tpu.dma_semaphore, #tpu.memory_space<semaphore_mem>>)
      %dma_wait3A = arith.constant 0 : i32
      %dma_wait3A_102 = tpu.memref_slice %arg5[%add3A, %dma_wait3A] : memref<32x128xf32, #tpu.memory_space<hbm>> -> memref<1x128xf32, #tpu.memory_space<hbm>>
      %dma_wait3A_103 = tpu.memref_squeeze %dma_wait3A_102 : memref<1x128xf32, #tpu.memory_space<hbm>> -> memref<128xf32, #tpu.memory_space<hbm>>
      %dma_wait3A_104 = arith.constant 0 : i32
      %dma_wait3A_105 = tpu.memref_slice %arg5[%add3A, %dma_wait3A_104] : memref<32x128xf32, #tpu.memory_space<hbm>> -> memref<1x128xf32, #tpu.memory_space<hbm>>
      %dma_wait3A_106 = tpu.memref_squeeze %dma_wait3A_105 : memref<1x128xf32, #tpu.memory_space<hbm>> -> memref<128xf32, #tpu.memory_space<hbm>>
      tpu.wait_dma2 semaphore(%run_scoped3A : memref<!tpu.dma_semaphore, #tpu.memory_space<semaphore_mem>>) src(%arg9 : memref<128xf32, #tpu.memory_space<vmem>>) dst(%dma_wait3A_106 : memref<128xf32, #tpu.memory_space<hbm>>)
      tpu.yield
    }) : () -> ()
    return
  }
}

#map = affine_map<(d0, d1) -> (0, 0)>
#map1 = affine_map<(d0, d1) -> (0)>
module attributes {stable_mosaic.version = 14 : i64} {
  func.func @_part(%arg0: i32, %arg1: i32, %arg2: memref<4x248000xf32, #tpu.memory_space<hbm>>, %arg3: memref<4x248000xf32, #tpu.memory_space<hbm>>, %arg4: memref<1000000xi32, #tpu.memory_space<hbm>>, %arg5: memref<32x128xf32, #tpu.memory_space<hbm>>, %arg6: memref<2x4x4000xf32, #tpu.memory_space<vmem>>, %arg7: memref<2x4x4000xf32, #tpu.memory_space<vmem>>, %arg8: memref<2x4000xi32, #tpu.memory_space<vmem>>, %arg9: memref<128xf32, #tpu.memory_space<vmem>>, %arg10: memref<2x!tpu.dma_semaphore, #tpu.memory_space<semaphore_mem>>, %arg11: memref<2x!tpu.dma_semaphore, #tpu.memory_space<semaphore_mem>>, %arg12: memref<2x!tpu.dma_semaphore, #tpu.memory_space<semaphore_mem>>) attributes {dimension_semantics = [#tpu.dimension_semantics<core_parallel>, #tpu.dimension_semantics<subcore_parallel>], iteration_bounds = array<i64: 2, 16>, scalar_prefetch = 0 : i64, scratch_operands = 7 : i64, tpu.core_type = #tpu.core_type<sc_vector_subcore>, window_params = [{transform_indices = #map}, {transform_indices = #map}, {transform_indices = #map1}, {transform_indices = #map}]} {
    %mul3A = arith.constant 2 : i32
    %mul3A_0 = arith.muli %arg1, %mul3A : i32
    %add3A = arith.addi %mul3A_0, %arg0 : i32
    %broadcast_in_dim3A = arith.constant 0.000000e+00 : f32
    %broadcast_in_dim3A_1 = vector.broadcast %broadcast_in_dim3A : f32 to vector<16xf32>
    %broadcast_in_dim3A_2 = arith.constant 1.000000e+00 : f32
    %broadcast_in_dim3A_3 = vector.broadcast %broadcast_in_dim3A_2 : f32 to vector<16xf32>
    %lt3A = arith.constant 30 : i32
    %lt3A_4 = arith.cmpi slt, %add3A, %lt3A : i32
    %jit3A = arith.constant 2 : i32
    %jit3A_5 = arith.constant 1 : i32
    %select_n3A = arith.select %lt3A_4, %jit3A, %jit3A_5 : i32
    %add3A_6 = arith.constant 0 : i32
    %add3A_7 = arith.addi %add3A, %add3A_6 : i32
    %rem3A = arith.constant 0 : i32
    %rem3A_8 = arith.constant 2 : i32
    %rem3A_9 = arith.remsi %rem3A, %rem3A_8 : i32
    %mul3A_10 = arith.constant 4000 : i32
    %mul3A_11 = arith.muli %add3A_7, %mul3A_10 : i32
    %mul3A_12 = arith.constant 4000 : i32
    %mul3A_13 = arith.muli %add3A_7, %mul3A_12 : i32
    %mul3A_14 = arith.constant 4000 : i32
    %mul3A_15 = arith.muli %add3A_7, %mul3A_14 : i32
    %add3A_16 = arith.constant 248000 : i32
    %add3A_17 = arith.addi %add3A_16, %mul3A_15 : i32
    %dma_start3A = arith.constant 0 : i32
    %dma_start3A_18 = arith.constant 0 : i32
    %dma_start3A_19 = tpu.memref_slice %arg6[%rem3A_9, %dma_start3A, %dma_start3A_18] : memref<2x4x4000xf32, #tpu.memory_space<vmem>> -> memref<1x4x4000xf32, #tpu.memory_space<vmem>>
    %dma_start3A_20 = tpu.memref_squeeze %dma_start3A_19 : memref<1x4x4000xf32, #tpu.memory_space<vmem>> -> memref<4x4000xf32, #tpu.memory_space<vmem>>
    %dma_start3A_21 = arith.constant 0 : i32
    %dma_start3A_22 = tpu.memref_slice %arg2[%dma_start3A_21, %mul3A_11] : memref<4x248000xf32, #tpu.memory_space<hbm>> -> memref<4x4000xf32, #tpu.memory_space<hbm>>
    %dma_start3A_23 = tpu.memref_slice %arg10[%rem3A_9] : memref<2x!tpu.dma_semaphore, #tpu.memory_space<semaphore_mem>> -> memref<1x!tpu.dma_semaphore, #tpu.memory_space<semaphore_mem>>
    %dma_start3A_24 = tpu.memref_squeeze %dma_start3A_23 : memref<1x!tpu.dma_semaphore, #tpu.memory_space<semaphore_mem>> -> memref<!tpu.dma_semaphore, #tpu.memory_space<semaphore_mem>>
    %dma_start3A_25 = arith.constant 0 : i32
    %dma_start3A_26 = arith.constant 0 : i32
    %dma_start3A_27 = tpu.memref_slice %arg6[%rem3A_9, %dma_start3A_25, %dma_start3A_26] : memref<2x4x4000xf32, #tpu.memory_space<vmem>> -> memref<1x4x4000xf32, #tpu.memory_space<vmem>>
    %dma_start3A_28 = tpu.memref_squeeze %dma_start3A_27 : memref<1x4x4000xf32, #tpu.memory_space<vmem>> -> memref<4x4000xf32, #tpu.memory_space<vmem>>
    %dma_start3A_29 = arith.constant 0 : i32
    %dma_start3A_30 = tpu.memref_slice %arg2[%dma_start3A_29, %mul3A_11] : memref<4x248000xf32, #tpu.memory_space<hbm>> -> memref<4x4000xf32, #tpu.memory_space<hbm>>
    tpu.enqueue_dma source(%dma_start3A_30 : memref<4x4000xf32, #tpu.memory_space<hbm>>) target(%dma_start3A_28 : memref<4x4000xf32, #tpu.memory_space<vmem>>) target_semaphore(%dma_start3A_24 : memref<!tpu.dma_semaphore, #tpu.memory_space<semaphore_mem>>)
    %dma_start3A_31 = arith.constant 0 : i32
    %dma_start3A_32 = arith.constant 0 : i32
    %dma_start3A_33 = tpu.memref_slice %arg7[%rem3A_9, %dma_start3A_31, %dma_start3A_32] : memref<2x4x4000xf32, #tpu.memory_space<vmem>> -> memref<1x4x4000xf32, #tpu.memory_space<vmem>>
    %dma_start3A_34 = tpu.memref_squeeze %dma_start3A_33 : memref<1x4x4000xf32, #tpu.memory_space<vmem>> -> memref<4x4000xf32, #tpu.memory_space<vmem>>
    %dma_start3A_35 = arith.constant 0 : i32
    %dma_start3A_36 = tpu.memref_slice %arg3[%dma_start3A_35, %mul3A_13] : memref<4x248000xf32, #tpu.memory_space<hbm>> -> memref<4x4000xf32, #tpu.memory_space<hbm>>
    %dma_start3A_37 = tpu.memref_slice %arg11[%rem3A_9] : memref<2x!tpu.dma_semaphore, #tpu.memory_space<semaphore_mem>> -> memref<1x!tpu.dma_semaphore, #tpu.memory_space<semaphore_mem>>
    %dma_start3A_38 = tpu.memref_squeeze %dma_start3A_37 : memref<1x!tpu.dma_semaphore, #tpu.memory_space<semaphore_mem>> -> memref<!tpu.dma_semaphore, #tpu.memory_space<semaphore_mem>>
    %dma_start3A_39 = arith.constant 0 : i32
    %dma_start3A_40 = arith.constant 0 : i32
    %dma_start3A_41 = tpu.memref_slice %arg7[%rem3A_9, %dma_start3A_39, %dma_start3A_40] : memref<2x4x4000xf32, #tpu.memory_space<vmem>> -> memref<1x4x4000xf32, #tpu.memory_space<vmem>>
    %dma_start3A_42 = tpu.memref_squeeze %dma_start3A_41 : memref<1x4x4000xf32, #tpu.memory_space<vmem>> -> memref<4x4000xf32, #tpu.memory_space<vmem>>
    %dma_start3A_43 = arith.constant 0 : i32
    %dma_start3A_44 = tpu.memref_slice %arg3[%dma_start3A_43, %mul3A_13] : memref<4x248000xf32, #tpu.memory_space<hbm>> -> memref<4x4000xf32, #tpu.memory_space<hbm>>
    tpu.enqueue_dma source(%dma_start3A_44 : memref<4x4000xf32, #tpu.memory_space<hbm>>) target(%dma_start3A_42 : memref<4x4000xf32, #tpu.memory_space<vmem>>) target_semaphore(%dma_start3A_38 : memref<!tpu.dma_semaphore, #tpu.memory_space<semaphore_mem>>)
    %dma_start3A_45 = arith.constant 0 : i32
    %dma_start3A_46 = tpu.memref_slice %arg8[%rem3A_9, %dma_start3A_45] : memref<2x4000xi32, #tpu.memory_space<vmem>> -> memref<1x4000xi32, #tpu.memory_space<vmem>>
    %dma_start3A_47 = tpu.memref_squeeze %dma_start3A_46 : memref<1x4000xi32, #tpu.memory_space<vmem>> -> memref<4000xi32, #tpu.memory_space<vmem>>
    %dma_start3A_48 = tpu.memref_slice %arg4[%add3A_17] : memref<1000000xi32, #tpu.memory_space<hbm>> -> memref<4000xi32, #tpu.memory_space<hbm>>
    %dma_start3A_49 = tpu.memref_slice %arg12[%rem3A_9] : memref<2x!tpu.dma_semaphore, #tpu.memory_space<semaphore_mem>> -> memref<1x!tpu.dma_semaphore, #tpu.memory_space<semaphore_mem>>
    %dma_start3A_50 = tpu.memref_squeeze %dma_start3A_49 : memref<1x!tpu.dma_semaphore, #tpu.memory_space<semaphore_mem>> -> memref<!tpu.dma_semaphore, #tpu.memory_space<semaphore_mem>>
    %dma_start3A_51 = arith.constant 0 : i32
    %dma_start3A_52 = tpu.memref_slice %arg8[%rem3A_9, %dma_start3A_51] : memref<2x4000xi32, #tpu.memory_space<vmem>> -> memref<1x4000xi32, #tpu.memory_space<vmem>>
    %dma_start3A_53 = tpu.memref_squeeze %dma_start3A_52 : memref<1x4000xi32, #tpu.memory_space<vmem>> -> memref<4000xi32, #tpu.memory_space<vmem>>
    %dma_start3A_54 = tpu.memref_slice %arg4[%add3A_17] : memref<1000000xi32, #tpu.memory_space<hbm>> -> memref<4000xi32, #tpu.memory_space<hbm>>
    tpu.enqueue_dma source(%dma_start3A_54 : memref<4000xi32, #tpu.memory_space<hbm>>) target(%dma_start3A_53 : memref<4000xi32, #tpu.memory_space<vmem>>) target_semaphore(%dma_start3A_50 : memref<!tpu.dma_semaphore, #tpu.memory_space<semaphore_mem>>)
    %while3A = arith.constant 0 : i32
    %while3A_55 = arith.subi %select_n3A, %while3A : i32
    %while3A_56 = arith.addi %while3A, %while3A_55 : i32
    %while3A_57 = arith.constant 1 : i32
    %while3A_58 = arith.divsi %while3A_55, %while3A_57 : i32
    %while3A_59 = arith.muli %while3A_58, %while3A_57 : i32
    %while3A_60 = arith.addi %while3A, %while3A_59 : i32
    %while3A_61 = arith.constant 1 : i32
    %while3A_62:3 = scf.for %while3A_96 = %while3A to %while3A_60 step %while3A_61 iter_args(%while3A_97 = %broadcast_in_dim3A_1, %while3A_98 = %broadcast_in_dim3A_1, %while3A_99 = %broadcast_in_dim3A_1) -> (vector<16xf32>, vector<16xf32>, vector<16xf32>)  : i32 {
      %add3A_100 = arith.constant 1 : i32
      %add3A_101 = arith.addi %while3A_96, %add3A_100 : i32
      %lt3A_102 = arith.cmpi slt, %add3A_101, %select_n3A : i32
      %convert_element_type3A = arith.extui %lt3A_102 : i1 to i32
      %cond3A = arith.constant 0 : i32
      %cond3A_103 = arith.cmpi ne, %convert_element_type3A, %cond3A : i32
      scf.if %cond3A_103 {
        %add3A_161 = arith.constant 1 : i32
        %add3A_162 = arith.addi %while3A_96, %add3A_161 : i32
        %mul3A_163 = arith.constant 32 : i32
        %mul3A_164 = arith.muli %add3A_162, %mul3A_163 : i32
        %add3A_165 = arith.addi %add3A, %mul3A_164 : i32
        %rem3A_166 = arith.constant 2 : i32
        %rem3A_167 = arith.remsi %add3A_162, %rem3A_166 : i32
        %mul3A_168 = arith.constant 4000 : i32
        %mul3A_169 = arith.muli %add3A_165, %mul3A_168 : i32
        %mul3A_170 = arith.constant 4000 : i32
        %mul3A_171 = arith.muli %add3A_165, %mul3A_170 : i32
        %mul3A_172 = arith.constant 4000 : i32
        %mul3A_173 = arith.muli %add3A_165, %mul3A_172 : i32
        %add3A_174 = arith.constant 248000 : i32
        %add3A_175 = arith.addi %add3A_174, %mul3A_173 : i32
        %dma_start3A_176 = arith.constant 0 : i32
        %dma_start3A_177 = arith.constant 0 : i32
        %dma_start3A_178 = tpu.memref_slice %arg6[%rem3A_167, %dma_start3A_176, %dma_start3A_177] : memref<2x4x4000xf32, #tpu.memory_space<vmem>> -> memref<1x4x4000xf32, #tpu.memory_space<vmem>>
        %dma_start3A_179 = tpu.memref_squeeze %dma_start3A_178 : memref<1x4x4000xf32, #tpu.memory_space<vmem>> -> memref<4x4000xf32, #tpu.memory_space<vmem>>
        %dma_start3A_180 = arith.constant 0 : i32
        %dma_start3A_181 = tpu.memref_slice %arg2[%dma_start3A_180, %mul3A_169] : memref<4x248000xf32, #tpu.memory_space<hbm>> -> memref<4x4000xf32, #tpu.memory_space<hbm>>
        %dma_start3A_182 = tpu.memref_slice %arg10[%rem3A_167] : memref<2x!tpu.dma_semaphore, #tpu.memory_space<semaphore_mem>> -> memref<1x!tpu.dma_semaphore, #tpu.memory_space<semaphore_mem>>
        %dma_start3A_183 = tpu.memref_squeeze %dma_start3A_182 : memref<1x!tpu.dma_semaphore, #tpu.memory_space<semaphore_mem>> -> memref<!tpu.dma_semaphore, #tpu.memory_space<semaphore_mem>>
        %dma_start3A_184 = arith.constant 0 : i32
        %dma_start3A_185 = arith.constant 0 : i32
        %dma_start3A_186 = tpu.memref_slice %arg6[%rem3A_167, %dma_start3A_184, %dma_start3A_185] : memref<2x4x4000xf32, #tpu.memory_space<vmem>> -> memref<1x4x4000xf32, #tpu.memory_space<vmem>>
        %dma_start3A_187 = tpu.memref_squeeze %dma_start3A_186 : memref<1x4x4000xf32, #tpu.memory_space<vmem>> -> memref<4x4000xf32, #tpu.memory_space<vmem>>
        %dma_start3A_188 = arith.constant 0 : i32
        %dma_start3A_189 = tpu.memref_slice %arg2[%dma_start3A_188, %mul3A_169] : memref<4x248000xf32, #tpu.memory_space<hbm>> -> memref<4x4000xf32, #tpu.memory_space<hbm>>
        tpu.enqueue_dma source(%dma_start3A_189 : memref<4x4000xf32, #tpu.memory_space<hbm>>) target(%dma_start3A_187 : memref<4x4000xf32, #tpu.memory_space<vmem>>) target_semaphore(%dma_start3A_183 : memref<!tpu.dma_semaphore, #tpu.memory_space<semaphore_mem>>)
        %dma_start3A_190 = arith.constant 0 : i32
        %dma_start3A_191 = arith.constant 0 : i32
        %dma_start3A_192 = tpu.memref_slice %arg7[%rem3A_167, %dma_start3A_190, %dma_start3A_191] : memref<2x4x4000xf32, #tpu.memory_space<vmem>> -> memref<1x4x4000xf32, #tpu.memory_space<vmem>>
        %dma_start3A_193 = tpu.memref_squeeze %dma_start3A_192 : memref<1x4x4000xf32, #tpu.memory_space<vmem>> -> memref<4x4000xf32, #tpu.memory_space<vmem>>
        %dma_start3A_194 = arith.constant 0 : i32
        %dma_start3A_195 = tpu.memref_slice %arg3[%dma_start3A_194, %mul3A_171] : memref<4x248000xf32, #tpu.memory_space<hbm>> -> memref<4x4000xf32, #tpu.memory_space<hbm>>
        %dma_start3A_196 = tpu.memref_slice %arg11[%rem3A_167] : memref<2x!tpu.dma_semaphore, #tpu.memory_space<semaphore_mem>> -> memref<1x!tpu.dma_semaphore, #tpu.memory_space<semaphore_mem>>
        %dma_start3A_197 = tpu.memref_squeeze %dma_start3A_196 : memref<1x!tpu.dma_semaphore, #tpu.memory_space<semaphore_mem>> -> memref<!tpu.dma_semaphore, #tpu.memory_space<semaphore_mem>>
        %dma_start3A_198 = arith.constant 0 : i32
        %dma_start3A_199 = arith.constant 0 : i32
        %dma_start3A_200 = tpu.memref_slice %arg7[%rem3A_167, %dma_start3A_198, %dma_start3A_199] : memref<2x4x4000xf32, #tpu.memory_space<vmem>> -> memref<1x4x4000xf32, #tpu.memory_space<vmem>>
        %dma_start3A_201 = tpu.memref_squeeze %dma_start3A_200 : memref<1x4x4000xf32, #tpu.memory_space<vmem>> -> memref<4x4000xf32, #tpu.memory_space<vmem>>
        %dma_start3A_202 = arith.constant 0 : i32
        %dma_start3A_203 = tpu.memref_slice %arg3[%dma_start3A_202, %mul3A_171] : memref<4x248000xf32, #tpu.memory_space<hbm>> -> memref<4x4000xf32, #tpu.memory_space<hbm>>
        tpu.enqueue_dma source(%dma_start3A_203 : memref<4x4000xf32, #tpu.memory_space<hbm>>) target(%dma_start3A_201 : memref<4x4000xf32, #tpu.memory_space<vmem>>) target_semaphore(%dma_start3A_197 : memref<!tpu.dma_semaphore, #tpu.memory_space<semaphore_mem>>)
        %dma_start3A_204 = arith.constant 0 : i32
        %dma_start3A_205 = tpu.memref_slice %arg8[%rem3A_167, %dma_start3A_204] : memref<2x4000xi32, #tpu.memory_space<vmem>> -> memref<1x4000xi32, #tpu.memory_space<vmem>>
        %dma_start3A_206 = tpu.memref_squeeze %dma_start3A_205 : memref<1x4000xi32, #tpu.memory_space<vmem>> -> memref<4000xi32, #tpu.memory_space<vmem>>
        %dma_start3A_207 = tpu.memref_slice %arg4[%add3A_175] : memref<1000000xi32, #tpu.memory_space<hbm>> -> memref<4000xi32, #tpu.memory_space<hbm>>
        %dma_start3A_208 = tpu.memref_slice %arg12[%rem3A_167] : memref<2x!tpu.dma_semaphore, #tpu.memory_space<semaphore_mem>> -> memref<1x!tpu.dma_semaphore, #tpu.memory_space<semaphore_mem>>
        %dma_start3A_209 = tpu.memref_squeeze %dma_start3A_208 : memref<1x!tpu.dma_semaphore, #tpu.memory_space<semaphore_mem>> -> memref<!tpu.dma_semaphore, #tpu.memory_space<semaphore_mem>>
        %dma_start3A_210 = arith.constant 0 : i32
        %dma_start3A_211 = tpu.memref_slice %arg8[%rem3A_167, %dma_start3A_210] : memref<2x4000xi32, #tpu.memory_space<vmem>> -> memref<1x4000xi32, #tpu.memory_space<vmem>>
        %dma_start3A_212 = tpu.memref_squeeze %dma_start3A_211 : memref<1x4000xi32, #tpu.memory_space<vmem>> -> memref<4000xi32, #tpu.memory_space<vmem>>
        %dma_start3A_213 = tpu.memref_slice %arg4[%add3A_175] : memref<1000000xi32, #tpu.memory_space<hbm>> -> memref<4000xi32, #tpu.memory_space<hbm>>
        tpu.enqueue_dma source(%dma_start3A_213 : memref<4000xi32, #tpu.memory_space<hbm>>) target(%dma_start3A_212 : memref<4000xi32, #tpu.memory_space<vmem>>) target_semaphore(%dma_start3A_209 : memref<!tpu.dma_semaphore, #tpu.memory_space<semaphore_mem>>)
      } else {
      }
      %mul3A_104 = arith.constant 32 : i32
      %mul3A_105 = arith.muli %while3A_96, %mul3A_104 : i32
      %add3A_106 = arith.addi %add3A, %mul3A_105 : i32
      %rem3A_107 = arith.constant 2 : i32
      %rem3A_108 = arith.remsi %while3A_96, %rem3A_107 : i32
      %mul3A_109 = arith.constant 4000 : i32
      %mul3A_110 = arith.muli %add3A_106, %mul3A_109 : i32
      %mul3A_111 = arith.constant 4000 : i32
      %mul3A_112 = arith.muli %add3A_106, %mul3A_111 : i32
      %mul3A_113 = arith.constant 4000 : i32
      %mul3A_114 = arith.muli %add3A_106, %mul3A_113 : i32
      %add3A_115 = arith.constant 248000 : i32
      %add3A_116 = arith.addi %add3A_115, %mul3A_114 : i32
      %dma_wait3A = arith.constant 0 : i32
      %dma_wait3A_117 = arith.constant 0 : i32
      %dma_wait3A_118 = tpu.memref_slice %arg6[%rem3A_108, %dma_wait3A, %dma_wait3A_117] : memref<2x4x4000xf32, #tpu.memory_space<vmem>> -> memref<1x4x4000xf32, #tpu.memory_space<vmem>>
      %dma_wait3A_119 = tpu.memref_squeeze %dma_wait3A_118 : memref<1x4x4000xf32, #tpu.memory_space<vmem>> -> memref<4x4000xf32, #tpu.memory_space<vmem>>
      %dma_wait3A_120 = arith.constant 0 : i32
      %dma_wait3A_121 = tpu.memref_slice %arg2[%dma_wait3A_120, %mul3A_110] : memref<4x248000xf32, #tpu.memory_space<hbm>> -> memref<4x4000xf32, #tpu.memory_space<hbm>>
      %dma_wait3A_122 = tpu.memref_slice %arg10[%rem3A_108] : memref<2x!tpu.dma_semaphore, #tpu.memory_space<semaphore_mem>> -> memref<1x!tpu.dma_semaphore, #tpu.memory_space<semaphore_mem>>
      %dma_wait3A_123 = tpu.memref_squeeze %dma_wait3A_122 : memref<1x!tpu.dma_semaphore, #tpu.memory_space<semaphore_mem>> -> memref<!tpu.dma_semaphore, #tpu.memory_space<semaphore_mem>>
      %dma_wait3A_124 = arith.constant 0 : i32
      %dma_wait3A_125 = arith.constant 0 : i32
      %dma_wait3A_126 = tpu.memref_slice %arg6[%rem3A_108, %dma_wait3A_124, %dma_wait3A_125] : memref<2x4x4000xf32, #tpu.memory_space<vmem>> -> memref<1x4x4000xf32, #tpu.memory_space<vmem>>
      %dma_wait3A_127 = tpu.memref_squeeze %dma_wait3A_126 : memref<1x4x4000xf32, #tpu.memory_space<vmem>> -> memref<4x4000xf32, #tpu.memory_space<vmem>>
      %dma_wait3A_128 = arith.constant 0 : i32
      %dma_wait3A_129 = tpu.memref_slice %arg2[%dma_wait3A_128, %mul3A_110] : memref<4x248000xf32, #tpu.memory_space<hbm>> -> memref<4x4000xf32, #tpu.memory_space<hbm>>
      tpu.wait_dma2 semaphore(%dma_wait3A_123 : memref<!tpu.dma_semaphore, #tpu.memory_space<semaphore_mem>>) src(%dma_wait3A_129 : memref<4x4000xf32, #tpu.memory_space<hbm>>) dst(%dma_wait3A_127 : memref<4x4000xf32, #tpu.memory_space<vmem>>)
      %dma_wait3A_130 = arith.constant 0 : i32
      %dma_wait3A_131 = arith.constant 0 : i32
      %dma_wait3A_132 = tpu.memref_slice %arg7[%rem3A_108, %dma_wait3A_130, %dma_wait3A_131] : memref<2x4x4000xf32, #tpu.memory_space<vmem>> -> memref<1x4x4000xf32, #tpu.memory_space<vmem>>
      %dma_wait3A_133 = tpu.memref_squeeze %dma_wait3A_132 : memref<1x4x4000xf32, #tpu.memory_space<vmem>> -> memref<4x4000xf32, #tpu.memory_space<vmem>>
      %dma_wait3A_134 = arith.constant 0 : i32
      %dma_wait3A_135 = tpu.memref_slice %arg3[%dma_wait3A_134, %mul3A_112] : memref<4x248000xf32, #tpu.memory_space<hbm>> -> memref<4x4000xf32, #tpu.memory_space<hbm>>
      %dma_wait3A_136 = tpu.memref_slice %arg11[%rem3A_108] : memref<2x!tpu.dma_semaphore, #tpu.memory_space<semaphore_mem>> -> memref<1x!tpu.dma_semaphore, #tpu.memory_space<semaphore_mem>>
      %dma_wait3A_137 = tpu.memref_squeeze %dma_wait3A_136 : memref<1x!tpu.dma_semaphore, #tpu.memory_space<semaphore_mem>> -> memref<!tpu.dma_semaphore, #tpu.memory_space<semaphore_mem>>
      %dma_wait3A_138 = arith.constant 0 : i32
      %dma_wait3A_139 = arith.constant 0 : i32
      %dma_wait3A_140 = tpu.memref_slice %arg7[%rem3A_108, %dma_wait3A_138, %dma_wait3A_139] : memref<2x4x4000xf32, #tpu.memory_space<vmem>> -> memref<1x4x4000xf32, #tpu.memory_space<vmem>>
      %dma_wait3A_141 = tpu.memref_squeeze %dma_wait3A_140 : memref<1x4x4000xf32, #tpu.memory_space<vmem>> -> memref<4x4000xf32, #tpu.memory_space<vmem>>
      %dma_wait3A_142 = arith.constant 0 : i32
      %dma_wait3A_143 = tpu.memref_slice %arg3[%dma_wait3A_142, %mul3A_112] : memref<4x248000xf32, #tpu.memory_space<hbm>> -> memref<4x4000xf32, #tpu.memory_space<hbm>>
      tpu.wait_dma2 semaphore(%dma_wait3A_137 : memref<!tpu.dma_semaphore, #tpu.memory_space<semaphore_mem>>) src(%dma_wait3A_143 : memref<4x4000xf32, #tpu.memory_space<hbm>>) dst(%dma_wait3A_141 : memref<4x4000xf32, #tpu.memory_space<vmem>>)
      %dma_wait3A_144 = arith.constant 0 : i32
      %dma_wait3A_145 = tpu.memref_slice %arg8[%rem3A_108, %dma_wait3A_144] : memref<2x4000xi32, #tpu.memory_space<vmem>> -> memref<1x4000xi32, #tpu.memory_space<vmem>>
      %dma_wait3A_146 = tpu.memref_squeeze %dma_wait3A_145 : memref<1x4000xi32, #tpu.memory_space<vmem>> -> memref<4000xi32, #tpu.memory_space<vmem>>
      %dma_wait3A_147 = tpu.memref_slice %arg4[%add3A_116] : memref<1000000xi32, #tpu.memory_space<hbm>> -> memref<4000xi32, #tpu.memory_space<hbm>>
      %dma_wait3A_148 = tpu.memref_slice %arg12[%rem3A_108] : memref<2x!tpu.dma_semaphore, #tpu.memory_space<semaphore_mem>> -> memref<1x!tpu.dma_semaphore, #tpu.memory_space<semaphore_mem>>
      %dma_wait3A_149 = tpu.memref_squeeze %dma_wait3A_148 : memref<1x!tpu.dma_semaphore, #tpu.memory_space<semaphore_mem>> -> memref<!tpu.dma_semaphore, #tpu.memory_space<semaphore_mem>>
      %dma_wait3A_150 = arith.constant 0 : i32
      %dma_wait3A_151 = tpu.memref_slice %arg8[%rem3A_108, %dma_wait3A_150] : memref<2x4000xi32, #tpu.memory_space<vmem>> -> memref<1x4000xi32, #tpu.memory_space<vmem>>
      %dma_wait3A_152 = tpu.memref_squeeze %dma_wait3A_151 : memref<1x4000xi32, #tpu.memory_space<vmem>> -> memref<4000xi32, #tpu.memory_space<vmem>>
      %dma_wait3A_153 = tpu.memref_slice %arg4[%add3A_116] : memref<1000000xi32, #tpu.memory_space<hbm>> -> memref<4000xi32, #tpu.memory_space<hbm>>
      tpu.wait_dma2 semaphore(%dma_wait3A_149 : memref<!tpu.dma_semaphore, #tpu.memory_space<semaphore_mem>>) src(%dma_wait3A_153 : memref<4000xi32, #tpu.memory_space<hbm>>) dst(%dma_wait3A_152 : memref<4000xi32, #tpu.memory_space<vmem>>)
      %rem3A_154 = arith.constant 2 : i32
      %rem3A_155 = arith.remsi %while3A_96, %rem3A_154 : i32
      %scan3A = arith.constant 0 : i32
      %scan3A_156 = arith.constant 125 : i32
      %scan3A_157 = arith.addi %scan3A, %scan3A_156 : i32
      %scan3A_158 = arith.constant 1 : i32
      %scan3A_159:3 = scf.for %scan3A_161 = %scan3A to %scan3A_157 step %scan3A_158 iter_args(%scan3A_162 = %while3A_97, %scan3A_163 = %while3A_98, %scan3A_164 = %while3A_99) -> (vector<16xf32>, vector<16xf32>, vector<16xf32>)  : i32 {
        %mul3A_165 = arith.constant 2 : i32
        %mul3A_166 = arith.muli %scan3A_161, %mul3A_165 : i32
        %add3A_167 = arith.constant 0 : i32
        %add3A_168 = arith.addi %mul3A_166, %add3A_167 : i32
        %mul3A_169 = arith.constant 16 : i32
        %mul3A_170 = arith.muli %add3A_168, %mul3A_169 : i32
        %get3A = arith.index_cast %rem3A_155 : i32 to index
        %get3A_171 = arith.index_cast %mul3A_170 : i32 to index
        %get3A_172 = tpu.vector_load %arg8[%get3A, %get3A_171] {strides = array<i32>} : memref<2x4000xi32, #tpu.memory_space<vmem>>, vector<1x16xi32>,
        %get3A_173 = vector.shape_cast %get3A_172 : vector<1x16xi32> to vector<16xi32>
        %eq3A = arith.constant 1 : i32
        %eq3A_174 = vector.broadcast %eq3A : i32 to vector<16xi32>
        %eq3A_175 = arith.cmpi eq, %get3A_173, %eq3A_174 : vector<16xi32>
        %select_n3A_176 = arith.select %eq3A_175, %broadcast_in_dim3A_3, %broadcast_in_dim3A_1 : vector<16xi1>, vector<16xf32>
        %add3A_177 = arith.addf %scan3A_163, %select_n3A_176 : vector<16xf32>
        %convert_element_type3A_178 = arith.sitofp %get3A_173 : vector<16xi32> to vector<16xf32>
        %add3A_179 = arith.addf %scan3A_164, %convert_element_type3A_178 : vector<16xf32>
        %mul3A_180 = arith.constant 16 : i32
        %mul3A_181 = arith.muli %add3A_168, %mul3A_180 : i32
        %get3A_182 = arith.constant 0 : i32
        %get3A_183 = arith.index_cast %rem3A_155 : i32 to index
        %get3A_184 = arith.index_cast %get3A_182 : i32 to index
        %get3A_185 = arith.index_cast %mul3A_181 : i32 to index
        %get3A_186 = tpu.vector_load %arg6[%get3A_183, %get3A_184, %get3A_185] {strides = array<i32>} : memref<2x4x4000xf32, #tpu.memory_space<vmem>>, vector<1x1x16xf32>,
        %get3A_187 = vector.shape_cast %get3A_186 : vector<1x1x16xf32> to vector<16xf32>
        %mul3A_188 = arith.constant 16 : i32
        %mul3A_189 = arith.muli %add3A_168, %mul3A_188 : i32
        %get3A_190 = arith.constant 0 : i32
        %get3A_191 = arith.index_cast %rem3A_155 : i32 to index
        %get3A_192 = arith.index_cast %get3A_190 : i32 to index
        %get3A_193 = arith.index_cast %mul3A_189 : i32 to index
        %get3A_194 = tpu.vector_load %arg7[%get3A_191, %get3A_192, %get3A_193] {strides = array<i32>} : memref<2x4x4000xf32, #tpu.memory_space<vmem>>, vector<1x1x16xf32>,
        %get3A_195 = vector.shape_cast %get3A_194 : vector<1x1x16xf32> to vector<16xf32>
        %sub3A = arith.subf %get3A_187, %get3A_195 : vector<16xf32>
        %abs3A = math.absf %sub3A : vector<16xf32>
        %min3A = arith.constant 1.000000e+00 : f32
        %min3A_196 = vector.broadcast %min3A : f32 to vector<16xf32>
        %min3A_197 = arith.minimumf %abs3A, %min3A_196 : vector<16xf32>
        %add3A_198 = arith.addf %abs3A, %abs3A : vector<16xf32>
        %sub3A_199 = arith.subf %add3A_198, %min3A_197 : vector<16xf32>
        %mul3A_200 = arith.mulf %min3A_197, %sub3A_199 : vector<16xf32>
        %mul3A_201 = arith.mulf %mul3A_200, %select_n3A_176 : vector<16xf32>
        %add3A_202 = arith.addf %scan3A_162, %mul3A_201 : vector<16xf32>
        %mul3A_203 = arith.constant 16 : i32
        %mul3A_204 = arith.muli %add3A_168, %mul3A_203 : i32
        %get3A_205 = arith.constant 1 : i32
        %get3A_206 = arith.index_cast %rem3A_155 : i32 to index
        %get3A_207 = arith.index_cast %get3A_205 : i32 to index
        %get3A_208 = arith.index_cast %mul3A_204 : i32 to index
        %get3A_209 = tpu.vector_load %arg6[%get3A_206, %get3A_207, %get3A_208] {strides = array<i32>} : memref<2x4x4000xf32, #tpu.memory_space<vmem>>, vector<1x1x16xf32>,
        %get3A_210 = vector.shape_cast %get3A_209 : vector<1x1x16xf32> to vector<16xf32>
        %mul3A_211 = arith.constant 16 : i32
        %mul3A_212 = arith.muli %add3A_168, %mul3A_211 : i32
        %get3A_213 = arith.constant 1 : i32
        %get3A_214 = arith.index_cast %rem3A_155 : i32 to index
        %get3A_215 = arith.index_cast %get3A_213 : i32 to index
        %get3A_216 = arith.index_cast %mul3A_212 : i32 to index
        %get3A_217 = tpu.vector_load %arg7[%get3A_214, %get3A_215, %get3A_216] {strides = array<i32>} : memref<2x4x4000xf32, #tpu.memory_space<vmem>>, vector<1x1x16xf32>,
        %get3A_218 = vector.shape_cast %get3A_217 : vector<1x1x16xf32> to vector<16xf32>
        %sub3A_219 = arith.subf %get3A_210, %get3A_218 : vector<16xf32>
        %abs3A_220 = math.absf %sub3A_219 : vector<16xf32>
        %min3A_221 = arith.constant 1.000000e+00 : f32
        %min3A_222 = vector.broadcast %min3A_221 : f32 to vector<16xf32>
        %min3A_223 = arith.minimumf %abs3A_220, %min3A_222 : vector<16xf32>
        %add3A_224 = arith.addf %abs3A_220, %abs3A_220 : vector<16xf32>
        %sub3A_225 = arith.subf %add3A_224, %min3A_223 : vector<16xf32>
        %mul3A_226 = arith.mulf %min3A_223, %sub3A_225 : vector<16xf32>
        %mul3A_227 = arith.mulf %mul3A_226, %select_n3A_176 : vector<16xf32>
        %add3A_228 = arith.addf %add3A_202, %mul3A_227 : vector<16xf32>
        %mul3A_229 = arith.constant 16 : i32
        %mul3A_230 = arith.muli %add3A_168, %mul3A_229 : i32
        %get3A_231 = arith.constant 2 : i32
        %get3A_232 = arith.index_cast %rem3A_155 : i32 to index
        %get3A_233 = arith.index_cast %get3A_231 : i32 to index
        %get3A_234 = arith.index_cast %mul3A_230 : i32 to index
        %get3A_235 = tpu.vector_load %arg6[%get3A_232, %get3A_233, %get3A_234] {strides = array<i32>} : memref<2x4x4000xf32, #tpu.memory_space<vmem>>, vector<1x1x16xf32>,
        %get3A_236 = vector.shape_cast %get3A_235 : vector<1x1x16xf32> to vector<16xf32>
        %mul3A_237 = arith.constant 16 : i32
        %mul3A_238 = arith.muli %add3A_168, %mul3A_237 : i32
        %get3A_239 = arith.constant 2 : i32
        %get3A_240 = arith.index_cast %rem3A_155 : i32 to index
        %get3A_241 = arith.index_cast %get3A_239 : i32 to index
        %get3A_242 = arith.index_cast %mul3A_238 : i32 to index
        %get3A_243 = tpu.vector_load %arg7[%get3A_240, %get3A_241, %get3A_242] {strides = array<i32>} : memref<2x4x4000xf32, #tpu.memory_space<vmem>>, vector<1x1x16xf32>,
        %get3A_244 = vector.shape_cast %get3A_243 : vector<1x1x16xf32> to vector<16xf32>
        %sub3A_245 = arith.subf %get3A_236, %get3A_244 : vector<16xf32>
        %abs3A_246 = math.absf %sub3A_245 : vector<16xf32>
        %min3A_247 = arith.constant 1.000000e+00 : f32
        %min3A_248 = vector.broadcast %min3A_247 : f32 to vector<16xf32>
        %min3A_249 = arith.minimumf %abs3A_246, %min3A_248 : vector<16xf32>
        %add3A_250 = arith.addf %abs3A_246, %abs3A_246 : vector<16xf32>
        %sub3A_251 = arith.subf %add3A_250, %min3A_249 : vector<16xf32>
        %mul3A_252 = arith.mulf %min3A_249, %sub3A_251 : vector<16xf32>
        %mul3A_253 = arith.mulf %mul3A_252, %select_n3A_176 : vector<16xf32>
        %add3A_254 = arith.addf %add3A_228, %mul3A_253 : vector<16xf32>
        %mul3A_255 = arith.constant 16 : i32
        %mul3A_256 = arith.muli %add3A_168, %mul3A_255 : i32
        %get3A_257 = arith.constant 3 : i32
        %get3A_258 = arith.index_cast %rem3A_155 : i32 to index
        %get3A_259 = arith.index_cast %get3A_257 : i32 to index
        %get3A_260 = arith.index_cast %mul3A_256 : i32 to index
        %get3A_261 = tpu.vector_load %arg6[%get3A_258, %get3A_259, %get3A_260] {strides = array<i32>} : memref<2x4x4000xf32, #tpu.memory_space<vmem>>, vector<1x1x16xf32>,
        %get3A_262 = vector.shape_cast %get3A_261 : vector<1x1x16xf32> to vector<16xf32>
        %mul3A_263 = arith.constant 16 : i32
        %mul3A_264 = arith.muli %add3A_168, %mul3A_263 : i32
        %get3A_265 = arith.constant 3 : i32
        %get3A_266 = arith.index_cast %rem3A_155 : i32 to index
        %get3A_267 = arith.index_cast %get3A_265 : i32 to index
        %get3A_268 = arith.index_cast %mul3A_264 : i32 to index
        %get3A_269 = tpu.vector_load %arg7[%get3A_266, %get3A_267, %get3A_268] {strides = array<i32>} : memref<2x4x4000xf32, #tpu.memory_space<vmem>>, vector<1x1x16xf32>,
        %get3A_270 = vector.shape_cast %get3A_269 : vector<1x1x16xf32> to vector<16xf32>
        %sub3A_271 = arith.subf %get3A_262, %get3A_270 : vector<16xf32>
        %abs3A_272 = math.absf %sub3A_271 : vector<16xf32>
        %min3A_273 = arith.constant 1.000000e+00 : f32
        %min3A_274 = vector.broadcast %min3A_273 : f32 to vector<16xf32>
        %min3A_275 = arith.minimumf %abs3A_272, %min3A_274 : vector<16xf32>
        %add3A_276 = arith.addf %abs3A_272, %abs3A_272 : vector<16xf32>
        %sub3A_277 = arith.subf %add3A_276, %min3A_275 : vector<16xf32>
        %mul3A_278 = arith.mulf %min3A_275, %sub3A_277 : vector<16xf32>
        %mul3A_279 = arith.mulf %mul3A_278, %select_n3A_176 : vector<16xf32>
        %add3A_280 = arith.addf %add3A_254, %mul3A_279 : vector<16xf32>
        %mul3A_281 = arith.constant 2 : i32
        %mul3A_282 = arith.muli %scan3A_161, %mul3A_281 : i32
        %add3A_283 = arith.constant 1 : i32
        %add3A_284 = arith.addi %mul3A_282, %add3A_283 : i32
        %mul3A_285 = arith.constant 16 : i32
        %mul3A_286 = arith.muli %add3A_284, %mul3A_285 : i32
        %get3A_287 = arith.index_cast %rem3A_155 : i32 to index
        %get3A_288 = arith.index_cast %mul3A_286 : i32 to index
        %get3A_289 = tpu.vector_load %arg8[%get3A_287, %get3A_288] {strides = array<i32>} : memref<2x4000xi32, #tpu.memory_space<vmem>>, vector<1x16xi32>,
        %get3A_290 = vector.shape_cast %get3A_289 : vector<1x16xi32> to vector<16xi32>
        %eq3A_291 = arith.constant 1 : i32
        %eq3A_292 = vector.broadcast %eq3A_291 : i32 to vector<16xi32>
        %eq3A_293 = arith.cmpi eq, %get3A_290, %eq3A_292 : vector<16xi32>
        %select_n3A_294 = arith.select %eq3A_293, %broadcast_in_dim3A_3, %broadcast_in_dim3A_1 : vector<16xi1>, vector<16xf32>
        %add3A_295 = arith.addf %add3A_177, %select_n3A_294 : vector<16xf32>
        %convert_element_type3A_296 = arith.sitofp %get3A_290 : vector<16xi32> to vector<16xf32>
        %add3A_297 = arith.addf %add3A_179, %convert_element_type3A_296 : vector<16xf32>
        %mul3A_298 = arith.constant 16 : i32
        %mul3A_299 = arith.muli %add3A_284, %mul3A_298 : i32
        %get3A_300 = arith.constant 0 : i32
        %get3A_301 = arith.index_cast %rem3A_155 : i32 to index
        %get3A_302 = arith.index_cast %get3A_300 : i32 to index
        %get3A_303 = arith.index_cast %mul3A_299 : i32 to index
        %get3A_304 = tpu.vector_load %arg6[%get3A_301, %get3A_302, %get3A_303] {strides = array<i32>} : memref<2x4x4000xf32, #tpu.memory_space<vmem>>, vector<1x1x16xf32>,
        %get3A_305 = vector.shape_cast %get3A_304 : vector<1x1x16xf32> to vector<16xf32>
        %mul3A_306 = arith.constant 16 : i32
        %mul3A_307 = arith.muli %add3A_284, %mul3A_306 : i32
        %get3A_308 = arith.constant 0 : i32
        %get3A_309 = arith.index_cast %rem3A_155 : i32 to index
        %get3A_310 = arith.index_cast %get3A_308 : i32 to index
        %get3A_311 = arith.index_cast %mul3A_307 : i32 to index
        %get3A_312 = tpu.vector_load %arg7[%get3A_309, %get3A_310, %get3A_311] {strides = array<i32>} : memref<2x4x4000xf32, #tpu.memory_space<vmem>>, vector<1x1x16xf32>,
        %get3A_313 = vector.shape_cast %get3A_312 : vector<1x1x16xf32> to vector<16xf32>
        %sub3A_314 = arith.subf %get3A_305, %get3A_313 : vector<16xf32>
        %abs3A_315 = math.absf %sub3A_314 : vector<16xf32>
        %min3A_316 = arith.constant 1.000000e+00 : f32
        %min3A_317 = vector.broadcast %min3A_316 : f32 to vector<16xf32>
        %min3A_318 = arith.minimumf %abs3A_315, %min3A_317 : vector<16xf32>
        %add3A_319 = arith.addf %abs3A_315, %abs3A_315 : vector<16xf32>
        %sub3A_320 = arith.subf %add3A_319, %min3A_318 : vector<16xf32>
        %mul3A_321 = arith.mulf %min3A_318, %sub3A_320 : vector<16xf32>
        %mul3A_322 = arith.mulf %mul3A_321, %select_n3A_294 : vector<16xf32>
        %add3A_323 = arith.addf %add3A_280, %mul3A_322 : vector<16xf32>
        %mul3A_324 = arith.constant 16 : i32
        %mul3A_325 = arith.muli %add3A_284, %mul3A_324 : i32
        %get3A_326 = arith.constant 1 : i32
        %get3A_327 = arith.index_cast %rem3A_155 : i32 to index
        %get3A_328 = arith.index_cast %get3A_326 : i32 to index
        %get3A_329 = arith.index_cast %mul3A_325 : i32 to index
        %get3A_330 = tpu.vector_load %arg6[%get3A_327, %get3A_328, %get3A_329] {strides = array<i32>} : memref<2x4x4000xf32, #tpu.memory_space<vmem>>, vector<1x1x16xf32>,
        %get3A_331 = vector.shape_cast %get3A_330 : vector<1x1x16xf32> to vector<16xf32>
        %mul3A_332 = arith.constant 16 : i32
        %mul3A_333 = arith.muli %add3A_284, %mul3A_332 : i32
        %get3A_334 = arith.constant 1 : i32
        %get3A_335 = arith.index_cast %rem3A_155 : i32 to index
        %get3A_336 = arith.index_cast %get3A_334 : i32 to index
        %get3A_337 = arith.index_cast %mul3A_333 : i32 to index
        %get3A_338 = tpu.vector_load %arg7[%get3A_335, %get3A_336, %get3A_337] {strides = array<i32>} : memref<2x4x4000xf32, #tpu.memory_space<vmem>>, vector<1x1x16xf32>,
        %get3A_339 = vector.shape_cast %get3A_338 : vector<1x1x16xf32> to vector<16xf32>
        %sub3A_340 = arith.subf %get3A_331, %get3A_339 : vector<16xf32>
        %abs3A_341 = math.absf %sub3A_340 : vector<16xf32>
        %min3A_342 = arith.constant 1.000000e+00 : f32
        %min3A_343 = vector.broadcast %min3A_342 : f32 to vector<16xf32>
        %min3A_344 = arith.minimumf %abs3A_341, %min3A_343 : vector<16xf32>
        %add3A_345 = arith.addf %abs3A_341, %abs3A_341 : vector<16xf32>
        %sub3A_346 = arith.subf %add3A_345, %min3A_344 : vector<16xf32>
        %mul3A_347 = arith.mulf %min3A_344, %sub3A_346 : vector<16xf32>
        %mul3A_348 = arith.mulf %mul3A_347, %select_n3A_294 : vector<16xf32>
        %add3A_349 = arith.addf %add3A_323, %mul3A_348 : vector<16xf32>
        %mul3A_350 = arith.constant 16 : i32
        %mul3A_351 = arith.muli %add3A_284, %mul3A_350 : i32
        %get3A_352 = arith.constant 2 : i32
        %get3A_353 = arith.index_cast %rem3A_155 : i32 to index
        %get3A_354 = arith.index_cast %get3A_352 : i32 to index
        %get3A_355 = arith.index_cast %mul3A_351 : i32 to index
        %get3A_356 = tpu.vector_load %arg6[%get3A_353, %get3A_354, %get3A_355] {strides = array<i32>} : memref<2x4x4000xf32, #tpu.memory_space<vmem>>, vector<1x1x16xf32>,
        %get3A_357 = vector.shape_cast %get3A_356 : vector<1x1x16xf32> to vector<16xf32>
        %mul3A_358 = arith.constant 16 : i32
        %mul3A_359 = arith.muli %add3A_284, %mul3A_358 : i32
        %get3A_360 = arith.constant 2 : i32
        %get3A_361 = arith.index_cast %rem3A_155 : i32 to index
        %get3A_362 = arith.index_cast %get3A_360 : i32 to index
        %get3A_363 = arith.index_cast %mul3A_359 : i32 to index
        %get3A_364 = tpu.vector_load %arg7[%get3A_361, %get3A_362, %get3A_363] {strides = array<i32>} : memref<2x4x4000xf32, #tpu.memory_space<vmem>>, vector<1x1x16xf32>,
        %get3A_365 = vector.shape_cast %get3A_364 : vector<1x1x16xf32> to vector<16xf32>
        %sub3A_366 = arith.subf %get3A_357, %get3A_365 : vector<16xf32>
        %abs3A_367 = math.absf %sub3A_366 : vector<16xf32>
        %min3A_368 = arith.constant 1.000000e+00 : f32
        %min3A_369 = vector.broadcast %min3A_368 : f32 to vector<16xf32>
        %min3A_370 = arith.minimumf %abs3A_367, %min3A_369 : vector<16xf32>
        %add3A_371 = arith.addf %abs3A_367, %abs3A_367 : vector<16xf32>
        %sub3A_372 = arith.subf %add3A_371, %min3A_370 : vector<16xf32>
        %mul3A_373 = arith.mulf %min3A_370, %sub3A_372 : vector<16xf32>
        %mul3A_374 = arith.mulf %mul3A_373, %select_n3A_294 : vector<16xf32>
        %add3A_375 = arith.addf %add3A_349, %mul3A_374 : vector<16xf32>
        %mul3A_376 = arith.constant 16 : i32
        %mul3A_377 = arith.muli %add3A_284, %mul3A_376 : i32
        %get3A_378 = arith.constant 3 : i32
        %get3A_379 = arith.index_cast %rem3A_155 : i32 to index
        %get3A_380 = arith.index_cast %get3A_378 : i32 to index
        %get3A_381 = arith.index_cast %mul3A_377 : i32 to index
        %get3A_382 = tpu.vector_load %arg6[%get3A_379, %get3A_380, %get3A_381] {strides = array<i32>} : memref<2x4x4000xf32, #tpu.memory_space<vmem>>, vector<1x1x16xf32>,
        %get3A_383 = vector.shape_cast %get3A_382 : vector<1x1x16xf32> to vector<16xf32>
        %mul3A_384 = arith.constant 16 : i32
        %mul3A_385 = arith.muli %add3A_284, %mul3A_384 : i32
        %get3A_386 = arith.constant 3 : i32
        %get3A_387 = arith.index_cast %rem3A_155 : i32 to index
        %get3A_388 = arith.index_cast %get3A_386 : i32 to index
        %get3A_389 = arith.index_cast %mul3A_385 : i32 to index
        %get3A_390 = tpu.vector_load %arg7[%get3A_387, %get3A_388, %get3A_389] {strides = array<i32>} : memref<2x4x4000xf32, #tpu.memory_space<vmem>>, vector<1x1x16xf32>,
        %get3A_391 = vector.shape_cast %get3A_390 : vector<1x1x16xf32> to vector<16xf32>
        %sub3A_392 = arith.subf %get3A_383, %get3A_391 : vector<16xf32>
        %abs3A_393 = math.absf %sub3A_392 : vector<16xf32>
        %min3A_394 = arith.constant 1.000000e+00 : f32
        %min3A_395 = vector.broadcast %min3A_394 : f32 to vector<16xf32>
        %min3A_396 = arith.minimumf %abs3A_393, %min3A_395 : vector<16xf32>
        %add3A_397 = arith.addf %abs3A_393, %abs3A_393 : vector<16xf32>
        %sub3A_398 = arith.subf %add3A_397, %min3A_396 : vector<16xf32>
        %mul3A_399 = arith.mulf %min3A_396, %sub3A_398 : vector<16xf32>
        %mul3A_400 = arith.mulf %mul3A_399, %select_n3A_294 : vector<16xf32>
        %add3A_401 = arith.addf %add3A_375, %mul3A_400 : vector<16xf32>
        scf.yield %add3A_401, %add3A_295, %add3A_297 : vector<16xf32>, vector<16xf32>, vector<16xf32>
      }
      %scan3A_160 = arith.constant 125 : i32
      scf.yield %scan3A_159#0, %scan3A_159#1, %scan3A_159#2 : vector<16xf32>, vector<16xf32>, vector<16xf32>
    }
    %while3A_63 = arith.constant 1 : i32
    %while3A_64:3 = scf.for %while3A_96 = %while3A_60 to %while3A_56 step %while3A_63 iter_args(%while3A_97 = %while3A_62#0, %while3A_98 = %while3A_62#1, %while3A_99 = %while3A_62#2) -> (vector<16xf32>, vector<16xf32>, vector<16xf32>)  : i32 {
      %add3A_100 = arith.constant 1 : i32
      %add3A_101 = arith.addi %while3A_96, %add3A_100 : i32
      %lt3A_102 = arith.cmpi slt, %add3A_101, %select_n3A : i32
      %convert_element_type3A = arith.extui %lt3A_102 : i1 to i32
      %cond3A = arith.constant 0 : i32
      %cond3A_103 = arith.cmpi ne, %convert_element_type3A, %cond3A : i32
      scf.if %cond3A_103 {
        %add3A_161 = arith.constant 1 : i32
        %add3A_162 = arith.addi %while3A_96, %add3A_161 : i32
        %mul3A_163 = arith.constant 32 : i32
        %mul3A_164 = arith.muli %add3A_162, %mul3A_163 : i32
        %add3A_165 = arith.addi %add3A, %mul3A_164 : i32
        %rem3A_166 = arith.constant 2 : i32
        %rem3A_167 = arith.remsi %add3A_162, %rem3A_166 : i32
        %mul3A_168 = arith.constant 4000 : i32
        %mul3A_169 = arith.muli %add3A_165, %mul3A_168 : i32
        %mul3A_170 = arith.constant 4000 : i32
        %mul3A_171 = arith.muli %add3A_165, %mul3A_170 : i32
        %mul3A_172 = arith.constant 4000 : i32
        %mul3A_173 = arith.muli %add3A_165, %mul3A_172 : i32
        %add3A_174 = arith.constant 248000 : i32
        %add3A_175 = arith.addi %add3A_174, %mul3A_173 : i32
        %dma_start3A_176 = arith.constant 0 : i32
        %dma_start3A_177 = arith.constant 0 : i32
        %dma_start3A_178 = tpu.memref_slice %arg6[%rem3A_167, %dma_start3A_176, %dma_start3A_177] : memref<2x4x4000xf32, #tpu.memory_space<vmem>> -> memref<1x4x4000xf32, #tpu.memory_space<vmem>>
        %dma_start3A_179 = tpu.memref_squeeze %dma_start3A_178 : memref<1x4x4000xf32, #tpu.memory_space<vmem>> -> memref<4x4000xf32, #tpu.memory_space<vmem>>
        %dma_start3A_180 = arith.constant 0 : i32
        %dma_start3A_181 = tpu.memref_slice %arg2[%dma_start3A_180, %mul3A_169] : memref<4x248000xf32, #tpu.memory_space<hbm>> -> memref<4x4000xf32, #tpu.memory_space<hbm>>
        %dma_start3A_182 = tpu.memref_slice %arg10[%rem3A_167] : memref<2x!tpu.dma_semaphore, #tpu.memory_space<semaphore_mem>> -> memref<1x!tpu.dma_semaphore, #tpu.memory_space<semaphore_mem>>
        %dma_start3A_183 = tpu.memref_squeeze %dma_start3A_182 : memref<1x!tpu.dma_semaphore, #tpu.memory_space<semaphore_mem>> -> memref<!tpu.dma_semaphore, #tpu.memory_space<semaphore_mem>>
        %dma_start3A_184 = arith.constant 0 : i32
        %dma_start3A_185 = arith.constant 0 : i32
        %dma_start3A_186 = tpu.memref_slice %arg6[%rem3A_167, %dma_start3A_184, %dma_start3A_185] : memref<2x4x4000xf32, #tpu.memory_space<vmem>> -> memref<1x4x4000xf32, #tpu.memory_space<vmem>>
        %dma_start3A_187 = tpu.memref_squeeze %dma_start3A_186 : memref<1x4x4000xf32, #tpu.memory_space<vmem>> -> memref<4x4000xf32, #tpu.memory_space<vmem>>
        %dma_start3A_188 = arith.constant 0 : i32
        %dma_start3A_189 = tpu.memref_slice %arg2[%dma_start3A_188, %mul3A_169] : memref<4x248000xf32, #tpu.memory_space<hbm>> -> memref<4x4000xf32, #tpu.memory_space<hbm>>
        tpu.enqueue_dma source(%dma_start3A_189 : memref<4x4000xf32, #tpu.memory_space<hbm>>) target(%dma_start3A_187 : memref<4x4000xf32, #tpu.memory_space<vmem>>) target_semaphore(%dma_start3A_183 : memref<!tpu.dma_semaphore, #tpu.memory_space<semaphore_mem>>)
        %dma_start3A_190 = arith.constant 0 : i32
        %dma_start3A_191 = arith.constant 0 : i32
        %dma_start3A_192 = tpu.memref_slice %arg7[%rem3A_167, %dma_start3A_190, %dma_start3A_191] : memref<2x4x4000xf32, #tpu.memory_space<vmem>> -> memref<1x4x4000xf32, #tpu.memory_space<vmem>>
        %dma_start3A_193 = tpu.memref_squeeze %dma_start3A_192 : memref<1x4x4000xf32, #tpu.memory_space<vmem>> -> memref<4x4000xf32, #tpu.memory_space<vmem>>
        %dma_start3A_194 = arith.constant 0 : i32
        %dma_start3A_195 = tpu.memref_slice %arg3[%dma_start3A_194, %mul3A_171] : memref<4x248000xf32, #tpu.memory_space<hbm>> -> memref<4x4000xf32, #tpu.memory_space<hbm>>
        %dma_start3A_196 = tpu.memref_slice %arg11[%rem3A_167] : memref<2x!tpu.dma_semaphore, #tpu.memory_space<semaphore_mem>> -> memref<1x!tpu.dma_semaphore, #tpu.memory_space<semaphore_mem>>
        %dma_start3A_197 = tpu.memref_squeeze %dma_start3A_196 : memref<1x!tpu.dma_semaphore, #tpu.memory_space<semaphore_mem>> -> memref<!tpu.dma_semaphore, #tpu.memory_space<semaphore_mem>>
        %dma_start3A_198 = arith.constant 0 : i32
        %dma_start3A_199 = arith.constant 0 : i32
        %dma_start3A_200 = tpu.memref_slice %arg7[%rem3A_167, %dma_start3A_198, %dma_start3A_199] : memref<2x4x4000xf32, #tpu.memory_space<vmem>> -> memref<1x4x4000xf32, #tpu.memory_space<vmem>>
        %dma_start3A_201 = tpu.memref_squeeze %dma_start3A_200 : memref<1x4x4000xf32, #tpu.memory_space<vmem>> -> memref<4x4000xf32, #tpu.memory_space<vmem>>
        %dma_start3A_202 = arith.constant 0 : i32
        %dma_start3A_203 = tpu.memref_slice %arg3[%dma_start3A_202, %mul3A_171] : memref<4x248000xf32, #tpu.memory_space<hbm>> -> memref<4x4000xf32, #tpu.memory_space<hbm>>
        tpu.enqueue_dma source(%dma_start3A_203 : memref<4x4000xf32, #tpu.memory_space<hbm>>) target(%dma_start3A_201 : memref<4x4000xf32, #tpu.memory_space<vmem>>) target_semaphore(%dma_start3A_197 : memref<!tpu.dma_semaphore, #tpu.memory_space<semaphore_mem>>)
        %dma_start3A_204 = arith.constant 0 : i32
        %dma_start3A_205 = tpu.memref_slice %arg8[%rem3A_167, %dma_start3A_204] : memref<2x4000xi32, #tpu.memory_space<vmem>> -> memref<1x4000xi32, #tpu.memory_space<vmem>>
        %dma_start3A_206 = tpu.memref_squeeze %dma_start3A_205 : memref<1x4000xi32, #tpu.memory_space<vmem>> -> memref<4000xi32, #tpu.memory_space<vmem>>
        %dma_start3A_207 = tpu.memref_slice %arg4[%add3A_175] : memref<1000000xi32, #tpu.memory_space<hbm>> -> memref<4000xi32, #tpu.memory_space<hbm>>
        %dma_start3A_208 = tpu.memref_slice %arg12[%rem3A_167] : memref<2x!tpu.dma_semaphore, #tpu.memory_space<semaphore_mem>> -> memref<1x!tpu.dma_semaphore, #tpu.memory_space<semaphore_mem>>
        %dma_start3A_209 = tpu.memref_squeeze %dma_start3A_208 : memref<1x!tpu.dma_semaphore, #tpu.memory_space<semaphore_mem>> -> memref<!tpu.dma_semaphore, #tpu.memory_space<semaphore_mem>>
        %dma_start3A_210 = arith.constant 0 : i32
        %dma_start3A_211 = tpu.memref_slice %arg8[%rem3A_167, %dma_start3A_210] : memref<2x4000xi32, #tpu.memory_space<vmem>> -> memref<1x4000xi32, #tpu.memory_space<vmem>>
        %dma_start3A_212 = tpu.memref_squeeze %dma_start3A_211 : memref<1x4000xi32, #tpu.memory_space<vmem>> -> memref<4000xi32, #tpu.memory_space<vmem>>
        %dma_start3A_213 = tpu.memref_slice %arg4[%add3A_175] : memref<1000000xi32, #tpu.memory_space<hbm>> -> memref<4000xi32, #tpu.memory_space<hbm>>
        tpu.enqueue_dma source(%dma_start3A_213 : memref<4000xi32, #tpu.memory_space<hbm>>) target(%dma_start3A_212 : memref<4000xi32, #tpu.memory_space<vmem>>) target_semaphore(%dma_start3A_209 : memref<!tpu.dma_semaphore, #tpu.memory_space<semaphore_mem>>)
      } else {
      }
      %mul3A_104 = arith.constant 32 : i32
      %mul3A_105 = arith.muli %while3A_96, %mul3A_104 : i32
      %add3A_106 = arith.addi %add3A, %mul3A_105 : i32
      %rem3A_107 = arith.constant 2 : i32
      %rem3A_108 = arith.remsi %while3A_96, %rem3A_107 : i32
      %mul3A_109 = arith.constant 4000 : i32
      %mul3A_110 = arith.muli %add3A_106, %mul3A_109 : i32
      %mul3A_111 = arith.constant 4000 : i32
      %mul3A_112 = arith.muli %add3A_106, %mul3A_111 : i32
      %mul3A_113 = arith.constant 4000 : i32
      %mul3A_114 = arith.muli %add3A_106, %mul3A_113 : i32
      %add3A_115 = arith.constant 248000 : i32
      %add3A_116 = arith.addi %add3A_115, %mul3A_114 : i32
      %dma_wait3A = arith.constant 0 : i32
      %dma_wait3A_117 = arith.constant 0 : i32
      %dma_wait3A_118 = tpu.memref_slice %arg6[%rem3A_108, %dma_wait3A, %dma_wait3A_117] : memref<2x4x4000xf32, #tpu.memory_space<vmem>> -> memref<1x4x4000xf32, #tpu.memory_space<vmem>>
      %dma_wait3A_119 = tpu.memref_squeeze %dma_wait3A_118 : memref<1x4x4000xf32, #tpu.memory_space<vmem>> -> memref<4x4000xf32, #tpu.memory_space<vmem>>
      %dma_wait3A_120 = arith.constant 0 : i32
      %dma_wait3A_121 = tpu.memref_slice %arg2[%dma_wait3A_120, %mul3A_110] : memref<4x248000xf32, #tpu.memory_space<hbm>> -> memref<4x4000xf32, #tpu.memory_space<hbm>>
      %dma_wait3A_122 = tpu.memref_slice %arg10[%rem3A_108] : memref<2x!tpu.dma_semaphore, #tpu.memory_space<semaphore_mem>> -> memref<1x!tpu.dma_semaphore, #tpu.memory_space<semaphore_mem>>
      %dma_wait3A_123 = tpu.memref_squeeze %dma_wait3A_122 : memref<1x!tpu.dma_semaphore, #tpu.memory_space<semaphore_mem>> -> memref<!tpu.dma_semaphore, #tpu.memory_space<semaphore_mem>>
      %dma_wait3A_124 = arith.constant 0 : i32
      %dma_wait3A_125 = arith.constant 0 : i32
      %dma_wait3A_126 = tpu.memref_slice %arg6[%rem3A_108, %dma_wait3A_124, %dma_wait3A_125] : memref<2x4x4000xf32, #tpu.memory_space<vmem>> -> memref<1x4x4000xf32, #tpu.memory_space<vmem>>
      %dma_wait3A_127 = tpu.memref_squeeze %dma_wait3A_126 : memref<1x4x4000xf32, #tpu.memory_space<vmem>> -> memref<4x4000xf32, #tpu.memory_space<vmem>>
      %dma_wait3A_128 = arith.constant 0 : i32
      %dma_wait3A_129 = tpu.memref_slice %arg2[%dma_wait3A_128, %mul3A_110] : memref<4x248000xf32, #tpu.memory_space<hbm>> -> memref<4x4000xf32, #tpu.memory_space<hbm>>
      tpu.wait_dma2 semaphore(%dma_wait3A_123 : memref<!tpu.dma_semaphore, #tpu.memory_space<semaphore_mem>>) src(%dma_wait3A_129 : memref<4x4000xf32, #tpu.memory_space<hbm>>) dst(%dma_wait3A_127 : memref<4x4000xf32, #tpu.memory_space<vmem>>)
      %dma_wait3A_130 = arith.constant 0 : i32
      %dma_wait3A_131 = arith.constant 0 : i32
      %dma_wait3A_132 = tpu.memref_slice %arg7[%rem3A_108, %dma_wait3A_130, %dma_wait3A_131] : memref<2x4x4000xf32, #tpu.memory_space<vmem>> -> memref<1x4x4000xf32, #tpu.memory_space<vmem>>
      %dma_wait3A_133 = tpu.memref_squeeze %dma_wait3A_132 : memref<1x4x4000xf32, #tpu.memory_space<vmem>> -> memref<4x4000xf32, #tpu.memory_space<vmem>>
      %dma_wait3A_134 = arith.constant 0 : i32
      %dma_wait3A_135 = tpu.memref_slice %arg3[%dma_wait3A_134, %mul3A_112] : memref<4x248000xf32, #tpu.memory_space<hbm>> -> memref<4x4000xf32, #tpu.memory_space<hbm>>
      %dma_wait3A_136 = tpu.memref_slice %arg11[%rem3A_108] : memref<2x!tpu.dma_semaphore, #tpu.memory_space<semaphore_mem>> -> memref<1x!tpu.dma_semaphore, #tpu.memory_space<semaphore_mem>>
      %dma_wait3A_137 = tpu.memref_squeeze %dma_wait3A_136 : memref<1x!tpu.dma_semaphore, #tpu.memory_space<semaphore_mem>> -> memref<!tpu.dma_semaphore, #tpu.memory_space<semaphore_mem>>
      %dma_wait3A_138 = arith.constant 0 : i32
      %dma_wait3A_139 = arith.constant 0 : i32
      %dma_wait3A_140 = tpu.memref_slice %arg7[%rem3A_108, %dma_wait3A_138, %dma_wait3A_139] : memref<2x4x4000xf32, #tpu.memory_space<vmem>> -> memref<1x4x4000xf32, #tpu.memory_space<vmem>>
      %dma_wait3A_141 = tpu.memref_squeeze %dma_wait3A_140 : memref<1x4x4000xf32, #tpu.memory_space<vmem>> -> memref<4x4000xf32, #tpu.memory_space<vmem>>
      %dma_wait3A_142 = arith.constant 0 : i32
      %dma_wait3A_143 = tpu.memref_slice %arg3[%dma_wait3A_142, %mul3A_112] : memref<4x248000xf32, #tpu.memory_space<hbm>> -> memref<4x4000xf32, #tpu.memory_space<hbm>>
      tpu.wait_dma2 semaphore(%dma_wait3A_137 : memref<!tpu.dma_semaphore, #tpu.memory_space<semaphore_mem>>) src(%dma_wait3A_143 : memref<4x4000xf32, #tpu.memory_space<hbm>>) dst(%dma_wait3A_141 : memref<4x4000xf32, #tpu.memory_space<vmem>>)
      %dma_wait3A_144 = arith.constant 0 : i32
      %dma_wait3A_145 = tpu.memref_slice %arg8[%rem3A_108, %dma_wait3A_144] : memref<2x4000xi32, #tpu.memory_space<vmem>> -> memref<1x4000xi32, #tpu.memory_space<vmem>>
      %dma_wait3A_146 = tpu.memref_squeeze %dma_wait3A_145 : memref<1x4000xi32, #tpu.memory_space<vmem>> -> memref<4000xi32, #tpu.memory_space<vmem>>
      %dma_wait3A_147 = tpu.memref_slice %arg4[%add3A_116] : memref<1000000xi32, #tpu.memory_space<hbm>> -> memref<4000xi32, #tpu.memory_space<hbm>>
      %dma_wait3A_148 = tpu.memref_slice %arg12[%rem3A_108] : memref<2x!tpu.dma_semaphore, #tpu.memory_space<semaphore_mem>> -> memref<1x!tpu.dma_semaphore, #tpu.memory_space<semaphore_mem>>
      %dma_wait3A_149 = tpu.memref_squeeze %dma_wait3A_148 : memref<1x!tpu.dma_semaphore, #tpu.memory_space<semaphore_mem>> -> memref<!tpu.dma_semaphore, #tpu.memory_space<semaphore_mem>>
      %dma_wait3A_150 = arith.constant 0 : i32
      %dma_wait3A_151 = tpu.memref_slice %arg8[%rem3A_108, %dma_wait3A_150] : memref<2x4000xi32, #tpu.memory_space<vmem>> -> memref<1x4000xi32, #tpu.memory_space<vmem>>
      %dma_wait3A_152 = tpu.memref_squeeze %dma_wait3A_151 : memref<1x4000xi32, #tpu.memory_space<vmem>> -> memref<4000xi32, #tpu.memory_space<vmem>>
      %dma_wait3A_153 = tpu.memref_slice %arg4[%add3A_116] : memref<1000000xi32, #tpu.memory_space<hbm>> -> memref<4000xi32, #tpu.memory_space<hbm>>
      tpu.wait_dma2 semaphore(%dma_wait3A_149 : memref<!tpu.dma_semaphore, #tpu.memory_space<semaphore_mem>>) src(%dma_wait3A_153 : memref<4000xi32, #tpu.memory_space<hbm>>) dst(%dma_wait3A_152 : memref<4000xi32, #tpu.memory_space<vmem>>)
      %rem3A_154 = arith.constant 2 : i32
      %rem3A_155 = arith.remsi %while3A_96, %rem3A_154 : i32
      %scan3A = arith.constant 0 : i32
      %scan3A_156 = arith.constant 125 : i32
      %scan3A_157 = arith.addi %scan3A, %scan3A_156 : i32
      %scan3A_158 = arith.constant 1 : i32
      %scan3A_159:3 = scf.for %scan3A_161 = %scan3A to %scan3A_157 step %scan3A_158 iter_args(%scan3A_162 = %while3A_97, %scan3A_163 = %while3A_98, %scan3A_164 = %while3A_99) -> (vector<16xf32>, vector<16xf32>, vector<16xf32>)  : i32 {
        %mul3A_165 = arith.constant 2 : i32
        %mul3A_166 = arith.muli %scan3A_161, %mul3A_165 : i32
        %add3A_167 = arith.constant 0 : i32
        %add3A_168 = arith.addi %mul3A_166, %add3A_167 : i32
        %mul3A_169 = arith.constant 16 : i32
        %mul3A_170 = arith.muli %add3A_168, %mul3A_169 : i32
        %get3A = arith.index_cast %rem3A_155 : i32 to index
        %get3A_171 = arith.index_cast %mul3A_170 : i32 to index
        %get3A_172 = tpu.vector_load %arg8[%get3A, %get3A_171] {strides = array<i32>} : memref<2x4000xi32, #tpu.memory_space<vmem>>, vector<1x16xi32>,
        %get3A_173 = vector.shape_cast %get3A_172 : vector<1x16xi32> to vector<16xi32>
        %eq3A = arith.constant 1 : i32
        %eq3A_174 = vector.broadcast %eq3A : i32 to vector<16xi32>
        %eq3A_175 = arith.cmpi eq, %get3A_173, %eq3A_174 : vector<16xi32>
        %select_n3A_176 = arith.select %eq3A_175, %broadcast_in_dim3A_3, %broadcast_in_dim3A_1 : vector<16xi1>, vector<16xf32>
        %add3A_177 = arith.addf %scan3A_163, %select_n3A_176 : vector<16xf32>
        %convert_element_type3A_178 = arith.sitofp %get3A_173 : vector<16xi32> to vector<16xf32>
        %add3A_179 = arith.addf %scan3A_164, %convert_element_type3A_178 : vector<16xf32>
        %mul3A_180 = arith.constant 16 : i32
        %mul3A_181 = arith.muli %add3A_168, %mul3A_180 : i32
        %get3A_182 = arith.constant 0 : i32
        %get3A_183 = arith.index_cast %rem3A_155 : i32 to index
        %get3A_184 = arith.index_cast %get3A_182 : i32 to index
        %get3A_185 = arith.index_cast %mul3A_181 : i32 to index
        %get3A_186 = tpu.vector_load %arg6[%get3A_183, %get3A_184, %get3A_185] {strides = array<i32>} : memref<2x4x4000xf32, #tpu.memory_space<vmem>>, vector<1x1x16xf32>,
        %get3A_187 = vector.shape_cast %get3A_186 : vector<1x1x16xf32> to vector<16xf32>
        %mul3A_188 = arith.constant 16 : i32
        %mul3A_189 = arith.muli %add3A_168, %mul3A_188 : i32
        %get3A_190 = arith.constant 0 : i32
        %get3A_191 = arith.index_cast %rem3A_155 : i32 to index
        %get3A_192 = arith.index_cast %get3A_190 : i32 to index
        %get3A_193 = arith.index_cast %mul3A_189 : i32 to index
        %get3A_194 = tpu.vector_load %arg7[%get3A_191, %get3A_192, %get3A_193] {strides = array<i32>} : memref<2x4x4000xf32, #tpu.memory_space<vmem>>, vector<1x1x16xf32>,
        %get3A_195 = vector.shape_cast %get3A_194 : vector<1x1x16xf32> to vector<16xf32>
        %sub3A = arith.subf %get3A_187, %get3A_195 : vector<16xf32>
        %abs3A = math.absf %sub3A : vector<16xf32>
        %min3A = arith.constant 1.000000e+00 : f32
        %min3A_196 = vector.broadcast %min3A : f32 to vector<16xf32>
        %min3A_197 = arith.minimumf %abs3A, %min3A_196 : vector<16xf32>
        %add3A_198 = arith.addf %abs3A, %abs3A : vector<16xf32>
        %sub3A_199 = arith.subf %add3A_198, %min3A_197 : vector<16xf32>
        %mul3A_200 = arith.mulf %min3A_197, %sub3A_199 : vector<16xf32>
        %mul3A_201 = arith.mulf %mul3A_200, %select_n3A_176 : vector<16xf32>
        %add3A_202 = arith.addf %scan3A_162, %mul3A_201 : vector<16xf32>
        %mul3A_203 = arith.constant 16 : i32
        %mul3A_204 = arith.muli %add3A_168, %mul3A_203 : i32
        %get3A_205 = arith.constant 1 : i32
        %get3A_206 = arith.index_cast %rem3A_155 : i32 to index
        %get3A_207 = arith.index_cast %get3A_205 : i32 to index
        %get3A_208 = arith.index_cast %mul3A_204 : i32 to index
        %get3A_209 = tpu.vector_load %arg6[%get3A_206, %get3A_207, %get3A_208] {strides = array<i32>} : memref<2x4x4000xf32, #tpu.memory_space<vmem>>, vector<1x1x16xf32>,
        %get3A_210 = vector.shape_cast %get3A_209 : vector<1x1x16xf32> to vector<16xf32>
        %mul3A_211 = arith.constant 16 : i32
        %mul3A_212 = arith.muli %add3A_168, %mul3A_211 : i32
        %get3A_213 = arith.constant 1 : i32
        %get3A_214 = arith.index_cast %rem3A_155 : i32 to index
        %get3A_215 = arith.index_cast %get3A_213 : i32 to index
        %get3A_216 = arith.index_cast %mul3A_212 : i32 to index
        %get3A_217 = tpu.vector_load %arg7[%get3A_214, %get3A_215, %get3A_216] {strides = array<i32>} : memref<2x4x4000xf32, #tpu.memory_space<vmem>>, vector<1x1x16xf32>,
        %get3A_218 = vector.shape_cast %get3A_217 : vector<1x1x16xf32> to vector<16xf32>
        %sub3A_219 = arith.subf %get3A_210, %get3A_218 : vector<16xf32>
        %abs3A_220 = math.absf %sub3A_219 : vector<16xf32>
        %min3A_221 = arith.constant 1.000000e+00 : f32
        %min3A_222 = vector.broadcast %min3A_221 : f32 to vector<16xf32>
        %min3A_223 = arith.minimumf %abs3A_220, %min3A_222 : vector<16xf32>
        %add3A_224 = arith.addf %abs3A_220, %abs3A_220 : vector<16xf32>
        %sub3A_225 = arith.subf %add3A_224, %min3A_223 : vector<16xf32>
        %mul3A_226 = arith.mulf %min3A_223, %sub3A_225 : vector<16xf32>
        %mul3A_227 = arith.mulf %mul3A_226, %select_n3A_176 : vector<16xf32>
        %add3A_228 = arith.addf %add3A_202, %mul3A_227 : vector<16xf32>
        %mul3A_229 = arith.constant 16 : i32
        %mul3A_230 = arith.muli %add3A_168, %mul3A_229 : i32
        %get3A_231 = arith.constant 2 : i32
        %get3A_232 = arith.index_cast %rem3A_155 : i32 to index
        %get3A_233 = arith.index_cast %get3A_231 : i32 to index
        %get3A_234 = arith.index_cast %mul3A_230 : i32 to index
        %get3A_235 = tpu.vector_load %arg6[%get3A_232, %get3A_233, %get3A_234] {strides = array<i32>} : memref<2x4x4000xf32, #tpu.memory_space<vmem>>, vector<1x1x16xf32>,
        %get3A_236 = vector.shape_cast %get3A_235 : vector<1x1x16xf32> to vector<16xf32>
        %mul3A_237 = arith.constant 16 : i32
        %mul3A_238 = arith.muli %add3A_168, %mul3A_237 : i32
        %get3A_239 = arith.constant 2 : i32
        %get3A_240 = arith.index_cast %rem3A_155 : i32 to index
        %get3A_241 = arith.index_cast %get3A_239 : i32 to index
        %get3A_242 = arith.index_cast %mul3A_238 : i32 to index
        %get3A_243 = tpu.vector_load %arg7[%get3A_240, %get3A_241, %get3A_242] {strides = array<i32>} : memref<2x4x4000xf32, #tpu.memory_space<vmem>>, vector<1x1x16xf32>,
        %get3A_244 = vector.shape_cast %get3A_243 : vector<1x1x16xf32> to vector<16xf32>
        %sub3A_245 = arith.subf %get3A_236, %get3A_244 : vector<16xf32>
        %abs3A_246 = math.absf %sub3A_245 : vector<16xf32>
        %min3A_247 = arith.constant 1.000000e+00 : f32
        %min3A_248 = vector.broadcast %min3A_247 : f32 to vector<16xf32>
        %min3A_249 = arith.minimumf %abs3A_246, %min3A_248 : vector<16xf32>
        %add3A_250 = arith.addf %abs3A_246, %abs3A_246 : vector<16xf32>
        %sub3A_251 = arith.subf %add3A_250, %min3A_249 : vector<16xf32>
        %mul3A_252 = arith.mulf %min3A_249, %sub3A_251 : vector<16xf32>
        %mul3A_253 = arith.mulf %mul3A_252, %select_n3A_176 : vector<16xf32>
        %add3A_254 = arith.addf %add3A_228, %mul3A_253 : vector<16xf32>
        %mul3A_255 = arith.constant 16 : i32
        %mul3A_256 = arith.muli %add3A_168, %mul3A_255 : i32
        %get3A_257 = arith.constant 3 : i32
        %get3A_258 = arith.index_cast %rem3A_155 : i32 to index
        %get3A_259 = arith.index_cast %get3A_257 : i32 to index
        %get3A_260 = arith.index_cast %mul3A_256 : i32 to index
        %get3A_261 = tpu.vector_load %arg6[%get3A_258, %get3A_259, %get3A_260] {strides = array<i32>} : memref<2x4x4000xf32, #tpu.memory_space<vmem>>, vector<1x1x16xf32>,
        %get3A_262 = vector.shape_cast %get3A_261 : vector<1x1x16xf32> to vector<16xf32>
        %mul3A_263 = arith.constant 16 : i32
        %mul3A_264 = arith.muli %add3A_168, %mul3A_263 : i32
        %get3A_265 = arith.constant 3 : i32
        %get3A_266 = arith.index_cast %rem3A_155 : i32 to index
        %get3A_267 = arith.index_cast %get3A_265 : i32 to index
        %get3A_268 = arith.index_cast %mul3A_264 : i32 to index
        %get3A_269 = tpu.vector_load %arg7[%get3A_266, %get3A_267, %get3A_268] {strides = array<i32>} : memref<2x4x4000xf32, #tpu.memory_space<vmem>>, vector<1x1x16xf32>,
        %get3A_270 = vector.shape_cast %get3A_269 : vector<1x1x16xf32> to vector<16xf32>
        %sub3A_271 = arith.subf %get3A_262, %get3A_270 : vector<16xf32>
        %abs3A_272 = math.absf %sub3A_271 : vector<16xf32>
        %min3A_273 = arith.constant 1.000000e+00 : f32
        %min3A_274 = vector.broadcast %min3A_273 : f32 to vector<16xf32>
        %min3A_275 = arith.minimumf %abs3A_272, %min3A_274 : vector<16xf32>
        %add3A_276 = arith.addf %abs3A_272, %abs3A_272 : vector<16xf32>
        %sub3A_277 = arith.subf %add3A_276, %min3A_275 : vector<16xf32>
        %mul3A_278 = arith.mulf %min3A_275, %sub3A_277 : vector<16xf32>
        %mul3A_279 = arith.mulf %mul3A_278, %select_n3A_176 : vector<16xf32>
        %add3A_280 = arith.addf %add3A_254, %mul3A_279 : vector<16xf32>
        %mul3A_281 = arith.constant 2 : i32
        %mul3A_282 = arith.muli %scan3A_161, %mul3A_281 : i32
        %add3A_283 = arith.constant 1 : i32
        %add3A_284 = arith.addi %mul3A_282, %add3A_283 : i32
        %mul3A_285 = arith.constant 16 : i32
        %mul3A_286 = arith.muli %add3A_284, %mul3A_285 : i32
        %get3A_287 = arith.index_cast %rem3A_155 : i32 to index
        %get3A_288 = arith.index_cast %mul3A_286 : i32 to index
        %get3A_289 = tpu.vector_load %arg8[%get3A_287, %get3A_288] {strides = array<i32>} : memref<2x4000xi32, #tpu.memory_space<vmem>>, vector<1x16xi32>,
        %get3A_290 = vector.shape_cast %get3A_289 : vector<1x16xi32> to vector<16xi32>
        %eq3A_291 = arith.constant 1 : i32
        %eq3A_292 = vector.broadcast %eq3A_291 : i32 to vector<16xi32>
        %eq3A_293 = arith.cmpi eq, %get3A_290, %eq3A_292 : vector<16xi32>
        %select_n3A_294 = arith.select %eq3A_293, %broadcast_in_dim3A_3, %broadcast_in_dim3A_1 : vector<16xi1>, vector<16xf32>
        %add3A_295 = arith.addf %add3A_177, %select_n3A_294 : vector<16xf32>
        %convert_element_type3A_296 = arith.sitofp %get3A_290 : vector<16xi32> to vector<16xf32>
        %add3A_297 = arith.addf %add3A_179, %convert_element_type3A_296 : vector<16xf32>
        %mul3A_298 = arith.constant 16 : i32
        %mul3A_299 = arith.muli %add3A_284, %mul3A_298 : i32
        %get3A_300 = arith.constant 0 : i32
        %get3A_301 = arith.index_cast %rem3A_155 : i32 to index
        %get3A_302 = arith.index_cast %get3A_300 : i32 to index
        %get3A_303 = arith.index_cast %mul3A_299 : i32 to index
        %get3A_304 = tpu.vector_load %arg6[%get3A_301, %get3A_302, %get3A_303] {strides = array<i32>} : memref<2x4x4000xf32, #tpu.memory_space<vmem>>, vector<1x1x16xf32>,
        %get3A_305 = vector.shape_cast %get3A_304 : vector<1x1x16xf32> to vector<16xf32>
        %mul3A_306 = arith.constant 16 : i32
        %mul3A_307 = arith.muli %add3A_284, %mul3A_306 : i32
        %get3A_308 = arith.constant 0 : i32
        %get3A_309 = arith.index_cast %rem3A_155 : i32 to index
        %get3A_310 = arith.index_cast %get3A_308 : i32 to index
        %get3A_311 = arith.index_cast %mul3A_307 : i32 to index
        %get3A_312 = tpu.vector_load %arg7[%get3A_309, %get3A_310, %get3A_311] {strides = array<i32>} : memref<2x4x4000xf32, #tpu.memory_space<vmem>>, vector<1x1x16xf32>,
        %get3A_313 = vector.shape_cast %get3A_312 : vector<1x1x16xf32> to vector<16xf32>
        %sub3A_314 = arith.subf %get3A_305, %get3A_313 : vector<16xf32>
        %abs3A_315 = math.absf %sub3A_314 : vector<16xf32>
        %min3A_316 = arith.constant 1.000000e+00 : f32
        %min3A_317 = vector.broadcast %min3A_316 : f32 to vector<16xf32>
        %min3A_318 = arith.minimumf %abs3A_315, %min3A_317 : vector<16xf32>
        %add3A_319 = arith.addf %abs3A_315, %abs3A_315 : vector<16xf32>
        %sub3A_320 = arith.subf %add3A_319, %min3A_318 : vector<16xf32>
        %mul3A_321 = arith.mulf %min3A_318, %sub3A_320 : vector<16xf32>
        %mul3A_322 = arith.mulf %mul3A_321, %select_n3A_294 : vector<16xf32>
        %add3A_323 = arith.addf %add3A_280, %mul3A_322 : vector<16xf32>
        %mul3A_324 = arith.constant 16 : i32
        %mul3A_325 = arith.muli %add3A_284, %mul3A_324 : i32
        %get3A_326 = arith.constant 1 : i32
        %get3A_327 = arith.index_cast %rem3A_155 : i32 to index
        %get3A_328 = arith.index_cast %get3A_326 : i32 to index
        %get3A_329 = arith.index_cast %mul3A_325 : i32 to index
        %get3A_330 = tpu.vector_load %arg6[%get3A_327, %get3A_328, %get3A_329] {strides = array<i32>} : memref<2x4x4000xf32, #tpu.memory_space<vmem>>, vector<1x1x16xf32>,
        %get3A_331 = vector.shape_cast %get3A_330 : vector<1x1x16xf32> to vector<16xf32>
        %mul3A_332 = arith.constant 16 : i32
        %mul3A_333 = arith.muli %add3A_284, %mul3A_332 : i32
        %get3A_334 = arith.constant 1 : i32
        %get3A_335 = arith.index_cast %rem3A_155 : i32 to index
        %get3A_336 = arith.index_cast %get3A_334 : i32 to index
        %get3A_337 = arith.index_cast %mul3A_333 : i32 to index
        %get3A_338 = tpu.vector_load %arg7[%get3A_335, %get3A_336, %get3A_337] {strides = array<i32>} : memref<2x4x4000xf32, #tpu.memory_space<vmem>>, vector<1x1x16xf32>,
        %get3A_339 = vector.shape_cast %get3A_338 : vector<1x1x16xf32> to vector<16xf32>
        %sub3A_340 = arith.subf %get3A_331, %get3A_339 : vector<16xf32>
        %abs3A_341 = math.absf %sub3A_340 : vector<16xf32>
        %min3A_342 = arith.constant 1.000000e+00 : f32
        %min3A_343 = vector.broadcast %min3A_342 : f32 to vector<16xf32>
        %min3A_344 = arith.minimumf %abs3A_341, %min3A_343 : vector<16xf32>
        %add3A_345 = arith.addf %abs3A_341, %abs3A_341 : vector<16xf32>
        %sub3A_346 = arith.subf %add3A_345, %min3A_344 : vector<16xf32>
        %mul3A_347 = arith.mulf %min3A_344, %sub3A_346 : vector<16xf32>
        %mul3A_348 = arith.mulf %mul3A_347, %select_n3A_294 : vector<16xf32>
        %add3A_349 = arith.addf %add3A_323, %mul3A_348 : vector<16xf32>
        %mul3A_350 = arith.constant 16 : i32
        %mul3A_351 = arith.muli %add3A_284, %mul3A_350 : i32
        %get3A_352 = arith.constant 2 : i32
        %get3A_353 = arith.index_cast %rem3A_155 : i32 to index
        %get3A_354 = arith.index_cast %get3A_352 : i32 to index
        %get3A_355 = arith.index_cast %mul3A_351 : i32 to index
        %get3A_356 = tpu.vector_load %arg6[%get3A_353, %get3A_354, %get3A_355] {strides = array<i32>} : memref<2x4x4000xf32, #tpu.memory_space<vmem>>, vector<1x1x16xf32>,
        %get3A_357 = vector.shape_cast %get3A_356 : vector<1x1x16xf32> to vector<16xf32>
        %mul3A_358 = arith.constant 16 : i32
        %mul3A_359 = arith.muli %add3A_284, %mul3A_358 : i32
        %get3A_360 = arith.constant 2 : i32
        %get3A_361 = arith.index_cast %rem3A_155 : i32 to index
        %get3A_362 = arith.index_cast %get3A_360 : i32 to index
        %get3A_363 = arith.index_cast %mul3A_359 : i32 to index
        %get3A_364 = tpu.vector_load %arg7[%get3A_361, %get3A_362, %get3A_363] {strides = array<i32>} : memref<2x4x4000xf32, #tpu.memory_space<vmem>>, vector<1x1x16xf32>,
        %get3A_365 = vector.shape_cast %get3A_364 : vector<1x1x16xf32> to vector<16xf32>
        %sub3A_366 = arith.subf %get3A_357, %get3A_365 : vector<16xf32>
        %abs3A_367 = math.absf %sub3A_366 : vector<16xf32>
        %min3A_368 = arith.constant 1.000000e+00 : f32
        %min3A_369 = vector.broadcast %min3A_368 : f32 to vector<16xf32>
        %min3A_370 = arith.minimumf %abs3A_367, %min3A_369 : vector<16xf32>
        %add3A_371 = arith.addf %abs3A_367, %abs3A_367 : vector<16xf32>
        %sub3A_372 = arith.subf %add3A_371, %min3A_370 : vector<16xf32>
        %mul3A_373 = arith.mulf %min3A_370, %sub3A_372 : vector<16xf32>
        %mul3A_374 = arith.mulf %mul3A_373, %select_n3A_294 : vector<16xf32>
        %add3A_375 = arith.addf %add3A_349, %mul3A_374 : vector<16xf32>
        %mul3A_376 = arith.constant 16 : i32
        %mul3A_377 = arith.muli %add3A_284, %mul3A_376 : i32
        %get3A_378 = arith.constant 3 : i32
        %get3A_379 = arith.index_cast %rem3A_155 : i32 to index
        %get3A_380 = arith.index_cast %get3A_378 : i32 to index
        %get3A_381 = arith.index_cast %mul3A_377 : i32 to index
        %get3A_382 = tpu.vector_load %arg6[%get3A_379, %get3A_380, %get3A_381] {strides = array<i32>} : memref<2x4x4000xf32, #tpu.memory_space<vmem>>, vector<1x1x16xf32>,
        %get3A_383 = vector.shape_cast %get3A_382 : vector<1x1x16xf32> to vector<16xf32>
        %mul3A_384 = arith.constant 16 : i32
        %mul3A_385 = arith.muli %add3A_284, %mul3A_384 : i32
        %get3A_386 = arith.constant 3 : i32
        %get3A_387 = arith.index_cast %rem3A_155 : i32 to index
        %get3A_388 = arith.index_cast %get3A_386 : i32 to index
        %get3A_389 = arith.index_cast %mul3A_385 : i32 to index
        %get3A_390 = tpu.vector_load %arg7[%get3A_387, %get3A_388, %get3A_389] {strides = array<i32>} : memref<2x4x4000xf32, #tpu.memory_space<vmem>>, vector<1x1x16xf32>,
        %get3A_391 = vector.shape_cast %get3A_390 : vector<1x1x16xf32> to vector<16xf32>
        %sub3A_392 = arith.subf %get3A_383, %get3A_391 : vector<16xf32>
        %abs3A_393 = math.absf %sub3A_392 : vector<16xf32>
        %min3A_394 = arith.constant 1.000000e+00 : f32
        %min3A_395 = vector.broadcast %min3A_394 : f32 to vector<16xf32>
        %min3A_396 = arith.minimumf %abs3A_393, %min3A_395 : vector<16xf32>
        %add3A_397 = arith.addf %abs3A_393, %abs3A_393 : vector<16xf32>
        %sub3A_398 = arith.subf %add3A_397, %min3A_396 : vector<16xf32>
        %mul3A_399 = arith.mulf %min3A_396, %sub3A_398 : vector<16xf32>
        %mul3A_400 = arith.mulf %mul3A_399, %select_n3A_294 : vector<16xf32>
        %add3A_401 = arith.addf %add3A_375, %mul3A_400 : vector<16xf32>
        scf.yield %add3A_401, %add3A_295, %add3A_297 : vector<16xf32>, vector<16xf32>, vector<16xf32>
      }
      %scan3A_160 = arith.constant 125 : i32
      scf.yield %scan3A_159#0, %scan3A_159#1, %scan3A_159#2 : vector<16xf32>, vector<16xf32>, vector<16xf32>
    }
    %swap3A = arith.constant 0 : index
    %swap3A_65 = tpu.vector_load %arg9[%swap3A] {strides = array<i32>} : memref<128xf32, #tpu.memory_space<vmem>>, vector<16xf32>,
    %swap3A_66 = vector.shape_cast %swap3A_65 : vector<16xf32> to vector<16xf32>
    %swap3A_67 = vector.shape_cast %while3A_64#0 : vector<16xf32> to vector<16xf32>
    tpu.vector_store %arg9[%swap3A], %swap3A_67 {strides = array<i32>} : memref<128xf32, #tpu.memory_space<vmem>>, vector<16xf32>,
    %swap3A_68 = arith.constant 16 : index
    %swap3A_69 = tpu.vector_load %arg9[%swap3A_68] {strides = array<i32>} : memref<128xf32, #tpu.memory_space<vmem>>, vector<16xf32>,
    %swap3A_70 = vector.shape_cast %swap3A_69 : vector<16xf32> to vector<16xf32>
    %swap3A_71 = vector.shape_cast %while3A_64#1 : vector<16xf32> to vector<16xf32>
    tpu.vector_store %arg9[%swap3A_68], %swap3A_71 {strides = array<i32>} : memref<128xf32, #tpu.memory_space<vmem>>, vector<16xf32>,
    %swap3A_72 = arith.constant 32 : index
    %swap3A_73 = tpu.vector_load %arg9[%swap3A_72] {strides = array<i32>} : memref<128xf32, #tpu.memory_space<vmem>>, vector<16xf32>,
    %swap3A_74 = vector.shape_cast %swap3A_73 : vector<16xf32> to vector<16xf32>
    %swap3A_75 = vector.shape_cast %while3A_64#2 : vector<16xf32> to vector<16xf32>
    tpu.vector_store %arg9[%swap3A_72], %swap3A_75 {strides = array<i32>} : memref<128xf32, #tpu.memory_space<vmem>>, vector<16xf32>,
    %swap3A_76 = arith.constant 48 : index
    %swap3A_77 = tpu.vector_load %arg9[%swap3A_76] {strides = array<i32>} : memref<128xf32, #tpu.memory_space<vmem>>, vector<16xf32>,
    %swap3A_78 = vector.shape_cast %swap3A_77 : vector<16xf32> to vector<16xf32>
    %swap3A_79 = vector.shape_cast %broadcast_in_dim3A_1 : vector<16xf32> to vector<16xf32>
    tpu.vector_store %arg9[%swap3A_76], %swap3A_79 {strides = array<i32>} : memref<128xf32, #tpu.memory_space<vmem>>, vector<16xf32>,
    %swap3A_80 = arith.constant 64 : index
    %swap3A_81 = tpu.vector_load %arg9[%swap3A_80] {strides = array<i32>} : memref<128xf32, #tpu.memory_space<vmem>>, vector<16xf32>,
    %swap3A_82 = vector.shape_cast %swap3A_81 : vector<16xf32> to vector<16xf32>
    %swap3A_83 = vector.shape_cast %broadcast_in_dim3A_1 : vector<16xf32> to vector<16xf32>
    tpu.vector_store %arg9[%swap3A_80], %swap3A_83 {strides = array<i32>} : memref<128xf32, #tpu.memory_space<vmem>>, vector<16xf32>,
    %swap3A_84 = arith.constant 80 : index
    %swap3A_85 = tpu.vector_load %arg9[%swap3A_84] {strides = array<i32>} : memref<128xf32, #tpu.memory_space<vmem>>, vector<16xf32>,
    %swap3A_86 = vector.shape_cast %swap3A_85 : vector<16xf32> to vector<16xf32>
    %swap3A_87 = vector.shape_cast %broadcast_in_dim3A_1 : vector<16xf32> to vector<16xf32>
    tpu.vector_store %arg9[%swap3A_84], %swap3A_87 {strides = array<i32>} : memref<128xf32, #tpu.memory_space<vmem>>, vector<16xf32>,
    %swap3A_88 = arith.constant 96 : index
    %swap3A_89 = tpu.vector_load %arg9[%swap3A_88] {strides = array<i32>} : memref<128xf32, #tpu.memory_space<vmem>>, vector<16xf32>,
    %swap3A_90 = vector.shape_cast %swap3A_89 : vector<16xf32> to vector<16xf32>
    %swap3A_91 = vector.shape_cast %broadcast_in_dim3A_1 : vector<16xf32> to vector<16xf32>
    tpu.vector_store %arg9[%swap3A_88], %swap3A_91 {strides = array<i32>} : memref<128xf32, #tpu.memory_space<vmem>>, vector<16xf32>,
    %swap3A_92 = arith.constant 112 : index
    %swap3A_93 = tpu.vector_load %arg9[%swap3A_92] {strides = array<i32>} : memref<128xf32, #tpu.memory_space<vmem>>, vector<16xf32>,
    %swap3A_94 = vector.shape_cast %swap3A_93 : vector<16xf32> to vector<16xf32>
    %swap3A_95 = vector.shape_cast %broadcast_in_dim3A_1 : vector<16xf32> to vector<16xf32>
    tpu.vector_store %arg9[%swap3A_92], %swap3A_95 {strides = array<i32>} : memref<128xf32, #tpu.memory_space<vmem>>, vector<16xf32>,
    "tpu.region"() ({
      %run_scoped3A = tpu.sem_alloc : memref<!tpu.dma_semaphore, #tpu.memory_space<semaphore_mem>>
      %dma_start3A_96 = arith.constant 0 : i32
      %dma_start3A_97 = tpu.memref_slice %arg5[%add3A, %dma_start3A_96] : memref<32x128xf32, #tpu.memory_space<hbm>> -> memref<1x128xf32, #tpu.memory_space<hbm>>
      %dma_start3A_98 = tpu.memref_squeeze %dma_start3A_97 : memref<1x128xf32, #tpu.memory_space<hbm>> -> memref<128xf32, #tpu.memory_space<hbm>>
      %dma_start3A_99 = arith.constant 0 : i32
      %dma_start3A_100 = tpu.memref_slice %arg5[%add3A, %dma_start3A_99] : memref<32x128xf32, #tpu.memory_space<hbm>> -> memref<1x128xf32, #tpu.memory_space<hbm>>
      %dma_start3A_101 = tpu.memref_squeeze %dma_start3A_100 : memref<1x128xf32, #tpu.memory_space<hbm>> -> memref<128xf32, #tpu.memory_space<hbm>>
      tpu.enqueue_dma source(%arg9 : memref<128xf32, #tpu.memory_space<vmem>>) target(%dma_start3A_101 : memref<128xf32, #tpu.memory_space<hbm>>) target_semaphore(%run_scoped3A : memref<!tpu.dma_semaphore, #tpu.memory_space<semaphore_mem>>)
      %dma_wait3A = arith.constant 0 : i32
      %dma_wait3A_102 = tpu.memref_slice %arg5[%add3A, %dma_wait3A] : memref<32x128xf32, #tpu.memory_space<hbm>> -> memref<1x128xf32, #tpu.memory_space<hbm>>
      %dma_wait3A_103 = tpu.memref_squeeze %dma_wait3A_102 : memref<1x128xf32, #tpu.memory_space<hbm>> -> memref<128xf32, #tpu.memory_space<hbm>>
      %dma_wait3A_104 = arith.constant 0 : i32
      %dma_wait3A_105 = tpu.memref_slice %arg5[%add3A, %dma_wait3A_104] : memref<32x128xf32, #tpu.memory_space<hbm>> -> memref<1x128xf32, #tpu.memory_space<hbm>>
      %dma_wait3A_106 = tpu.memref_squeeze %dma_wait3A_105 : memref<1x128xf32, #tpu.memory_space<hbm>> -> memref<128xf32, #tpu.memory_space<hbm>>
      tpu.wait_dma2 semaphore(%run_scoped3A : memref<!tpu.dma_semaphore, #tpu.memory_space<semaphore_mem>>) src(%arg9 : memref<128xf32, #tpu.memory_space<vmem>>) dst(%dma_wait3A_106 : memref<128xf32, #tpu.memory_space<hbm>>)
      tpu.yield
    }) : () -> ()
    return
  }
}

#map = affine_map<(d0, d1) -> (0, 0)>
#map1 = affine_map<(d0, d1) -> (0)>
module attributes {stable_mosaic.version = 14 : i64} {
  func.func @_part(%arg0: i32, %arg1: i32, %arg2: memref<4x248000xf32, #tpu.memory_space<hbm>>, %arg3: memref<4x248000xf32, #tpu.memory_space<hbm>>, %arg4: memref<1000000xi32, #tpu.memory_space<hbm>>, %arg5: memref<32x128xf32, #tpu.memory_space<hbm>>, %arg6: memref<2x4x4000xf32, #tpu.memory_space<vmem>>, %arg7: memref<2x4x4000xf32, #tpu.memory_space<vmem>>, %arg8: memref<2x4000xi32, #tpu.memory_space<vmem>>, %arg9: memref<128xf32, #tpu.memory_space<vmem>>, %arg10: memref<2x!tpu.dma_semaphore, #tpu.memory_space<semaphore_mem>>, %arg11: memref<2x!tpu.dma_semaphore, #tpu.memory_space<semaphore_mem>>, %arg12: memref<2x!tpu.dma_semaphore, #tpu.memory_space<semaphore_mem>>) attributes {dimension_semantics = [#tpu.dimension_semantics<core_parallel>, #tpu.dimension_semantics<subcore_parallel>], iteration_bounds = array<i64: 2, 16>, scalar_prefetch = 0 : i64, scratch_operands = 7 : i64, tpu.core_type = #tpu.core_type<sc_vector_subcore>, window_params = [{transform_indices = #map}, {transform_indices = #map}, {transform_indices = #map1}, {transform_indices = #map}]} {
    %mul3A = arith.constant 2 : i32
    %mul3A_0 = arith.muli %arg1, %mul3A : i32
    %add3A = arith.addi %mul3A_0, %arg0 : i32
    %broadcast_in_dim3A = arith.constant 0.000000e+00 : f32
    %broadcast_in_dim3A_1 = vector.broadcast %broadcast_in_dim3A : f32 to vector<16xf32>
    %broadcast_in_dim3A_2 = arith.constant 1.000000e+00 : f32
    %broadcast_in_dim3A_3 = vector.broadcast %broadcast_in_dim3A_2 : f32 to vector<16xf32>
    %lt3A = arith.constant 30 : i32
    %lt3A_4 = arith.cmpi slt, %add3A, %lt3A : i32
    %jit3A = arith.constant 2 : i32
    %jit3A_5 = arith.constant 1 : i32
    %select_n3A = arith.select %lt3A_4, %jit3A, %jit3A_5 : i32
    %add3A_6 = arith.constant 0 : i32
    %add3A_7 = arith.addi %add3A, %add3A_6 : i32
    %rem3A = arith.constant 0 : i32
    %rem3A_8 = arith.constant 2 : i32
    %rem3A_9 = arith.remsi %rem3A, %rem3A_8 : i32
    %mul3A_10 = arith.constant 4000 : i32
    %mul3A_11 = arith.muli %add3A_7, %mul3A_10 : i32
    %mul3A_12 = arith.constant 4000 : i32
    %mul3A_13 = arith.muli %add3A_7, %mul3A_12 : i32
    %mul3A_14 = arith.constant 4000 : i32
    %mul3A_15 = arith.muli %add3A_7, %mul3A_14 : i32
    %add3A_16 = arith.constant 0 : i32
    %add3A_17 = arith.addi %add3A_16, %mul3A_15 : i32
    %dma_start3A = arith.constant 0 : i32
    %dma_start3A_18 = arith.constant 0 : i32
    %dma_start3A_19 = tpu.memref_slice %arg6[%rem3A_9, %dma_start3A, %dma_start3A_18] : memref<2x4x4000xf32, #tpu.memory_space<vmem>> -> memref<1x4x4000xf32, #tpu.memory_space<vmem>>
    %dma_start3A_20 = tpu.memref_squeeze %dma_start3A_19 : memref<1x4x4000xf32, #tpu.memory_space<vmem>> -> memref<4x4000xf32, #tpu.memory_space<vmem>>
    %dma_start3A_21 = arith.constant 0 : i32
    %dma_start3A_22 = tpu.memref_slice %arg2[%dma_start3A_21, %mul3A_11] : memref<4x248000xf32, #tpu.memory_space<hbm>> -> memref<4x4000xf32, #tpu.memory_space<hbm>>
    %dma_start3A_23 = tpu.memref_slice %arg10[%rem3A_9] : memref<2x!tpu.dma_semaphore, #tpu.memory_space<semaphore_mem>> -> memref<1x!tpu.dma_semaphore, #tpu.memory_space<semaphore_mem>>
    %dma_start3A_24 = tpu.memref_squeeze %dma_start3A_23 : memref<1x!tpu.dma_semaphore, #tpu.memory_space<semaphore_mem>> -> memref<!tpu.dma_semaphore, #tpu.memory_space<semaphore_mem>>
    %dma_start3A_25 = arith.constant 0 : i32
    %dma_start3A_26 = arith.constant 0 : i32
    %dma_start3A_27 = tpu.memref_slice %arg6[%rem3A_9, %dma_start3A_25, %dma_start3A_26] : memref<2x4x4000xf32, #tpu.memory_space<vmem>> -> memref<1x4x4000xf32, #tpu.memory_space<vmem>>
    %dma_start3A_28 = tpu.memref_squeeze %dma_start3A_27 : memref<1x4x4000xf32, #tpu.memory_space<vmem>> -> memref<4x4000xf32, #tpu.memory_space<vmem>>
    %dma_start3A_29 = arith.constant 0 : i32
    %dma_start3A_30 = tpu.memref_slice %arg2[%dma_start3A_29, %mul3A_11] : memref<4x248000xf32, #tpu.memory_space<hbm>> -> memref<4x4000xf32, #tpu.memory_space<hbm>>
    tpu.enqueue_dma source(%dma_start3A_30 : memref<4x4000xf32, #tpu.memory_space<hbm>>) target(%dma_start3A_28 : memref<4x4000xf32, #tpu.memory_space<vmem>>) target_semaphore(%dma_start3A_24 : memref<!tpu.dma_semaphore, #tpu.memory_space<semaphore_mem>>)
    %dma_start3A_31 = arith.constant 0 : i32
    %dma_start3A_32 = arith.constant 0 : i32
    %dma_start3A_33 = tpu.memref_slice %arg7[%rem3A_9, %dma_start3A_31, %dma_start3A_32] : memref<2x4x4000xf32, #tpu.memory_space<vmem>> -> memref<1x4x4000xf32, #tpu.memory_space<vmem>>
    %dma_start3A_34 = tpu.memref_squeeze %dma_start3A_33 : memref<1x4x4000xf32, #tpu.memory_space<vmem>> -> memref<4x4000xf32, #tpu.memory_space<vmem>>
    %dma_start3A_35 = arith.constant 0 : i32
    %dma_start3A_36 = tpu.memref_slice %arg3[%dma_start3A_35, %mul3A_13] : memref<4x248000xf32, #tpu.memory_space<hbm>> -> memref<4x4000xf32, #tpu.memory_space<hbm>>
    %dma_start3A_37 = tpu.memref_slice %arg11[%rem3A_9] : memref<2x!tpu.dma_semaphore, #tpu.memory_space<semaphore_mem>> -> memref<1x!tpu.dma_semaphore, #tpu.memory_space<semaphore_mem>>
    %dma_start3A_38 = tpu.memref_squeeze %dma_start3A_37 : memref<1x!tpu.dma_semaphore, #tpu.memory_space<semaphore_mem>> -> memref<!tpu.dma_semaphore, #tpu.memory_space<semaphore_mem>>
    %dma_start3A_39 = arith.constant 0 : i32
    %dma_start3A_40 = arith.constant 0 : i32
    %dma_start3A_41 = tpu.memref_slice %arg7[%rem3A_9, %dma_start3A_39, %dma_start3A_40] : memref<2x4x4000xf32, #tpu.memory_space<vmem>> -> memref<1x4x4000xf32, #tpu.memory_space<vmem>>
    %dma_start3A_42 = tpu.memref_squeeze %dma_start3A_41 : memref<1x4x4000xf32, #tpu.memory_space<vmem>> -> memref<4x4000xf32, #tpu.memory_space<vmem>>
    %dma_start3A_43 = arith.constant 0 : i32
    %dma_start3A_44 = tpu.memref_slice %arg3[%dma_start3A_43, %mul3A_13] : memref<4x248000xf32, #tpu.memory_space<hbm>> -> memref<4x4000xf32, #tpu.memory_space<hbm>>
    tpu.enqueue_dma source(%dma_start3A_44 : memref<4x4000xf32, #tpu.memory_space<hbm>>) target(%dma_start3A_42 : memref<4x4000xf32, #tpu.memory_space<vmem>>) target_semaphore(%dma_start3A_38 : memref<!tpu.dma_semaphore, #tpu.memory_space<semaphore_mem>>)
    %dma_start3A_45 = arith.constant 0 : i32
    %dma_start3A_46 = tpu.memref_slice %arg8[%rem3A_9, %dma_start3A_45] : memref<2x4000xi32, #tpu.memory_space<vmem>> -> memref<1x4000xi32, #tpu.memory_space<vmem>>
    %dma_start3A_47 = tpu.memref_squeeze %dma_start3A_46 : memref<1x4000xi32, #tpu.memory_space<vmem>> -> memref<4000xi32, #tpu.memory_space<vmem>>
    %dma_start3A_48 = tpu.memref_slice %arg4[%add3A_17] : memref<1000000xi32, #tpu.memory_space<hbm>> -> memref<4000xi32, #tpu.memory_space<hbm>>
    %dma_start3A_49 = tpu.memref_slice %arg12[%rem3A_9] : memref<2x!tpu.dma_semaphore, #tpu.memory_space<semaphore_mem>> -> memref<1x!tpu.dma_semaphore, #tpu.memory_space<semaphore_mem>>
    %dma_start3A_50 = tpu.memref_squeeze %dma_start3A_49 : memref<1x!tpu.dma_semaphore, #tpu.memory_space<semaphore_mem>> -> memref<!tpu.dma_semaphore, #tpu.memory_space<semaphore_mem>>
    %dma_start3A_51 = arith.constant 0 : i32
    %dma_start3A_52 = tpu.memref_slice %arg8[%rem3A_9, %dma_start3A_51] : memref<2x4000xi32, #tpu.memory_space<vmem>> -> memref<1x4000xi32, #tpu.memory_space<vmem>>
    %dma_start3A_53 = tpu.memref_squeeze %dma_start3A_52 : memref<1x4000xi32, #tpu.memory_space<vmem>> -> memref<4000xi32, #tpu.memory_space<vmem>>
    %dma_start3A_54 = tpu.memref_slice %arg4[%add3A_17] : memref<1000000xi32, #tpu.memory_space<hbm>> -> memref<4000xi32, #tpu.memory_space<hbm>>
    tpu.enqueue_dma source(%dma_start3A_54 : memref<4000xi32, #tpu.memory_space<hbm>>) target(%dma_start3A_53 : memref<4000xi32, #tpu.memory_space<vmem>>) target_semaphore(%dma_start3A_50 : memref<!tpu.dma_semaphore, #tpu.memory_space<semaphore_mem>>)
    %while3A = arith.constant 0 : i32
    %while3A_55 = arith.subi %select_n3A, %while3A : i32
    %while3A_56 = arith.addi %while3A, %while3A_55 : i32
    %while3A_57 = arith.constant 1 : i32
    %while3A_58 = arith.divsi %while3A_55, %while3A_57 : i32
    %while3A_59 = arith.muli %while3A_58, %while3A_57 : i32
    %while3A_60 = arith.addi %while3A, %while3A_59 : i32
    %while3A_61 = arith.constant 1 : i32
    %while3A_62:3 = scf.for %while3A_96 = %while3A to %while3A_60 step %while3A_61 iter_args(%while3A_97 = %broadcast_in_dim3A_1, %while3A_98 = %broadcast_in_dim3A_1, %while3A_99 = %broadcast_in_dim3A_1) -> (vector<16xf32>, vector<16xf32>, vector<16xf32>)  : i32 {
      %add3A_100 = arith.constant 1 : i32
      %add3A_101 = arith.addi %while3A_96, %add3A_100 : i32
      %lt3A_102 = arith.cmpi slt, %add3A_101, %select_n3A : i32
      %convert_element_type3A = arith.extui %lt3A_102 : i1 to i32
      %cond3A = arith.constant 0 : i32
      %cond3A_103 = arith.cmpi ne, %convert_element_type3A, %cond3A : i32
      scf.if %cond3A_103 {
        %add3A_161 = arith.constant 1 : i32
        %add3A_162 = arith.addi %while3A_96, %add3A_161 : i32
        %mul3A_163 = arith.constant 32 : i32
        %mul3A_164 = arith.muli %add3A_162, %mul3A_163 : i32
        %add3A_165 = arith.addi %add3A, %mul3A_164 : i32
        %rem3A_166 = arith.constant 2 : i32
        %rem3A_167 = arith.remsi %add3A_162, %rem3A_166 : i32
        %mul3A_168 = arith.constant 4000 : i32
        %mul3A_169 = arith.muli %add3A_165, %mul3A_168 : i32
        %mul3A_170 = arith.constant 4000 : i32
        %mul3A_171 = arith.muli %add3A_165, %mul3A_170 : i32
        %mul3A_172 = arith.constant 4000 : i32
        %mul3A_173 = arith.muli %add3A_165, %mul3A_172 : i32
        %add3A_174 = arith.constant 0 : i32
        %add3A_175 = arith.addi %add3A_174, %mul3A_173 : i32
        %dma_start3A_176 = arith.constant 0 : i32
        %dma_start3A_177 = arith.constant 0 : i32
        %dma_start3A_178 = tpu.memref_slice %arg6[%rem3A_167, %dma_start3A_176, %dma_start3A_177] : memref<2x4x4000xf32, #tpu.memory_space<vmem>> -> memref<1x4x4000xf32, #tpu.memory_space<vmem>>
        %dma_start3A_179 = tpu.memref_squeeze %dma_start3A_178 : memref<1x4x4000xf32, #tpu.memory_space<vmem>> -> memref<4x4000xf32, #tpu.memory_space<vmem>>
        %dma_start3A_180 = arith.constant 0 : i32
        %dma_start3A_181 = tpu.memref_slice %arg2[%dma_start3A_180, %mul3A_169] : memref<4x248000xf32, #tpu.memory_space<hbm>> -> memref<4x4000xf32, #tpu.memory_space<hbm>>
        %dma_start3A_182 = tpu.memref_slice %arg10[%rem3A_167] : memref<2x!tpu.dma_semaphore, #tpu.memory_space<semaphore_mem>> -> memref<1x!tpu.dma_semaphore, #tpu.memory_space<semaphore_mem>>
        %dma_start3A_183 = tpu.memref_squeeze %dma_start3A_182 : memref<1x!tpu.dma_semaphore, #tpu.memory_space<semaphore_mem>> -> memref<!tpu.dma_semaphore, #tpu.memory_space<semaphore_mem>>
        %dma_start3A_184 = arith.constant 0 : i32
        %dma_start3A_185 = arith.constant 0 : i32
        %dma_start3A_186 = tpu.memref_slice %arg6[%rem3A_167, %dma_start3A_184, %dma_start3A_185] : memref<2x4x4000xf32, #tpu.memory_space<vmem>> -> memref<1x4x4000xf32, #tpu.memory_space<vmem>>
        %dma_start3A_187 = tpu.memref_squeeze %dma_start3A_186 : memref<1x4x4000xf32, #tpu.memory_space<vmem>> -> memref<4x4000xf32, #tpu.memory_space<vmem>>
        %dma_start3A_188 = arith.constant 0 : i32
        %dma_start3A_189 = tpu.memref_slice %arg2[%dma_start3A_188, %mul3A_169] : memref<4x248000xf32, #tpu.memory_space<hbm>> -> memref<4x4000xf32, #tpu.memory_space<hbm>>
        tpu.enqueue_dma source(%dma_start3A_189 : memref<4x4000xf32, #tpu.memory_space<hbm>>) target(%dma_start3A_187 : memref<4x4000xf32, #tpu.memory_space<vmem>>) target_semaphore(%dma_start3A_183 : memref<!tpu.dma_semaphore, #tpu.memory_space<semaphore_mem>>)
        %dma_start3A_190 = arith.constant 0 : i32
        %dma_start3A_191 = arith.constant 0 : i32
        %dma_start3A_192 = tpu.memref_slice %arg7[%rem3A_167, %dma_start3A_190, %dma_start3A_191] : memref<2x4x4000xf32, #tpu.memory_space<vmem>> -> memref<1x4x4000xf32, #tpu.memory_space<vmem>>
        %dma_start3A_193 = tpu.memref_squeeze %dma_start3A_192 : memref<1x4x4000xf32, #tpu.memory_space<vmem>> -> memref<4x4000xf32, #tpu.memory_space<vmem>>
        %dma_start3A_194 = arith.constant 0 : i32
        %dma_start3A_195 = tpu.memref_slice %arg3[%dma_start3A_194, %mul3A_171] : memref<4x248000xf32, #tpu.memory_space<hbm>> -> memref<4x4000xf32, #tpu.memory_space<hbm>>
        %dma_start3A_196 = tpu.memref_slice %arg11[%rem3A_167] : memref<2x!tpu.dma_semaphore, #tpu.memory_space<semaphore_mem>> -> memref<1x!tpu.dma_semaphore, #tpu.memory_space<semaphore_mem>>
        %dma_start3A_197 = tpu.memref_squeeze %dma_start3A_196 : memref<1x!tpu.dma_semaphore, #tpu.memory_space<semaphore_mem>> -> memref<!tpu.dma_semaphore, #tpu.memory_space<semaphore_mem>>
        %dma_start3A_198 = arith.constant 0 : i32
        %dma_start3A_199 = arith.constant 0 : i32
        %dma_start3A_200 = tpu.memref_slice %arg7[%rem3A_167, %dma_start3A_198, %dma_start3A_199] : memref<2x4x4000xf32, #tpu.memory_space<vmem>> -> memref<1x4x4000xf32, #tpu.memory_space<vmem>>
        %dma_start3A_201 = tpu.memref_squeeze %dma_start3A_200 : memref<1x4x4000xf32, #tpu.memory_space<vmem>> -> memref<4x4000xf32, #tpu.memory_space<vmem>>
        %dma_start3A_202 = arith.constant 0 : i32
        %dma_start3A_203 = tpu.memref_slice %arg3[%dma_start3A_202, %mul3A_171] : memref<4x248000xf32, #tpu.memory_space<hbm>> -> memref<4x4000xf32, #tpu.memory_space<hbm>>
        tpu.enqueue_dma source(%dma_start3A_203 : memref<4x4000xf32, #tpu.memory_space<hbm>>) target(%dma_start3A_201 : memref<4x4000xf32, #tpu.memory_space<vmem>>) target_semaphore(%dma_start3A_197 : memref<!tpu.dma_semaphore, #tpu.memory_space<semaphore_mem>>)
        %dma_start3A_204 = arith.constant 0 : i32
        %dma_start3A_205 = tpu.memref_slice %arg8[%rem3A_167, %dma_start3A_204] : memref<2x4000xi32, #tpu.memory_space<vmem>> -> memref<1x4000xi32, #tpu.memory_space<vmem>>
        %dma_start3A_206 = tpu.memref_squeeze %dma_start3A_205 : memref<1x4000xi32, #tpu.memory_space<vmem>> -> memref<4000xi32, #tpu.memory_space<vmem>>
        %dma_start3A_207 = tpu.memref_slice %arg4[%add3A_175] : memref<1000000xi32, #tpu.memory_space<hbm>> -> memref<4000xi32, #tpu.memory_space<hbm>>
        %dma_start3A_208 = tpu.memref_slice %arg12[%rem3A_167] : memref<2x!tpu.dma_semaphore, #tpu.memory_space<semaphore_mem>> -> memref<1x!tpu.dma_semaphore, #tpu.memory_space<semaphore_mem>>
        %dma_start3A_209 = tpu.memref_squeeze %dma_start3A_208 : memref<1x!tpu.dma_semaphore, #tpu.memory_space<semaphore_mem>> -> memref<!tpu.dma_semaphore, #tpu.memory_space<semaphore_mem>>
        %dma_start3A_210 = arith.constant 0 : i32
        %dma_start3A_211 = tpu.memref_slice %arg8[%rem3A_167, %dma_start3A_210] : memref<2x4000xi32, #tpu.memory_space<vmem>> -> memref<1x4000xi32, #tpu.memory_space<vmem>>
        %dma_start3A_212 = tpu.memref_squeeze %dma_start3A_211 : memref<1x4000xi32, #tpu.memory_space<vmem>> -> memref<4000xi32, #tpu.memory_space<vmem>>
        %dma_start3A_213 = tpu.memref_slice %arg4[%add3A_175] : memref<1000000xi32, #tpu.memory_space<hbm>> -> memref<4000xi32, #tpu.memory_space<hbm>>
        tpu.enqueue_dma source(%dma_start3A_213 : memref<4000xi32, #tpu.memory_space<hbm>>) target(%dma_start3A_212 : memref<4000xi32, #tpu.memory_space<vmem>>) target_semaphore(%dma_start3A_209 : memref<!tpu.dma_semaphore, #tpu.memory_space<semaphore_mem>>)
      } else {
      }
      %mul3A_104 = arith.constant 32 : i32
      %mul3A_105 = arith.muli %while3A_96, %mul3A_104 : i32
      %add3A_106 = arith.addi %add3A, %mul3A_105 : i32
      %rem3A_107 = arith.constant 2 : i32
      %rem3A_108 = arith.remsi %while3A_96, %rem3A_107 : i32
      %mul3A_109 = arith.constant 4000 : i32
      %mul3A_110 = arith.muli %add3A_106, %mul3A_109 : i32
      %mul3A_111 = arith.constant 4000 : i32
      %mul3A_112 = arith.muli %add3A_106, %mul3A_111 : i32
      %mul3A_113 = arith.constant 4000 : i32
      %mul3A_114 = arith.muli %add3A_106, %mul3A_113 : i32
      %add3A_115 = arith.constant 0 : i32
      %add3A_116 = arith.addi %add3A_115, %mul3A_114 : i32
      %dma_wait3A = arith.constant 0 : i32
      %dma_wait3A_117 = arith.constant 0 : i32
      %dma_wait3A_118 = tpu.memref_slice %arg6[%rem3A_108, %dma_wait3A, %dma_wait3A_117] : memref<2x4x4000xf32, #tpu.memory_space<vmem>> -> memref<1x4x4000xf32, #tpu.memory_space<vmem>>
      %dma_wait3A_119 = tpu.memref_squeeze %dma_wait3A_118 : memref<1x4x4000xf32, #tpu.memory_space<vmem>> -> memref<4x4000xf32, #tpu.memory_space<vmem>>
      %dma_wait3A_120 = arith.constant 0 : i32
      %dma_wait3A_121 = tpu.memref_slice %arg2[%dma_wait3A_120, %mul3A_110] : memref<4x248000xf32, #tpu.memory_space<hbm>> -> memref<4x4000xf32, #tpu.memory_space<hbm>>
      %dma_wait3A_122 = tpu.memref_slice %arg10[%rem3A_108] : memref<2x!tpu.dma_semaphore, #tpu.memory_space<semaphore_mem>> -> memref<1x!tpu.dma_semaphore, #tpu.memory_space<semaphore_mem>>
      %dma_wait3A_123 = tpu.memref_squeeze %dma_wait3A_122 : memref<1x!tpu.dma_semaphore, #tpu.memory_space<semaphore_mem>> -> memref<!tpu.dma_semaphore, #tpu.memory_space<semaphore_mem>>
      %dma_wait3A_124 = arith.constant 0 : i32
      %dma_wait3A_125 = arith.constant 0 : i32
      %dma_wait3A_126 = tpu.memref_slice %arg6[%rem3A_108, %dma_wait3A_124, %dma_wait3A_125] : memref<2x4x4000xf32, #tpu.memory_space<vmem>> -> memref<1x4x4000xf32, #tpu.memory_space<vmem>>
      %dma_wait3A_127 = tpu.memref_squeeze %dma_wait3A_126 : memref<1x4x4000xf32, #tpu.memory_space<vmem>> -> memref<4x4000xf32, #tpu.memory_space<vmem>>
      %dma_wait3A_128 = arith.constant 0 : i32
      %dma_wait3A_129 = tpu.memref_slice %arg2[%dma_wait3A_128, %mul3A_110] : memref<4x248000xf32, #tpu.memory_space<hbm>> -> memref<4x4000xf32, #tpu.memory_space<hbm>>
      tpu.wait_dma2 semaphore(%dma_wait3A_123 : memref<!tpu.dma_semaphore, #tpu.memory_space<semaphore_mem>>) src(%dma_wait3A_129 : memref<4x4000xf32, #tpu.memory_space<hbm>>) dst(%dma_wait3A_127 : memref<4x4000xf32, #tpu.memory_space<vmem>>)
      %dma_wait3A_130 = arith.constant 0 : i32
      %dma_wait3A_131 = arith.constant 0 : i32
      %dma_wait3A_132 = tpu.memref_slice %arg7[%rem3A_108, %dma_wait3A_130, %dma_wait3A_131] : memref<2x4x4000xf32, #tpu.memory_space<vmem>> -> memref<1x4x4000xf32, #tpu.memory_space<vmem>>
      %dma_wait3A_133 = tpu.memref_squeeze %dma_wait3A_132 : memref<1x4x4000xf32, #tpu.memory_space<vmem>> -> memref<4x4000xf32, #tpu.memory_space<vmem>>
      %dma_wait3A_134 = arith.constant 0 : i32
      %dma_wait3A_135 = tpu.memref_slice %arg3[%dma_wait3A_134, %mul3A_112] : memref<4x248000xf32, #tpu.memory_space<hbm>> -> memref<4x4000xf32, #tpu.memory_space<hbm>>
      %dma_wait3A_136 = tpu.memref_slice %arg11[%rem3A_108] : memref<2x!tpu.dma_semaphore, #tpu.memory_space<semaphore_mem>> -> memref<1x!tpu.dma_semaphore, #tpu.memory_space<semaphore_mem>>
      %dma_wait3A_137 = tpu.memref_squeeze %dma_wait3A_136 : memref<1x!tpu.dma_semaphore, #tpu.memory_space<semaphore_mem>> -> memref<!tpu.dma_semaphore, #tpu.memory_space<semaphore_mem>>
      %dma_wait3A_138 = arith.constant 0 : i32
      %dma_wait3A_139 = arith.constant 0 : i32
      %dma_wait3A_140 = tpu.memref_slice %arg7[%rem3A_108, %dma_wait3A_138, %dma_wait3A_139] : memref<2x4x4000xf32, #tpu.memory_space<vmem>> -> memref<1x4x4000xf32, #tpu.memory_space<vmem>>
      %dma_wait3A_141 = tpu.memref_squeeze %dma_wait3A_140 : memref<1x4x4000xf32, #tpu.memory_space<vmem>> -> memref<4x4000xf32, #tpu.memory_space<vmem>>
      %dma_wait3A_142 = arith.constant 0 : i32
      %dma_wait3A_143 = tpu.memref_slice %arg3[%dma_wait3A_142, %mul3A_112] : memref<4x248000xf32, #tpu.memory_space<hbm>> -> memref<4x4000xf32, #tpu.memory_space<hbm>>
      tpu.wait_dma2 semaphore(%dma_wait3A_137 : memref<!tpu.dma_semaphore, #tpu.memory_space<semaphore_mem>>) src(%dma_wait3A_143 : memref<4x4000xf32, #tpu.memory_space<hbm>>) dst(%dma_wait3A_141 : memref<4x4000xf32, #tpu.memory_space<vmem>>)
      %dma_wait3A_144 = arith.constant 0 : i32
      %dma_wait3A_145 = tpu.memref_slice %arg8[%rem3A_108, %dma_wait3A_144] : memref<2x4000xi32, #tpu.memory_space<vmem>> -> memref<1x4000xi32, #tpu.memory_space<vmem>>
      %dma_wait3A_146 = tpu.memref_squeeze %dma_wait3A_145 : memref<1x4000xi32, #tpu.memory_space<vmem>> -> memref<4000xi32, #tpu.memory_space<vmem>>
      %dma_wait3A_147 = tpu.memref_slice %arg4[%add3A_116] : memref<1000000xi32, #tpu.memory_space<hbm>> -> memref<4000xi32, #tpu.memory_space<hbm>>
      %dma_wait3A_148 = tpu.memref_slice %arg12[%rem3A_108] : memref<2x!tpu.dma_semaphore, #tpu.memory_space<semaphore_mem>> -> memref<1x!tpu.dma_semaphore, #tpu.memory_space<semaphore_mem>>
      %dma_wait3A_149 = tpu.memref_squeeze %dma_wait3A_148 : memref<1x!tpu.dma_semaphore, #tpu.memory_space<semaphore_mem>> -> memref<!tpu.dma_semaphore, #tpu.memory_space<semaphore_mem>>
      %dma_wait3A_150 = arith.constant 0 : i32
      %dma_wait3A_151 = tpu.memref_slice %arg8[%rem3A_108, %dma_wait3A_150] : memref<2x4000xi32, #tpu.memory_space<vmem>> -> memref<1x4000xi32, #tpu.memory_space<vmem>>
      %dma_wait3A_152 = tpu.memref_squeeze %dma_wait3A_151 : memref<1x4000xi32, #tpu.memory_space<vmem>> -> memref<4000xi32, #tpu.memory_space<vmem>>
      %dma_wait3A_153 = tpu.memref_slice %arg4[%add3A_116] : memref<1000000xi32, #tpu.memory_space<hbm>> -> memref<4000xi32, #tpu.memory_space<hbm>>
      tpu.wait_dma2 semaphore(%dma_wait3A_149 : memref<!tpu.dma_semaphore, #tpu.memory_space<semaphore_mem>>) src(%dma_wait3A_153 : memref<4000xi32, #tpu.memory_space<hbm>>) dst(%dma_wait3A_152 : memref<4000xi32, #tpu.memory_space<vmem>>)
      %rem3A_154 = arith.constant 2 : i32
      %rem3A_155 = arith.remsi %while3A_96, %rem3A_154 : i32
      %scan3A = arith.constant 0 : i32
      %scan3A_156 = arith.constant 125 : i32
      %scan3A_157 = arith.addi %scan3A, %scan3A_156 : i32
      %scan3A_158 = arith.constant 1 : i32
      %scan3A_159:3 = scf.for %scan3A_161 = %scan3A to %scan3A_157 step %scan3A_158 iter_args(%scan3A_162 = %while3A_97, %scan3A_163 = %while3A_98, %scan3A_164 = %while3A_99) -> (vector<16xf32>, vector<16xf32>, vector<16xf32>)  : i32 {
        %mul3A_165 = arith.constant 2 : i32
        %mul3A_166 = arith.muli %scan3A_161, %mul3A_165 : i32
        %add3A_167 = arith.constant 0 : i32
        %add3A_168 = arith.addi %mul3A_166, %add3A_167 : i32
        %mul3A_169 = arith.constant 16 : i32
        %mul3A_170 = arith.muli %add3A_168, %mul3A_169 : i32
        %get3A = arith.index_cast %rem3A_155 : i32 to index
        %get3A_171 = arith.index_cast %mul3A_170 : i32 to index
        %get3A_172 = tpu.vector_load %arg8[%get3A, %get3A_171] {strides = array<i32>} : memref<2x4000xi32, #tpu.memory_space<vmem>>, vector<1x16xi32>,
        %get3A_173 = vector.shape_cast %get3A_172 : vector<1x16xi32> to vector<16xi32>
        %eq3A = arith.constant 1 : i32
        %eq3A_174 = vector.broadcast %eq3A : i32 to vector<16xi32>
        %eq3A_175 = arith.cmpi eq, %get3A_173, %eq3A_174 : vector<16xi32>
        %select_n3A_176 = arith.select %eq3A_175, %broadcast_in_dim3A_3, %broadcast_in_dim3A_1 : vector<16xi1>, vector<16xf32>
        %add3A_177 = arith.addf %scan3A_163, %select_n3A_176 : vector<16xf32>
        %convert_element_type3A_178 = arith.sitofp %get3A_173 : vector<16xi32> to vector<16xf32>
        %add3A_179 = arith.addf %scan3A_164, %convert_element_type3A_178 : vector<16xf32>
        %mul3A_180 = arith.constant 16 : i32
        %mul3A_181 = arith.muli %add3A_168, %mul3A_180 : i32
        %get3A_182 = arith.constant 0 : i32
        %get3A_183 = arith.index_cast %rem3A_155 : i32 to index
        %get3A_184 = arith.index_cast %get3A_182 : i32 to index
        %get3A_185 = arith.index_cast %mul3A_181 : i32 to index
        %get3A_186 = tpu.vector_load %arg6[%get3A_183, %get3A_184, %get3A_185] {strides = array<i32>} : memref<2x4x4000xf32, #tpu.memory_space<vmem>>, vector<1x1x16xf32>,
        %get3A_187 = vector.shape_cast %get3A_186 : vector<1x1x16xf32> to vector<16xf32>
        %mul3A_188 = arith.constant 16 : i32
        %mul3A_189 = arith.muli %add3A_168, %mul3A_188 : i32
        %get3A_190 = arith.constant 0 : i32
        %get3A_191 = arith.index_cast %rem3A_155 : i32 to index
        %get3A_192 = arith.index_cast %get3A_190 : i32 to index
        %get3A_193 = arith.index_cast %mul3A_189 : i32 to index
        %get3A_194 = tpu.vector_load %arg7[%get3A_191, %get3A_192, %get3A_193] {strides = array<i32>} : memref<2x4x4000xf32, #tpu.memory_space<vmem>>, vector<1x1x16xf32>,
        %get3A_195 = vector.shape_cast %get3A_194 : vector<1x1x16xf32> to vector<16xf32>
        %sub3A = arith.subf %get3A_187, %get3A_195 : vector<16xf32>
        %abs3A = math.absf %sub3A : vector<16xf32>
        %min3A = arith.constant 1.000000e+00 : f32
        %min3A_196 = vector.broadcast %min3A : f32 to vector<16xf32>
        %min3A_197 = arith.minimumf %abs3A, %min3A_196 : vector<16xf32>
        %add3A_198 = arith.addf %abs3A, %abs3A : vector<16xf32>
        %sub3A_199 = arith.subf %add3A_198, %min3A_197 : vector<16xf32>
        %mul3A_200 = arith.mulf %min3A_197, %sub3A_199 : vector<16xf32>
        %mul3A_201 = arith.mulf %mul3A_200, %select_n3A_176 : vector<16xf32>
        %add3A_202 = arith.addf %scan3A_162, %mul3A_201 : vector<16xf32>
        %mul3A_203 = arith.constant 16 : i32
        %mul3A_204 = arith.muli %add3A_168, %mul3A_203 : i32
        %get3A_205 = arith.constant 1 : i32
        %get3A_206 = arith.index_cast %rem3A_155 : i32 to index
        %get3A_207 = arith.index_cast %get3A_205 : i32 to index
        %get3A_208 = arith.index_cast %mul3A_204 : i32 to index
        %get3A_209 = tpu.vector_load %arg6[%get3A_206, %get3A_207, %get3A_208] {strides = array<i32>} : memref<2x4x4000xf32, #tpu.memory_space<vmem>>, vector<1x1x16xf32>,
        %get3A_210 = vector.shape_cast %get3A_209 : vector<1x1x16xf32> to vector<16xf32>
        %mul3A_211 = arith.constant 16 : i32
        %mul3A_212 = arith.muli %add3A_168, %mul3A_211 : i32
        %get3A_213 = arith.constant 1 : i32
        %get3A_214 = arith.index_cast %rem3A_155 : i32 to index
        %get3A_215 = arith.index_cast %get3A_213 : i32 to index
        %get3A_216 = arith.index_cast %mul3A_212 : i32 to index
        %get3A_217 = tpu.vector_load %arg7[%get3A_214, %get3A_215, %get3A_216] {strides = array<i32>} : memref<2x4x4000xf32, #tpu.memory_space<vmem>>, vector<1x1x16xf32>,
        %get3A_218 = vector.shape_cast %get3A_217 : vector<1x1x16xf32> to vector<16xf32>
        %sub3A_219 = arith.subf %get3A_210, %get3A_218 : vector<16xf32>
        %abs3A_220 = math.absf %sub3A_219 : vector<16xf32>
        %min3A_221 = arith.constant 1.000000e+00 : f32
        %min3A_222 = vector.broadcast %min3A_221 : f32 to vector<16xf32>
        %min3A_223 = arith.minimumf %abs3A_220, %min3A_222 : vector<16xf32>
        %add3A_224 = arith.addf %abs3A_220, %abs3A_220 : vector<16xf32>
        %sub3A_225 = arith.subf %add3A_224, %min3A_223 : vector<16xf32>
        %mul3A_226 = arith.mulf %min3A_223, %sub3A_225 : vector<16xf32>
        %mul3A_227 = arith.mulf %mul3A_226, %select_n3A_176 : vector<16xf32>
        %add3A_228 = arith.addf %add3A_202, %mul3A_227 : vector<16xf32>
        %mul3A_229 = arith.constant 16 : i32
        %mul3A_230 = arith.muli %add3A_168, %mul3A_229 : i32
        %get3A_231 = arith.constant 2 : i32
        %get3A_232 = arith.index_cast %rem3A_155 : i32 to index
        %get3A_233 = arith.index_cast %get3A_231 : i32 to index
        %get3A_234 = arith.index_cast %mul3A_230 : i32 to index
        %get3A_235 = tpu.vector_load %arg6[%get3A_232, %get3A_233, %get3A_234] {strides = array<i32>} : memref<2x4x4000xf32, #tpu.memory_space<vmem>>, vector<1x1x16xf32>,
        %get3A_236 = vector.shape_cast %get3A_235 : vector<1x1x16xf32> to vector<16xf32>
        %mul3A_237 = arith.constant 16 : i32
        %mul3A_238 = arith.muli %add3A_168, %mul3A_237 : i32
        %get3A_239 = arith.constant 2 : i32
        %get3A_240 = arith.index_cast %rem3A_155 : i32 to index
        %get3A_241 = arith.index_cast %get3A_239 : i32 to index
        %get3A_242 = arith.index_cast %mul3A_238 : i32 to index
        %get3A_243 = tpu.vector_load %arg7[%get3A_240, %get3A_241, %get3A_242] {strides = array<i32>} : memref<2x4x4000xf32, #tpu.memory_space<vmem>>, vector<1x1x16xf32>,
        %get3A_244 = vector.shape_cast %get3A_243 : vector<1x1x16xf32> to vector<16xf32>
        %sub3A_245 = arith.subf %get3A_236, %get3A_244 : vector<16xf32>
        %abs3A_246 = math.absf %sub3A_245 : vector<16xf32>
        %min3A_247 = arith.constant 1.000000e+00 : f32
        %min3A_248 = vector.broadcast %min3A_247 : f32 to vector<16xf32>
        %min3A_249 = arith.minimumf %abs3A_246, %min3A_248 : vector<16xf32>
        %add3A_250 = arith.addf %abs3A_246, %abs3A_246 : vector<16xf32>
        %sub3A_251 = arith.subf %add3A_250, %min3A_249 : vector<16xf32>
        %mul3A_252 = arith.mulf %min3A_249, %sub3A_251 : vector<16xf32>
        %mul3A_253 = arith.mulf %mul3A_252, %select_n3A_176 : vector<16xf32>
        %add3A_254 = arith.addf %add3A_228, %mul3A_253 : vector<16xf32>
        %mul3A_255 = arith.constant 16 : i32
        %mul3A_256 = arith.muli %add3A_168, %mul3A_255 : i32
        %get3A_257 = arith.constant 3 : i32
        %get3A_258 = arith.index_cast %rem3A_155 : i32 to index
        %get3A_259 = arith.index_cast %get3A_257 : i32 to index
        %get3A_260 = arith.index_cast %mul3A_256 : i32 to index
        %get3A_261 = tpu.vector_load %arg6[%get3A_258, %get3A_259, %get3A_260] {strides = array<i32>} : memref<2x4x4000xf32, #tpu.memory_space<vmem>>, vector<1x1x16xf32>,
        %get3A_262 = vector.shape_cast %get3A_261 : vector<1x1x16xf32> to vector<16xf32>
        %mul3A_263 = arith.constant 16 : i32
        %mul3A_264 = arith.muli %add3A_168, %mul3A_263 : i32
        %get3A_265 = arith.constant 3 : i32
        %get3A_266 = arith.index_cast %rem3A_155 : i32 to index
        %get3A_267 = arith.index_cast %get3A_265 : i32 to index
        %get3A_268 = arith.index_cast %mul3A_264 : i32 to index
        %get3A_269 = tpu.vector_load %arg7[%get3A_266, %get3A_267, %get3A_268] {strides = array<i32>} : memref<2x4x4000xf32, #tpu.memory_space<vmem>>, vector<1x1x16xf32>,
        %get3A_270 = vector.shape_cast %get3A_269 : vector<1x1x16xf32> to vector<16xf32>
        %sub3A_271 = arith.subf %get3A_262, %get3A_270 : vector<16xf32>
        %abs3A_272 = math.absf %sub3A_271 : vector<16xf32>
        %min3A_273 = arith.constant 1.000000e+00 : f32
        %min3A_274 = vector.broadcast %min3A_273 : f32 to vector<16xf32>
        %min3A_275 = arith.minimumf %abs3A_272, %min3A_274 : vector<16xf32>
        %add3A_276 = arith.addf %abs3A_272, %abs3A_272 : vector<16xf32>
        %sub3A_277 = arith.subf %add3A_276, %min3A_275 : vector<16xf32>
        %mul3A_278 = arith.mulf %min3A_275, %sub3A_277 : vector<16xf32>
        %mul3A_279 = arith.mulf %mul3A_278, %select_n3A_176 : vector<16xf32>
        %add3A_280 = arith.addf %add3A_254, %mul3A_279 : vector<16xf32>
        %mul3A_281 = arith.constant 2 : i32
        %mul3A_282 = arith.muli %scan3A_161, %mul3A_281 : i32
        %add3A_283 = arith.constant 1 : i32
        %add3A_284 = arith.addi %mul3A_282, %add3A_283 : i32
        %mul3A_285 = arith.constant 16 : i32
        %mul3A_286 = arith.muli %add3A_284, %mul3A_285 : i32
        %get3A_287 = arith.index_cast %rem3A_155 : i32 to index
        %get3A_288 = arith.index_cast %mul3A_286 : i32 to index
        %get3A_289 = tpu.vector_load %arg8[%get3A_287, %get3A_288] {strides = array<i32>} : memref<2x4000xi32, #tpu.memory_space<vmem>>, vector<1x16xi32>,
        %get3A_290 = vector.shape_cast %get3A_289 : vector<1x16xi32> to vector<16xi32>
        %eq3A_291 = arith.constant 1 : i32
        %eq3A_292 = vector.broadcast %eq3A_291 : i32 to vector<16xi32>
        %eq3A_293 = arith.cmpi eq, %get3A_290, %eq3A_292 : vector<16xi32>
        %select_n3A_294 = arith.select %eq3A_293, %broadcast_in_dim3A_3, %broadcast_in_dim3A_1 : vector<16xi1>, vector<16xf32>
        %add3A_295 = arith.addf %add3A_177, %select_n3A_294 : vector<16xf32>
        %convert_element_type3A_296 = arith.sitofp %get3A_290 : vector<16xi32> to vector<16xf32>
        %add3A_297 = arith.addf %add3A_179, %convert_element_type3A_296 : vector<16xf32>
        %mul3A_298 = arith.constant 16 : i32
        %mul3A_299 = arith.muli %add3A_284, %mul3A_298 : i32
        %get3A_300 = arith.constant 0 : i32
        %get3A_301 = arith.index_cast %rem3A_155 : i32 to index
        %get3A_302 = arith.index_cast %get3A_300 : i32 to index
        %get3A_303 = arith.index_cast %mul3A_299 : i32 to index
        %get3A_304 = tpu.vector_load %arg6[%get3A_301, %get3A_302, %get3A_303] {strides = array<i32>} : memref<2x4x4000xf32, #tpu.memory_space<vmem>>, vector<1x1x16xf32>,
        %get3A_305 = vector.shape_cast %get3A_304 : vector<1x1x16xf32> to vector<16xf32>
        %mul3A_306 = arith.constant 16 : i32
        %mul3A_307 = arith.muli %add3A_284, %mul3A_306 : i32
        %get3A_308 = arith.constant 0 : i32
        %get3A_309 = arith.index_cast %rem3A_155 : i32 to index
        %get3A_310 = arith.index_cast %get3A_308 : i32 to index
        %get3A_311 = arith.index_cast %mul3A_307 : i32 to index
        %get3A_312 = tpu.vector_load %arg7[%get3A_309, %get3A_310, %get3A_311] {strides = array<i32>} : memref<2x4x4000xf32, #tpu.memory_space<vmem>>, vector<1x1x16xf32>,
        %get3A_313 = vector.shape_cast %get3A_312 : vector<1x1x16xf32> to vector<16xf32>
        %sub3A_314 = arith.subf %get3A_305, %get3A_313 : vector<16xf32>
        %abs3A_315 = math.absf %sub3A_314 : vector<16xf32>
        %min3A_316 = arith.constant 1.000000e+00 : f32
        %min3A_317 = vector.broadcast %min3A_316 : f32 to vector<16xf32>
        %min3A_318 = arith.minimumf %abs3A_315, %min3A_317 : vector<16xf32>
        %add3A_319 = arith.addf %abs3A_315, %abs3A_315 : vector<16xf32>
        %sub3A_320 = arith.subf %add3A_319, %min3A_318 : vector<16xf32>
        %mul3A_321 = arith.mulf %min3A_318, %sub3A_320 : vector<16xf32>
        %mul3A_322 = arith.mulf %mul3A_321, %select_n3A_294 : vector<16xf32>
        %add3A_323 = arith.addf %add3A_280, %mul3A_322 : vector<16xf32>
        %mul3A_324 = arith.constant 16 : i32
        %mul3A_325 = arith.muli %add3A_284, %mul3A_324 : i32
        %get3A_326 = arith.constant 1 : i32
        %get3A_327 = arith.index_cast %rem3A_155 : i32 to index
        %get3A_328 = arith.index_cast %get3A_326 : i32 to index
        %get3A_329 = arith.index_cast %mul3A_325 : i32 to index
        %get3A_330 = tpu.vector_load %arg6[%get3A_327, %get3A_328, %get3A_329] {strides = array<i32>} : memref<2x4x4000xf32, #tpu.memory_space<vmem>>, vector<1x1x16xf32>,
        %get3A_331 = vector.shape_cast %get3A_330 : vector<1x1x16xf32> to vector<16xf32>
        %mul3A_332 = arith.constant 16 : i32
        %mul3A_333 = arith.muli %add3A_284, %mul3A_332 : i32
        %get3A_334 = arith.constant 1 : i32
        %get3A_335 = arith.index_cast %rem3A_155 : i32 to index
        %get3A_336 = arith.index_cast %get3A_334 : i32 to index
        %get3A_337 = arith.index_cast %mul3A_333 : i32 to index
        %get3A_338 = tpu.vector_load %arg7[%get3A_335, %get3A_336, %get3A_337] {strides = array<i32>} : memref<2x4x4000xf32, #tpu.memory_space<vmem>>, vector<1x1x16xf32>,
        %get3A_339 = vector.shape_cast %get3A_338 : vector<1x1x16xf32> to vector<16xf32>
        %sub3A_340 = arith.subf %get3A_331, %get3A_339 : vector<16xf32>
        %abs3A_341 = math.absf %sub3A_340 : vector<16xf32>
        %min3A_342 = arith.constant 1.000000e+00 : f32
        %min3A_343 = vector.broadcast %min3A_342 : f32 to vector<16xf32>
        %min3A_344 = arith.minimumf %abs3A_341, %min3A_343 : vector<16xf32>
        %add3A_345 = arith.addf %abs3A_341, %abs3A_341 : vector<16xf32>
        %sub3A_346 = arith.subf %add3A_345, %min3A_344 : vector<16xf32>
        %mul3A_347 = arith.mulf %min3A_344, %sub3A_346 : vector<16xf32>
        %mul3A_348 = arith.mulf %mul3A_347, %select_n3A_294 : vector<16xf32>
        %add3A_349 = arith.addf %add3A_323, %mul3A_348 : vector<16xf32>
        %mul3A_350 = arith.constant 16 : i32
        %mul3A_351 = arith.muli %add3A_284, %mul3A_350 : i32
        %get3A_352 = arith.constant 2 : i32
        %get3A_353 = arith.index_cast %rem3A_155 : i32 to index
        %get3A_354 = arith.index_cast %get3A_352 : i32 to index
        %get3A_355 = arith.index_cast %mul3A_351 : i32 to index
        %get3A_356 = tpu.vector_load %arg6[%get3A_353, %get3A_354, %get3A_355] {strides = array<i32>} : memref<2x4x4000xf32, #tpu.memory_space<vmem>>, vector<1x1x16xf32>,
        %get3A_357 = vector.shape_cast %get3A_356 : vector<1x1x16xf32> to vector<16xf32>
        %mul3A_358 = arith.constant 16 : i32
        %mul3A_359 = arith.muli %add3A_284, %mul3A_358 : i32
        %get3A_360 = arith.constant 2 : i32
        %get3A_361 = arith.index_cast %rem3A_155 : i32 to index
        %get3A_362 = arith.index_cast %get3A_360 : i32 to index
        %get3A_363 = arith.index_cast %mul3A_359 : i32 to index
        %get3A_364 = tpu.vector_load %arg7[%get3A_361, %get3A_362, %get3A_363] {strides = array<i32>} : memref<2x4x4000xf32, #tpu.memory_space<vmem>>, vector<1x1x16xf32>,
        %get3A_365 = vector.shape_cast %get3A_364 : vector<1x1x16xf32> to vector<16xf32>
        %sub3A_366 = arith.subf %get3A_357, %get3A_365 : vector<16xf32>
        %abs3A_367 = math.absf %sub3A_366 : vector<16xf32>
        %min3A_368 = arith.constant 1.000000e+00 : f32
        %min3A_369 = vector.broadcast %min3A_368 : f32 to vector<16xf32>
        %min3A_370 = arith.minimumf %abs3A_367, %min3A_369 : vector<16xf32>
        %add3A_371 = arith.addf %abs3A_367, %abs3A_367 : vector<16xf32>
        %sub3A_372 = arith.subf %add3A_371, %min3A_370 : vector<16xf32>
        %mul3A_373 = arith.mulf %min3A_370, %sub3A_372 : vector<16xf32>
        %mul3A_374 = arith.mulf %mul3A_373, %select_n3A_294 : vector<16xf32>
        %add3A_375 = arith.addf %add3A_349, %mul3A_374 : vector<16xf32>
        %mul3A_376 = arith.constant 16 : i32
        %mul3A_377 = arith.muli %add3A_284, %mul3A_376 : i32
        %get3A_378 = arith.constant 3 : i32
        %get3A_379 = arith.index_cast %rem3A_155 : i32 to index
        %get3A_380 = arith.index_cast %get3A_378 : i32 to index
        %get3A_381 = arith.index_cast %mul3A_377 : i32 to index
        %get3A_382 = tpu.vector_load %arg6[%get3A_379, %get3A_380, %get3A_381] {strides = array<i32>} : memref<2x4x4000xf32, #tpu.memory_space<vmem>>, vector<1x1x16xf32>,
        %get3A_383 = vector.shape_cast %get3A_382 : vector<1x1x16xf32> to vector<16xf32>
        %mul3A_384 = arith.constant 16 : i32
        %mul3A_385 = arith.muli %add3A_284, %mul3A_384 : i32
        %get3A_386 = arith.constant 3 : i32
        %get3A_387 = arith.index_cast %rem3A_155 : i32 to index
        %get3A_388 = arith.index_cast %get3A_386 : i32 to index
        %get3A_389 = arith.index_cast %mul3A_385 : i32 to index
        %get3A_390 = tpu.vector_load %arg7[%get3A_387, %get3A_388, %get3A_389] {strides = array<i32>} : memref<2x4x4000xf32, #tpu.memory_space<vmem>>, vector<1x1x16xf32>,
        %get3A_391 = vector.shape_cast %get3A_390 : vector<1x1x16xf32> to vector<16xf32>
        %sub3A_392 = arith.subf %get3A_383, %get3A_391 : vector<16xf32>
        %abs3A_393 = math.absf %sub3A_392 : vector<16xf32>
        %min3A_394 = arith.constant 1.000000e+00 : f32
        %min3A_395 = vector.broadcast %min3A_394 : f32 to vector<16xf32>
        %min3A_396 = arith.minimumf %abs3A_393, %min3A_395 : vector<16xf32>
        %add3A_397 = arith.addf %abs3A_393, %abs3A_393 : vector<16xf32>
        %sub3A_398 = arith.subf %add3A_397, %min3A_396 : vector<16xf32>
        %mul3A_399 = arith.mulf %min3A_396, %sub3A_398 : vector<16xf32>
        %mul3A_400 = arith.mulf %mul3A_399, %select_n3A_294 : vector<16xf32>
        %add3A_401 = arith.addf %add3A_375, %mul3A_400 : vector<16xf32>
        scf.yield %add3A_401, %add3A_295, %add3A_297 : vector<16xf32>, vector<16xf32>, vector<16xf32>
      }
      %scan3A_160 = arith.constant 125 : i32
      scf.yield %scan3A_159#0, %scan3A_159#1, %scan3A_159#2 : vector<16xf32>, vector<16xf32>, vector<16xf32>
    }
    %while3A_63 = arith.constant 1 : i32
    %while3A_64:3 = scf.for %while3A_96 = %while3A_60 to %while3A_56 step %while3A_63 iter_args(%while3A_97 = %while3A_62#0, %while3A_98 = %while3A_62#1, %while3A_99 = %while3A_62#2) -> (vector<16xf32>, vector<16xf32>, vector<16xf32>)  : i32 {
      %add3A_100 = arith.constant 1 : i32
      %add3A_101 = arith.addi %while3A_96, %add3A_100 : i32
      %lt3A_102 = arith.cmpi slt, %add3A_101, %select_n3A : i32
      %convert_element_type3A = arith.extui %lt3A_102 : i1 to i32
      %cond3A = arith.constant 0 : i32
      %cond3A_103 = arith.cmpi ne, %convert_element_type3A, %cond3A : i32
      scf.if %cond3A_103 {
        %add3A_161 = arith.constant 1 : i32
        %add3A_162 = arith.addi %while3A_96, %add3A_161 : i32
        %mul3A_163 = arith.constant 32 : i32
        %mul3A_164 = arith.muli %add3A_162, %mul3A_163 : i32
        %add3A_165 = arith.addi %add3A, %mul3A_164 : i32
        %rem3A_166 = arith.constant 2 : i32
        %rem3A_167 = arith.remsi %add3A_162, %rem3A_166 : i32
        %mul3A_168 = arith.constant 4000 : i32
        %mul3A_169 = arith.muli %add3A_165, %mul3A_168 : i32
        %mul3A_170 = arith.constant 4000 : i32
        %mul3A_171 = arith.muli %add3A_165, %mul3A_170 : i32
        %mul3A_172 = arith.constant 4000 : i32
        %mul3A_173 = arith.muli %add3A_165, %mul3A_172 : i32
        %add3A_174 = arith.constant 0 : i32
        %add3A_175 = arith.addi %add3A_174, %mul3A_173 : i32
        %dma_start3A_176 = arith.constant 0 : i32
        %dma_start3A_177 = arith.constant 0 : i32
        %dma_start3A_178 = tpu.memref_slice %arg6[%rem3A_167, %dma_start3A_176, %dma_start3A_177] : memref<2x4x4000xf32, #tpu.memory_space<vmem>> -> memref<1x4x4000xf32, #tpu.memory_space<vmem>>
        %dma_start3A_179 = tpu.memref_squeeze %dma_start3A_178 : memref<1x4x4000xf32, #tpu.memory_space<vmem>> -> memref<4x4000xf32, #tpu.memory_space<vmem>>
        %dma_start3A_180 = arith.constant 0 : i32
        %dma_start3A_181 = tpu.memref_slice %arg2[%dma_start3A_180, %mul3A_169] : memref<4x248000xf32, #tpu.memory_space<hbm>> -> memref<4x4000xf32, #tpu.memory_space<hbm>>
        %dma_start3A_182 = tpu.memref_slice %arg10[%rem3A_167] : memref<2x!tpu.dma_semaphore, #tpu.memory_space<semaphore_mem>> -> memref<1x!tpu.dma_semaphore, #tpu.memory_space<semaphore_mem>>
        %dma_start3A_183 = tpu.memref_squeeze %dma_start3A_182 : memref<1x!tpu.dma_semaphore, #tpu.memory_space<semaphore_mem>> -> memref<!tpu.dma_semaphore, #tpu.memory_space<semaphore_mem>>
        %dma_start3A_184 = arith.constant 0 : i32
        %dma_start3A_185 = arith.constant 0 : i32
        %dma_start3A_186 = tpu.memref_slice %arg6[%rem3A_167, %dma_start3A_184, %dma_start3A_185] : memref<2x4x4000xf32, #tpu.memory_space<vmem>> -> memref<1x4x4000xf32, #tpu.memory_space<vmem>>
        %dma_start3A_187 = tpu.memref_squeeze %dma_start3A_186 : memref<1x4x4000xf32, #tpu.memory_space<vmem>> -> memref<4x4000xf32, #tpu.memory_space<vmem>>
        %dma_start3A_188 = arith.constant 0 : i32
        %dma_start3A_189 = tpu.memref_slice %arg2[%dma_start3A_188, %mul3A_169] : memref<4x248000xf32, #tpu.memory_space<hbm>> -> memref<4x4000xf32, #tpu.memory_space<hbm>>
        tpu.enqueue_dma source(%dma_start3A_189 : memref<4x4000xf32, #tpu.memory_space<hbm>>) target(%dma_start3A_187 : memref<4x4000xf32, #tpu.memory_space<vmem>>) target_semaphore(%dma_start3A_183 : memref<!tpu.dma_semaphore, #tpu.memory_space<semaphore_mem>>)
        %dma_start3A_190 = arith.constant 0 : i32
        %dma_start3A_191 = arith.constant 0 : i32
        %dma_start3A_192 = tpu.memref_slice %arg7[%rem3A_167, %dma_start3A_190, %dma_start3A_191] : memref<2x4x4000xf32, #tpu.memory_space<vmem>> -> memref<1x4x4000xf32, #tpu.memory_space<vmem>>
        %dma_start3A_193 = tpu.memref_squeeze %dma_start3A_192 : memref<1x4x4000xf32, #tpu.memory_space<vmem>> -> memref<4x4000xf32, #tpu.memory_space<vmem>>
        %dma_start3A_194 = arith.constant 0 : i32
        %dma_start3A_195 = tpu.memref_slice %arg3[%dma_start3A_194, %mul3A_171] : memref<4x248000xf32, #tpu.memory_space<hbm>> -> memref<4x4000xf32, #tpu.memory_space<hbm>>
        %dma_start3A_196 = tpu.memref_slice %arg11[%rem3A_167] : memref<2x!tpu.dma_semaphore, #tpu.memory_space<semaphore_mem>> -> memref<1x!tpu.dma_semaphore, #tpu.memory_space<semaphore_mem>>
        %dma_start3A_197 = tpu.memref_squeeze %dma_start3A_196 : memref<1x!tpu.dma_semaphore, #tpu.memory_space<semaphore_mem>> -> memref<!tpu.dma_semaphore, #tpu.memory_space<semaphore_mem>>
        %dma_start3A_198 = arith.constant 0 : i32
        %dma_start3A_199 = arith.constant 0 : i32
        %dma_start3A_200 = tpu.memref_slice %arg7[%rem3A_167, %dma_start3A_198, %dma_start3A_199] : memref<2x4x4000xf32, #tpu.memory_space<vmem>> -> memref<1x4x4000xf32, #tpu.memory_space<vmem>>
        %dma_start3A_201 = tpu.memref_squeeze %dma_start3A_200 : memref<1x4x4000xf32, #tpu.memory_space<vmem>> -> memref<4x4000xf32, #tpu.memory_space<vmem>>
        %dma_start3A_202 = arith.constant 0 : i32
        %dma_start3A_203 = tpu.memref_slice %arg3[%dma_start3A_202, %mul3A_171] : memref<4x248000xf32, #tpu.memory_space<hbm>> -> memref<4x4000xf32, #tpu.memory_space<hbm>>
        tpu.enqueue_dma source(%dma_start3A_203 : memref<4x4000xf32, #tpu.memory_space<hbm>>) target(%dma_start3A_201 : memref<4x4000xf32, #tpu.memory_space<vmem>>) target_semaphore(%dma_start3A_197 : memref<!tpu.dma_semaphore, #tpu.memory_space<semaphore_mem>>)
        %dma_start3A_204 = arith.constant 0 : i32
        %dma_start3A_205 = tpu.memref_slice %arg8[%rem3A_167, %dma_start3A_204] : memref<2x4000xi32, #tpu.memory_space<vmem>> -> memref<1x4000xi32, #tpu.memory_space<vmem>>
        %dma_start3A_206 = tpu.memref_squeeze %dma_start3A_205 : memref<1x4000xi32, #tpu.memory_space<vmem>> -> memref<4000xi32, #tpu.memory_space<vmem>>
        %dma_start3A_207 = tpu.memref_slice %arg4[%add3A_175] : memref<1000000xi32, #tpu.memory_space<hbm>> -> memref<4000xi32, #tpu.memory_space<hbm>>
        %dma_start3A_208 = tpu.memref_slice %arg12[%rem3A_167] : memref<2x!tpu.dma_semaphore, #tpu.memory_space<semaphore_mem>> -> memref<1x!tpu.dma_semaphore, #tpu.memory_space<semaphore_mem>>
        %dma_start3A_209 = tpu.memref_squeeze %dma_start3A_208 : memref<1x!tpu.dma_semaphore, #tpu.memory_space<semaphore_mem>> -> memref<!tpu.dma_semaphore, #tpu.memory_space<semaphore_mem>>
        %dma_start3A_210 = arith.constant 0 : i32
        %dma_start3A_211 = tpu.memref_slice %arg8[%rem3A_167, %dma_start3A_210] : memref<2x4000xi32, #tpu.memory_space<vmem>> -> memref<1x4000xi32, #tpu.memory_space<vmem>>
        %dma_start3A_212 = tpu.memref_squeeze %dma_start3A_211 : memref<1x4000xi32, #tpu.memory_space<vmem>> -> memref<4000xi32, #tpu.memory_space<vmem>>
        %dma_start3A_213 = tpu.memref_slice %arg4[%add3A_175] : memref<1000000xi32, #tpu.memory_space<hbm>> -> memref<4000xi32, #tpu.memory_space<hbm>>
        tpu.enqueue_dma source(%dma_start3A_213 : memref<4000xi32, #tpu.memory_space<hbm>>) target(%dma_start3A_212 : memref<4000xi32, #tpu.memory_space<vmem>>) target_semaphore(%dma_start3A_209 : memref<!tpu.dma_semaphore, #tpu.memory_space<semaphore_mem>>)
      } else {
      }
      %mul3A_104 = arith.constant 32 : i32
      %mul3A_105 = arith.muli %while3A_96, %mul3A_104 : i32
      %add3A_106 = arith.addi %add3A, %mul3A_105 : i32
      %rem3A_107 = arith.constant 2 : i32
      %rem3A_108 = arith.remsi %while3A_96, %rem3A_107 : i32
      %mul3A_109 = arith.constant 4000 : i32
      %mul3A_110 = arith.muli %add3A_106, %mul3A_109 : i32
      %mul3A_111 = arith.constant 4000 : i32
      %mul3A_112 = arith.muli %add3A_106, %mul3A_111 : i32
      %mul3A_113 = arith.constant 4000 : i32
      %mul3A_114 = arith.muli %add3A_106, %mul3A_113 : i32
      %add3A_115 = arith.constant 0 : i32
      %add3A_116 = arith.addi %add3A_115, %mul3A_114 : i32
      %dma_wait3A = arith.constant 0 : i32
      %dma_wait3A_117 = arith.constant 0 : i32
      %dma_wait3A_118 = tpu.memref_slice %arg6[%rem3A_108, %dma_wait3A, %dma_wait3A_117] : memref<2x4x4000xf32, #tpu.memory_space<vmem>> -> memref<1x4x4000xf32, #tpu.memory_space<vmem>>
      %dma_wait3A_119 = tpu.memref_squeeze %dma_wait3A_118 : memref<1x4x4000xf32, #tpu.memory_space<vmem>> -> memref<4x4000xf32, #tpu.memory_space<vmem>>
      %dma_wait3A_120 = arith.constant 0 : i32
      %dma_wait3A_121 = tpu.memref_slice %arg2[%dma_wait3A_120, %mul3A_110] : memref<4x248000xf32, #tpu.memory_space<hbm>> -> memref<4x4000xf32, #tpu.memory_space<hbm>>
      %dma_wait3A_122 = tpu.memref_slice %arg10[%rem3A_108] : memref<2x!tpu.dma_semaphore, #tpu.memory_space<semaphore_mem>> -> memref<1x!tpu.dma_semaphore, #tpu.memory_space<semaphore_mem>>
      %dma_wait3A_123 = tpu.memref_squeeze %dma_wait3A_122 : memref<1x!tpu.dma_semaphore, #tpu.memory_space<semaphore_mem>> -> memref<!tpu.dma_semaphore, #tpu.memory_space<semaphore_mem>>
      %dma_wait3A_124 = arith.constant 0 : i32
      %dma_wait3A_125 = arith.constant 0 : i32
      %dma_wait3A_126 = tpu.memref_slice %arg6[%rem3A_108, %dma_wait3A_124, %dma_wait3A_125] : memref<2x4x4000xf32, #tpu.memory_space<vmem>> -> memref<1x4x4000xf32, #tpu.memory_space<vmem>>
      %dma_wait3A_127 = tpu.memref_squeeze %dma_wait3A_126 : memref<1x4x4000xf32, #tpu.memory_space<vmem>> -> memref<4x4000xf32, #tpu.memory_space<vmem>>
      %dma_wait3A_128 = arith.constant 0 : i32
      %dma_wait3A_129 = tpu.memref_slice %arg2[%dma_wait3A_128, %mul3A_110] : memref<4x248000xf32, #tpu.memory_space<hbm>> -> memref<4x4000xf32, #tpu.memory_space<hbm>>
      tpu.wait_dma2 semaphore(%dma_wait3A_123 : memref<!tpu.dma_semaphore, #tpu.memory_space<semaphore_mem>>) src(%dma_wait3A_129 : memref<4x4000xf32, #tpu.memory_space<hbm>>) dst(%dma_wait3A_127 : memref<4x4000xf32, #tpu.memory_space<vmem>>)
      %dma_wait3A_130 = arith.constant 0 : i32
      %dma_wait3A_131 = arith.constant 0 : i32
      %dma_wait3A_132 = tpu.memref_slice %arg7[%rem3A_108, %dma_wait3A_130, %dma_wait3A_131] : memref<2x4x4000xf32, #tpu.memory_space<vmem>> -> memref<1x4x4000xf32, #tpu.memory_space<vmem>>
      %dma_wait3A_133 = tpu.memref_squeeze %dma_wait3A_132 : memref<1x4x4000xf32, #tpu.memory_space<vmem>> -> memref<4x4000xf32, #tpu.memory_space<vmem>>
      %dma_wait3A_134 = arith.constant 0 : i32
      %dma_wait3A_135 = tpu.memref_slice %arg3[%dma_wait3A_134, %mul3A_112] : memref<4x248000xf32, #tpu.memory_space<hbm>> -> memref<4x4000xf32, #tpu.memory_space<hbm>>
      %dma_wait3A_136 = tpu.memref_slice %arg11[%rem3A_108] : memref<2x!tpu.dma_semaphore, #tpu.memory_space<semaphore_mem>> -> memref<1x!tpu.dma_semaphore, #tpu.memory_space<semaphore_mem>>
      %dma_wait3A_137 = tpu.memref_squeeze %dma_wait3A_136 : memref<1x!tpu.dma_semaphore, #tpu.memory_space<semaphore_mem>> -> memref<!tpu.dma_semaphore, #tpu.memory_space<semaphore_mem>>
      %dma_wait3A_138 = arith.constant 0 : i32
      %dma_wait3A_139 = arith.constant 0 : i32
      %dma_wait3A_140 = tpu.memref_slice %arg7[%rem3A_108, %dma_wait3A_138, %dma_wait3A_139] : memref<2x4x4000xf32, #tpu.memory_space<vmem>> -> memref<1x4x4000xf32, #tpu.memory_space<vmem>>
      %dma_wait3A_141 = tpu.memref_squeeze %dma_wait3A_140 : memref<1x4x4000xf32, #tpu.memory_space<vmem>> -> memref<4x4000xf32, #tpu.memory_space<vmem>>
      %dma_wait3A_142 = arith.constant 0 : i32
      %dma_wait3A_143 = tpu.memref_slice %arg3[%dma_wait3A_142, %mul3A_112] : memref<4x248000xf32, #tpu.memory_space<hbm>> -> memref<4x4000xf32, #tpu.memory_space<hbm>>
      tpu.wait_dma2 semaphore(%dma_wait3A_137 : memref<!tpu.dma_semaphore, #tpu.memory_space<semaphore_mem>>) src(%dma_wait3A_143 : memref<4x4000xf32, #tpu.memory_space<hbm>>) dst(%dma_wait3A_141 : memref<4x4000xf32, #tpu.memory_space<vmem>>)
      %dma_wait3A_144 = arith.constant 0 : i32
      %dma_wait3A_145 = tpu.memref_slice %arg8[%rem3A_108, %dma_wait3A_144] : memref<2x4000xi32, #tpu.memory_space<vmem>> -> memref<1x4000xi32, #tpu.memory_space<vmem>>
      %dma_wait3A_146 = tpu.memref_squeeze %dma_wait3A_145 : memref<1x4000xi32, #tpu.memory_space<vmem>> -> memref<4000xi32, #tpu.memory_space<vmem>>
      %dma_wait3A_147 = tpu.memref_slice %arg4[%add3A_116] : memref<1000000xi32, #tpu.memory_space<hbm>> -> memref<4000xi32, #tpu.memory_space<hbm>>
      %dma_wait3A_148 = tpu.memref_slice %arg12[%rem3A_108] : memref<2x!tpu.dma_semaphore, #tpu.memory_space<semaphore_mem>> -> memref<1x!tpu.dma_semaphore, #tpu.memory_space<semaphore_mem>>
      %dma_wait3A_149 = tpu.memref_squeeze %dma_wait3A_148 : memref<1x!tpu.dma_semaphore, #tpu.memory_space<semaphore_mem>> -> memref<!tpu.dma_semaphore, #tpu.memory_space<semaphore_mem>>
      %dma_wait3A_150 = arith.constant 0 : i32
      %dma_wait3A_151 = tpu.memref_slice %arg8[%rem3A_108, %dma_wait3A_150] : memref<2x4000xi32, #tpu.memory_space<vmem>> -> memref<1x4000xi32, #tpu.memory_space<vmem>>
      %dma_wait3A_152 = tpu.memref_squeeze %dma_wait3A_151 : memref<1x4000xi32, #tpu.memory_space<vmem>> -> memref<4000xi32, #tpu.memory_space<vmem>>
      %dma_wait3A_153 = tpu.memref_slice %arg4[%add3A_116] : memref<1000000xi32, #tpu.memory_space<hbm>> -> memref<4000xi32, #tpu.memory_space<hbm>>
      tpu.wait_dma2 semaphore(%dma_wait3A_149 : memref<!tpu.dma_semaphore, #tpu.memory_space<semaphore_mem>>) src(%dma_wait3A_153 : memref<4000xi32, #tpu.memory_space<hbm>>) dst(%dma_wait3A_152 : memref<4000xi32, #tpu.memory_space<vmem>>)
      %rem3A_154 = arith.constant 2 : i32
      %rem3A_155 = arith.remsi %while3A_96, %rem3A_154 : i32
      %scan3A = arith.constant 0 : i32
      %scan3A_156 = arith.constant 125 : i32
      %scan3A_157 = arith.addi %scan3A, %scan3A_156 : i32
      %scan3A_158 = arith.constant 1 : i32
      %scan3A_159:3 = scf.for %scan3A_161 = %scan3A to %scan3A_157 step %scan3A_158 iter_args(%scan3A_162 = %while3A_97, %scan3A_163 = %while3A_98, %scan3A_164 = %while3A_99) -> (vector<16xf32>, vector<16xf32>, vector<16xf32>)  : i32 {
        %mul3A_165 = arith.constant 2 : i32
        %mul3A_166 = arith.muli %scan3A_161, %mul3A_165 : i32
        %add3A_167 = arith.constant 0 : i32
        %add3A_168 = arith.addi %mul3A_166, %add3A_167 : i32
        %mul3A_169 = arith.constant 16 : i32
        %mul3A_170 = arith.muli %add3A_168, %mul3A_169 : i32
        %get3A = arith.index_cast %rem3A_155 : i32 to index
        %get3A_171 = arith.index_cast %mul3A_170 : i32 to index
        %get3A_172 = tpu.vector_load %arg8[%get3A, %get3A_171] {strides = array<i32>} : memref<2x4000xi32, #tpu.memory_space<vmem>>, vector<1x16xi32>,
        %get3A_173 = vector.shape_cast %get3A_172 : vector<1x16xi32> to vector<16xi32>
        %eq3A = arith.constant 1 : i32
        %eq3A_174 = vector.broadcast %eq3A : i32 to vector<16xi32>
        %eq3A_175 = arith.cmpi eq, %get3A_173, %eq3A_174 : vector<16xi32>
        %select_n3A_176 = arith.select %eq3A_175, %broadcast_in_dim3A_3, %broadcast_in_dim3A_1 : vector<16xi1>, vector<16xf32>
        %add3A_177 = arith.addf %scan3A_163, %select_n3A_176 : vector<16xf32>
        %convert_element_type3A_178 = arith.sitofp %get3A_173 : vector<16xi32> to vector<16xf32>
        %add3A_179 = arith.addf %scan3A_164, %convert_element_type3A_178 : vector<16xf32>
        %mul3A_180 = arith.constant 16 : i32
        %mul3A_181 = arith.muli %add3A_168, %mul3A_180 : i32
        %get3A_182 = arith.constant 0 : i32
        %get3A_183 = arith.index_cast %rem3A_155 : i32 to index
        %get3A_184 = arith.index_cast %get3A_182 : i32 to index
        %get3A_185 = arith.index_cast %mul3A_181 : i32 to index
        %get3A_186 = tpu.vector_load %arg6[%get3A_183, %get3A_184, %get3A_185] {strides = array<i32>} : memref<2x4x4000xf32, #tpu.memory_space<vmem>>, vector<1x1x16xf32>,
        %get3A_187 = vector.shape_cast %get3A_186 : vector<1x1x16xf32> to vector<16xf32>
        %mul3A_188 = arith.constant 16 : i32
        %mul3A_189 = arith.muli %add3A_168, %mul3A_188 : i32
        %get3A_190 = arith.constant 0 : i32
        %get3A_191 = arith.index_cast %rem3A_155 : i32 to index
        %get3A_192 = arith.index_cast %get3A_190 : i32 to index
        %get3A_193 = arith.index_cast %mul3A_189 : i32 to index
        %get3A_194 = tpu.vector_load %arg7[%get3A_191, %get3A_192, %get3A_193] {strides = array<i32>} : memref<2x4x4000xf32, #tpu.memory_space<vmem>>, vector<1x1x16xf32>,
        %get3A_195 = vector.shape_cast %get3A_194 : vector<1x1x16xf32> to vector<16xf32>
        %sub3A = arith.subf %get3A_187, %get3A_195 : vector<16xf32>
        %abs3A = math.absf %sub3A : vector<16xf32>
        %min3A = arith.constant 1.000000e+00 : f32
        %min3A_196 = vector.broadcast %min3A : f32 to vector<16xf32>
        %min3A_197 = arith.minimumf %abs3A, %min3A_196 : vector<16xf32>
        %add3A_198 = arith.addf %abs3A, %abs3A : vector<16xf32>
        %sub3A_199 = arith.subf %add3A_198, %min3A_197 : vector<16xf32>
        %mul3A_200 = arith.mulf %min3A_197, %sub3A_199 : vector<16xf32>
        %mul3A_201 = arith.mulf %mul3A_200, %select_n3A_176 : vector<16xf32>
        %add3A_202 = arith.addf %scan3A_162, %mul3A_201 : vector<16xf32>
        %mul3A_203 = arith.constant 16 : i32
        %mul3A_204 = arith.muli %add3A_168, %mul3A_203 : i32
        %get3A_205 = arith.constant 1 : i32
        %get3A_206 = arith.index_cast %rem3A_155 : i32 to index
        %get3A_207 = arith.index_cast %get3A_205 : i32 to index
        %get3A_208 = arith.index_cast %mul3A_204 : i32 to index
        %get3A_209 = tpu.vector_load %arg6[%get3A_206, %get3A_207, %get3A_208] {strides = array<i32>} : memref<2x4x4000xf32, #tpu.memory_space<vmem>>, vector<1x1x16xf32>,
        %get3A_210 = vector.shape_cast %get3A_209 : vector<1x1x16xf32> to vector<16xf32>
        %mul3A_211 = arith.constant 16 : i32
        %mul3A_212 = arith.muli %add3A_168, %mul3A_211 : i32
        %get3A_213 = arith.constant 1 : i32
        %get3A_214 = arith.index_cast %rem3A_155 : i32 to index
        %get3A_215 = arith.index_cast %get3A_213 : i32 to index
        %get3A_216 = arith.index_cast %mul3A_212 : i32 to index
        %get3A_217 = tpu.vector_load %arg7[%get3A_214, %get3A_215, %get3A_216] {strides = array<i32>} : memref<2x4x4000xf32, #tpu.memory_space<vmem>>, vector<1x1x16xf32>,
        %get3A_218 = vector.shape_cast %get3A_217 : vector<1x1x16xf32> to vector<16xf32>
        %sub3A_219 = arith.subf %get3A_210, %get3A_218 : vector<16xf32>
        %abs3A_220 = math.absf %sub3A_219 : vector<16xf32>
        %min3A_221 = arith.constant 1.000000e+00 : f32
        %min3A_222 = vector.broadcast %min3A_221 : f32 to vector<16xf32>
        %min3A_223 = arith.minimumf %abs3A_220, %min3A_222 : vector<16xf32>
        %add3A_224 = arith.addf %abs3A_220, %abs3A_220 : vector<16xf32>
        %sub3A_225 = arith.subf %add3A_224, %min3A_223 : vector<16xf32>
        %mul3A_226 = arith.mulf %min3A_223, %sub3A_225 : vector<16xf32>
        %mul3A_227 = arith.mulf %mul3A_226, %select_n3A_176 : vector<16xf32>
        %add3A_228 = arith.addf %add3A_202, %mul3A_227 : vector<16xf32>
        %mul3A_229 = arith.constant 16 : i32
        %mul3A_230 = arith.muli %add3A_168, %mul3A_229 : i32
        %get3A_231 = arith.constant 2 : i32
        %get3A_232 = arith.index_cast %rem3A_155 : i32 to index
        %get3A_233 = arith.index_cast %get3A_231 : i32 to index
        %get3A_234 = arith.index_cast %mul3A_230 : i32 to index
        %get3A_235 = tpu.vector_load %arg6[%get3A_232, %get3A_233, %get3A_234] {strides = array<i32>} : memref<2x4x4000xf32, #tpu.memory_space<vmem>>, vector<1x1x16xf32>,
        %get3A_236 = vector.shape_cast %get3A_235 : vector<1x1x16xf32> to vector<16xf32>
        %mul3A_237 = arith.constant 16 : i32
        %mul3A_238 = arith.muli %add3A_168, %mul3A_237 : i32
        %get3A_239 = arith.constant 2 : i32
        %get3A_240 = arith.index_cast %rem3A_155 : i32 to index
        %get3A_241 = arith.index_cast %get3A_239 : i32 to index
        %get3A_242 = arith.index_cast %mul3A_238 : i32 to index
        %get3A_243 = tpu.vector_load %arg7[%get3A_240, %get3A_241, %get3A_242] {strides = array<i32>} : memref<2x4x4000xf32, #tpu.memory_space<vmem>>, vector<1x1x16xf32>,
        %get3A_244 = vector.shape_cast %get3A_243 : vector<1x1x16xf32> to vector<16xf32>
        %sub3A_245 = arith.subf %get3A_236, %get3A_244 : vector<16xf32>
        %abs3A_246 = math.absf %sub3A_245 : vector<16xf32>
        %min3A_247 = arith.constant 1.000000e+00 : f32
        %min3A_248 = vector.broadcast %min3A_247 : f32 to vector<16xf32>
        %min3A_249 = arith.minimumf %abs3A_246, %min3A_248 : vector<16xf32>
        %add3A_250 = arith.addf %abs3A_246, %abs3A_246 : vector<16xf32>
        %sub3A_251 = arith.subf %add3A_250, %min3A_249 : vector<16xf32>
        %mul3A_252 = arith.mulf %min3A_249, %sub3A_251 : vector<16xf32>
        %mul3A_253 = arith.mulf %mul3A_252, %select_n3A_176 : vector<16xf32>
        %add3A_254 = arith.addf %add3A_228, %mul3A_253 : vector<16xf32>
        %mul3A_255 = arith.constant 16 : i32
        %mul3A_256 = arith.muli %add3A_168, %mul3A_255 : i32
        %get3A_257 = arith.constant 3 : i32
        %get3A_258 = arith.index_cast %rem3A_155 : i32 to index
        %get3A_259 = arith.index_cast %get3A_257 : i32 to index
        %get3A_260 = arith.index_cast %mul3A_256 : i32 to index
        %get3A_261 = tpu.vector_load %arg6[%get3A_258, %get3A_259, %get3A_260] {strides = array<i32>} : memref<2x4x4000xf32, #tpu.memory_space<vmem>>, vector<1x1x16xf32>,
        %get3A_262 = vector.shape_cast %get3A_261 : vector<1x1x16xf32> to vector<16xf32>
        %mul3A_263 = arith.constant 16 : i32
        %mul3A_264 = arith.muli %add3A_168, %mul3A_263 : i32
        %get3A_265 = arith.constant 3 : i32
        %get3A_266 = arith.index_cast %rem3A_155 : i32 to index
        %get3A_267 = arith.index_cast %get3A_265 : i32 to index
        %get3A_268 = arith.index_cast %mul3A_264 : i32 to index
        %get3A_269 = tpu.vector_load %arg7[%get3A_266, %get3A_267, %get3A_268] {strides = array<i32>} : memref<2x4x4000xf32, #tpu.memory_space<vmem>>, vector<1x1x16xf32>,
        %get3A_270 = vector.shape_cast %get3A_269 : vector<1x1x16xf32> to vector<16xf32>
        %sub3A_271 = arith.subf %get3A_262, %get3A_270 : vector<16xf32>
        %abs3A_272 = math.absf %sub3A_271 : vector<16xf32>
        %min3A_273 = arith.constant 1.000000e+00 : f32
        %min3A_274 = vector.broadcast %min3A_273 : f32 to vector<16xf32>
        %min3A_275 = arith.minimumf %abs3A_272, %min3A_274 : vector<16xf32>
        %add3A_276 = arith.addf %abs3A_272, %abs3A_272 : vector<16xf32>
        %sub3A_277 = arith.subf %add3A_276, %min3A_275 : vector<16xf32>
        %mul3A_278 = arith.mulf %min3A_275, %sub3A_277 : vector<16xf32>
        %mul3A_279 = arith.mulf %mul3A_278, %select_n3A_176 : vector<16xf32>
        %add3A_280 = arith.addf %add3A_254, %mul3A_279 : vector<16xf32>
        %mul3A_281 = arith.constant 2 : i32
        %mul3A_282 = arith.muli %scan3A_161, %mul3A_281 : i32
        %add3A_283 = arith.constant 1 : i32
        %add3A_284 = arith.addi %mul3A_282, %add3A_283 : i32
        %mul3A_285 = arith.constant 16 : i32
        %mul3A_286 = arith.muli %add3A_284, %mul3A_285 : i32
        %get3A_287 = arith.index_cast %rem3A_155 : i32 to index
        %get3A_288 = arith.index_cast %mul3A_286 : i32 to index
        %get3A_289 = tpu.vector_load %arg8[%get3A_287, %get3A_288] {strides = array<i32>} : memref<2x4000xi32, #tpu.memory_space<vmem>>, vector<1x16xi32>,
        %get3A_290 = vector.shape_cast %get3A_289 : vector<1x16xi32> to vector<16xi32>
        %eq3A_291 = arith.constant 1 : i32
        %eq3A_292 = vector.broadcast %eq3A_291 : i32 to vector<16xi32>
        %eq3A_293 = arith.cmpi eq, %get3A_290, %eq3A_292 : vector<16xi32>
        %select_n3A_294 = arith.select %eq3A_293, %broadcast_in_dim3A_3, %broadcast_in_dim3A_1 : vector<16xi1>, vector<16xf32>
        %add3A_295 = arith.addf %add3A_177, %select_n3A_294 : vector<16xf32>
        %convert_element_type3A_296 = arith.sitofp %get3A_290 : vector<16xi32> to vector<16xf32>
        %add3A_297 = arith.addf %add3A_179, %convert_element_type3A_296 : vector<16xf32>
        %mul3A_298 = arith.constant 16 : i32
        %mul3A_299 = arith.muli %add3A_284, %mul3A_298 : i32
        %get3A_300 = arith.constant 0 : i32
        %get3A_301 = arith.index_cast %rem3A_155 : i32 to index
        %get3A_302 = arith.index_cast %get3A_300 : i32 to index
        %get3A_303 = arith.index_cast %mul3A_299 : i32 to index
        %get3A_304 = tpu.vector_load %arg6[%get3A_301, %get3A_302, %get3A_303] {strides = array<i32>} : memref<2x4x4000xf32, #tpu.memory_space<vmem>>, vector<1x1x16xf32>,
        %get3A_305 = vector.shape_cast %get3A_304 : vector<1x1x16xf32> to vector<16xf32>
        %mul3A_306 = arith.constant 16 : i32
        %mul3A_307 = arith.muli %add3A_284, %mul3A_306 : i32
        %get3A_308 = arith.constant 0 : i32
        %get3A_309 = arith.index_cast %rem3A_155 : i32 to index
        %get3A_310 = arith.index_cast %get3A_308 : i32 to index
        %get3A_311 = arith.index_cast %mul3A_307 : i32 to index
        %get3A_312 = tpu.vector_load %arg7[%get3A_309, %get3A_310, %get3A_311] {strides = array<i32>} : memref<2x4x4000xf32, #tpu.memory_space<vmem>>, vector<1x1x16xf32>,
        %get3A_313 = vector.shape_cast %get3A_312 : vector<1x1x16xf32> to vector<16xf32>
        %sub3A_314 = arith.subf %get3A_305, %get3A_313 : vector<16xf32>
        %abs3A_315 = math.absf %sub3A_314 : vector<16xf32>
        %min3A_316 = arith.constant 1.000000e+00 : f32
        %min3A_317 = vector.broadcast %min3A_316 : f32 to vector<16xf32>
        %min3A_318 = arith.minimumf %abs3A_315, %min3A_317 : vector<16xf32>
        %add3A_319 = arith.addf %abs3A_315, %abs3A_315 : vector<16xf32>
        %sub3A_320 = arith.subf %add3A_319, %min3A_318 : vector<16xf32>
        %mul3A_321 = arith.mulf %min3A_318, %sub3A_320 : vector<16xf32>
        %mul3A_322 = arith.mulf %mul3A_321, %select_n3A_294 : vector<16xf32>
        %add3A_323 = arith.addf %add3A_280, %mul3A_322 : vector<16xf32>
        %mul3A_324 = arith.constant 16 : i32
        %mul3A_325 = arith.muli %add3A_284, %mul3A_324 : i32
        %get3A_326 = arith.constant 1 : i32
        %get3A_327 = arith.index_cast %rem3A_155 : i32 to index
        %get3A_328 = arith.index_cast %get3A_326 : i32 to index
        %get3A_329 = arith.index_cast %mul3A_325 : i32 to index
        %get3A_330 = tpu.vector_load %arg6[%get3A_327, %get3A_328, %get3A_329] {strides = array<i32>} : memref<2x4x4000xf32, #tpu.memory_space<vmem>>, vector<1x1x16xf32>,
        %get3A_331 = vector.shape_cast %get3A_330 : vector<1x1x16xf32> to vector<16xf32>
        %mul3A_332 = arith.constant 16 : i32
        %mul3A_333 = arith.muli %add3A_284, %mul3A_332 : i32
        %get3A_334 = arith.constant 1 : i32
        %get3A_335 = arith.index_cast %rem3A_155 : i32 to index
        %get3A_336 = arith.index_cast %get3A_334 : i32 to index
        %get3A_337 = arith.index_cast %mul3A_333 : i32 to index
        %get3A_338 = tpu.vector_load %arg7[%get3A_335, %get3A_336, %get3A_337] {strides = array<i32>} : memref<2x4x4000xf32, #tpu.memory_space<vmem>>, vector<1x1x16xf32>,
        %get3A_339 = vector.shape_cast %get3A_338 : vector<1x1x16xf32> to vector<16xf32>
        %sub3A_340 = arith.subf %get3A_331, %get3A_339 : vector<16xf32>
        %abs3A_341 = math.absf %sub3A_340 : vector<16xf32>
        %min3A_342 = arith.constant 1.000000e+00 : f32
        %min3A_343 = vector.broadcast %min3A_342 : f32 to vector<16xf32>
        %min3A_344 = arith.minimumf %abs3A_341, %min3A_343 : vector<16xf32>
        %add3A_345 = arith.addf %abs3A_341, %abs3A_341 : vector<16xf32>
        %sub3A_346 = arith.subf %add3A_345, %min3A_344 : vector<16xf32>
        %mul3A_347 = arith.mulf %min3A_344, %sub3A_346 : vector<16xf32>
        %mul3A_348 = arith.mulf %mul3A_347, %select_n3A_294 : vector<16xf32>
        %add3A_349 = arith.addf %add3A_323, %mul3A_348 : vector<16xf32>
        %mul3A_350 = arith.constant 16 : i32
        %mul3A_351 = arith.muli %add3A_284, %mul3A_350 : i32
        %get3A_352 = arith.constant 2 : i32
        %get3A_353 = arith.index_cast %rem3A_155 : i32 to index
        %get3A_354 = arith.index_cast %get3A_352 : i32 to index
        %get3A_355 = arith.index_cast %mul3A_351 : i32 to index
        %get3A_356 = tpu.vector_load %arg6[%get3A_353, %get3A_354, %get3A_355] {strides = array<i32>} : memref<2x4x4000xf32, #tpu.memory_space<vmem>>, vector<1x1x16xf32>,
        %get3A_357 = vector.shape_cast %get3A_356 : vector<1x1x16xf32> to vector<16xf32>
        %mul3A_358 = arith.constant 16 : i32
        %mul3A_359 = arith.muli %add3A_284, %mul3A_358 : i32
        %get3A_360 = arith.constant 2 : i32
        %get3A_361 = arith.index_cast %rem3A_155 : i32 to index
        %get3A_362 = arith.index_cast %get3A_360 : i32 to index
        %get3A_363 = arith.index_cast %mul3A_359 : i32 to index
        %get3A_364 = tpu.vector_load %arg7[%get3A_361, %get3A_362, %get3A_363] {strides = array<i32>} : memref<2x4x4000xf32, #tpu.memory_space<vmem>>, vector<1x1x16xf32>,
        %get3A_365 = vector.shape_cast %get3A_364 : vector<1x1x16xf32> to vector<16xf32>
        %sub3A_366 = arith.subf %get3A_357, %get3A_365 : vector<16xf32>
        %abs3A_367 = math.absf %sub3A_366 : vector<16xf32>
        %min3A_368 = arith.constant 1.000000e+00 : f32
        %min3A_369 = vector.broadcast %min3A_368 : f32 to vector<16xf32>
        %min3A_370 = arith.minimumf %abs3A_367, %min3A_369 : vector<16xf32>
        %add3A_371 = arith.addf %abs3A_367, %abs3A_367 : vector<16xf32>
        %sub3A_372 = arith.subf %add3A_371, %min3A_370 : vector<16xf32>
        %mul3A_373 = arith.mulf %min3A_370, %sub3A_372 : vector<16xf32>
        %mul3A_374 = arith.mulf %mul3A_373, %select_n3A_294 : vector<16xf32>
        %add3A_375 = arith.addf %add3A_349, %mul3A_374 : vector<16xf32>
        %mul3A_376 = arith.constant 16 : i32
        %mul3A_377 = arith.muli %add3A_284, %mul3A_376 : i32
        %get3A_378 = arith.constant 3 : i32
        %get3A_379 = arith.index_cast %rem3A_155 : i32 to index
        %get3A_380 = arith.index_cast %get3A_378 : i32 to index
        %get3A_381 = arith.index_cast %mul3A_377 : i32 to index
        %get3A_382 = tpu.vector_load %arg6[%get3A_379, %get3A_380, %get3A_381] {strides = array<i32>} : memref<2x4x4000xf32, #tpu.memory_space<vmem>>, vector<1x1x16xf32>,
        %get3A_383 = vector.shape_cast %get3A_382 : vector<1x1x16xf32> to vector<16xf32>
        %mul3A_384 = arith.constant 16 : i32
        %mul3A_385 = arith.muli %add3A_284, %mul3A_384 : i32
        %get3A_386 = arith.constant 3 : i32
        %get3A_387 = arith.index_cast %rem3A_155 : i32 to index
        %get3A_388 = arith.index_cast %get3A_386 : i32 to index
        %get3A_389 = arith.index_cast %mul3A_385 : i32 to index
        %get3A_390 = tpu.vector_load %arg7[%get3A_387, %get3A_388, %get3A_389] {strides = array<i32>} : memref<2x4x4000xf32, #tpu.memory_space<vmem>>, vector<1x1x16xf32>,
        %get3A_391 = vector.shape_cast %get3A_390 : vector<1x1x16xf32> to vector<16xf32>
        %sub3A_392 = arith.subf %get3A_383, %get3A_391 : vector<16xf32>
        %abs3A_393 = math.absf %sub3A_392 : vector<16xf32>
        %min3A_394 = arith.constant 1.000000e+00 : f32
        %min3A_395 = vector.broadcast %min3A_394 : f32 to vector<16xf32>
        %min3A_396 = arith.minimumf %abs3A_393, %min3A_395 : vector<16xf32>
        %add3A_397 = arith.addf %abs3A_393, %abs3A_393 : vector<16xf32>
        %sub3A_398 = arith.subf %add3A_397, %min3A_396 : vector<16xf32>
        %mul3A_399 = arith.mulf %min3A_396, %sub3A_398 : vector<16xf32>
        %mul3A_400 = arith.mulf %mul3A_399, %select_n3A_294 : vector<16xf32>
        %add3A_401 = arith.addf %add3A_375, %mul3A_400 : vector<16xf32>
        scf.yield %add3A_401, %add3A_295, %add3A_297 : vector<16xf32>, vector<16xf32>, vector<16xf32>
      }
      %scan3A_160 = arith.constant 125 : i32
      scf.yield %scan3A_159#0, %scan3A_159#1, %scan3A_159#2 : vector<16xf32>, vector<16xf32>, vector<16xf32>
    }
    %swap3A = arith.constant 0 : index
    %swap3A_65 = tpu.vector_load %arg9[%swap3A] {strides = array<i32>} : memref<128xf32, #tpu.memory_space<vmem>>, vector<16xf32>,
    %swap3A_66 = vector.shape_cast %swap3A_65 : vector<16xf32> to vector<16xf32>
    %swap3A_67 = vector.shape_cast %while3A_64#0 : vector<16xf32> to vector<16xf32>
    tpu.vector_store %arg9[%swap3A], %swap3A_67 {strides = array<i32>} : memref<128xf32, #tpu.memory_space<vmem>>, vector<16xf32>,
    %swap3A_68 = arith.constant 16 : index
    %swap3A_69 = tpu.vector_load %arg9[%swap3A_68] {strides = array<i32>} : memref<128xf32, #tpu.memory_space<vmem>>, vector<16xf32>,
    %swap3A_70 = vector.shape_cast %swap3A_69 : vector<16xf32> to vector<16xf32>
    %swap3A_71 = vector.shape_cast %while3A_64#1 : vector<16xf32> to vector<16xf32>
    tpu.vector_store %arg9[%swap3A_68], %swap3A_71 {strides = array<i32>} : memref<128xf32, #tpu.memory_space<vmem>>, vector<16xf32>,
    %swap3A_72 = arith.constant 32 : index
    %swap3A_73 = tpu.vector_load %arg9[%swap3A_72] {strides = array<i32>} : memref<128xf32, #tpu.memory_space<vmem>>, vector<16xf32>,
    %swap3A_74 = vector.shape_cast %swap3A_73 : vector<16xf32> to vector<16xf32>
    %swap3A_75 = vector.shape_cast %while3A_64#2 : vector<16xf32> to vector<16xf32>
    tpu.vector_store %arg9[%swap3A_72], %swap3A_75 {strides = array<i32>} : memref<128xf32, #tpu.memory_space<vmem>>, vector<16xf32>,
    %swap3A_76 = arith.constant 48 : index
    %swap3A_77 = tpu.vector_load %arg9[%swap3A_76] {strides = array<i32>} : memref<128xf32, #tpu.memory_space<vmem>>, vector<16xf32>,
    %swap3A_78 = vector.shape_cast %swap3A_77 : vector<16xf32> to vector<16xf32>
    %swap3A_79 = vector.shape_cast %broadcast_in_dim3A_1 : vector<16xf32> to vector<16xf32>
    tpu.vector_store %arg9[%swap3A_76], %swap3A_79 {strides = array<i32>} : memref<128xf32, #tpu.memory_space<vmem>>, vector<16xf32>,
    %swap3A_80 = arith.constant 64 : index
    %swap3A_81 = tpu.vector_load %arg9[%swap3A_80] {strides = array<i32>} : memref<128xf32, #tpu.memory_space<vmem>>, vector<16xf32>,
    %swap3A_82 = vector.shape_cast %swap3A_81 : vector<16xf32> to vector<16xf32>
    %swap3A_83 = vector.shape_cast %broadcast_in_dim3A_1 : vector<16xf32> to vector<16xf32>
    tpu.vector_store %arg9[%swap3A_80], %swap3A_83 {strides = array<i32>} : memref<128xf32, #tpu.memory_space<vmem>>, vector<16xf32>,
    %swap3A_84 = arith.constant 80 : index
    %swap3A_85 = tpu.vector_load %arg9[%swap3A_84] {strides = array<i32>} : memref<128xf32, #tpu.memory_space<vmem>>, vector<16xf32>,
    %swap3A_86 = vector.shape_cast %swap3A_85 : vector<16xf32> to vector<16xf32>
    %swap3A_87 = vector.shape_cast %broadcast_in_dim3A_1 : vector<16xf32> to vector<16xf32>
    tpu.vector_store %arg9[%swap3A_84], %swap3A_87 {strides = array<i32>} : memref<128xf32, #tpu.memory_space<vmem>>, vector<16xf32>,
    %swap3A_88 = arith.constant 96 : index
    %swap3A_89 = tpu.vector_load %arg9[%swap3A_88] {strides = array<i32>} : memref<128xf32, #tpu.memory_space<vmem>>, vector<16xf32>,
    %swap3A_90 = vector.shape_cast %swap3A_89 : vector<16xf32> to vector<16xf32>
    %swap3A_91 = vector.shape_cast %broadcast_in_dim3A_1 : vector<16xf32> to vector<16xf32>
    tpu.vector_store %arg9[%swap3A_88], %swap3A_91 {strides = array<i32>} : memref<128xf32, #tpu.memory_space<vmem>>, vector<16xf32>,
    %swap3A_92 = arith.constant 112 : index
    %swap3A_93 = tpu.vector_load %arg9[%swap3A_92] {strides = array<i32>} : memref<128xf32, #tpu.memory_space<vmem>>, vector<16xf32>,
    %swap3A_94 = vector.shape_cast %swap3A_93 : vector<16xf32> to vector<16xf32>
    %swap3A_95 = vector.shape_cast %broadcast_in_dim3A_1 : vector<16xf32> to vector<16xf32>
    tpu.vector_store %arg9[%swap3A_92], %swap3A_95 {strides = array<i32>} : memref<128xf32, #tpu.memory_space<vmem>>, vector<16xf32>,
    "tpu.region"() ({
      %run_scoped3A = tpu.sem_alloc : memref<!tpu.dma_semaphore, #tpu.memory_space<semaphore_mem>>
      %dma_start3A_96 = arith.constant 0 : i32
      %dma_start3A_97 = tpu.memref_slice %arg5[%add3A, %dma_start3A_96] : memref<32x128xf32, #tpu.memory_space<hbm>> -> memref<1x128xf32, #tpu.memory_space<hbm>>
      %dma_start3A_98 = tpu.memref_squeeze %dma_start3A_97 : memref<1x128xf32, #tpu.memory_space<hbm>> -> memref<128xf32, #tpu.memory_space<hbm>>
      %dma_start3A_99 = arith.constant 0 : i32
      %dma_start3A_100 = tpu.memref_slice %arg5[%add3A, %dma_start3A_99] : memref<32x128xf32, #tpu.memory_space<hbm>> -> memref<1x128xf32, #tpu.memory_space<hbm>>
      %dma_start3A_101 = tpu.memref_squeeze %dma_start3A_100 : memref<1x128xf32, #tpu.memory_space<hbm>> -> memref<128xf32, #tpu.memory_space<hbm>>
      tpu.enqueue_dma source(%arg9 : memref<128xf32, #tpu.memory_space<vmem>>) target(%dma_start3A_101 : memref<128xf32, #tpu.memory_space<hbm>>) target_semaphore(%run_scoped3A : memref<!tpu.dma_semaphore, #tpu.memory_space<semaphore_mem>>)
      %dma_wait3A = arith.constant 0 : i32
      %dma_wait3A_102 = tpu.memref_slice %arg5[%add3A, %dma_wait3A] : memref<32x128xf32, #tpu.memory_space<hbm>> -> memref<1x128xf32, #tpu.memory_space<hbm>>
      %dma_wait3A_103 = tpu.memref_squeeze %dma_wait3A_102 : memref<1x128xf32, #tpu.memory_space<hbm>> -> memref<128xf32, #tpu.memory_space<hbm>>
      %dma_wait3A_104 = arith.constant 0 : i32
      %dma_wait3A_105 = tpu.memref_slice %arg5[%add3A, %dma_wait3A_104] : memref<32x128xf32, #tpu.memory_space<hbm>> -> memref<1x128xf32, #tpu.memory_space<hbm>>
      %dma_wait3A_106 = tpu.memref_squeeze %dma_wait3A_105 : memref<1x128xf32, #tpu.memory_space<hbm>> -> memref<128xf32, #tpu.memory_space<hbm>>
      tpu.wait_dma2 semaphore(%run_scoped3A : memref<!tpu.dma_semaphore, #tpu.memory_space<semaphore_mem>>) src(%arg9 : memref<128xf32, #tpu.memory_space<vmem>>) dst(%dma_wait3A_106 : memref<128xf32, #tpu.memory_space<hbm>>)
      tpu.yield
    }) : () -> ()
    return
  }
}

</mosaic_0001>

<sc_bundles>
// kernel: kernel.12.cloned.1.call-start
scs
__scs_entry_jumppad:
0x0: {  	(pc) =	sbr.rel $0x88, $3  }
0x1: {  	(tag) =	ssettag $0x0;
	lr =	simm.s32 $0x1  }
0x2: {  	[smem:$0x3F9E] =	sst lr;
	_ =	strace $0xD0000000  }
0x3: {  	_ = 	snop  }
0x4: {  	_ = 	snop  }
0x5: {  	_ = 	snop  }
0x6: {  	_ = 	snop  }
0x7: {  	_ = 	snop  }
__scs_overlays_trampoline_lowered:
0x8: {  	[smem:$0x3FAD] =	sst s0  }
0x9: {  	[smem:$0x3FAE] =	sst s1  }
0xa: {  	[smem:$0x3FAF] =	sst s2  }
0xb: {  	[smem:$0x3FB0] =	sst s3  }
0xc: {  	[smem:$0x3FB1] =	sst s4  }
0xd: {  	[smem:$0x3FB2] =	sst s5  }
0xe: {  	[smem:$0x3FB3] =	sst s6  }
0xf: {  	[smem:$0x3FB4] =	sst s7  }
0x10: {  	[smem:$0x3FB5] =	sst s8  }
0x11: {  	[smem:$0x3FB6] =	sst s9;
	s0 =	simm.s32 @!p0 $0x0  }
0x12: {  	s1 =	sld [smem:$0x3F9C];
	s0 =	simm.s32 @p0 $0x1  }
0x13: {  	[smem:$0x3FB7] =	sst s0;
	s0 =	simm.s32 @!p1 $0x0  }
0x14: {  	s2 =	sld [smem:$0x3F9B];
	s0 =	simm.s32 @p1 $0x1  }
0x15: {  	[smem:$0x3FB8] =	sst s0;
	s0 =	simm.s32 @!p2 $0x0  }
0x16: {  	s3 =	sld [smem:$0x3FDB];
	s0 =	simm.s32 @p2 $0x1  }
0x17: {  	s4 =	simm.s32 $0x1BF5;
	[smem:$0x3FBA] =	sst s0  }
0x18: {  	s0 =	sld [smem:$0x3F9D];
	_ =	swait.ge [sflag:s4], $0x0  }
0x19: {  	s7 =	sld [smem:$0x3F9E]  }
0x1a: {  	s8 =	sadd.s32 $0xFFFFE003, lr  }
0x1b: {  	s9 =	sadd.s32 $0xFFFFFEF7, lr;
	s5 =	simm.s32 $0xFFFFFFFF;
	p2 =	slt.u32 s8, $0xFFFFF086  }
0x1c: {  	p1 =	slt.u32 s9, $0xF7A;
	s5 =	simm.s32 @!p2 $0x0  }
0x1d: {  	s5 =	simm.s32 @p1 $0x1;
	p0 =	seq.s32 s7, s2  }
0x1e: {  	s7 =	smul.u32 @!p0 $0xF7A, s2;
	p2 =	seq.s32 @!p0 s5, $0x0  }
0x1f: {  	s9 =	smul.u32 $0xF7A, s1;
	s8 =	simm.s32 @!p0 $0x1BF5;
	p2 =	por !p2, p0  }
0x20: {  	[sflag:s8] =	ssyncset.s32 @!p0 $0xFFFFF086;
	s6 =	sadd.s32 @!p0 s3, s7;
	s7 =	simm.s32 @!p0 $0x108  }
0x21: {  	s3 =	sadd.s32 s3, s9;
	s6 =	sadd.s32 @!p0 $0x88, s6;
	s7 =	simm.s32 @p2 $0x1082  }
0x22: {  	[simem:s7], [sflag:s8] =	dma.local @!p0 [hbm:s6], $0xF7A  }
0x23: {  	s9 =	sor.u32 $0xD0000000, s2;
	s6 =	simm.s32 $0x108;
	_ =	swait.ge @!p0 [sflag:s8], $0x0  }
0x24: {  	s3 =	sadd.s32 $0x88, s3;
	s6 =	simm.s32 @!p1 $0x1082;
	[sflag:s4] =	ssyncset.s32 $0xFFFFF086  }
0x25: {  	[simem:s6], [sflag:s4] =	dma.local [hbm:s3], $0xF7A  }
0x26: {  	[smem:$0x3F9E] =	sst s1;
	(tag) =	ssettag s2;
	_ =	strace s9  }
0x27: {  	s1 =	sld [smem:$0x3FAE]  }
0x28: {  	s2 =	sld [smem:$0x3FAF]  }
0x29: {  	s4 =	sld [smem:$0x3FB1]  }
0x2a: {  	p0 =	seq.s32 s5, $0x0;
	s5 =	sld [smem:$0x3FB2]  }
0x2b: {  	s6 =	sld [smem:$0x3FB3]  }
0x2c: {  	s7 =	sld [smem:$0x3FB4]  }
0x2d: {  	s3 =	simm.s32 $0x108;
	s8 =	sld [smem:$0x3FB5]  }
0x2e: {  	s3 =	simm.s32 @!p0 $0x1082;
	s9 =	sld [smem:$0x3FB6]  }
0x2f: {  	lr =	sadd.s32 s0, s3;
	s0 =	sld [smem:$0x3FAD]  }
0x30: {  	s3 =	sld [smem:$0x3FB0]  }
0x31: {  	[smem:$0x3FB9] =	sst s10  }
0x32: {  	s10 =	sld [smem:$0x3FB7];
	_ =	sdelay $0x3  }
0x33: {  	p0 =	seq.s32 s10, $0x1;
	s10 =	sld [smem:$0x3FB9];
	_ =	sdelay $0x3  }
0x34: {  	[smem:$0x3FB9] =	sst s10  }
0x35: {  	s10 =	sld [smem:$0x3FB8];
	_ =	sdelay $0x3  }
0x36: {  	p1 =	seq.s32 s10, $0x1;
	s10 =	sld [smem:$0x3FB9];
	_ =	sdelay $0x3  }
0x37: {  	[smem:$0x3FB9] =	sst s10  }
0x38: {  	s10 =	sld [smem:$0x3FBA]  }
0x39: {  	_ = 	snop;
	(pc) =	sbr.ind lr, $3  }
0x3a: {  	_ = 	snop  }
0x3b: {  	_ = 	snop  }
0x3c: {  	p2 =	seq.s32 s10, $0x1;
	s10 =	sld [smem:$0x3FB9]  }
0x3d: {  	_ =	shalt  }
0x3e: {  	_ =	shalt  }
0x3f: {  	_ =	shalt  }
0x40: {  	_ =	shalt  }
0x41: {  	_ =	shalt  }
0x42: {  	_ =	shalt  }
0x43: {  	_ =	shalt  }
0x44: {  	_ =	shalt  }
0x45: {  	_ =	shalt  }
0x46: {  	_ =	shalt  }
0x47: {  	_ =	shalt  }
0x48: {  	_ =	shalt  }
0x49: {  	_ =	shalt  }
0x4a: {  	_ =	shalt  }
0x4b: {  	_ =	shalt  }
0x4c: {  	_ =	shalt  }
0x4d: {  	_ =	shalt  }
0x4e: {  	_ =	shalt  }
0x4f: {  	_ =	shalt  }
0x50: {  	_ =	shalt  }
0x51: {  	_ =	shalt  }
0x52: {  	_ =	shalt  }
0x53: {  	_ =	shalt  }
0x54: {  	_ =	shalt  }
0x55: {  	_ =	shalt  }
0x56: {  	_ =	shalt  }
0x57: {  	_ =	shalt  }
0x58: {  	_ =	shalt  }
0x59: {  	_ =	shalt  }
0x5a: {  	_ =	shalt  }
0x5b: {  	_ =	shalt  }
0x5c: {  	_ =	shalt  }
0x5d: {  	_ =	shalt  }
0x5e: {  	_ =	shalt  }
0x5f: {  	_ =	shalt  }
0x60: {  	_ =	shalt  }
0x61: {  	_ =	shalt  }
0x62: {  	_ =	shalt  }
0x63: {  	_ =	shalt  }
0x64: {  	_ =	shalt  }
0x65: {  	_ =	shalt  }
0x66: {  	_ =	shalt  }
0x67: {  	_ =	shalt  }
0x68: {  	_ =	shalt  }
0x69: {  	_ =	shalt  }
0x6a: {  	_ =	shalt  }
0x6b: {  	_ =	shalt  }
0x6c: {  	_ =	shalt  }
0x6d: {  	_ =	shalt  }
0x6e: {  	_ =	shalt  }
0x6f: {  	_ =	shalt  }
0x70: {  	_ =	shalt  }
0x71: {  	_ =	shalt  }
0x72: {  	_ =	shalt  }
0x73: {  	_ =	shalt  }
0x74: {  	_ =	shalt  }
0x75: {  	_ =	shalt  }
0x76: {  	_ =	shalt  }
0x77: {  	_ =	shalt  }
0x78: {  	_ =	shalt  }
0x79: {  	_ =	shalt  }
0x7a: {  	_ =	shalt  }
0x7b: {  	_ =	shalt  }
0x7c: {  	_ =	shalt  }
0x7d: {  	_ =	shalt  }
0x7e: {  	_ =	shalt  }
0x7f: {  	_ =	shalt  }
0x80: {  	_ =	shalt  }
0x81: {  	_ =	shalt  }
0x82: {  	_ =	shalt  }
0x83: {  	_ =	shalt  }
0x84: {  	_ =	shalt  }
0x85: {  	_ =	shalt  }
0x86: {  	_ =	shalt  }
0x87: {  	_ =	shalt  }
.Lfunc_end0:
.L_simem_size_0:
called_computation.2_lowered:
.L_overlay_start_0:
0x88: {  	s2 =	sld [smem:$0x3FD9]  }
0x89: {  	s3 =	sld [smem:$0x3FFE];
	_ =	sdelay $0x1  }
0x8a: {  	s1 =	srdreg.scid  }
0x8b: {  	s0 =	sand.u32 $0x1, s1  }
0x8c: {  	s17 =	sshll.u32 s0, $0xA;
	s2 =	sadd.s32 s3, s2  }
0x8d: {  	s2 =	sadd.s32 s2, s17  }
0x8e: {  	[smem:$0x3FC5] =	sst s2  }
0x8f: {  	_ = 	snop  }
0x90: {  	s18 =	sld [smem:$0x3FC7];
	(tm) =	ssettm $0x1  }
0x91: {  	s19 =	sld [smem:$0x3FFB];
	_ =	sdelay $0x3  }
0x92: {  	_ =	strace s19  }
0x93: {  	s2 =	sld [smem:$0x3FFC];
	_ =	sdelay $0x3  }
0x94: {  	_ =	strace s2  }
0x95: {  	s2 =	sld [smem:$0x3FFD];
	_ =	sdelay $0x3  }
0x96: {  	_ =	strace s2  }
0x97: {  	_ =	strace $0x8FFFFFFF  }
0x98: {  	s20 =	sld [smem:$0x3FDB];
	_ =	sdelay $0x1  }
0x99: {  	s4 =	simm.s32 $_scs_section_size  }
0x9a: {  	s5 =	simm.s32 $_size__tile_overlayer_lowered;
	s6 =	simm.s32 $_tile_overlayer_lowered  }
0x9b: {  	s7 =	simm.s32 $0x1BFF;
	s21 =	sshll.u32 s6, $0x1;
	s4 =	sadd.s32 s4, s20  }
0x9c: {  	s22 =	simm.s32 $0x0;
	s5 =	sshll.u32 s5, $0x1;
	s6 =	sadd.s32 s21, s4  }
0x9d: {  	[timem:s22], [sflag:s7] =	dma.local [hbm:s6], s5  }
0x9e: {  	_ =	swait.ge [sflag:s7], s5  }
0x9f: {  	s5 =	ssub.s32 $0x0, s5;
	[sflag:s7] =	ssyncset.done $0x0  }
0xa0: {  	[sflag:s7] =	ssyncadd.s32 s5;
	_ =	sdelay $0x1  }
0xa1: {  	s23 =	simm.s32 $0x1B8B  }
0xa2: {  	_ =	swait.ge [sflag:s23], $0x1  }
0xa3: {  	[sflag:s23] =	ssyncset.done $0x0  }
0xa4: {  	[sflag:s23] =	ssyncadd.s32 $0xFFFFFFFF  }
0xa5: {  	s5 =	sld [smem:$0x0]  }
0xa6: {  	s6 =	sand.u32 $0xFFFFFFFE, s1  }
0xa7: {  	p0 =	sne.s32 s1, s6  }
0xa8: {  	s6 =	sshll.u32 @p0 s6, $0xE  }
0xa9: {  	s6 =	sadd.s32 @p0 $0x11B8D, s6;
	s7 =	sshll.u32 @p0 s5, $0x11  }
0xaa: {  	s6 =	sor.u32 @p0 s7, s6  }
0xab: {  	[sflag:s6] =	ssyncadd.remote.s32 @p0 $0x1;
	_ =	sdelay $0x1  }
0xac: {  	s6 =	simm.s32 @p0 $0x1B8D  }
0xad: {  	_ =	swait.eq @p0 [sflag:s6], $0x1  }
0xae: {  	[sflag:s6] =	ssyncadd.s32 @p0 $0xFFFFFFFF  }
0xaf: {  	s7 =	sshll.u32 @!p0 s1, $0xE  }
0xb0: {  	s7 =	sor.u32 @!p0 $0x4000, s7;
	s6 =	simm.s32 @!p0 $0x1B8D  }
0xb1: {  	s5 =	sshll.u32 @!p0 s5, $0x11;
	s7 =	sadd.s32 @!p0 $0x11B8D, s7;
	_ =	swait.eq @!p0 [sflag:s6], $0x1  }
0xb2: {  	s5 =	sor.u32 @!p0 s5, s7;
	[sflag:s6] =	ssyncadd.s32 @!p0 $0xFFFFFFFF  }
0xb3: {  	s25 =	simm.s32 $0x1B8E;
	s24 =	sld [smem:$0x3FFE];
	[sflag:s5] =	ssyncadd.remote.s32 @!p0 $0x1  }
0xb4: {  	s26 =	simm.s32 $execute0_lowered;
	[smem:$0x3FD2] =	sst s25  }
0xb5: {  	s6 =	sshll.u32 s26, $0x1;
	_ =	strace $0x8000004C;
	[dreg:$0x1] =	wrdreg $0xFFFFFFFF  }
0xb6: {  	s28 =	simm.s32 $_size_execute0_lowered;
	s4 =	sadd.s32 s4, s6;
	[dreg:$0x0] =	wrdreg $0x0  }
0xb7: {  	s6 =	sshll.u32 s28, $0x1;
	[dreg:$0x2] =	wrdreg s4  }
0xb8: {  	[dreg:$0x3] =	wrdreg s6  }
0xb9: {  	[dreg:$0x4] =	wrdreg $0xC0  }
0xba: {  	_ =	task [dreg:s22], $0x5FFFF  }
0xbb: {  	[dreg:$0x1] =	wrdreg $0xFFFFFFFF  }
0xbc: {  	[dreg:$0x0] =	wrdreg $0x60  }
0xbd: {  	[dreg:$0x2] =	wrdreg s24  }
0xbe: {  	[dreg:$0x3] =	wrdreg s18  }
0xbf: {  	[dreg:$0x4] =	wrdreg $0xB  }
0xc0: {  	_ =	task.clear_ibuf [dreg:s22], $0x5FFFF;
	_ =	strace $0x9000004C  }
0xc1: {  	s29 =	simm.s32 $0xB;
	_ =	strace $0x8000004E  }
0xc2: {  	_ =	swait.ge [sflag:s29], $0x1  }
0xc3: {  	[sflag:s29] =	ssyncadd.s32 $0xFFFFFFFF  }
0xc4: {  	_ =	strace $0x9000004E  }
0xc5: {  	_ =	sfence  }
0xc6: {  	s30 =	sld [smem:$0x0];
	_ =	sdelay $0x2  }
0xc7: {  	s31 =	sshll.u32 s1, $0xD;
	s1 =	sshrl.u32 s1, $0x2  }
0xc8: {  	s4 =	sand.u32 $0x4000, s31;
	s1 =	sadd.s32 s1, s30  }
0xc9: {  	s0 =	sor.u32 s4, s0;
	s1 =	sshll.u32 s1, $0x11  }
0xca: {  	s0 =	sor.u32 s1, s0  }
0xcb: {  	s0 =	sadd.s32 $0x8F2B, s0  }
0xcc: {  	[sflag:s0] =	ssyncadd.remote.s32 $0x1  }
0xcd: {  	_ =	sfence.sel $0xFFFF  }
0xce: {  	[dreg:$0x0] =	wrdreg $0xFFFFFFFF;
	(pc) =	sbr.abs _section_cstart, $3  }
0xcf: {  	[dreg:$0x1] =	wrdreg $0xFFFFFFFF  }
0xd0: {  	_ =	task.clear_ibuf [dreg:s22], $0x2FFFF;
	_ =	strace $0x9FFFFFFF  }
0xd1: {  	(tm) =	ssettm $0x7FFFFFFF  }
tec
execute0_lowered:
.L_overlay_start_1:
0x0: {  	(tag) =	ssettag $0x1  }
0x1: {  	s3 =	rddreg [dreg:$0x0]  }
0x2: {  	s5 =	rddreg [dreg:$0x1]  }
0x3: {  	s0 =	rddreg [dreg:$0x2];
	s2 =	simm.s32 $0x0  }
0x4: {  	s4 =	srdreg.scid;
	s1 =	stileid.u32;
	s13 =	simm.s32 $0x3C8C0  }
0x5: {  	s14 =	simm.s32 $0x7D00;
	s15 =	simm.s32 $0xFA00;
	s16 =	simm.s32 $0x11940  }
0x6: {  	s17 =	simm.s32 $0x7;
	s18 =	simm.s32 $0x0;
	[smem:$0x7FF] =	sst s2  }
0x7: {  	s4 =	sand.u32 $0x1, s4;
	s6 =	sshll.u32 s1, $0x1;
	s7 =	sadd.s32 $0xB7A00, s3  }
0x8: {  	s10 =	sadd.s32 $0x99400, s3;
	p0 =	seq.s32 s1, $0xF;
	s6 =	sor.u32 s4, s6  }
0x9: {  	s4 =	ssub.s32 $0x2, s4;
	s8 =	sshll.u32 s6, $0x4;
	s6 =	smul.u32 $0xFA0, s6  }
0xa: {  	_ =	strace $0x8000004D;
	s9 =	sshrl.u32 s4, $0x1;
	s11 =	sadd.s32 s8, s3  }
0xb: {  	s12 =	ssub.s32 s4, s9;
	s3 =	simm.s32 $0x1;
	s30 =	sshrl.u32 s6, $0x3  }
0xc: {  	s3 =	simm.s32 @!p0 $0x2;
	s4 =	sadd.s32 s7, s30;
	s31 =	sadd.s32 s5, s30  }
0xd: {  	s5 =	sadd.s32 s10, s30;
	s8 =	sadd.s32 $0x3E80, s30;
	s6 =	sadd.s32 $0xF230, s31  }
0xe: {  	s7 =	sadd.s32 s7, s8;
	s8 =	sadd.s32 s10, s8;
	s9 =	sadd.s32 $0x130B0, s31  }
0xf: {  	v0 =	vimm.f32 $0.0e+00;
	s10 =	sadd.s32 $0x20000, s11;
	s11 =	smax.u32 s12, $0x1;
	s12 =	simm.s32 $0xFA0  }
.LBB2_1:
0x10: {  	[tilespmem:s2], [sflag:$0x1] =	stream.strided.gather [hbm4b:s4+s12], $0x3E80, s13, s12, $0x38;
	[tilespmem:$0x119C0] =	vst v63  }
0x11: {  	_ = 	snop  }
0x12: {  	[tilespmem:s14], [sflag:$0x3] =	stream.strided.gather [hbm4b:s5+s12], $0x3E80, s13, s12, $0x38;
	[tilespmem:$0x119C0] =	vst v63  }
0x13: {  	p0 =	por $0x0, $0x0;
	s19 =	simm.s32 $0x0  }
0x14: {  	v4 =	vimm.f32 $0.0e+00;
	v5 =	vimm.f32 $0.0e+00;
	v9 =	vimm.f32 $0.0e+00;
	[tilespmem:s15], [sflag:$0x5] =	stream.linear.gather [hbm4b:s6+s2], $0xFA0, $0x38;
	[tilespmem:$0x119C0] =	vst v63  }
.LBB2_3:
0x15: {  	s20 =	smov.u32 s19;
	s19 =	sadd.s32 $0x1, s19  }
0x16: {  	p1 =	sge.u32 s19, s3  }
0x17: {  	s21 =	simm.s32 @!p1 $0xFA0;
	s22 =	simm.s32 @!p1 $0x3C8C0;
	s23 =	simm.s32 @!p1 $0x3E80  }
0x18: {  	[tilespmem:s23], [sflag:$0x2] =	stream.strided.gather @!p1 [hbm4b:s7+s21], $0x3E80, s22, s21, $0x38;
	[tilespmem:$0x119C0] =	vst v63  }
0x19: {  	s23 =	simm.s32 @!p1 $0xBB80  }
0x1a: {  	[tilespmem:s23], [sflag:$0x4] =	stream.strided.gather @!p1 [hbm4b:s8+s21], $0x3E80, s22, s21, $0x38;
	[tilespmem:$0x119C0] =	vst v63  }
0x1b: {  	s21 =	simm.s32 @!p1 $0x0;
	s22 =	simm.s32 @!p1 $0x109A0  }
0x1c: {  	[tilespmem:s22], [sflag:$0x6] =	stream.linear.gather @!p1 [hbm4b:s9+s21], $0xFA0, $0x38;
	[tilespmem:$0x119C0] =	vst v63  }
0x1d: {  	s20 =	sand.u32 $0x1, s20;
	s21 =	simm.s32 $0x1  }
0x1e: {  	s26 =	sadd.s32 $0x1, s20;
	s21 =	simm.s32 @!p0 $0x0  }
0x1f: {  	_ =	swait.ge [sflag:s26], $0x3E80;
	s28 =	smul.u32 $0xFA00, s21  }
0x20: {  	[sflag:s26] =	ssyncset.done $0x0  }
0x21: {  	s29 =	sadd.s32 $0x3, s20;
	[sflag:s26] =	ssyncadd.s32 $0xFFFFC180;
	s23 =	sshrl.u32 s28, $0x2  }
0x22: {  	_ =	swait.ge [sflag:s29], $0x3E80;
	s24 =	sadd.s32 $0x2EF0, s23  }
0x23: {  	s21 =	smul.u32 $0x3E80, s21;
	s23 =	sadd.s32 $0xABF0, s23;
	[sflag:s29] =	ssyncset.done $0x0;
	v1 =	vmov s24  }
0x24: {  	s20 =	sadd.s32 $0x5, s20;
	[sflag:s29] =	ssyncadd.s32 $0xFFFFC180;
	v2 =	vmov s23  }
0x25: {  	s21 =	sshrl.u32 s21, $0x2;
	_ =	swait.ge [sflag:s20], $0xFA0  }
0x26: {  	s21 =	sadd.s32 $0xFA00, s21;
	[sflag:s20] =	ssyncset.done $0x0  }
0x27: {  	s30 =	simm.s32 $0x0;
	v3 =	vmov s21;
	[sflag:s20] =	ssyncadd.s32 $0xFFFFF060  }
0x28: {  	v6 =	vld.idx.msk [tilespmem:v1+s30+$0x0 ss:$0x1], $0xffff  }
0x29: {  	v7 =	vld.idx.msk [tilespmem:v2+s30+$0x0 ss:$0x1], $0xffff  }
0x2a: {  	v8 =	vld.idx.msk [tilespmem:v1+s30+$0xFFFFF060 ss:$0x1], $0xffff  }
0x2b: {  	v10 =	vld.idx.msk [tilespmem:v2+s30+$0xFFFFF060 ss:$0x1], $0xffff  }
0x2c: {  	v11 =	vld.idx.msk [tilespmem:v3+s30+$0x10 ss:$0x1], $0xffff  }
0x2d: {  	v12 =	vld.idx.msk [tilespmem:v2+s30+$0xFFFFE0C0 ss:$0x1], $0xffff  }
0x2e: {  	v14 =	vld.idx.msk [tilespmem:v1+s30+$0xFFFFE0C0 ss:$0x1], $0xffff  }
0x2f: {  	v15 =	vld.idx.msk [tilespmem:v3+s30+$0x0 ss:$0x1], $0xffff  }
0x30: {  	v16 =	vld.idx.msk [tilespmem:v2+s30+$0xFFFFD120 ss:$0x1], $0xffff  }
0x31: {  	s31 =	simm.s32 $0x20;
	v17 =	vld.idx.msk [tilespmem:v1+s30+$0xFFFFD120 ss:$0x1], $0xffff  }
0x32: {  	v27 =	vld.idx.msk [tilespmem:v2+s31+$0xFFFFE0C0 ss:$0x1], $0xffff  }
0x33: {  	v29 =	vld.idx.msk [tilespmem:v1+s31+$0xFFFFE0C0 ss:$0x1], $0xffff  }
0x34: {  	v25 =	vld.idx.msk [tilespmem:v3+s31+$0x10 ss:$0x1], $0xffff  }
0x35: {  	v13 =	vld.idx.msk [tilespmem:v2+s30+$0xFFFFD110 ss:$0x1], $0xffff  }
0x36: {  	v18 =	vld.idx.msk [tilespmem:v1+s30+$0xFFFFE0B0 ss:$0x1], $0xffff;
	v6 =	vsub.f32 v6, v7;
	v8 =	vsub.f32 v8, v10  }
0x37: {  	v10 =	vsub.f32 v14, v12;
	v12 =	vld.idx.msk [tilespmem:v1+s30+$0xFFFFD110 ss:$0x1], $0xffff;
	v14 =	vcvt.s32.f32 v11;
	vm0 =	veq.s32 v15, $0x1  }
0x38: {  	v7 =	vld.idx.msk [tilespmem:v2+s30+$0xFFFFE0B0 ss:$0x1], $0xffff;
	v16 =	vsub.f32 v17, v16;
	vm1 =	veq.s32 v11, $0x1;
	v27 =	vsub.f32 v29, v27  }
0x39: {  	v20 =	vld.idx.msk [tilespmem:v2+s30+$0xFFFFF050 ss:$0x1], $0xffff;
	v24 =	vsel vm0, $0x3F800000, v0;
	vm0 =	veq.s32 v25, $0x1;
	v6 =	vand.u32 $0x7FFFFFFF, v6  }
0x3a: {  	v22 =	vld.idx.msk [tilespmem:v1+s30+$0xFFFFF050 ss:$0x1], $0xffff;
	v8 =	vand.u32 $0x7FFFFFFF, v8;
	v10 =	vand.u32 $0x7FFFFFFF, v10;
	v19 =	vadd.f32 v6, v6  }
0x3b: {  	v23 =	vld.idx.msk [tilespmem:v1+s30+$0xFFFFFFF0 ss:$0x1], $0xffff;
	v5 =	vadd.f32 v24, v5;
	v6 =	vmin.f32 v6, $1.000000000e+00;
	v21 =	vadd.f32 v10, v10  }
0x3c: {  	v10 =	vmin.f32 v10, $1.000000000e+00;
	v19 =	vsub.f32 v19, v6;
	v12 =	vsub.f32 v12, v13;
	v13 =	vld.idx.msk [tilespmem:v2+s30+$0xFFFFFFF0 ss:$0x1], $0xffff  }
0x3d: {  	v16 =	vand.u32 $0x7FFFFFFF, v16;
	v11 =	vsub.f32 v21, v10;
	v7 =	vsub.f32 v18, v7  }
0x3e: {  	v17 =	vmul.f32 v19, v6;
	v6 =	vmin.f32 v16, $1.000000000e+00;
	v16 =	vadd.f32 v16, v16  }
0x3f: {  	v18 =	vsub.f32 v22, v20;
	v12 =	vand.u32 $0x7FFFFFFF, v12;
	v10 =	vmul.f32 v11, v10  }
0x40: {  	v11 =	vcvt.s32.f32 v15;
	v15 =	vsub.f32 v16, v6;
	v16 =	vadd.f32 v12, v12  }
0x41: {  	v7 =	vand.u32 $0x7FFFFFFF, v7;
	v12 =	vmin.f32 v12, $1.000000000e+00;
	v13 =	vsub.f32 v23, v13  }
0x42: {  	v20 =	vld.idx.msk [tilespmem:v1+s31+$0x0 ss:$0x1], $0xffff;
	v21 =	vmin.f32 v7, $1.000000000e+00;
	v15 =	vmul.f32 v15, v6;
	v6 =	vsub.f32 v16, v12  }
0x43: {  	v7 =	vadd.f32 v7, v7;
	v11 =	vadd.f32 v11, v4;
	v4 =	vand.u32 $0x7FFFFFFF, v13;
	v13 =	vld.idx.msk [tilespmem:v1+s31+$0xFFFFF060 ss:$0x1], $0xffff  }
0x44: {  	v60 =	vand.u32 $0x7FFFFFFF, v27;
	v22 =	vmin.f32 v8, $1.000000000e+00;
	v6 =	vmul.f32 v6, v12;
	v12 =	vld.idx.msk [tilespmem:v2+s31+$0xFFFFF060 ss:$0x1], $0xffff  }
0x45: {  	v19 =	vadd.f32 v8, v8;
	v18 =	vand.u32 $0x7FFFFFFF, v18;
	v7 =	vsub.f32 v7, v21;
	v16 =	vld.idx.msk [tilespmem:v2+s31+$0x0 ss:$0x1], $0xffff  }
0x46: {  	v8 =	vadd.f32 v4, v4;
	v26 =	vmin.f32 v4, $1.000000000e+00;
	v4 =	vadd.f32 v18, v18  }
0x47: {  	v57 =	vld.idx.msk [tilespmem:v2+s31+$0xFFFFE0B0 ss:$0x1], $0xffff;
	v27 =	vmin.f32 v60, $1.000000000e+00;
	v21 =	vmul.f32 v7, v21;
	v18 =	vmin.f32 v18, $1.000000000e+00  }
0x48: {  	v59 =	vld.idx.msk [tilespmem:v1+s31+$0xFFFFD110 ss:$0x1], $0xffff;
	v7 =	vadd.f32 v14, v11;
	v28 =	vmul.f32 v6, v24;
	v4 =	vsub.f32 v4, v18  }
0x49: {  	v23 =	vsel vm1, $0x3F800000, v0;
	v30 =	vsub.f32 v8, v26;
	v6 =	vld.idx.msk [tilespmem:v3+s31+$0x0 ss:$0x1], $0xffff;
	v12 =	vsub.f32 v13, v12  }
0x4a: {  	v11 =	vld.idx.msk [tilespmem:v1+s31+$0xFFFFD120 ss:$0x1], $0xffff;
	v8 =	vmul.f32 v17, v23;
	v14 =	vadd.f32 v28, v9;
	v13 =	vsub.f32 v20, v16  }
0x4b: {  	v17 =	vld.idx.msk [tilespmem:v2+s31+$0xFFFFD110 ss:$0x1], $0xffff;
	v16 =	vmul.f32 v4, v18;
	v9 =	vand.u32 $0x7FFFFFFF, v12;
	v12 =	vmul.f32 v21, v24  }
0x4c: {  	v19 =	vsub.f32 v19, v22;
	v5 =	vadd.f32 v23, v5;
	v63 =	vmul.f32 v10, v23;
	v18 =	vld.idx.msk [tilespmem:v2+s31+$0xFFFFD120 ss:$0x1], $0xffff  }
0x4d: {  	v20 =	vmul.f32 v30, v26;
	v16 =	vmul.f32 v16, v24;
	v21 =	vld.idx.msk [tilespmem:v1+s31+$0xFFFFE0B0 ss:$0x1], $0xffff;
	v12 =	vadd.f32 v12, v14  }
0x4e: {  	v4 =	vcvt.s32.f32 v25;
	v13 =	vand.u32 $0x7FFFFFFF, v13;
	vm1 =	veq.s32 v6, $0x1  }
0x4f: {  	v14 =	vadd.f32 v60, v60;
	v12 =	vadd.f32 v16, v12;
	v16 =	vmul.f32 v20, v24  }
0x50: {  	v61 =	vld.idx.msk [tilespmem:v2+s31+$0xFFFFF050 ss:$0x1], $0xffff;
	v17 =	vsub.f32 v59, v17;
	v58 =	vmin.f32 v13, $1.000000000e+00;
	v13 =	vadd.f32 v13, v13  }
0x51: {  	v20 =	vld.idx.msk [tilespmem:v1+s31+$0xFFFFF050 ss:$0x1], $0xffff;
	v62 =	vsub.f32 v14, v27;
	v14 =	vmul.f32 v15, v23;
	v12 =	vadd.f32 v16, v12  }
0x52: {  	v11 =	vsub.f32 v11, v18;
	v18 =	vsub.f32 v21, v57;
	v16 =	vmul.f32 v19, v22  }
0x53: {  	v17 =	vand.u32 $0x7FFFFFFF, v17;
	v13 =	vsub.f32 v13, v58;
	v21 =	vadd.f32 v14, v12;
	v12 =	vld.idx.msk [tilespmem:v1+s31+$0xFFFFFFF0 ss:$0x1], $0xffff  }
0x54: {  	v10 =	vand.u32 $0x7FFFFFFF, v11;
	v14 =	vand.u32 $0x7FFFFFFF, v18;
	v18 =	vmul.f32 v16, v23;
	v16 =	vld.idx.msk [tilespmem:v2+s31+$0xFFFFFFF0 ss:$0x1], $0xffff  }
0x55: {  	v11 =	vmul.f32 v13, v58;
	v13 =	vmin.f32 v10, $1.000000000e+00;
	v15 =	vadd.f32 v10, v10  }
0x56: {  	s20 =	simm.s32 $0x100;
	v10 =	vmul.f32 v62, v27;
	v19 =	vsub.f32 v20, v61;
	v20 =	vadd.f32 v63, v21  }
.LBB2_4:
0x57: {  	s21 =	sshra.s32 s20, $0x2;
	p1 =	seq.s32 s20, $0x3E00;
	s20 =	sadd.s32 $0x80, s20;
	v6 =	vcvt.s32.f32 v6;
	v15 =	vsub.f32 v15, v13;
	v21 =	vadd.f32 v9, v9  }
0x58: {  	v23 =	vadd.f32 v17, v17;
	v22 =	vld.idx.msk [tilespmem:v1+s21+$0x0 ss:$0x1], $0xffff;
	v19 =	vand.u32 $0x7FFFFFFF, v19;
	v18 =	vadd.f32 v18, v20  }
0x59: {  	v17 =	vmin.f32 v17, $1.000000000e+00;
	v12 =	vsub.f32 v12, v16;
	v20 =	vld.idx.msk [tilespmem:v2+s21+$0x0 ss:$0x1], $0xffff;
	v13 =	vmul.f32 v15, v13  }
0x5a: {  	v16 =	vsub.f32 v23, v17;
	v23 =	vmin.f32 v14, $1.000000000e+00;
	v15 =	vld.idx.msk [tilespmem:v1+s21+$0xFFFFF060 ss:$0x1], $0xffff;
	v18 =	vadd.f32 v8, v18  }
0x5b: {  	v25 =	vmin.f32 v9, $1.000000000e+00;
	v7 =	vadd.f32 v6, v7;
	v6 =	vand.u32 $0x7FFFFFFF, v12;
	v24 =	vld.idx.msk [tilespmem:v2+s21+$0xFFFFF060 ss:$0x1], $0xffff  }
0x5c: {  	v27 =	vsel vm0, $0x3F800000, v0;
	v8 =	vmul.f32 v16, v17;
	v9 =	vadd.f32 v6, v6;
	v26 =	vld.idx.msk [tilespmem:v3+s21+$0x10 ss:$0x1], $0xffff  }
0x5d: {  	v12 =	vadd.f32 v14, v14;
	v17 =	vsel vm1, $0x3F800000, v0;
	v14 =	vmin.f32 v6, $1.000000000e+00;
	v16 =	vld.idx.msk [tilespmem:v2+s21+$0xFFFFE0C0 ss:$0x1], $0xffff  }
0x5e: {  	v21 =	vsub.f32 v21, v25;
	v29 =	vmul.f32 v8, v17;
	v8 =	vadd.f32 v19, v19;
	v28 =	vld.idx.msk [tilespmem:v2+s21+$0xFFFFD110 ss:$0x1], $0xffff  }
0x5f: {  	v5 =	vadd.f32 v17, v5;
	v12 =	vsub.f32 v12, v23;
	v19 =	vmin.f32 v19, $1.000000000e+00;
	v30 =	vld.idx.msk [tilespmem:v1+s21+$0xFFFFE0C0 ss:$0x1], $0xffff  }
0x60: {  	v9 =	vsub.f32 v9, v14;
	v31 =	vsub.f32 v8, v19;
	v6 =	vld.idx.msk [tilespmem:v3+s21+$0x0 ss:$0x1], $0xffff  }
0x61: {  	v23 =	vmul.f32 v12, v23;
	v5 =	vadd.f32 v27, v5;
	v8 =	vmul.f32 v11, v27;
	v32 =	vld.idx.msk [tilespmem:v2+s21+$0xFFFFD120 ss:$0x1], $0xffff  }
0x62: {  	v20 =	vsub.f32 v22, v20;
	v15 =	vsub.f32 v15, v24;
	v19 =	vmul.f32 v31, v19;
	v11 =	vld.idx.msk [tilespmem:v1+s21+$0xFFFFD120 ss:$0x1], $0xffff  }
0x63: {  	v7 =	vadd.f32 v4, v7;
	v14 =	vmul.f32 v9, v14;
	v4 =	vcvt.s32.f32 v26;
	v22 =	vld.idx.msk [tilespmem:v2+s21+$0xFFFFE0B0 ss:$0x1], $0xffff  }
0x64: {  	v18 =	vadd.f32 v29, v18;
	v20 =	vand.u32 $0x7FFFFFFF, v20;
	v19 =	vmul.f32 v19, v17;
	v12 =	vld.idx.msk [tilespmem:v1+s21+$0xFFFFFFF0 ss:$0x1], $0xffff  }
0x65: {  	v9 =	vand.u32 $0x7FFFFFFF, v15;
	v15 =	vmul.f32 v23, v17;
	v16 =	vsub.f32 v30, v16;
	v24 =	vld.idx.msk [tilespmem:v1+s21+$0xFFFFE0B0 ss:$0x1], $0xffff  }
0x66: {  	v29 =	vmin.f32 v20, $1.000000000e+00;
	v20 =	vadd.f32 v20, v20;
	vm1 =	veq.s32 v6, $0x1;
	v23 =	vld.idx.msk [tilespmem:v1+s21+$0xFFFFD110 ss:$0x1], $0xffff  }
0x67: {  	vm0 =	veq.s32 v26, $0x1;
	v15 =	vadd.f32 v15, v18;
	v16 =	vand.u32 $0x7FFFFFFF, v16  }
0x68: {  	v18 =	vsub.f32 v20, v29;
	v30 =	vmin.f32 v16, $1.000000000e+00;
	v16 =	vadd.f32 v16, v16;
	v26 =	vld.idx.msk [tilespmem:v2+s21+$0xFFFFF050 ss:$0x1], $0xffff  }
0x69: {  	v14 =	vmul.f32 v14, v17;
	v15 =	vadd.f32 v19, v15;
	v11 =	vsub.f32 v11, v32;
	v20 =	vld.idx.msk [tilespmem:v1+s21+$0xFFFFF050 ss:$0x1], $0xffff  }
0x6a: {  	v17 =	vmul.f32 v13, v27;
	v32 =	vmul.f32 v10, v27;
	v31 =	vsub.f32 v16, v30  }
.Ltmp0:
0x6b: {  	v19 =	vmul.f32 v21, v25;
	v14 =	vadd.f32 v14, v15;
	v10 =	vand.u32 $0x7FFFFFFF, v11;
	(pc) =	sbr.rel @!p1 .LBB2_4-.Ltmp0, $4  }
0x6c: {  	v11 =	vmul.f32 v18, v29;
	v22 =	vsub.f32 v24, v22;
	v21 =	vsub.f32 v23, v28;
	v16 =	vld.idx.msk [tilespmem:v2+s21+$0xFFFFFFF0 ss:$0x1], $0xffff  }
0x6d: {  	v13 =	vmin.f32 v10, $1.000000000e+00;
	v15 =	vadd.f32 v10, v10;
	v23 =	vadd.f32 v17, v14  }
0x6e: {  	v18 =	vmul.f32 v19, v27;
	v14 =	vand.u32 $0x7FFFFFFF, v22;
	v17 =	vand.u32 $0x7FFFFFFF, v21  }
0x6f: {  	v10 =	vmul.f32 v31, v30;
	v19 =	vsub.f32 v20, v26;
	v20 =	vadd.f32 v32, v23  }
0x70: {  	v1 =	vadd.f32 v17, v17;
	v56 =	vmin.f32 v17, $1.000000000e+00  }
0x71: {  	v57 =	vadd.f32 v14, v14;
	v58 =	vmin.f32 v14, $1.000000000e+00;
	v2 =	vsub.f32 v12, v16  }
0x72: {  	v3 =	vand.u32 $0x7FFFFFFF, v19;
	v55 =	vadd.f32 v18, v20;
	v1 =	vsub.f32 v1, v56  }
0x73: {  	v61 =	vsel vm1, $0x3F800000, v0;
	v60 =	vadd.f32 v3, v3;
	v17 =	vsub.f32 v57, v58  }
0x74: {  	v3 =	vmin.f32 v3, $1.000000000e+00;
	v2 =	vand.u32 $0x7FFFFFFF, v2;
	v1 =	vmul.f32 v1, v56  }
0x75: {  	v8 =	vadd.f32 v8, v55;
	v59 =	vadd.f32 v2, v2;
	v2 =	vmin.f32 v2, $1.000000000e+00  }
0x76: {  	v16 =	vsub.f32 v60, v3;
	v14 =	vmul.f32 v17, v58;
	v1 =	vmul.f32 v1, v61  }
0x77: {  	v12 =	vsub.f32 v59, v2  }
0x78: {  	v3 =	vmul.f32 v16, v3;
	v1 =	vadd.f32 v1, v8;
	v8 =	vmul.f32 v14, v61  }
0x79: {  	v62 =	vsub.f32 v15, v13  }
0x7a: {  	v2 =	vmul.f32 v12, v2;
	v3 =	vmul.f32 v3, v61;
	v1 =	vadd.f32 v8, v1  }
0x7b: {  	v63 =	vmul.f32 v62, v13  }
0x7c: {  	v8 =	vadd.f32 v9, v9;
	v2 =	vmul.f32 v2, v61;
	v1 =	vadd.f32 v3, v1  }
0x7d: {  	v3 =	vmin.f32 v9, $1.000000000e+00;
	v9 =	vsel vm0, $0x3F800000, v0  }
0x7e: {  	v8 =	vsub.f32 v8, v3;
	v12 =	vmul.f32 v63, v9;
	v1 =	vadd.f32 v2, v1;
	_ =	sdelay $0x1  }
0x7f: {  	v2 =	vmul.f32 v10, v9;
	v3 =	vmul.f32 v8, v3;
	v1 =	vadd.f32 v12, v1  }
0x80: {  	v6 =	vcvt.s32.f32 v6  }
0x81: {  	v3 =	vmul.f32 v3, v9;
	v1 =	vadd.f32 v2, v1  }
0x82: {  	v6 =	vadd.f32 v6, v7  }
0x83: {  	v7 =	vmul.f32 v11, v9;
	v2 =	vadd.f32 v61, v5;
	v1 =	vadd.f32 v3, v1  }
0x84: {  	v4 =	vadd.f32 v4, v6  }
0x85: {  	v5 =	vadd.f32 v9, v2;
	v9 =	vadd.f32 v7, v1  }
0x86: {  	p1 =	seq.s32 s19, s3  }
.Ltmp1:
0x87: {  	_ = 	snop;
	(pc) =	sbr.rel @!p1 .LBB2_3-.Ltmp1, $2  }
0x88: {  	_ =	sdelay $0x2  }
0x89: {  	p0 =	por !p0, !p0  }
0x8a: {  	[tilespmem:$0x11940] =	vst v9  }
0x8b: {  	[tilespmem:$0x11950] =	vst v5  }
0x8c: {  	[tilespmem:$0x11960] =	vst v4  }
0x8d: {  	[tilespmem:$0x11970] =	vst v0  }
0x8e: {  	[tilespmem:$0x11980] =	vst v0  }
0x8f: {  	[tilespmem:$0x11990] =	vst v0;
	s18 =	sadd.s32 $0x1, s18  }
0x90: {  	[tilespmem:$0x119A0] =	vst v0;
	p0 =	sne.s32 s18, s11  }
.Ltmp2:
0x91: {  	[tilespmem:$0x119B0] =	vst v0;
	(pc) =	sbr.rel @p0 .LBB2_1-.Ltmp2, $4  }
0x92: {  	[hbm4b:s10+s2] =	stream.linear.scatter [tilespmem:s16], [sflag:$0x7], $0x80, $0x38;
	[tilespmem:$0x119C0] =	vst v63  }
0x93: {  	_ =	swait.ge [sflag:s17], $0x80  }
0x94: {  	[sflag:s17] =	ssyncset.done $0x0  }
0x95: {  	[sflag:s17] =	ssyncadd.s32 $0xFFFFFF80  }
0x96: {  	_ =	sfence.sel $0x180000  }
0x97: {  	[bflag:$0x0] =	sbarrier.arrive $0xFFFF  }
0x98: {  	p0 =	sne.s32 s1, $0x0;
	_ =	strace $0x9000004D  }
0x99: {  	s0 =	sadd.s32 @!p0 $0x100000, s0;
	[bflag:$0x2] =	sbarrier.arrive $0xFFFF  }
0x9a: {  	[sflag:s0] =	ssyncadd.tile.s32 @!p0 $0x1;
	_ =	shalt  }
.Lfunc_end2:
_tile_overlayer_lowered:
.L_overlay_start_2:
0x9b: {  	(tag) =	ssettag $0x2  }
0x9c: {  	s0 =	rddreg [dreg:$0x0];
	s2 =	stileid.u32  }
0x9d: {  	s1 =	rddreg [dreg:$0x1];
	p0 =	sne.s32 s2, $0x0  }
0x9e: {  	s3 =	rddreg [dreg:$0x2];
	[bflag:$0x3] =	sbarrier.arrive $0xFFFF;
	s2 =	simm.s32 @!p0 $0x1C07  }
0x9f: {  	[timem:s3], [sflag:s2] =	dma.local @!p0 [hbm:s0], s1  }
0xa0: {  	s0 =	simm.s32 @!p0 $0x7  }
0xa1: {  	_ =	swait.ge @!p0 [sflag:s0], s1  }
0xa2: {  	s1 =	ssub.s32 @!p0 $0x0, s1;
	[sflag:s0] =	ssyncset.done @!p0 $0x0  }
0xa3: {  	[sflag:s0] =	ssyncadd.s32 @!p0 s1  }
0xa4: {  	[bflag:$0x3] =	sbarrier.arrive $0xFFFF  }
0xa5: {  	_ =	shalt  }

// kernel: kernel.15.cloned.1.call-start
scs
__scs_entry_jumppad:
0x0: {  	(pc) =	sbr.rel $0x88, $3  }
0x1: {  	(tag) =	ssettag $0x0;
	lr =	simm.s32 $0x1  }
0x2: {  	[smem:$0x3F9E] =	sst lr;
	_ =	strace $0xD0000000  }
0x3: {  	_ = 	snop  }
0x4: {  	_ = 	snop  }
0x5: {  	_ = 	snop  }
0x6: {  	_ = 	snop  }
0x7: {  	_ = 	snop  }
__scs_overlays_trampoline_lowered:
0x8: {  	[smem:$0x3FAD] =	sst s0  }
0x9: {  	[smem:$0x3FAE] =	sst s1  }
0xa: {  	[smem:$0x3FAF] =	sst s2  }
0xb: {  	[smem:$0x3FB0] =	sst s3  }
0xc: {  	[smem:$0x3FB1] =	sst s4  }
0xd: {  	[smem:$0x3FB2] =	sst s5  }
0xe: {  	[smem:$0x3FB3] =	sst s6  }
0xf: {  	[smem:$0x3FB4] =	sst s7  }
0x10: {  	[smem:$0x3FB5] =	sst s8  }
0x11: {  	[smem:$0x3FB6] =	sst s9;
	s0 =	simm.s32 @!p0 $0x0  }
0x12: {  	s1 =	sld [smem:$0x3F9C];
	s0 =	simm.s32 @p0 $0x1  }
0x13: {  	[smem:$0x3FB7] =	sst s0;
	s0 =	simm.s32 @!p1 $0x0  }
0x14: {  	s2 =	sld [smem:$0x3F9B];
	s0 =	simm.s32 @p1 $0x1  }
0x15: {  	[smem:$0x3FB8] =	sst s0;
	s0 =	simm.s32 @!p2 $0x0  }
0x16: {  	s3 =	sld [smem:$0x3FDB];
	s0 =	simm.s32 @p2 $0x1  }
0x17: {  	s4 =	simm.s32 $0x1BF5;
	[smem:$0x3FBA] =	sst s0  }
0x18: {  	s0 =	sld [smem:$0x3F9D];
	_ =	swait.ge [sflag:s4], $0x0  }
0x19: {  	s7 =	sld [smem:$0x3F9E]  }
0x1a: {  	s8 =	sadd.s32 $0xFFFFE003, lr  }
0x1b: {  	s9 =	sadd.s32 $0xFFFFFEF7, lr;
	s5 =	simm.s32 $0xFFFFFFFF;
	p2 =	slt.u32 s8, $0xFFFFF086  }
0x1c: {  	p1 =	slt.u32 s9, $0xF7A;
	s5 =	simm.s32 @!p2 $0x0  }
0x1d: {  	s5 =	simm.s32 @p1 $0x1;
	p0 =	seq.s32 s7, s2  }
0x1e: {  	s7 =	smul.u32 @!p0 $0xF7A, s2;
	p2 =	seq.s32 @!p0 s5, $0x0  }
0x1f: {  	s9 =	smul.u32 $0xF7A, s1;
	s8 =	simm.s32 @!p0 $0x1BF5;
	p2 =	por !p2, p0  }
0x20: {  	[sflag:s8] =	ssyncset.s32 @!p0 $0xFFFFF086;
	s6 =	sadd.s32 @!p0 s3, s7;
	s7 =	simm.s32 @!p0 $0x108  }
0x21: {  	s3 =	sadd.s32 s3, s9;
	s6 =	sadd.s32 @!p0 $0x88, s6;
	s7 =	simm.s32 @p2 $0x1082  }
0x22: {  	[simem:s7], [sflag:s8] =	dma.local @!p0 [hbm:s6], $0xF7A  }
0x23: {  	s9 =	sor.u32 $0xD0000000, s2;
	s6 =	simm.s32 $0x108;
	_ =	swait.ge @!p0 [sflag:s8], $0x0  }
0x24: {  	s3 =	sadd.s32 $0x88, s3;
	s6 =	simm.s32 @!p1 $0x1082;
	[sflag:s4] =	ssyncset.s32 $0xFFFFF086  }
0x25: {  	[simem:s6], [sflag:s4] =	dma.local [hbm:s3], $0xF7A  }
0x26: {  	[smem:$0x3F9E] =	sst s1;
	(tag) =	ssettag s2;
	_ =	strace s9  }
0x27: {  	s1 =	sld [smem:$0x3FAE]  }
0x28: {  	s2 =	sld [smem:$0x3FAF]  }
0x29: {  	s4 =	sld [smem:$0x3FB1]  }
0x2a: {  	p0 =	seq.s32 s5, $0x0;
	s5 =	sld [smem:$0x3FB2]  }
0x2b: {  	s6 =	sld [smem:$0x3FB3]  }
0x2c: {  	s7 =	sld [smem:$0x3FB4]  }
0x2d: {  	s3 =	simm.s32 $0x108;
	s8 =	sld [smem:$0x3FB5]  }
0x2e: {  	s3 =	simm.s32 @!p0 $0x1082;
	s9 =	sld [smem:$0x3FB6]  }
0x2f: {  	lr =	sadd.s32 s0, s3;
	s0 =	sld [smem:$0x3FAD]  }
0x30: {  	s3 =	sld [smem:$0x3FB0]  }
0x31: {  	[smem:$0x3FB9] =	sst s10  }
0x32: {  	s10 =	sld [smem:$0x3FB7];
	_ =	sdelay $0x3  }
0x33: {  	p0 =	seq.s32 s10, $0x1;
	s10 =	sld [smem:$0x3FB9];
	_ =	sdelay $0x3  }
0x34: {  	[smem:$0x3FB9] =	sst s10  }
0x35: {  	s10 =	sld [smem:$0x3FB8];
	_ =	sdelay $0x3  }
0x36: {  	p1 =	seq.s32 s10, $0x1;
	s10 =	sld [smem:$0x3FB9];
	_ =	sdelay $0x3  }
0x37: {  	[smem:$0x3FB9] =	sst s10  }
0x38: {  	s10 =	sld [smem:$0x3FBA]  }
0x39: {  	_ = 	snop;
	(pc) =	sbr.ind lr, $3  }
0x3a: {  	_ = 	snop  }
0x3b: {  	_ = 	snop  }
0x3c: {  	p2 =	seq.s32 s10, $0x1;
	s10 =	sld [smem:$0x3FB9]  }
0x3d: {  	_ =	shalt  }
0x3e: {  	_ =	shalt  }
0x3f: {  	_ =	shalt  }
0x40: {  	_ =	shalt  }
0x41: {  	_ =	shalt  }
0x42: {  	_ =	shalt  }
0x43: {  	_ =	shalt  }
0x44: {  	_ =	shalt  }
0x45: {  	_ =	shalt  }
0x46: {  	_ =	shalt  }
0x47: {  	_ =	shalt  }
0x48: {  	_ =	shalt  }
0x49: {  	_ =	shalt  }
0x4a: {  	_ =	shalt  }
0x4b: {  	_ =	shalt  }
0x4c: {  	_ =	shalt  }
0x4d: {  	_ =	shalt  }
0x4e: {  	_ =	shalt  }
0x4f: {  	_ =	shalt  }
0x50: {  	_ =	shalt  }
0x51: {  	_ =	shalt  }
0x52: {  	_ =	shalt  }
0x53: {  	_ =	shalt  }
0x54: {  	_ =	shalt  }
0x55: {  	_ =	shalt  }
0x56: {  	_ =	shalt  }
0x57: {  	_ =	shalt  }
0x58: {  	_ =	shalt  }
0x59: {  	_ =	shalt  }
0x5a: {  	_ =	shalt  }
0x5b: {  	_ =	shalt  }
0x5c: {  	_ =	shalt  }
0x5d: {  	_ =	shalt  }
0x5e: {  	_ =	shalt  }
0x5f: {  	_ =	shalt  }
0x60: {  	_ =	shalt  }
0x61: {  	_ =	shalt  }
0x62: {  	_ =	shalt  }
0x63: {  	_ =	shalt  }
0x64: {  	_ =	shalt  }
0x65: {  	_ =	shalt  }
0x66: {  	_ =	shalt  }
0x67: {  	_ =	shalt  }
0x68: {  	_ =	shalt  }
0x69: {  	_ =	shalt  }
0x6a: {  	_ =	shalt  }
0x6b: {  	_ =	shalt  }
0x6c: {  	_ =	shalt  }
0x6d: {  	_ =	shalt  }
0x6e: {  	_ =	shalt  }
0x6f: {  	_ =	shalt  }
0x70: {  	_ =	shalt  }
0x71: {  	_ =	shalt  }
0x72: {  	_ =	shalt  }
0x73: {  	_ =	shalt  }
0x74: {  	_ =	shalt  }
0x75: {  	_ =	shalt  }
0x76: {  	_ =	shalt  }
0x77: {  	_ =	shalt  }
0x78: {  	_ =	shalt  }
0x79: {  	_ =	shalt  }
0x7a: {  	_ =	shalt  }
0x7b: {  	_ =	shalt  }
0x7c: {  	_ =	shalt  }
0x7d: {  	_ =	shalt  }
0x7e: {  	_ =	shalt  }
0x7f: {  	_ =	shalt  }
0x80: {  	_ =	shalt  }
0x81: {  	_ =	shalt  }
0x82: {  	_ =	shalt  }
0x83: {  	_ =	shalt  }
0x84: {  	_ =	shalt  }
0x85: {  	_ =	shalt  }
0x86: {  	_ =	shalt  }
0x87: {  	_ =	shalt  }
.Lfunc_end0:
.L_simem_size_0:
called_computation.3_lowered:
.L_overlay_start_0:
0x88: {  	s2 =	sld [smem:$0x3FD9]  }
0x89: {  	s3 =	sld [smem:$0x3FFE];
	_ =	sdelay $0x1  }
0x8a: {  	s1 =	srdreg.scid  }
0x8b: {  	s0 =	sand.u32 $0x1, s1  }
0x8c: {  	s17 =	sshll.u32 s0, $0xA;
	s2 =	sadd.s32 s3, s2  }
0x8d: {  	s2 =	sadd.s32 s2, s17  }
0x8e: {  	[smem:$0x3FC5] =	sst s2  }
0x8f: {  	_ = 	snop  }
0x90: {  	s18 =	sld [smem:$0x3FC7];
	(tm) =	ssettm $0x1  }
0x91: {  	s19 =	sld [smem:$0x3FFB];
	_ =	sdelay $0x3  }
0x92: {  	_ =	strace s19  }
0x93: {  	s2 =	sld [smem:$0x3FFC];
	_ =	sdelay $0x3  }
0x94: {  	_ =	strace s2  }
0x95: {  	s2 =	sld [smem:$0x3FFD];
	_ =	sdelay $0x3  }
0x96: {  	_ =	strace s2  }
0x97: {  	_ =	strace $0x8FFFFFFF  }
0x98: {  	s20 =	sld [smem:$0x3FDB];
	_ =	sdelay $0x1  }
0x99: {  	s4 =	simm.s32 $_scs_section_size  }
0x9a: {  	s5 =	simm.s32 $_size__tile_overlayer_lowered;
	s6 =	simm.s32 $_tile_overlayer_lowered  }
0x9b: {  	s7 =	simm.s32 $0x1BFF;
	s21 =	sshll.u32 s6, $0x1;
	s4 =	sadd.s32 s4, s20  }
0x9c: {  	s22 =	simm.s32 $0x0;
	s5 =	sshll.u32 s5, $0x1;
	s6 =	sadd.s32 s21, s4  }
0x9d: {  	[timem:s22], [sflag:s7] =	dma.local [hbm:s6], s5  }
0x9e: {  	_ =	swait.ge [sflag:s7], s5  }
0x9f: {  	s5 =	ssub.s32 $0x0, s5;
	[sflag:s7] =	ssyncset.done $0x0  }
0xa0: {  	[sflag:s7] =	ssyncadd.s32 s5;
	_ =	sdelay $0x1  }
0xa1: {  	s23 =	simm.s32 $0x1B8B  }
0xa2: {  	_ =	swait.ge [sflag:s23], $0x1  }
0xa3: {  	[sflag:s23] =	ssyncset.done $0x0  }
0xa4: {  	[sflag:s23] =	ssyncadd.s32 $0xFFFFFFFF  }
0xa5: {  	s5 =	sld [smem:$0x0]  }
0xa6: {  	s6 =	sand.u32 $0xFFFFFFFE, s1  }
0xa7: {  	p0 =	sne.s32 s1, s6  }
0xa8: {  	s6 =	sshll.u32 @p0 s6, $0xE  }
0xa9: {  	s6 =	sadd.s32 @p0 $0x11B8D, s6;
	s7 =	sshll.u32 @p0 s5, $0x11  }
0xaa: {  	s6 =	sor.u32 @p0 s7, s6  }
0xab: {  	[sflag:s6] =	ssyncadd.remote.s32 @p0 $0x1;
	_ =	sdelay $0x1  }
0xac: {  	s6 =	simm.s32 @p0 $0x1B8D  }
0xad: {  	_ =	swait.eq @p0 [sflag:s6], $0x1  }
0xae: {  	[sflag:s6] =	ssyncadd.s32 @p0 $0xFFFFFFFF  }
0xaf: {  	s7 =	sshll.u32 @!p0 s1, $0xE  }
0xb0: {  	s7 =	sor.u32 @!p0 $0x4000, s7;
	s6 =	simm.s32 @!p0 $0x1B8D  }
0xb1: {  	s5 =	sshll.u32 @!p0 s5, $0x11;
	s7 =	sadd.s32 @!p0 $0x11B8D, s7;
	_ =	swait.eq @!p0 [sflag:s6], $0x1  }
0xb2: {  	s5 =	sor.u32 @!p0 s5, s7;
	[sflag:s6] =	ssyncadd.s32 @!p0 $0xFFFFFFFF  }
0xb3: {  	s25 =	simm.s32 $0x1B8E;
	s24 =	sld [smem:$0x3FFE];
	[sflag:s5] =	ssyncadd.remote.s32 @!p0 $0x1  }
0xb4: {  	s26 =	simm.s32 $execute0_lowered;
	[smem:$0x3FD2] =	sst s25  }
0xb5: {  	s6 =	sshll.u32 s26, $0x1;
	_ =	strace $0x8000004F;
	[dreg:$0x1] =	wrdreg $0xFFFFFFFF  }
0xb6: {  	s28 =	simm.s32 $_size_execute0_lowered;
	s4 =	sadd.s32 s4, s6;
	[dreg:$0x0] =	wrdreg $0x0  }
0xb7: {  	s6 =	sshll.u32 s28, $0x1;
	[dreg:$0x2] =	wrdreg s4  }
0xb8: {  	[dreg:$0x3] =	wrdreg s6  }
0xb9: {  	[dreg:$0x4] =	wrdreg $0xC0  }
0xba: {  	_ =	task [dreg:s22], $0x5FFFF  }
0xbb: {  	[dreg:$0x1] =	wrdreg $0xFFFFFFFF  }
0xbc: {  	[dreg:$0x0] =	wrdreg $0x60  }
0xbd: {  	[dreg:$0x2] =	wrdreg s24  }
0xbe: {  	[dreg:$0x3] =	wrdreg s18  }
0xbf: {  	[dreg:$0x4] =	wrdreg $0xC  }
0xc0: {  	_ =	task.clear_ibuf [dreg:s22], $0x5FFFF;
	_ =	strace $0x9000004F  }
0xc1: {  	s29 =	simm.s32 $0xC;
	_ =	strace $0x80000051  }
0xc2: {  	_ =	swait.ge [sflag:s29], $0x1  }
0xc3: {  	[sflag:s29] =	ssyncadd.s32 $0xFFFFFFFF  }
0xc4: {  	_ =	strace $0x90000051  }
0xc5: {  	_ =	sfence  }
0xc6: {  	s30 =	sld [smem:$0x0];
	_ =	sdelay $0x2  }
0xc7: {  	s31 =	sshll.u32 s1, $0xD;
	s1 =	sshrl.u32 s1, $0x2  }
0xc8: {  	s4 =	sand.u32 $0x4000, s31;
	s1 =	sadd.s32 s1, s30  }
0xc9: {  	s0 =	sor.u32 s4, s0;
	s1 =	sshll.u32 s1, $0x11  }
0xca: {  	s0 =	sor.u32 s1, s0  }
0xcb: {  	s0 =	sadd.s32 $0x8F2B, s0  }
0xcc: {  	[sflag:s0] =	ssyncadd.remote.s32 $0x1  }
0xcd: {  	_ =	sfence.sel $0xFFFF  }
0xce: {  	[dreg:$0x0] =	wrdreg $0xFFFFFFFF;
	(pc) =	sbr.abs _section_cstart, $3  }
0xcf: {  	[dreg:$0x1] =	wrdreg $0xFFFFFFFF  }
0xd0: {  	_ =	task.clear_ibuf [dreg:s22], $0x2FFFF;
	_ =	strace $0x9FFFFFFF  }
0xd1: {  	(tm) =	ssettm $0x7FFFFFFF  }
tec
execute0_lowered:
.L_overlay_start_1:
0x0: {  	(tag) =	ssettag $0x1  }
0x1: {  	s3 =	rddreg [dreg:$0x0]  }
0x2: {  	s4 =	rddreg [dreg:$0x1]  }
0x3: {  	s0 =	rddreg [dreg:$0x2];
	s5 =	srdreg.scid  }
0x4: {  	s1 =	stileid.u32;
	s2 =	simm.s32 $0x0;
	s13 =	simm.s32 $0x7D00  }
0x5: {  	s14 =	simm.s32 $0xFA00;
	s15 =	simm.s32 $0x11940;
	s16 =	simm.s32 $0x7  }
0x6: {  	s17 =	simm.s32 $0x0;
	s5 =	sand.u32 $0x1, s5;
	s6 =	sshll.u32 s1, $0x1  }
0x7: {  	[smem:$0x7FF] =	sst s2;
	s7 =	sadd.s32 $0xF5400, s3;
	s6 =	sor.u32 s5, s6  }
0x8: {  	s9 =	sadd.s32 $0xD6000, s3;
	s5 =	ssub.s32 $0x2, s5;
	s8 =	smul.u32 $0xFA0, s6  }
0x9: {  	_ =	strace $0x80000050;
	s6 =	sshll.u32 s6, $0x4;
	s30 =	sshrl.u32 s5, $0x1  }
0xa: {  	s10 =	sadd.s32 s6, s3;
	s11 =	ssub.s32 s5, s30;
	s31 =	sshrl.u32 s8, $0x3  }
0xb: {  	s3 =	sadd.s32 s7, s31;
	s8 =	sadd.s32 s4, s31;
	s12 =	sadd.s32 $0x3E80, s31  }
0xc: {  	s4 =	sadd.s32 s9, s31;
	s5 =	sadd.s32 $0x16B48, s8;
	s6 =	sadd.s32 s7, s12  }
0xd: {  	s7 =	sadd.s32 s9, s12;
	s8 =	sadd.s32 $0x1A9C8, s8;
	s9 =	sadd.s32 $0x20200, s10  }
0xe: {  	v0 =	vimm.f32 $0.0e+00;
	s10 =	smax.u32 s11, $0x1;
	s11 =	simm.s32 $0xFA0;
	s12 =	simm.s32 $0x3E800  }
.LBB2_1:
0xf: {  	[tilespmem:s2], [sflag:$0x1] =	stream.strided.gather [hbm4b:s3+s11], $0x3E80, s12, s11, $0x38;
	[tilespmem:$0x119C0] =	vst v63  }
0x10: {  	_ = 	snop  }
0x11: {  	[tilespmem:s13], [sflag:$0x3] =	stream.strided.gather [hbm4b:s4+s11], $0x3E80, s12, s11, $0x38;
	[tilespmem:$0x119C0] =	vst v63  }
0x12: {  	p1 =	por $0x1, $0x1;
	s18 =	simm.s32 $0x0  }
0x13: {  	v4 =	vimm.f32 $0.0e+00;
	v5 =	vimm.f32 $0.0e+00;
	v9 =	vimm.f32 $0.0e+00;
	[tilespmem:s14], [sflag:$0x5] =	stream.linear.gather [hbm4b:s5+s2], $0xFA0, $0x38;
	[tilespmem:$0x119C0] =	vst v63  }
.LBB2_3:
0x14: {  	s19 =	simm.s32 @p1 $0xFA0;
	s20 =	simm.s32 @p1 $0x3E800;
	s21 =	simm.s32 @p1 $0x3E80  }
0x15: {  	[tilespmem:s21], [sflag:$0x2] =	stream.strided.gather @p1 [hbm4b:s6+s19], $0x3E80, s20, s19, $0x38;
	[tilespmem:$0x119C0] =	vst v63  }
0x16: {  	s21 =	simm.s32 @p1 $0xBB80  }
0x17: {  	[tilespmem:s21], [sflag:$0x4] =	stream.strided.gather @p1 [hbm4b:s7+s19], $0x3E80, s20, s19, $0x38;
	[tilespmem:$0x119C0] =	vst v63  }
0x18: {  	s22 =	sadd.s32 $0x1, s18;
	s19 =	simm.s32 @p1 $0x0;
	s20 =	simm.s32 @p1 $0x109A0  }
0x19: {  	[tilespmem:s20], [sflag:$0x6] =	stream.linear.gather @p1 [hbm4b:s8+s19], $0xFA0, $0x38;
	[tilespmem:$0x119C0] =	vst v63  }
0x1a: {  	s23 =	smul.u32 $0xFA00, s18;
	_ =	swait.ge [sflag:s22], $0x3E80  }
0x1b: {  	[sflag:s22] =	ssyncset.done $0x0  }
0x1c: {  	s24 =	sadd.s32 $0x3, s18;
	s20 =	sshra.s32 s23, $0x2;
	[sflag:s22] =	ssyncadd.s32 $0xFFFFC180  }
0x1d: {  	s25 =	sadd.s32 $0x2EF0, s20;
	_ =	swait.ge [sflag:s24], $0x3E80  }
0x1e: {  	s26 =	smul.u32 $0x3E80, s18;
	s20 =	sadd.s32 $0xABF0, s20;
	v1 =	vmov s25;
	[sflag:s24] =	ssyncset.done $0x0  }
0x1f: {  	s28 =	sadd.s32 $0x5, s18;
	v2 =	vmov s20;
	[sflag:s24] =	ssyncadd.s32 $0xFFFFC180  }
0x20: {  	s29 =	sshra.s32 s26, $0x2;
	_ =	swait.ge [sflag:s28], $0xFA0  }
0x21: {  	s19 =	sadd.s32 $0xFA00, s29;
	[sflag:s28] =	ssyncset.done $0x0  }
0x22: {  	s30 =	simm.s32 $0x0;
	v3 =	vmov s19;
	[sflag:s28] =	ssyncadd.s32 $0xFFFFF060  }
0x23: {  	v6 =	vld.idx.msk [tilespmem:v1+s30+$0x0 ss:$0x1], $0xffff  }
0x24: {  	v7 =	vld.idx.msk [tilespmem:v2+s30+$0x0 ss:$0x1], $0xffff  }
0x25: {  	v8 =	vld.idx.msk [tilespmem:v1+s30+$0xFFFFF060 ss:$0x1], $0xffff  }
0x26: {  	v10 =	vld.idx.msk [tilespmem:v2+s30+$0xFFFFF060 ss:$0x1], $0xffff  }
0x27: {  	v11 =	vld.idx.msk [tilespmem:v3+s30+$0x10 ss:$0x1], $0xffff  }
0x28: {  	v12 =	vld.idx.msk [tilespmem:v2+s30+$0xFFFFE0C0 ss:$0x1], $0xffff  }
0x29: {  	v14 =	vld.idx.msk [tilespmem:v1+s30+$0xFFFFE0C0 ss:$0x1], $0xffff  }
0x2a: {  	v15 =	vld.idx.msk [tilespmem:v3+s30+$0x0 ss:$0x1], $0xffff  }
0x2b: {  	v16 =	vld.idx.msk [tilespmem:v2+s30+$0xFFFFD120 ss:$0x1], $0xffff  }
0x2c: {  	s31 =	simm.s32 $0x20;
	v17 =	vld.idx.msk [tilespmem:v1+s30+$0xFFFFD120 ss:$0x1], $0xffff  }
0x2d: {  	v27 =	vld.idx.msk [tilespmem:v2+s31+$0xFFFFE0C0 ss:$0x1], $0xffff  }
0x2e: {  	v29 =	vld.idx.msk [tilespmem:v1+s31+$0xFFFFE0C0 ss:$0x1], $0xffff  }
0x2f: {  	v25 =	vld.idx.msk [tilespmem:v3+s31+$0x10 ss:$0x1], $0xffff  }
0x30: {  	v13 =	vld.idx.msk [tilespmem:v2+s30+$0xFFFFD110 ss:$0x1], $0xffff  }
0x31: {  	v18 =	vld.idx.msk [tilespmem:v1+s30+$0xFFFFE0B0 ss:$0x1], $0xffff;
	v6 =	vsub.f32 v6, v7;
	v8 =	vsub.f32 v8, v10  }
0x32: {  	v10 =	vsub.f32 v14, v12;
	v12 =	vld.idx.msk [tilespmem:v1+s30+$0xFFFFD110 ss:$0x1], $0xffff;
	v14 =	vcvt.s32.f32 v11;
	vm0 =	veq.s32 v15, $0x1  }
0x33: {  	v7 =	vld.idx.msk [tilespmem:v2+s30+$0xFFFFE0B0 ss:$0x1], $0xffff;
	v16 =	vsub.f32 v17, v16;
	vm1 =	veq.s32 v11, $0x1;
	v27 =	vsub.f32 v29, v27  }
0x34: {  	v20 =	vld.idx.msk [tilespmem:v2+s30+$0xFFFFF050 ss:$0x1], $0xffff;
	v24 =	vsel vm0, $0x3F800000, v0;
	vm0 =	veq.s32 v25, $0x1;
	v6 =	vand.u32 $0x7FFFFFFF, v6  }
0x35: {  	v22 =	vld.idx.msk [tilespmem:v1+s30+$0xFFFFF050 ss:$0x1], $0xffff;
	v8 =	vand.u32 $0x7FFFFFFF, v8;
	v10 =	vand.u32 $0x7FFFFFFF, v10;
	v19 =	vadd.f32 v6, v6  }
0x36: {  	v23 =	vld.idx.msk [tilespmem:v1+s30+$0xFFFFFFF0 ss:$0x1], $0xffff;
	v5 =	vadd.f32 v24, v5;
	v6 =	vmin.f32 v6, $1.000000000e+00;
	v21 =	vadd.f32 v10, v10  }
0x37: {  	v10 =	vmin.f32 v10, $1.000000000e+00;
	v19 =	vsub.f32 v19, v6;
	v12 =	vsub.f32 v12, v13;
	v13 =	vld.idx.msk [tilespmem:v2+s30+$0xFFFFFFF0 ss:$0x1], $0xffff  }
0x38: {  	v16 =	vand.u32 $0x7FFFFFFF, v16;
	v11 =	vsub.f32 v21, v10;
	v7 =	vsub.f32 v18, v7  }
0x39: {  	v17 =	vmul.f32 v19, v6;
	v6 =	vmin.f32 v16, $1.000000000e+00;
	v16 =	vadd.f32 v16, v16  }
0x3a: {  	v18 =	vsub.f32 v22, v20;
	v12 =	vand.u32 $0x7FFFFFFF, v12;
	v10 =	vmul.f32 v11, v10  }
0x3b: {  	v11 =	vcvt.s32.f32 v15;
	v15 =	vsub.f32 v16, v6;
	v16 =	vadd.f32 v12, v12  }
0x3c: {  	v7 =	vand.u32 $0x7FFFFFFF, v7;
	v12 =	vmin.f32 v12, $1.000000000e+00;
	v13 =	vsub.f32 v23, v13  }
0x3d: {  	v20 =	vld.idx.msk [tilespmem:v1+s31+$0x0 ss:$0x1], $0xffff;
	v21 =	vmin.f32 v7, $1.000000000e+00;
	v15 =	vmul.f32 v15, v6;
	v6 =	vsub.f32 v16, v12  }
0x3e: {  	v7 =	vadd.f32 v7, v7;
	v11 =	vadd.f32 v11, v4;
	v4 =	vand.u32 $0x7FFFFFFF, v13;
	v13 =	vld.idx.msk [tilespmem:v1+s31+$0xFFFFF060 ss:$0x1], $0xffff  }
0x3f: {  	v60 =	vand.u32 $0x7FFFFFFF, v27;
	v22 =	vmin.f32 v8, $1.000000000e+00;
	v6 =	vmul.f32 v6, v12;
	v12 =	vld.idx.msk [tilespmem:v2+s31+$0xFFFFF060 ss:$0x1], $0xffff  }
0x40: {  	v19 =	vadd.f32 v8, v8;
	v18 =	vand.u32 $0x7FFFFFFF, v18;
	v7 =	vsub.f32 v7, v21;
	v16 =	vld.idx.msk [tilespmem:v2+s31+$0x0 ss:$0x1], $0xffff  }
0x41: {  	v8 =	vadd.f32 v4, v4;
	v26 =	vmin.f32 v4, $1.000000000e+00;
	v4 =	vadd.f32 v18, v18  }
0x42: {  	v57 =	vld.idx.msk [tilespmem:v2+s31+$0xFFFFE0B0 ss:$0x1], $0xffff;
	v27 =	vmin.f32 v60, $1.000000000e+00;
	v21 =	vmul.f32 v7, v21;
	v18 =	vmin.f32 v18, $1.000000000e+00  }
0x43: {  	v59 =	vld.idx.msk [tilespmem:v1+s31+$0xFFFFD110 ss:$0x1], $0xffff;
	v7 =	vadd.f32 v14, v11;
	v28 =	vmul.f32 v6, v24;
	v4 =	vsub.f32 v4, v18  }
0x44: {  	v23 =	vsel vm1, $0x3F800000, v0;
	v30 =	vsub.f32 v8, v26;
	v6 =	vld.idx.msk [tilespmem:v3+s31+$0x0 ss:$0x1], $0xffff;
	v12 =	vsub.f32 v13, v12  }
0x45: {  	v11 =	vld.idx.msk [tilespmem:v1+s31+$0xFFFFD120 ss:$0x1], $0xffff;
	v8 =	vmul.f32 v17, v23;
	v14 =	vadd.f32 v28, v9;
	v13 =	vsub.f32 v20, v16  }
0x46: {  	v17 =	vld.idx.msk [tilespmem:v2+s31+$0xFFFFD110 ss:$0x1], $0xffff;
	v16 =	vmul.f32 v4, v18;
	v9 =	vand.u32 $0x7FFFFFFF, v12;
	v12 =	vmul.f32 v21, v24  }
0x47: {  	v19 =	vsub.f32 v19, v22;
	v5 =	vadd.f32 v23, v5;
	v63 =	vmul.f32 v10, v23;
	v18 =	vld.idx.msk [tilespmem:v2+s31+$0xFFFFD120 ss:$0x1], $0xffff  }
0x48: {  	v20 =	vmul.f32 v30, v26;
	v16 =	vmul.f32 v16, v24;
	v21 =	vld.idx.msk [tilespmem:v1+s31+$0xFFFFE0B0 ss:$0x1], $0xffff;
	v12 =	vadd.f32 v12, v14  }
0x49: {  	v4 =	vcvt.s32.f32 v25;
	v13 =	vand.u32 $0x7FFFFFFF, v13;
	vm1 =	veq.s32 v6, $0x1  }
0x4a: {  	v14 =	vadd.f32 v60, v60;
	v12 =	vadd.f32 v16, v12;
	v16 =	vmul.f32 v20, v24  }
0x4b: {  	v61 =	vld.idx.msk [tilespmem:v2+s31+$0xFFFFF050 ss:$0x1], $0xffff;
	v17 =	vsub.f32 v59, v17;
	v58 =	vmin.f32 v13, $1.000000000e+00;
	v13 =	vadd.f32 v13, v13  }
0x4c: {  	v20 =	vld.idx.msk [tilespmem:v1+s31+$0xFFFFF050 ss:$0x1], $0xffff;
	v62 =	vsub.f32 v14, v27;
	v14 =	vmul.f32 v15, v23;
	v12 =	vadd.f32 v16, v12  }
0x4d: {  	v11 =	vsub.f32 v11, v18;
	v18 =	vsub.f32 v21, v57;
	v16 =	vmul.f32 v19, v22  }
0x4e: {  	v17 =	vand.u32 $0x7FFFFFFF, v17;
	v13 =	vsub.f32 v13, v58;
	v21 =	vadd.f32 v14, v12;
	v12 =	vld.idx.msk [tilespmem:v1+s31+$0xFFFFFFF0 ss:$0x1], $0xffff  }
0x4f: {  	v10 =	vand.u32 $0x7FFFFFFF, v11;
	v14 =	vand.u32 $0x7FFFFFFF, v18;
	v18 =	vmul.f32 v16, v23;
	v16 =	vld.idx.msk [tilespmem:v2+s31+$0xFFFFFFF0 ss:$0x1], $0xffff  }
0x50: {  	v11 =	vmul.f32 v13, v58;
	v13 =	vmin.f32 v10, $1.000000000e+00;
	v15 =	vadd.f32 v10, v10  }
0x51: {  	p0 =	por p1, p1;
	s18 =	simm.s32 $0x100;
	v10 =	vmul.f32 v62, v27;
	v19 =	vsub.f32 v20, v61;
	v20 =	vadd.f32 v63, v21  }
.LBB2_4:
0x52: {  	s19 =	sshra.s32 s18, $0x2;
	p1 =	seq.s32 s18, $0x3E00;
	s18 =	sadd.s32 $0x80, s18;
	v6 =	vcvt.s32.f32 v6;
	v15 =	vsub.f32 v15, v13;
	v21 =	vadd.f32 v9, v9  }
0x53: {  	v23 =	vadd.f32 v17, v17;
	v22 =	vld.idx.msk [tilespmem:v1+s19+$0x0 ss:$0x1], $0xffff;
	v19 =	vand.u32 $0x7FFFFFFF, v19;
	v18 =	vadd.f32 v18, v20  }
0x54: {  	v17 =	vmin.f32 v17, $1.000000000e+00;
	v12 =	vsub.f32 v12, v16;
	v20 =	vld.idx.msk [tilespmem:v2+s19+$0x0 ss:$0x1], $0xffff;
	v13 =	vmul.f32 v15, v13  }
0x55: {  	v16 =	vsub.f32 v23, v17;
	v23 =	vmin.f32 v14, $1.000000000e+00;
	v15 =	vld.idx.msk [tilespmem:v1+s19+$0xFFFFF060 ss:$0x1], $0xffff;
	v18 =	vadd.f32 v8, v18  }
0x56: {  	v25 =	vmin.f32 v9, $1.000000000e+00;
	v7 =	vadd.f32 v6, v7;
	v6 =	vand.u32 $0x7FFFFFFF, v12;
	v24 =	vld.idx.msk [tilespmem:v2+s19+$0xFFFFF060 ss:$0x1], $0xffff  }
0x57: {  	v27 =	vsel vm0, $0x3F800000, v0;
	v8 =	vmul.f32 v16, v17;
	v9 =	vadd.f32 v6, v6;
	v26 =	vld.idx.msk [tilespmem:v3+s19+$0x10 ss:$0x1], $0xffff  }
0x58: {  	v12 =	vadd.f32 v14, v14;
	v17 =	vsel vm1, $0x3F800000, v0;
	v14 =	vmin.f32 v6, $1.000000000e+00;
	v16 =	vld.idx.msk [tilespmem:v2+s19+$0xFFFFE0C0 ss:$0x1], $0xffff  }
0x59: {  	v21 =	vsub.f32 v21, v25;
	v29 =	vmul.f32 v8, v17;
	v8 =	vadd.f32 v19, v19;
	v28 =	vld.idx.msk [tilespmem:v2+s19+$0xFFFFD110 ss:$0x1], $0xffff  }
0x5a: {  	v5 =	vadd.f32 v17, v5;
	v12 =	vsub.f32 v12, v23;
	v19 =	vmin.f32 v19, $1.000000000e+00;
	v30 =	vld.idx.msk [tilespmem:v1+s19+$0xFFFFE0C0 ss:$0x1], $0xffff  }
0x5b: {  	v9 =	vsub.f32 v9, v14;
	v31 =	vsub.f32 v8, v19;
	v6 =	vld.idx.msk [tilespmem:v3+s19+$0x0 ss:$0x1], $0xffff  }
0x5c: {  	v23 =	vmul.f32 v12, v23;
	v5 =	vadd.f32 v27, v5;
	v8 =	vmul.f32 v11, v27;
	v32 =	vld.idx.msk [tilespmem:v2+s19+$0xFFFFD120 ss:$0x1], $0xffff  }
0x5d: {  	v20 =	vsub.f32 v22, v20;
	v15 =	vsub.f32 v15, v24;
	v19 =	vmul.f32 v31, v19;
	v11 =	vld.idx.msk [tilespmem:v1+s19+$0xFFFFD120 ss:$0x1], $0xffff  }
0x5e: {  	v7 =	vadd.f32 v4, v7;
	v14 =	vmul.f32 v9, v14;
	v4 =	vcvt.s32.f32 v26;
	v22 =	vld.idx.msk [tilespmem:v2+s19+$0xFFFFE0B0 ss:$0x1], $0xffff  }
0x5f: {  	v18 =	vadd.f32 v29, v18;
	v20 =	vand.u32 $0x7FFFFFFF, v20;
	v19 =	vmul.f32 v19, v17;
	v12 =	vld.idx.msk [tilespmem:v1+s19+$0xFFFFFFF0 ss:$0x1], $0xffff  }
0x60: {  	v9 =	vand.u32 $0x7FFFFFFF, v15;
	v15 =	vmul.f32 v23, v17;
	v16 =	vsub.f32 v30, v16;
	v24 =	vld.idx.msk [tilespmem:v1+s19+$0xFFFFE0B0 ss:$0x1], $0xffff  }
0x61: {  	v29 =	vmin.f32 v20, $1.000000000e+00;
	v20 =	vadd.f32 v20, v20;
	vm1 =	veq.s32 v6, $0x1;
	v23 =	vld.idx.msk [tilespmem:v1+s19+$0xFFFFD110 ss:$0x1], $0xffff  }
0x62: {  	vm0 =	veq.s32 v26, $0x1;
	v15 =	vadd.f32 v15, v18;
	v16 =	vand.u32 $0x7FFFFFFF, v16  }
0x63: {  	v18 =	vsub.f32 v20, v29;
	v30 =	vmin.f32 v16, $1.000000000e+00;
	v16 =	vadd.f32 v16, v16;
	v26 =	vld.idx.msk [tilespmem:v2+s19+$0xFFFFF050 ss:$0x1], $0xffff  }
0x64: {  	v14 =	vmul.f32 v14, v17;
	v15 =	vadd.f32 v19, v15;
	v11 =	vsub.f32 v11, v32;
	v20 =	vld.idx.msk [tilespmem:v1+s19+$0xFFFFF050 ss:$0x1], $0xffff  }
0x65: {  	v17 =	vmul.f32 v13, v27;
	v32 =	vmul.f32 v10, v27;
	v31 =	vsub.f32 v16, v30  }
.Ltmp0:
0x66: {  	v19 =	vmul.f32 v21, v25;
	v14 =	vadd.f32 v14, v15;
	v10 =	vand.u32 $0x7FFFFFFF, v11;
	(pc) =	sbr.rel @!p1 .LBB2_4-.Ltmp0, $4  }
0x67: {  	v11 =	vmul.f32 v18, v29;
	v22 =	vsub.f32 v24, v22;
	v21 =	vsub.f32 v23, v28;
	v16 =	vld.idx.msk [tilespmem:v2+s19+$0xFFFFFFF0 ss:$0x1], $0xffff  }
0x68: {  	v13 =	vmin.f32 v10, $1.000000000e+00;
	v15 =	vadd.f32 v10, v10;
	v23 =	vadd.f32 v17, v14  }
0x69: {  	v18 =	vmul.f32 v19, v27;
	v14 =	vand.u32 $0x7FFFFFFF, v22;
	v17 =	vand.u32 $0x7FFFFFFF, v21  }
0x6a: {  	v10 =	vmul.f32 v31, v30;
	v19 =	vsub.f32 v20, v26;
	v20 =	vadd.f32 v32, v23  }
0x6b: {  	v1 =	vadd.f32 v17, v17;
	v56 =	vmin.f32 v17, $1.000000000e+00  }
0x6c: {  	v57 =	vadd.f32 v14, v14;
	v58 =	vmin.f32 v14, $1.000000000e+00;
	v2 =	vsub.f32 v12, v16  }
0x6d: {  	v3 =	vand.u32 $0x7FFFFFFF, v19;
	v55 =	vadd.f32 v18, v20;
	v1 =	vsub.f32 v1, v56  }
0x6e: {  	v61 =	vsel vm1, $0x3F800000, v0;
	v60 =	vadd.f32 v3, v3;
	v17 =	vsub.f32 v57, v58  }
0x6f: {  	v3 =	vmin.f32 v3, $1.000000000e+00;
	v2 =	vand.u32 $0x7FFFFFFF, v2;
	v1 =	vmul.f32 v1, v56  }
0x70: {  	v8 =	vadd.f32 v8, v55;
	v59 =	vadd.f32 v2, v2;
	v2 =	vmin.f32 v2, $1.000000000e+00  }
0x71: {  	v16 =	vsub.f32 v60, v3;
	v14 =	vmul.f32 v17, v58;
	v1 =	vmul.f32 v1, v61  }
0x72: {  	v12 =	vsub.f32 v59, v2  }
0x73: {  	v3 =	vmul.f32 v16, v3;
	v1 =	vadd.f32 v1, v8;
	v8 =	vmul.f32 v14, v61  }
0x74: {  	v62 =	vsub.f32 v15, v13  }
0x75: {  	v2 =	vmul.f32 v12, v2;
	v3 =	vmul.f32 v3, v61;
	v1 =	vadd.f32 v8, v1  }
0x76: {  	v63 =	vmul.f32 v62, v13  }
0x77: {  	v8 =	vadd.f32 v9, v9;
	v2 =	vmul.f32 v2, v61;
	v1 =	vadd.f32 v3, v1  }
0x78: {  	v3 =	vmin.f32 v9, $1.000000000e+00;
	v9 =	vsel vm0, $0x3F800000, v0  }
0x79: {  	v8 =	vsub.f32 v8, v3;
	v12 =	vmul.f32 v63, v9;
	v1 =	vadd.f32 v2, v1;
	_ =	sdelay $0x1  }
0x7a: {  	v2 =	vmul.f32 v10, v9;
	v3 =	vmul.f32 v8, v3;
	v1 =	vadd.f32 v12, v1  }
0x7b: {  	v6 =	vcvt.s32.f32 v6  }
0x7c: {  	v3 =	vmul.f32 v3, v9;
	v1 =	vadd.f32 v2, v1  }
0x7d: {  	v6 =	vadd.f32 v6, v7  }
0x7e: {  	v7 =	vmul.f32 v11, v9;
	v2 =	vadd.f32 v61, v5;
	v1 =	vadd.f32 v3, v1  }
0x7f: {  	v4 =	vadd.f32 v4, v6  }
0x80: {  	v5 =	vadd.f32 v9, v2;
	v9 =	vadd.f32 v7, v1  }
.Ltmp1:
0x81: {  	(pc) =	sbr.rel @p0 .LBB2_3-.Ltmp1, $2  }
0x82: {  	_ =	sdelay $0x2  }
0x83: {  	s18 =	simm.s32 $0x1;
	p1 =	por $0x0, $0x0  }
0x84: {  	[tilespmem:$0x11940] =	vst v9  }
0x85: {  	[tilespmem:$0x11950] =	vst v5  }
0x86: {  	[tilespmem:$0x11960] =	vst v4  }
0x87: {  	[tilespmem:$0x11970] =	vst v0  }
0x88: {  	[tilespmem:$0x11980] =	vst v0  }
0x89: {  	[tilespmem:$0x11990] =	vst v0;
	s17 =	sadd.s32 $0x1, s17  }
0x8a: {  	[tilespmem:$0x119A0] =	vst v0;
	p0 =	sne.s32 s17, s10  }
.Ltmp2:
0x8b: {  	[tilespmem:$0x119B0] =	vst v0;
	(pc) =	sbr.rel @p0 .LBB2_1-.Ltmp2, $4  }
0x8c: {  	[hbm4b:s9+s2] =	stream.linear.scatter [tilespmem:s15], [sflag:$0x7], $0x80, $0x38;
	[tilespmem:$0x119C0] =	vst v63  }
0x8d: {  	_ =	swait.ge [sflag:s16], $0x80  }
0x8e: {  	[sflag:s16] =	ssyncset.done $0x0  }
0x8f: {  	[sflag:s16] =	ssyncadd.s32 $0xFFFFFF80  }
0x90: {  	_ =	sfence.sel $0x180000  }
0x91: {  	[bflag:$0x0] =	sbarrier.arrive $0xFFFF  }
0x92: {  	p0 =	sne.s32 s1, $0x0;
	_ =	strace $0x90000050  }
0x93: {  	s0 =	sadd.s32 @!p0 $0x100000, s0;
	[bflag:$0x2] =	sbarrier.arrive $0xFFFF  }
0x94: {  	[sflag:s0] =	ssyncadd.tile.s32 @!p0 $0x1;
	_ =	shalt  }
.Lfunc_end2:
_tile_overlayer_lowered:
.L_overlay_start_2:
0x95: {  	(tag) =	ssettag $0x2  }
0x96: {  	s0 =	rddreg [dreg:$0x0];
	s2 =	stileid.u32  }
0x97: {  	s1 =	rddreg [dreg:$0x1];
	p0 =	sne.s32 s2, $0x0  }
0x98: {  	s3 =	rddreg [dreg:$0x2];
	[bflag:$0x3] =	sbarrier.arrive $0xFFFF;
	s2 =	simm.s32 @!p0 $0x1C07  }
0x99: {  	[timem:s3], [sflag:s2] =	dma.local @!p0 [hbm:s0], s1  }
0x9a: {  	s0 =	simm.s32 @!p0 $0x7  }
0x9b: {  	_ =	swait.ge @!p0 [sflag:s0], s1  }
0x9c: {  	s1 =	ssub.s32 @!p0 $0x0, s1;
	[sflag:s0] =	ssyncset.done @!p0 $0x0  }
0x9d: {  	[sflag:s0] =	ssyncadd.s32 @!p0 s1  }
0x9e: {  	[bflag:$0x3] =	sbarrier.arrive $0xFFFF  }
0x9f: {  	_ =	shalt  }

// kernel: kernel.6.cloned.1.call-start
scs
__scs_entry_jumppad:
0x0: {  	(pc) =	sbr.rel $0x88, $3  }
0x1: {  	(tag) =	ssettag $0x0;
	lr =	simm.s32 $0x1  }
0x2: {  	[smem:$0x3F9E] =	sst lr;
	_ =	strace $0xD0000000  }
0x3: {  	_ = 	snop  }
0x4: {  	_ = 	snop  }
0x5: {  	_ = 	snop  }
0x6: {  	_ = 	snop  }
0x7: {  	_ = 	snop  }
__scs_overlays_trampoline_lowered:
0x8: {  	[smem:$0x3FAD] =	sst s0  }
0x9: {  	[smem:$0x3FAE] =	sst s1  }
0xa: {  	[smem:$0x3FAF] =	sst s2  }
0xb: {  	[smem:$0x3FB0] =	sst s3  }
0xc: {  	[smem:$0x3FB1] =	sst s4  }
0xd: {  	[smem:$0x3FB2] =	sst s5  }
0xe: {  	[smem:$0x3FB3] =	sst s6  }
0xf: {  	[smem:$0x3FB4] =	sst s7  }
0x10: {  	[smem:$0x3FB5] =	sst s8  }
0x11: {  	[smem:$0x3FB6] =	sst s9;
	s0 =	simm.s32 @!p0 $0x0  }
0x12: {  	s1 =	sld [smem:$0x3F9C];
	s0 =	simm.s32 @p0 $0x1  }
0x13: {  	[smem:$0x3FB7] =	sst s0;
	s0 =	simm.s32 @!p1 $0x0  }
0x14: {  	s2 =	sld [smem:$0x3F9B];
	s0 =	simm.s32 @p1 $0x1  }
0x15: {  	[smem:$0x3FB8] =	sst s0;
	s0 =	simm.s32 @!p2 $0x0  }
0x16: {  	s3 =	sld [smem:$0x3FDB];
	s0 =	simm.s32 @p2 $0x1  }
0x17: {  	s4 =	simm.s32 $0x1BF5;
	[smem:$0x3FBA] =	sst s0  }
0x18: {  	s0 =	sld [smem:$0x3F9D];
	_ =	swait.ge [sflag:s4], $0x0  }
0x19: {  	s7 =	sld [smem:$0x3F9E]  }
0x1a: {  	s8 =	sadd.s32 $0xFFFFE003, lr  }
0x1b: {  	s9 =	sadd.s32 $0xFFFFFEF7, lr;
	s5 =	simm.s32 $0xFFFFFFFF;
	p2 =	slt.u32 s8, $0xFFFFF086  }
0x1c: {  	p1 =	slt.u32 s9, $0xF7A;
	s5 =	simm.s32 @!p2 $0x0  }
0x1d: {  	s5 =	simm.s32 @p1 $0x1;
	p0 =	seq.s32 s7, s2  }
0x1e: {  	s7 =	smul.u32 @!p0 $0xF7A, s2;
	p2 =	seq.s32 @!p0 s5, $0x0  }
0x1f: {  	s9 =	smul.u32 $0xF7A, s1;
	s8 =	simm.s32 @!p0 $0x1BF5;
	p2 =	por !p2, p0  }
0x20: {  	[sflag:s8] =	ssyncset.s32 @!p0 $0xFFFFF086;
	s6 =	sadd.s32 @!p0 s3, s7;
	s7 =	simm.s32 @!p0 $0x108  }
0x21: {  	s3 =	sadd.s32 s3, s9;
	s6 =	sadd.s32 @!p0 $0x88, s6;
	s7 =	simm.s32 @p2 $0x1082  }
0x22: {  	[simem:s7], [sflag:s8] =	dma.local @!p0 [hbm:s6], $0xF7A  }
0x23: {  	s9 =	sor.u32 $0xD0000000, s2;
	s6 =	simm.s32 $0x108;
	_ =	swait.ge @!p0 [sflag:s8], $0x0  }
0x24: {  	s3 =	sadd.s32 $0x88, s3;
	s6 =	simm.s32 @!p1 $0x1082;
	[sflag:s4] =	ssyncset.s32 $0xFFFFF086  }
0x25: {  	[simem:s6], [sflag:s4] =	dma.local [hbm:s3], $0xF7A  }
0x26: {  	[smem:$0x3F9E] =	sst s1;
	(tag) =	ssettag s2;
	_ =	strace s9  }
0x27: {  	s1 =	sld [smem:$0x3FAE]  }
0x28: {  	s2 =	sld [smem:$0x3FAF]  }
0x29: {  	s4 =	sld [smem:$0x3FB1]  }
0x2a: {  	p0 =	seq.s32 s5, $0x0;
	s5 =	sld [smem:$0x3FB2]  }
0x2b: {  	s6 =	sld [smem:$0x3FB3]  }
0x2c: {  	s7 =	sld [smem:$0x3FB4]  }
0x2d: {  	s3 =	simm.s32 $0x108;
	s8 =	sld [smem:$0x3FB5]  }
0x2e: {  	s3 =	simm.s32 @!p0 $0x1082;
	s9 =	sld [smem:$0x3FB6]  }
0x2f: {  	lr =	sadd.s32 s0, s3;
	s0 =	sld [smem:$0x3FAD]  }
0x30: {  	s3 =	sld [smem:$0x3FB0]  }
0x31: {  	[smem:$0x3FB9] =	sst s10  }
0x32: {  	s10 =	sld [smem:$0x3FB7];
	_ =	sdelay $0x3  }
0x33: {  	p0 =	seq.s32 s10, $0x1;
	s10 =	sld [smem:$0x3FB9];
	_ =	sdelay $0x3  }
0x34: {  	[smem:$0x3FB9] =	sst s10  }
0x35: {  	s10 =	sld [smem:$0x3FB8];
	_ =	sdelay $0x3  }
0x36: {  	p1 =	seq.s32 s10, $0x1;
	s10 =	sld [smem:$0x3FB9];
	_ =	sdelay $0x3  }
0x37: {  	[smem:$0x3FB9] =	sst s10  }
0x38: {  	s10 =	sld [smem:$0x3FBA]  }
0x39: {  	_ = 	snop;
	(pc) =	sbr.ind lr, $3  }
0x3a: {  	_ = 	snop  }
0x3b: {  	_ = 	snop  }
0x3c: {  	p2 =	seq.s32 s10, $0x1;
	s10 =	sld [smem:$0x3FB9]  }
0x3d: {  	_ =	shalt  }
0x3e: {  	_ =	shalt  }
0x3f: {  	_ =	shalt  }
0x40: {  	_ =	shalt  }
0x41: {  	_ =	shalt  }
0x42: {  	_ =	shalt  }
0x43: {  	_ =	shalt  }
0x44: {  	_ =	shalt  }
0x45: {  	_ =	shalt  }
0x46: {  	_ =	shalt  }
0x47: {  	_ =	shalt  }
0x48: {  	_ =	shalt  }
0x49: {  	_ =	shalt  }
0x4a: {  	_ =	shalt  }
0x4b: {  	_ =	shalt  }
0x4c: {  	_ =	shalt  }
0x4d: {  	_ =	shalt  }
0x4e: {  	_ =	shalt  }
0x4f: {  	_ =	shalt  }
0x50: {  	_ =	shalt  }
0x51: {  	_ =	shalt  }
0x52: {  	_ =	shalt  }
0x53: {  	_ =	shalt  }
0x54: {  	_ =	shalt  }
0x55: {  	_ =	shalt  }
0x56: {  	_ =	shalt  }
0x57: {  	_ =	shalt  }
0x58: {  	_ =	shalt  }
0x59: {  	_ =	shalt  }
0x5a: {  	_ =	shalt  }
0x5b: {  	_ =	shalt  }
0x5c: {  	_ =	shalt  }
0x5d: {  	_ =	shalt  }
0x5e: {  	_ =	shalt  }
0x5f: {  	_ =	shalt  }
0x60: {  	_ =	shalt  }
0x61: {  	_ =	shalt  }
0x62: {  	_ =	shalt  }
0x63: {  	_ =	shalt  }
0x64: {  	_ =	shalt  }
0x65: {  	_ =	shalt  }
0x66: {  	_ =	shalt  }
0x67: {  	_ =	shalt  }
0x68: {  	_ =	shalt  }
0x69: {  	_ =	shalt  }
0x6a: {  	_ =	shalt  }
0x6b: {  	_ =	shalt  }
0x6c: {  	_ =	shalt  }
0x6d: {  	_ =	shalt  }
0x6e: {  	_ =	shalt  }
0x6f: {  	_ =	shalt  }
0x70: {  	_ =	shalt  }
0x71: {  	_ =	shalt  }
0x72: {  	_ =	shalt  }
0x73: {  	_ =	shalt  }
0x74: {  	_ =	shalt  }
0x75: {  	_ =	shalt  }
0x76: {  	_ =	shalt  }
0x77: {  	_ =	shalt  }
0x78: {  	_ =	shalt  }
0x79: {  	_ =	shalt  }
0x7a: {  	_ =	shalt  }
0x7b: {  	_ =	shalt  }
0x7c: {  	_ =	shalt  }
0x7d: {  	_ =	shalt  }
0x7e: {  	_ =	shalt  }
0x7f: {  	_ =	shalt  }
0x80: {  	_ =	shalt  }
0x81: {  	_ =	shalt  }
0x82: {  	_ =	shalt  }
0x83: {  	_ =	shalt  }
0x84: {  	_ =	shalt  }
0x85: {  	_ =	shalt  }
0x86: {  	_ =	shalt  }
0x87: {  	_ =	shalt  }
.Lfunc_end0:
.L_simem_size_0:
called_computation_lowered:
.L_overlay_start_0:
0x88: {  	s2 =	sld [smem:$0x3FD9]  }
0x89: {  	s3 =	sld [smem:$0x3FFE];
	_ =	sdelay $0x1  }
0x8a: {  	s1 =	srdreg.scid  }
0x8b: {  	s0 =	sand.u32 $0x1, s1  }
0x8c: {  	s17 =	sshll.u32 s0, $0xA;
	s2 =	sadd.s32 s3, s2  }
0x8d: {  	s2 =	sadd.s32 s2, s17  }
0x8e: {  	[smem:$0x3FC5] =	sst s2  }
0x8f: {  	_ = 	snop  }
0x90: {  	s2 =	sld [smem:$0x3FC7];
	(tm) =	ssettm $0x1  }
0x91: {  	s18 =	sld [smem:$0x3FFB];
	_ =	sdelay $0x3  }
0x92: {  	_ =	strace s18  }
0x93: {  	s3 =	sld [smem:$0x3FFC];
	_ =	sdelay $0x3  }
0x94: {  	_ =	strace s3  }
0x95: {  	s3 =	sld [smem:$0x3FFD];
	_ =	sdelay $0x3  }
0x96: {  	_ =	strace s3  }
0x97: {  	_ =	strace $0x8FFFFFFF  }
0x98: {  	s19 =	sld [smem:$0x3FDB];
	_ =	sdelay $0x1  }
0x99: {  	s4 =	simm.s32 $_scs_section_size  }
0x9a: {  	s5 =	simm.s32 $_size__tile_overlayer_lowered;
	s6 =	simm.s32 $_tile_overlayer_lowered  }
0x9b: {  	s22 =	simm.s32 $0x1BFF;
	s21 =	sshll.u32 s6, $0x1;
	s3 =	sadd.s32 s4, s19  }
0x9c: {  	s7 =	simm.s32 $0x0;
	s20 =	sshll.u32 s5, $0x1;
	s5 =	sadd.s32 s21, s3  }
0x9d: {  	[timem:s7], [sflag:s22] =	dma.local [hbm:s5], s20  }
0x9e: {  	_ =	swait.ge [sflag:s22], s20  }
0x9f: {  	s4 =	ssub.s32 $0x0, s20;
	[sflag:s22] =	ssyncset.done $0x0  }
0xa0: {  	[sflag:s22] =	ssyncadd.s32 s4;
	_ =	sdelay $0x1  }
0xa1: {  	s23 =	simm.s32 $0x1B8B  }
0xa2: {  	_ =	swait.ge [sflag:s23], $0x1  }
0xa3: {  	[sflag:s23] =	ssyncset.done $0x0  }
0xa4: {  	s25 =	simm.s32 $0x1B8E;
	s24 =	sld [smem:$0x3FFE];
	[sflag:s23] =	ssyncadd.s32 $0xFFFFFFFF  }
0xa5: {  	s26 =	simm.s32 $execute0_lowered;
	[smem:$0x3FD2] =	sst s25  }
0xa6: {  	s5 =	sshll.u32 s26, $0x1;
	_ =	strace $0x80000046;
	[dreg:$0x1] =	wrdreg $0xFFFFFFFF  }
0xa7: {  	s28 =	simm.s32 $_size_execute0_lowered;
	s3 =	sadd.s32 s3, s5;
	[dreg:$0x0] =	wrdreg $0x0  }
0xa8: {  	s5 =	sshll.u32 s28, $0x1;
	[dreg:$0x2] =	wrdreg s3  }
0xa9: {  	[dreg:$0x3] =	wrdreg s5  }
0xaa: {  	[dreg:$0x4] =	wrdreg $0xC0  }
0xab: {  	_ =	task [dreg:s7], $0x5FFFF  }
0xac: {  	[dreg:$0x1] =	wrdreg $0xFFFFFFFF  }
0xad: {  	[dreg:$0x0] =	wrdreg $0x60  }
0xae: {  	[dreg:$0x2] =	wrdreg s24  }
0xaf: {  	[dreg:$0x3] =	wrdreg s2  }
0xb0: {  	[dreg:$0x4] =	wrdreg $0x9  }
0xb1: {  	_ =	task.clear_ibuf [dreg:s7], $0x5FFFF;
	_ =	strace $0x90000046  }
0xb2: {  	s29 =	simm.s32 $0x9;
	_ =	strace $0x80000048  }
0xb3: {  	_ =	swait.ge [sflag:s29], $0x1  }
0xb4: {  	[sflag:s29] =	ssyncadd.s32 $0xFFFFFFFF  }
0xb5: {  	_ =	strace $0x90000048  }
0xb6: {  	_ =	sfence  }
0xb7: {  	s30 =	sld [smem:$0x0];
	_ =	sdelay $0x2  }
0xb8: {  	s31 =	sshll.u32 s1, $0xD;
	s1 =	sshrl.u32 s1, $0x2  }
0xb9: {  	s3 =	sand.u32 $0x4000, s31;
	s1 =	sadd.s32 s1, s30  }
0xba: {  	s0 =	sor.u32 s3, s0;
	s1 =	sshll.u32 s1, $0x11  }
0xbb: {  	s0 =	sor.u32 s1, s0  }
0xbc: {  	s0 =	sadd.s32 $0x8F2B, s0  }
0xbd: {  	[sflag:s0] =	ssyncadd.remote.s32 $0x1  }
0xbe: {  	_ =	sfence.sel $0xFFFF  }
0xbf: {  	[dreg:$0x0] =	wrdreg $0xFFFFFFFF;
	(pc) =	sbr.abs _section_cstart, $3  }
0xc0: {  	[dreg:$0x1] =	wrdreg $0xFFFFFFFF  }
0xc1: {  	_ =	task.clear_ibuf [dreg:s7], $0x2FFFF;
	_ =	strace $0x9FFFFFFF  }
0xc2: {  	(tm) =	ssettm $0x7FFFFFFF  }
0xc3: {  	_ =	shalt  }
tec
execute0_lowered:
.L_overlay_start_1:
0x0: {  	(tag) =	ssettag $0x1  }
0x1: {  	s3 =	rddreg [dreg:$0x0]  }
0x2: {  	s9 =	rddreg [dreg:$0x1]  }
0x3: {  	s0 =	rddreg [dreg:$0x2];
	s2 =	simm.s32 $0x0  }
0x4: {  	s4 =	srdreg.scid;
	s1 =	stileid.u32;
	s14 =	simm.s32 $0x7D00  }
0x5: {  	s15 =	simm.s32 $0xFA00;
	s16 =	simm.s32 $0x11940;
	s17 =	simm.s32 $0x7  }
0x6: {  	s18 =	simm.s32 $0x0;
	[smem:$0x7FF] =	sst s2;
	s4 =	sand.u32 $0x1, s4  }
0x7: {  	s5 =	sshll.u32 s1, $0x1;
	s7 =	sadd.s32 $0x3E200, s3;
	s8 =	sadd.s32 $0x1600, s3  }
0x8: {  	p0 =	seq.s32 s1, $0xF;
	s5 =	sor.u32 s4, s5;
	s4 =	ssub.s32 $0x2, s4  }
0x9: {  	s6 =	sshll.u32 s5, $0x4;
	s10 =	smul.u32 $0x1F4, s5;
	s30 =	sshrl.u32 s4, $0x1  }
0xa: {  	s5 =	smul.u32 $0xFA0, s5;
	s11 =	sadd.s32 s6, s3;
	s3 =	simm.s32 $0x1  }
0xb: {  	_ =	strace $0x80000047;
	s12 =	ssub.s32 s4, s30;
	s3 =	simm.s32 @!p0 $0x2  }
0xc: {  	s4 =	sadd.s32 s7, s10;
	s13 =	sshrl.u32 s5, $0x3;
	s5 =	sadd.s32 s8, s10  }
0xd: {  	s6 =	sadd.s32 s9, s10;
	s10 =	sadd.s32 $0x1FC00, s11;
	s11 =	smax.u32 s12, $0x1  }
0xe: {  	s12 =	simm.s32 $0xFA0;
	s31 =	sadd.s32 $0x3E80, s13;
	s13 =	simm.s32 $0x3C8C0  }
0xf: {  	v0 =	vimm.f32 $0.0e+00;
	s7 =	sadd.s32 s7, s31;
	s8 =	sadd.s32 s8, s31;
	s9 =	sadd.s32 s9, s31  }
.LBB2_1:
0x10: {  	[tilespmem:s2], [sflag:$0x1] =	stream.strided.gather [hbm4b:s4+s12], $0x3E80, s13, s12, $0x38;
	[tilespmem:$0x119C0] =	vst v63  }
0x11: {  	_ = 	snop  }
0x12: {  	[tilespmem:s14], [sflag:$0x3] =	stream.strided.gather [hbm4b:s5+s12], $0x3E80, s13, s12, $0x38;
	[tilespmem:$0x119C0] =	vst v63  }
0x13: {  	p0 =	por $0x0, $0x0;
	s19 =	simm.s32 $0x0  }
0x14: {  	v4 =	vimm.f32 $0.0e+00;
	v5 =	vimm.f32 $0.0e+00;
	v9 =	vimm.f32 $0.0e+00;
	[tilespmem:s15], [sflag:$0x5] =	stream.linear.gather [hbm4b:s6+s2], $0xFA0, $0x38;
	[tilespmem:$0x119C0] =	vst v63  }
.LBB2_3:
0x15: {  	s20 =	smov.u32 s19;
	s19 =	sadd.s32 $0x1, s19  }
0x16: {  	p1 =	sge.u32 s19, s3  }
0x17: {  	s21 =	simm.s32 @!p1 $0xFA0;
	s22 =	simm.s32 @!p1 $0x3C8C0;
	s23 =	simm.s32 @!p1 $0x3E80  }
0x18: {  	[tilespmem:s23], [sflag:$0x2] =	stream.strided.gather @!p1 [hbm4b:s7+s21], $0x3E80, s22, s21, $0x38;
	[tilespmem:$0x119C0] =	vst v63  }
0x19: {  	s23 =	simm.s32 @!p1 $0xBB80  }
0x1a: {  	[tilespmem:s23], [sflag:$0x4] =	stream.strided.gather @!p1 [hbm4b:s8+s21], $0x3E80, s22, s21, $0x38;
	[tilespmem:$0x119C0] =	vst v63  }
0x1b: {  	s21 =	simm.s32 @!p1 $0x0;
	s22 =	simm.s32 @!p1 $0x109A0  }
0x1c: {  	[tilespmem:s22], [sflag:$0x6] =	stream.linear.gather @!p1 [hbm4b:s9+s21], $0xFA0, $0x38;
	[tilespmem:$0x119C0] =	vst v63  }
0x1d: {  	s20 =	sand.u32 $0x1, s20;
	s21 =	simm.s32 $0x1  }
0x1e: {  	s26 =	sadd.s32 $0x1, s20;
	s21 =	simm.s32 @!p0 $0x0  }
0x1f: {  	_ =	swait.ge [sflag:s26], $0x3E80;
	s28 =	smul.u32 $0xFA00, s21  }
0x20: {  	[sflag:s26] =	ssyncset.done $0x0  }
0x21: {  	s29 =	sadd.s32 $0x3, s20;
	[sflag:s26] =	ssyncadd.s32 $0xFFFFC180;
	s23 =	sshrl.u32 s28, $0x2  }
0x22: {  	_ =	swait.ge [sflag:s29], $0x3E80;
	s24 =	sadd.s32 $0x2EF0, s23  }
0x23: {  	s21 =	smul.u32 $0x3E80, s21;
	s23 =	sadd.s32 $0xABF0, s23;
	[sflag:s29] =	ssyncset.done $0x0;
	v1 =	vmov s24  }
0x24: {  	s20 =	sadd.s32 $0x5, s20;
	[sflag:s29] =	ssyncadd.s32 $0xFFFFC180;
	v2 =	vmov s23  }
0x25: {  	s21 =	sshrl.u32 s21, $0x2;
	_ =	swait.ge [sflag:s20], $0xFA0  }
0x26: {  	s21 =	sadd.s32 $0xFA00, s21;
	[sflag:s20] =	ssyncset.done $0x0  }
0x27: {  	s30 =	simm.s32 $0x0;
	v3 =	vmov s21;
	[sflag:s20] =	ssyncadd.s32 $0xFFFFF060  }
0x28: {  	v6 =	vld.idx.msk [tilespmem:v1+s30+$0x0 ss:$0x1], $0xffff  }
0x29: {  	v7 =	vld.idx.msk [tilespmem:v2+s30+$0x0 ss:$0x1], $0xffff  }
0x2a: {  	v8 =	vld.idx.msk [tilespmem:v1+s30+$0xFFFFF060 ss:$0x1], $0xffff  }
0x2b: {  	v10 =	vld.idx.msk [tilespmem:v2+s30+$0xFFFFF060 ss:$0x1], $0xffff  }
0x2c: {  	v11 =	vld.idx.msk [tilespmem:v3+s30+$0x10 ss:$0x1], $0xffff  }
0x2d: {  	v12 =	vld.idx.msk [tilespmem:v2+s30+$0xFFFFE0C0 ss:$0x1], $0xffff  }
0x2e: {  	v14 =	vld.idx.msk [tilespmem:v1+s30+$0xFFFFE0C0 ss:$0x1], $0xffff  }
0x2f: {  	v15 =	vld.idx.msk [tilespmem:v3+s30+$0x0 ss:$0x1], $0xffff  }
0x30: {  	v16 =	vld.idx.msk [tilespmem:v2+s30+$0xFFFFD120 ss:$0x1], $0xffff  }
0x31: {  	s31 =	simm.s32 $0x20;
	v17 =	vld.idx.msk [tilespmem:v1+s30+$0xFFFFD120 ss:$0x1], $0xffff  }
0x32: {  	v27 =	vld.idx.msk [tilespmem:v2+s31+$0xFFFFE0C0 ss:$0x1], $0xffff  }
0x33: {  	v29 =	vld.idx.msk [tilespmem:v1+s31+$0xFFFFE0C0 ss:$0x1], $0xffff  }
0x34: {  	v25 =	vld.idx.msk [tilespmem:v3+s31+$0x10 ss:$0x1], $0xffff  }
0x35: {  	v13 =	vld.idx.msk [tilespmem:v2+s30+$0xFFFFD110 ss:$0x1], $0xffff  }
0x36: {  	v18 =	vld.idx.msk [tilespmem:v1+s30+$0xFFFFE0B0 ss:$0x1], $0xffff;
	v6 =	vsub.f32 v6, v7;
	v8 =	vsub.f32 v8, v10  }
0x37: {  	v10 =	vsub.f32 v14, v12;
	v12 =	vld.idx.msk [tilespmem:v1+s30+$0xFFFFD110 ss:$0x1], $0xffff;
	v14 =	vcvt.s32.f32 v11;
	vm0 =	veq.s32 v15, $0x1  }
0x38: {  	v7 =	vld.idx.msk [tilespmem:v2+s30+$0xFFFFE0B0 ss:$0x1], $0xffff;
	v16 =	vsub.f32 v17, v16;
	vm1 =	veq.s32 v11, $0x1;
	v27 =	vsub.f32 v29, v27  }
0x39: {  	v20 =	vld.idx.msk [tilespmem:v2+s30+$0xFFFFF050 ss:$0x1], $0xffff;
	v24 =	vsel vm0, $0x3F800000, v0;
	vm0 =	veq.s32 v25, $0x1;
	v6 =	vand.u32 $0x7FFFFFFF, v6  }
0x3a: {  	v22 =	vld.idx.msk [tilespmem:v1+s30+$0xFFFFF050 ss:$0x1], $0xffff;
	v8 =	vand.u32 $0x7FFFFFFF, v8;
	v10 =	vand.u32 $0x7FFFFFFF, v10;
	v19 =	vadd.f32 v6, v6  }
0x3b: {  	v23 =	vld.idx.msk [tilespmem:v1+s30+$0xFFFFFFF0 ss:$0x1], $0xffff;
	v5 =	vadd.f32 v24, v5;
	v6 =	vmin.f32 v6, $1.000000000e+00;
	v21 =	vadd.f32 v10, v10  }
0x3c: {  	v10 =	vmin.f32 v10, $1.000000000e+00;
	v19 =	vsub.f32 v19, v6;
	v12 =	vsub.f32 v12, v13;
	v13 =	vld.idx.msk [tilespmem:v2+s30+$0xFFFFFFF0 ss:$0x1], $0xffff  }
0x3d: {  	v16 =	vand.u32 $0x7FFFFFFF, v16;
	v11 =	vsub.f32 v21, v10;
	v7 =	vsub.f32 v18, v7  }
0x3e: {  	v17 =	vmul.f32 v19, v6;
	v6 =	vmin.f32 v16, $1.000000000e+00;
	v16 =	vadd.f32 v16, v16  }
0x3f: {  	v18 =	vsub.f32 v22, v20;
	v12 =	vand.u32 $0x7FFFFFFF, v12;
	v10 =	vmul.f32 v11, v10  }
0x40: {  	v11 =	vcvt.s32.f32 v15;
	v15 =	vsub.f32 v16, v6;
	v16 =	vadd.f32 v12, v12  }
0x41: {  	v7 =	vand.u32 $0x7FFFFFFF, v7;
	v12 =	vmin.f32 v12, $1.000000000e+00;
	v13 =	vsub.f32 v23, v13  }
0x42: {  	v20 =	vld.idx.msk [tilespmem:v1+s31+$0x0 ss:$0x1], $0xffff;
	v21 =	vmin.f32 v7, $1.000000000e+00;
	v15 =	vmul.f32 v15, v6;
	v6 =	vsub.f32 v16, v12  }
0x43: {  	v7 =	vadd.f32 v7, v7;
	v11 =	vadd.f32 v11, v4;
	v4 =	vand.u32 $0x7FFFFFFF, v13;
	v13 =	vld.idx.msk [tilespmem:v1+s31+$0xFFFFF060 ss:$0x1], $0xffff  }
0x44: {  	v60 =	vand.u32 $0x7FFFFFFF, v27;
	v22 =	vmin.f32 v8, $1.000000000e+00;
	v6 =	vmul.f32 v6, v12;
	v12 =	vld.idx.msk [tilespmem:v2+s31+$0xFFFFF060 ss:$0x1], $0xffff  }
0x45: {  	v19 =	vadd.f32 v8, v8;
	v18 =	vand.u32 $0x7FFFFFFF, v18;
	v7 =	vsub.f32 v7, v21;
	v16 =	vld.idx.msk [tilespmem:v2+s31+$0x0 ss:$0x1], $0xffff  }
0x46: {  	v8 =	vadd.f32 v4, v4;
	v26 =	vmin.f32 v4, $1.000000000e+00;
	v4 =	vadd.f32 v18, v18  }
0x47: {  	v57 =	vld.idx.msk [tilespmem:v2+s31+$0xFFFFE0B0 ss:$0x1], $0xffff;
	v27 =	vmin.f32 v60, $1.000000000e+00;
	v21 =	vmul.f32 v7, v21;
	v18 =	vmin.f32 v18, $1.000000000e+00  }
0x48: {  	v59 =	vld.idx.msk [tilespmem:v1+s31+$0xFFFFD110 ss:$0x1], $0xffff;
	v7 =	vadd.f32 v14, v11;
	v28 =	vmul.f32 v6, v24;
	v4 =	vsub.f32 v4, v18  }
0x49: {  	v23 =	vsel vm1, $0x3F800000, v0;
	v30 =	vsub.f32 v8, v26;
	v6 =	vld.idx.msk [tilespmem:v3+s31+$0x0 ss:$0x1], $0xffff;
	v12 =	vsub.f32 v13, v12  }
0x4a: {  	v11 =	vld.idx.msk [tilespmem:v1+s31+$0xFFFFD120 ss:$0x1], $0xffff;
	v8 =	vmul.f32 v17, v23;
	v14 =	vadd.f32 v28, v9;
	v13 =	vsub.f32 v20, v16  }
0x4b: {  	v17 =	vld.idx.msk [tilespmem:v2+s31+$0xFFFFD110 ss:$0x1], $0xffff;
	v16 =	vmul.f32 v4, v18;
	v9 =	vand.u32 $0x7FFFFFFF, v12;
	v12 =	vmul.f32 v21, v24  }
0x4c: {  	v19 =	vsub.f32 v19, v22;
	v5 =	vadd.f32 v23, v5;
	v63 =	vmul.f32 v10, v23;
	v18 =	vld.idx.msk [tilespmem:v2+s31+$0xFFFFD120 ss:$0x1], $0xffff  }
0x4d: {  	v20 =	vmul.f32 v30, v26;
	v16 =	vmul.f32 v16, v24;
	v21 =	vld.idx.msk [tilespmem:v1+s31+$0xFFFFE0B0 ss:$0x1], $0xffff;
	v12 =	vadd.f32 v12, v14  }
0x4e: {  	v4 =	vcvt.s32.f32 v25;
	v13 =	vand.u32 $0x7FFFFFFF, v13;
	vm1 =	veq.s32 v6, $0x1  }
0x4f: {  	v14 =	vadd.f32 v60, v60;
	v12 =	vadd.f32 v16, v12;
	v16 =	vmul.f32 v20, v24  }
0x50: {  	v61 =	vld.idx.msk [tilespmem:v2+s31+$0xFFFFF050 ss:$0x1], $0xffff;
	v17 =	vsub.f32 v59, v17;
	v58 =	vmin.f32 v13, $1.000000000e+00;
	v13 =	vadd.f32 v13, v13  }
0x51: {  	v20 =	vld.idx.msk [tilespmem:v1+s31+$0xFFFFF050 ss:$0x1], $0xffff;
	v62 =	vsub.f32 v14, v27;
	v14 =	vmul.f32 v15, v23;
	v12 =	vadd.f32 v16, v12  }
0x52: {  	v11 =	vsub.f32 v11, v18;
	v18 =	vsub.f32 v21, v57;
	v16 =	vmul.f32 v19, v22  }
0x53: {  	v17 =	vand.u32 $0x7FFFFFFF, v17;
	v13 =	vsub.f32 v13, v58;
	v21 =	vadd.f32 v14, v12;
	v12 =	vld.idx.msk [tilespmem:v1+s31+$0xFFFFFFF0 ss:$0x1], $0xffff  }
0x54: {  	v10 =	vand.u32 $0x7FFFFFFF, v11;
	v14 =	vand.u32 $0x7FFFFFFF, v18;
	v18 =	vmul.f32 v16, v23;
	v16 =	vld.idx.msk [tilespmem:v2+s31+$0xFFFFFFF0 ss:$0x1], $0xffff  }
0x55: {  	v11 =	vmul.f32 v13, v58;
	v13 =	vmin.f32 v10, $1.000000000e+00;
	v15 =	vadd.f32 v10, v10  }
0x56: {  	s20 =	simm.s32 $0x100;
	v10 =	vmul.f32 v62, v27;
	v19 =	vsub.f32 v20, v61;
	v20 =	vadd.f32 v63, v21  }
.LBB2_4:
0x57: {  	s21 =	sshra.s32 s20, $0x2;
	p1 =	seq.s32 s20, $0x3E00;
	s20 =	sadd.s32 $0x80, s20;
	v6 =	vcvt.s32.f32 v6;
	v15 =	vsub.f32 v15, v13;
	v21 =	vadd.f32 v9, v9  }
0x58: {  	v23 =	vadd.f32 v17, v17;
	v22 =	vld.idx.msk [tilespmem:v1+s21+$0x0 ss:$0x1], $0xffff;
	v19 =	vand.u32 $0x7FFFFFFF, v19;
	v18 =	vadd.f32 v18, v20  }
0x59: {  	v17 =	vmin.f32 v17, $1.000000000e+00;
	v12 =	vsub.f32 v12, v16;
	v20 =	vld.idx.msk [tilespmem:v2+s21+$0x0 ss:$0x1], $0xffff;
	v13 =	vmul.f32 v15, v13  }
0x5a: {  	v16 =	vsub.f32 v23, v17;
	v23 =	vmin.f32 v14, $1.000000000e+00;
	v15 =	vld.idx.msk [tilespmem:v1+s21+$0xFFFFF060 ss:$0x1], $0xffff;
	v18 =	vadd.f32 v8, v18  }
0x5b: {  	v25 =	vmin.f32 v9, $1.000000000e+00;
	v7 =	vadd.f32 v6, v7;
	v6 =	vand.u32 $0x7FFFFFFF, v12;
	v24 =	vld.idx.msk [tilespmem:v2+s21+$0xFFFFF060 ss:$0x1], $0xffff  }
0x5c: {  	v27 =	vsel vm0, $0x3F800000, v0;
	v8 =	vmul.f32 v16, v17;
	v9 =	vadd.f32 v6, v6;
	v26 =	vld.idx.msk [tilespmem:v3+s21+$0x10 ss:$0x1], $0xffff  }
0x5d: {  	v12 =	vadd.f32 v14, v14;
	v17 =	vsel vm1, $0x3F800000, v0;
	v14 =	vmin.f32 v6, $1.000000000e+00;
	v16 =	vld.idx.msk [tilespmem:v2+s21+$0xFFFFE0C0 ss:$0x1], $0xffff  }
0x5e: {  	v21 =	vsub.f32 v21, v25;
	v29 =	vmul.f32 v8, v17;
	v8 =	vadd.f32 v19, v19;
	v28 =	vld.idx.msk [tilespmem:v2+s21+$0xFFFFD110 ss:$0x1], $0xffff  }
0x5f: {  	v5 =	vadd.f32 v17, v5;
	v12 =	vsub.f32 v12, v23;
	v19 =	vmin.f32 v19, $1.000000000e+00;
	v30 =	vld.idx.msk [tilespmem:v1+s21+$0xFFFFE0C0 ss:$0x1], $0xffff  }
0x60: {  	v9 =	vsub.f32 v9, v14;
	v31 =	vsub.f32 v8, v19;
	v6 =	vld.idx.msk [tilespmem:v3+s21+$0x0 ss:$0x1], $0xffff  }
0x61: {  	v23 =	vmul.f32 v12, v23;
	v5 =	vadd.f32 v27, v5;
	v8 =	vmul.f32 v11, v27;
	v32 =	vld.idx.msk [tilespmem:v2+s21+$0xFFFFD120 ss:$0x1], $0xffff  }
0x62: {  	v20 =	vsub.f32 v22, v20;
	v15 =	vsub.f32 v15, v24;
	v19 =	vmul.f32 v31, v19;
	v11 =	vld.idx.msk [tilespmem:v1+s21+$0xFFFFD120 ss:$0x1], $0xffff  }
0x63: {  	v7 =	vadd.f32 v4, v7;
	v14 =	vmul.f32 v9, v14;
	v4 =	vcvt.s32.f32 v26;
	v22 =	vld.idx.msk [tilespmem:v2+s21+$0xFFFFE0B0 ss:$0x1], $0xffff  }
0x64: {  	v18 =	vadd.f32 v29, v18;
	v20 =	vand.u32 $0x7FFFFFFF, v20;
	v19 =	vmul.f32 v19, v17;
	v12 =	vld.idx.msk [tilespmem:v1+s21+$0xFFFFFFF0 ss:$0x1], $0xffff  }
0x65: {  	v9 =	vand.u32 $0x7FFFFFFF, v15;
	v15 =	vmul.f32 v23, v17;
	v16 =	vsub.f32 v30, v16;
	v24 =	vld.idx.msk [tilespmem:v1+s21+$0xFFFFE0B0 ss:$0x1], $0xffff  }
0x66: {  	v29 =	vmin.f32 v20, $1.000000000e+00;
	v20 =	vadd.f32 v20, v20;
	vm1 =	veq.s32 v6, $0x1;
	v23 =	vld.idx.msk [tilespmem:v1+s21+$0xFFFFD110 ss:$0x1], $0xffff  }
0x67: {  	vm0 =	veq.s32 v26, $0x1;
	v15 =	vadd.f32 v15, v18;
	v16 =	vand.u32 $0x7FFFFFFF, v16  }
0x68: {  	v18 =	vsub.f32 v20, v29;
	v30 =	vmin.f32 v16, $1.000000000e+00;
	v16 =	vadd.f32 v16, v16;
	v26 =	vld.idx.msk [tilespmem:v2+s21+$0xFFFFF050 ss:$0x1], $0xffff  }
0x69: {  	v14 =	vmul.f32 v14, v17;
	v15 =	vadd.f32 v19, v15;
	v11 =	vsub.f32 v11, v32;
	v20 =	vld.idx.msk [tilespmem:v1+s21+$0xFFFFF050 ss:$0x1], $0xffff  }
0x6a: {  	v17 =	vmul.f32 v13, v27;
	v32 =	vmul.f32 v10, v27;
	v31 =	vsub.f32 v16, v30  }
.Ltmp0:
0x6b: {  	v19 =	vmul.f32 v21, v25;
	v14 =	vadd.f32 v14, v15;
	v10 =	vand.u32 $0x7FFFFFFF, v11;
	(pc) =	sbr.rel @!p1 .LBB2_4-.Ltmp0, $4  }
0x6c: {  	v11 =	vmul.f32 v18, v29;
	v22 =	vsub.f32 v24, v22;
	v21 =	vsub.f32 v23, v28;
	v16 =	vld.idx.msk [tilespmem:v2+s21+$0xFFFFFFF0 ss:$0x1], $0xffff  }
0x6d: {  	v13 =	vmin.f32 v10, $1.000000000e+00;
	v15 =	vadd.f32 v10, v10;
	v23 =	vadd.f32 v17, v14  }
0x6e: {  	v18 =	vmul.f32 v19, v27;
	v14 =	vand.u32 $0x7FFFFFFF, v22;
	v17 =	vand.u32 $0x7FFFFFFF, v21  }
0x6f: {  	v10 =	vmul.f32 v31, v30;
	v19 =	vsub.f32 v20, v26;
	v20 =	vadd.f32 v32, v23  }
0x70: {  	v1 =	vadd.f32 v17, v17;
	v56 =	vmin.f32 v17, $1.000000000e+00  }
0x71: {  	v57 =	vadd.f32 v14, v14;
	v58 =	vmin.f32 v14, $1.000000000e+00;
	v2 =	vsub.f32 v12, v16  }
0x72: {  	v3 =	vand.u32 $0x7FFFFFFF, v19;
	v55 =	vadd.f32 v18, v20;
	v1 =	vsub.f32 v1, v56  }
0x73: {  	v61 =	vsel vm1, $0x3F800000, v0;
	v60 =	vadd.f32 v3, v3;
	v17 =	vsub.f32 v57, v58  }
0x74: {  	v3 =	vmin.f32 v3, $1.000000000e+00;
	v2 =	vand.u32 $0x7FFFFFFF, v2;
	v1 =	vmul.f32 v1, v56  }
0x75: {  	v8 =	vadd.f32 v8, v55;
	v59 =	vadd.f32 v2, v2;
	v2 =	vmin.f32 v2, $1.000000000e+00  }
0x76: {  	v16 =	vsub.f32 v60, v3;
	v14 =	vmul.f32 v17, v58;
	v1 =	vmul.f32 v1, v61  }
0x77: {  	v12 =	vsub.f32 v59, v2  }
0x78: {  	v3 =	vmul.f32 v16, v3;
	v1 =	vadd.f32 v1, v8;
	v8 =	vmul.f32 v14, v61  }
0x79: {  	v62 =	vsub.f32 v15, v13  }
0x7a: {  	v2 =	vmul.f32 v12, v2;
	v3 =	vmul.f32 v3, v61;
	v1 =	vadd.f32 v8, v1  }
0x7b: {  	v63 =	vmul.f32 v62, v13  }
0x7c: {  	v8 =	vadd.f32 v9, v9;
	v2 =	vmul.f32 v2, v61;
	v1 =	vadd.f32 v3, v1  }
0x7d: {  	v3 =	vmin.f32 v9, $1.000000000e+00;
	v9 =	vsel vm0, $0x3F800000, v0  }
0x7e: {  	v8 =	vsub.f32 v8, v3;
	v12 =	vmul.f32 v63, v9;
	v1 =	vadd.f32 v2, v1;
	_ =	sdelay $0x1  }
0x7f: {  	v2 =	vmul.f32 v10, v9;
	v3 =	vmul.f32 v8, v3;
	v1 =	vadd.f32 v12, v1  }
0x80: {  	v6 =	vcvt.s32.f32 v6  }
0x81: {  	v3 =	vmul.f32 v3, v9;
	v1 =	vadd.f32 v2, v1  }
0x82: {  	v6 =	vadd.f32 v6, v7  }
0x83: {  	v7 =	vmul.f32 v11, v9;
	v2 =	vadd.f32 v61, v5;
	v1 =	vadd.f32 v3, v1  }
0x84: {  	v4 =	vadd.f32 v4, v6  }
0x85: {  	v5 =	vadd.f32 v9, v2;
	v9 =	vadd.f32 v7, v1  }
0x86: {  	p1 =	seq.s32 s19, s3  }
.Ltmp1:
0x87: {  	_ = 	snop;
	(pc) =	sbr.rel @!p1 .LBB2_3-.Ltmp1, $2  }
0x88: {  	_ =	sdelay $0x2  }
0x89: {  	p0 =	por !p0, !p0  }
0x8a: {  	[tilespmem:$0x11940] =	vst v9  }
0x8b: {  	[tilespmem:$0x11950] =	vst v5  }
0x8c: {  	[tilespmem:$0x11960] =	vst v4  }
0x8d: {  	[tilespmem:$0x11970] =	vst v0  }
0x8e: {  	[tilespmem:$0x11980] =	vst v0  }
0x8f: {  	[tilespmem:$0x11990] =	vst v0;
	s18 =	sadd.s32 $0x1, s18  }
0x90: {  	[tilespmem:$0x119A0] =	vst v0;
	p0 =	sne.s32 s18, s11  }
.Ltmp2:
0x91: {  	[tilespmem:$0x119B0] =	vst v0;
	(pc) =	sbr.rel @p0 .LBB2_1-.Ltmp2, $4  }
0x92: {  	[hbm4b:s10+s2] =	stream.linear.scatter [tilespmem:s16], [sflag:$0x7], $0x80, $0x38;
	[tilespmem:$0x119C0] =	vst v63  }
0x93: {  	_ =	swait.ge [sflag:s17], $0x80  }
0x94: {  	[sflag:s17] =	ssyncset.done $0x0  }
0x95: {  	[sflag:s17] =	ssyncadd.s32 $0xFFFFFF80  }
0x96: {  	_ =	sfence.sel $0x180000  }
0x97: {  	[bflag:$0x0] =	sbarrier.arrive $0xFFFF  }
0x98: {  	p0 =	sne.s32 s1, $0x0;
	_ =	strace $0x90000047  }
0x99: {  	s0 =	sadd.s32 @!p0 $0x100000, s0;
	[bflag:$0x2] =	sbarrier.arrive $0xFFFF  }
0x9a: {  	[sflag:s0] =	ssyncadd.tile.s32 @!p0 $0x1;
	_ =	shalt  }
.Lfunc_end2:
_tile_overlayer_lowered:
.L_overlay_start_2:
0x9b: {  	(tag) =	ssettag $0x2  }
0x9c: {  	s0 =	rddreg [dreg:$0x0];
	s2 =	stileid.u32  }
0x9d: {  	s1 =	rddreg [dreg:$0x1];
	p0 =	sne.s32 s2, $0x0  }
0x9e: {  	s3 =	rddreg [dreg:$0x2];
	[bflag:$0x3] =	sbarrier.arrive $0xFFFF;
	s2 =	simm.s32 @!p0 $0x1C07  }
0x9f: {  	[timem:s3], [sflag:s2] =	dma.local @!p0 [hbm:s0], s1  }
0xa0: {  	s0 =	simm.s32 @!p0 $0x7  }
0xa1: {  	_ =	swait.ge @!p0 [sflag:s0], s1  }
0xa2: {  	s1 =	ssub.s32 @!p0 $0x0, s1;
	[sflag:s0] =	ssyncset.done @!p0 $0x0  }
0xa3: {  	[sflag:s0] =	ssyncadd.s32 @!p0 s1  }
0xa4: {  	[bflag:$0x3] =	sbarrier.arrive $0xFFFF  }
0xa5: {  	_ =	shalt  }

// kernel: kernel.9.cloned.1.call-start
scs
__scs_entry_jumppad:
0x0: {  	(pc) =	sbr.rel $0x88, $3  }
0x1: {  	(tag) =	ssettag $0x0;
	lr =	simm.s32 $0x1  }
0x2: {  	[smem:$0x3F9E] =	sst lr;
	_ =	strace $0xD0000000  }
0x3: {  	_ = 	snop  }
0x4: {  	_ = 	snop  }
0x5: {  	_ = 	snop  }
0x6: {  	_ = 	snop  }
0x7: {  	_ = 	snop  }
__scs_overlays_trampoline_lowered:
0x8: {  	[smem:$0x3FAD] =	sst s0  }
0x9: {  	[smem:$0x3FAE] =	sst s1  }
0xa: {  	[smem:$0x3FAF] =	sst s2  }
0xb: {  	[smem:$0x3FB0] =	sst s3  }
0xc: {  	[smem:$0x3FB1] =	sst s4  }
0xd: {  	[smem:$0x3FB2] =	sst s5  }
0xe: {  	[smem:$0x3FB3] =	sst s6  }
0xf: {  	[smem:$0x3FB4] =	sst s7  }
0x10: {  	[smem:$0x3FB5] =	sst s8  }
0x11: {  	[smem:$0x3FB6] =	sst s9;
	s0 =	simm.s32 @!p0 $0x0  }
0x12: {  	s1 =	sld [smem:$0x3F9C];
	s0 =	simm.s32 @p0 $0x1  }
0x13: {  	[smem:$0x3FB7] =	sst s0;
	s0 =	simm.s32 @!p1 $0x0  }
0x14: {  	s2 =	sld [smem:$0x3F9B];
	s0 =	simm.s32 @p1 $0x1  }
0x15: {  	[smem:$0x3FB8] =	sst s0;
	s0 =	simm.s32 @!p2 $0x0  }
0x16: {  	s3 =	sld [smem:$0x3FDB];
	s0 =	simm.s32 @p2 $0x1  }
0x17: {  	s4 =	simm.s32 $0x1BF5;
	[smem:$0x3FBA] =	sst s0  }
0x18: {  	s0 =	sld [smem:$0x3F9D];
	_ =	swait.ge [sflag:s4], $0x0  }
0x19: {  	s7 =	sld [smem:$0x3F9E]  }
0x1a: {  	s8 =	sadd.s32 $0xFFFFE003, lr  }
0x1b: {  	s9 =	sadd.s32 $0xFFFFFEF7, lr;
	s5 =	simm.s32 $0xFFFFFFFF;
	p2 =	slt.u32 s8, $0xFFFFF086  }
0x1c: {  	p1 =	slt.u32 s9, $0xF7A;
	s5 =	simm.s32 @!p2 $0x0  }
0x1d: {  	s5 =	simm.s32 @p1 $0x1;
	p0 =	seq.s32 s7, s2  }
0x1e: {  	s7 =	smul.u32 @!p0 $0xF7A, s2;
	p2 =	seq.s32 @!p0 s5, $0x0  }
0x1f: {  	s9 =	smul.u32 $0xF7A, s1;
	s8 =	simm.s32 @!p0 $0x1BF5;
	p2 =	por !p2, p0  }
0x20: {  	[sflag:s8] =	ssyncset.s32 @!p0 $0xFFFFF086;
	s6 =	sadd.s32 @!p0 s3, s7;
	s7 =	simm.s32 @!p0 $0x108  }
0x21: {  	s3 =	sadd.s32 s3, s9;
	s6 =	sadd.s32 @!p0 $0x88, s6;
	s7 =	simm.s32 @p2 $0x1082  }
0x22: {  	[simem:s7], [sflag:s8] =	dma.local @!p0 [hbm:s6], $0xF7A  }
0x23: {  	s9 =	sor.u32 $0xD0000000, s2;
	s6 =	simm.s32 $0x108;
	_ =	swait.ge @!p0 [sflag:s8], $0x0  }
0x24: {  	s3 =	sadd.s32 $0x88, s3;
	s6 =	simm.s32 @!p1 $0x1082;
	[sflag:s4] =	ssyncset.s32 $0xFFFFF086  }
0x25: {  	[simem:s6], [sflag:s4] =	dma.local [hbm:s3], $0xF7A  }
0x26: {  	[smem:$0x3F9E] =	sst s1;
	(tag) =	ssettag s2;
	_ =	strace s9  }
0x27: {  	s1 =	sld [smem:$0x3FAE]  }
0x28: {  	s2 =	sld [smem:$0x3FAF]  }
0x29: {  	s4 =	sld [smem:$0x3FB1]  }
0x2a: {  	p0 =	seq.s32 s5, $0x0;
	s5 =	sld [smem:$0x3FB2]  }
0x2b: {  	s6 =	sld [smem:$0x3FB3]  }
0x2c: {  	s7 =	sld [smem:$0x3FB4]  }
0x2d: {  	s3 =	simm.s32 $0x108;
	s8 =	sld [smem:$0x3FB5]  }
0x2e: {  	s3 =	simm.s32 @!p0 $0x1082;
	s9 =	sld [smem:$0x3FB6]  }
0x2f: {  	lr =	sadd.s32 s0, s3;
	s0 =	sld [smem:$0x3FAD]  }
0x30: {  	s3 =	sld [smem:$0x3FB0]  }
0x31: {  	[smem:$0x3FB9] =	sst s10  }
0x32: {  	s10 =	sld [smem:$0x3FB7];
	_ =	sdelay $0x3  }
0x33: {  	p0 =	seq.s32 s10, $0x1;
	s10 =	sld [smem:$0x3FB9];
	_ =	sdelay $0x3  }
0x34: {  	[smem:$0x3FB9] =	sst s10  }
0x35: {  	s10 =	sld [smem:$0x3FB8];
	_ =	sdelay $0x3  }
0x36: {  	p1 =	seq.s32 s10, $0x1;
	s10 =	sld [smem:$0x3FB9];
	_ =	sdelay $0x3  }
0x37: {  	[smem:$0x3FB9] =	sst s10  }
0x38: {  	s10 =	sld [smem:$0x3FBA]  }
0x39: {  	_ = 	snop;
	(pc) =	sbr.ind lr, $3  }
0x3a: {  	_ = 	snop  }
0x3b: {  	_ = 	snop  }
0x3c: {  	p2 =	seq.s32 s10, $0x1;
	s10 =	sld [smem:$0x3FB9]  }
0x3d: {  	_ =	shalt  }
0x3e: {  	_ =	shalt  }
0x3f: {  	_ =	shalt  }
0x40: {  	_ =	shalt  }
0x41: {  	_ =	shalt  }
0x42: {  	_ =	shalt  }
0x43: {  	_ =	shalt  }
0x44: {  	_ =	shalt  }
0x45: {  	_ =	shalt  }
0x46: {  	_ =	shalt  }
0x47: {  	_ =	shalt  }
0x48: {  	_ =	shalt  }
0x49: {  	_ =	shalt  }
0x4a: {  	_ =	shalt  }
0x4b: {  	_ =	shalt  }
0x4c: {  	_ =	shalt  }
0x4d: {  	_ =	shalt  }
0x4e: {  	_ =	shalt  }
0x4f: {  	_ =	shalt  }
0x50: {  	_ =	shalt  }
0x51: {  	_ =	shalt  }
0x52: {  	_ =	shalt  }
0x53: {  	_ =	shalt  }
0x54: {  	_ =	shalt  }
0x55: {  	_ =	shalt  }
0x56: {  	_ =	shalt  }
0x57: {  	_ =	shalt  }
0x58: {  	_ =	shalt  }
0x59: {  	_ =	shalt  }
0x5a: {  	_ =	shalt  }
0x5b: {  	_ =	shalt  }
0x5c: {  	_ =	shalt  }
0x5d: {  	_ =	shalt  }
0x5e: {  	_ =	shalt  }
0x5f: {  	_ =	shalt  }
0x60: {  	_ =	shalt  }
0x61: {  	_ =	shalt  }
0x62: {  	_ =	shalt  }
0x63: {  	_ =	shalt  }
0x64: {  	_ =	shalt  }
0x65: {  	_ =	shalt  }
0x66: {  	_ =	shalt  }
0x67: {  	_ =	shalt  }
0x68: {  	_ =	shalt  }
0x69: {  	_ =	shalt  }
0x6a: {  	_ =	shalt  }
0x6b: {  	_ =	shalt  }
0x6c: {  	_ =	shalt  }
0x6d: {  	_ =	shalt  }
0x6e: {  	_ =	shalt  }
0x6f: {  	_ =	shalt  }
0x70: {  	_ =	shalt  }
0x71: {  	_ =	shalt  }
0x72: {  	_ =	shalt  }
0x73: {  	_ =	shalt  }
0x74: {  	_ =	shalt  }
0x75: {  	_ =	shalt  }
0x76: {  	_ =	shalt  }
0x77: {  	_ =	shalt  }
0x78: {  	_ =	shalt  }
0x79: {  	_ =	shalt  }
0x7a: {  	_ =	shalt  }
0x7b: {  	_ =	shalt  }
0x7c: {  	_ =	shalt  }
0x7d: {  	_ =	shalt  }
0x7e: {  	_ =	shalt  }
0x7f: {  	_ =	shalt  }
0x80: {  	_ =	shalt  }
0x81: {  	_ =	shalt  }
0x82: {  	_ =	shalt  }
0x83: {  	_ =	shalt  }
0x84: {  	_ =	shalt  }
0x85: {  	_ =	shalt  }
0x86: {  	_ =	shalt  }
0x87: {  	_ =	shalt  }
.Lfunc_end0:
.L_simem_size_0:
called_computation.1_lowered:
.L_overlay_start_0:
0x88: {  	s2 =	sld [smem:$0x3FD9]  }
0x89: {  	s3 =	sld [smem:$0x3FFE];
	_ =	sdelay $0x1  }
0x8a: {  	s1 =	srdreg.scid  }
0x8b: {  	s0 =	sand.u32 $0x1, s1  }
0x8c: {  	s17 =	sshll.u32 s0, $0xA;
	s2 =	sadd.s32 s3, s2  }
0x8d: {  	s2 =	sadd.s32 s2, s17  }
0x8e: {  	[smem:$0x3FC5] =	sst s2  }
0x8f: {  	_ = 	snop  }
0x90: {  	s18 =	sld [smem:$0x3FC7];
	(tm) =	ssettm $0x1  }
0x91: {  	s19 =	sld [smem:$0x3FFB];
	_ =	sdelay $0x3  }
0x92: {  	_ =	strace s19  }
0x93: {  	s2 =	sld [smem:$0x3FFC];
	_ =	sdelay $0x3  }
0x94: {  	_ =	strace s2  }
0x95: {  	s2 =	sld [smem:$0x3FFD];
	_ =	sdelay $0x3  }
0x96: {  	_ =	strace s2  }
0x97: {  	_ =	strace $0x8FFFFFFF  }
0x98: {  	s20 =	sld [smem:$0x3FDB];
	_ =	sdelay $0x1  }
0x99: {  	s4 =	simm.s32 $_scs_section_size  }
0x9a: {  	s5 =	simm.s32 $_size__tile_overlayer_lowered;
	s6 =	simm.s32 $_tile_overlayer_lowered  }
0x9b: {  	s7 =	simm.s32 $0x1BFF;
	s21 =	sshll.u32 s6, $0x1;
	s4 =	sadd.s32 s4, s20  }
0x9c: {  	s22 =	simm.s32 $0x0;
	s5 =	sshll.u32 s5, $0x1;
	s6 =	sadd.s32 s21, s4  }
0x9d: {  	[timem:s22], [sflag:s7] =	dma.local [hbm:s6], s5  }
0x9e: {  	_ =	swait.ge [sflag:s7], s5  }
0x9f: {  	s5 =	ssub.s32 $0x0, s5;
	[sflag:s7] =	ssyncset.done $0x0  }
0xa0: {  	[sflag:s7] =	ssyncadd.s32 s5;
	_ =	sdelay $0x1  }
0xa1: {  	s23 =	simm.s32 $0x1B8B  }
0xa2: {  	_ =	swait.ge [sflag:s23], $0x1  }
0xa3: {  	[sflag:s23] =	ssyncset.done $0x0  }
0xa4: {  	[sflag:s23] =	ssyncadd.s32 $0xFFFFFFFF  }
0xa5: {  	s5 =	sld [smem:$0x0]  }
0xa6: {  	s6 =	sand.u32 $0xFFFFFFFE, s1  }
0xa7: {  	p0 =	sne.s32 s1, s6  }
0xa8: {  	s6 =	sshll.u32 @p0 s6, $0xE  }
0xa9: {  	s6 =	sadd.s32 @p0 $0x11B8D, s6;
	s7 =	sshll.u32 @p0 s5, $0x11  }
0xaa: {  	s6 =	sor.u32 @p0 s7, s6  }
0xab: {  	[sflag:s6] =	ssyncadd.remote.s32 @p0 $0x1;
	_ =	sdelay $0x1  }
0xac: {  	s6 =	simm.s32 @p0 $0x1B8D  }
0xad: {  	_ =	swait.eq @p0 [sflag:s6], $0x1  }
0xae: {  	[sflag:s6] =	ssyncadd.s32 @p0 $0xFFFFFFFF  }
0xaf: {  	s7 =	sshll.u32 @!p0 s1, $0xE  }
0xb0: {  	s7 =	sor.u32 @!p0 $0x4000, s7;
	s6 =	simm.s32 @!p0 $0x1B8D  }
0xb1: {  	s5 =	sshll.u32 @!p0 s5, $0x11;
	s7 =	sadd.s32 @!p0 $0x11B8D, s7;
	_ =	swait.eq @!p0 [sflag:s6], $0x1  }
0xb2: {  	s5 =	sor.u32 @!p0 s5, s7;
	[sflag:s6] =	ssyncadd.s32 @!p0 $0xFFFFFFFF  }
0xb3: {  	s25 =	simm.s32 $0x1B8E;
	s24 =	sld [smem:$0x3FFE];
	[sflag:s5] =	ssyncadd.remote.s32 @!p0 $0x1  }
0xb4: {  	s26 =	simm.s32 $execute0_lowered;
	[smem:$0x3FD2] =	sst s25  }
0xb5: {  	s6 =	sshll.u32 s26, $0x1;
	_ =	strace $0x80000049;
	[dreg:$0x1] =	wrdreg $0xFFFFFFFF  }
0xb6: {  	s28 =	simm.s32 $_size_execute0_lowered;
	s4 =	sadd.s32 s4, s6;
	[dreg:$0x0] =	wrdreg $0x0  }
0xb7: {  	s6 =	sshll.u32 s28, $0x1;
	[dreg:$0x2] =	wrdreg s4  }
0xb8: {  	[dreg:$0x3] =	wrdreg s6  }
0xb9: {  	[dreg:$0x4] =	wrdreg $0xC0  }
0xba: {  	_ =	task [dreg:s22], $0x5FFFF  }
0xbb: {  	[dreg:$0x1] =	wrdreg $0xFFFFFFFF  }
0xbc: {  	[dreg:$0x0] =	wrdreg $0x60  }
0xbd: {  	[dreg:$0x2] =	wrdreg s24  }
0xbe: {  	[dreg:$0x3] =	wrdreg s18  }
0xbf: {  	[dreg:$0x4] =	wrdreg $0xA  }
0xc0: {  	_ =	task.clear_ibuf [dreg:s22], $0x5FFFF;
	_ =	strace $0x90000049  }
0xc1: {  	s29 =	simm.s32 $0xA;
	_ =	strace $0x8000004B  }
0xc2: {  	_ =	swait.ge [sflag:s29], $0x1  }
0xc3: {  	[sflag:s29] =	ssyncadd.s32 $0xFFFFFFFF  }
0xc4: {  	_ =	strace $0x9000004B  }
0xc5: {  	_ =	sfence  }
0xc6: {  	s30 =	sld [smem:$0x0];
	_ =	sdelay $0x2  }
0xc7: {  	s31 =	sshll.u32 s1, $0xD;
	s1 =	sshrl.u32 s1, $0x2  }
0xc8: {  	s4 =	sand.u32 $0x4000, s31;
	s1 =	sadd.s32 s1, s30  }
0xc9: {  	s0 =	sor.u32 s4, s0;
	s1 =	sshll.u32 s1, $0x11  }
0xca: {  	s0 =	sor.u32 s1, s0  }
0xcb: {  	s0 =	sadd.s32 $0x8F2B, s0  }
0xcc: {  	[sflag:s0] =	ssyncadd.remote.s32 $0x1  }
0xcd: {  	_ =	sfence.sel $0xFFFF  }
0xce: {  	[dreg:$0x0] =	wrdreg $0xFFFFFFFF;
	(pc) =	sbr.abs _section_cstart, $3  }
0xcf: {  	[dreg:$0x1] =	wrdreg $0xFFFFFFFF  }
0xd0: {  	_ =	task.clear_ibuf [dreg:s22], $0x2FFFF;
	_ =	strace $0x9FFFFFFF  }
0xd1: {  	(tm) =	ssettm $0x7FFFFFFF  }
tec
execute0_lowered:
.L_overlay_start_1:
0x0: {  	(tag) =	ssettag $0x1  }
0x1: {  	s3 =	rddreg [dreg:$0x0]  }
0x2: {  	s5 =	rddreg [dreg:$0x1]  }
0x3: {  	s0 =	rddreg [dreg:$0x2];
	s2 =	simm.s32 $0x0  }
0x4: {  	s4 =	srdreg.scid;
	s1 =	stileid.u32;
	s13 =	simm.s32 $0x3C8C0  }
0x5: {  	s14 =	simm.s32 $0x7D00;
	s15 =	simm.s32 $0xFA00;
	s16 =	simm.s32 $0x11940  }
0x6: {  	s17 =	simm.s32 $0x7;
	s18 =	simm.s32 $0x0;
	[smem:$0x7FF] =	sst s2  }
0x7: {  	s4 =	sand.u32 $0x1, s4;
	s6 =	sshll.u32 s1, $0x1;
	s7 =	sadd.s32 $0x7AE00, s3  }
0x8: {  	s10 =	sadd.s32 $0x5C800, s3;
	p0 =	seq.s32 s1, $0xF;
	s6 =	sor.u32 s4, s6  }
0x9: {  	s4 =	ssub.s32 $0x2, s4;
	s8 =	sshll.u32 s6, $0x4;
	s6 =	smul.u32 $0xFA0, s6  }
0xa: {  	_ =	strace $0x8000004A;
	s9 =	sshrl.u32 s4, $0x1;
	s11 =	sadd.s32 s8, s3  }
0xb: {  	s12 =	ssub.s32 s4, s9;
	s3 =	simm.s32 $0x1;
	s30 =	sshrl.u32 s6, $0x3  }
0xc: {  	s3 =	simm.s32 @!p0 $0x2;
	s4 =	sadd.s32 s7, s30;
	s31 =	sadd.s32 s5, s30  }
0xd: {  	s5 =	sadd.s32 s10, s30;
	s8 =	sadd.s32 $0x3E80, s30;
	s6 =	sadd.s32 $0x7918, s31  }
0xe: {  	s7 =	sadd.s32 s7, s8;
	s8 =	sadd.s32 s10, s8;
	s9 =	sadd.s32 $0xB798, s31  }
0xf: {  	v0 =	vimm.f32 $0.0e+00;
	s10 =	sadd.s32 $0x1FE00, s11;
	s11 =	smax.u32 s12, $0x1;
	s12 =	simm.s32 $0xFA0  }
.LBB2_1:
0x10: {  	[tilespmem:s2], [sflag:$0x1] =	stream.strided.gather [hbm4b:s4+s12], $0x3E80, s13, s12, $0x38;
	[tilespmem:$0x119C0] =	vst v63  }
0x11: {  	_ = 	snop  }
0x12: {  	[tilespmem:s14], [sflag:$0x3] =	stream.strided.gather [hbm4b:s5+s12], $0x3E80, s13, s12, $0x38;
	[tilespmem:$0x119C0] =	vst v63  }
0x13: {  	p0 =	por $0x0, $0x0;
	s19 =	simm.s32 $0x0  }
0x14: {  	v4 =	vimm.f32 $0.0e+00;
	v5 =	vimm.f32 $0.0e+00;
	v9 =	vimm.f32 $0.0e+00;
	[tilespmem:s15], [sflag:$0x5] =	stream.linear.gather [hbm4b:s6+s2], $0xFA0, $0x38;
	[tilespmem:$0x119C0] =	vst v63  }
.LBB2_3:
0x15: {  	s20 =	smov.u32 s19;
	s19 =	sadd.s32 $0x1, s19  }
0x16: {  	p1 =	sge.u32 s19, s3  }
0x17: {  	s21 =	simm.s32 @!p1 $0xFA0;
	s22 =	simm.s32 @!p1 $0x3C8C0;
	s23 =	simm.s32 @!p1 $0x3E80  }
0x18: {  	[tilespmem:s23], [sflag:$0x2] =	stream.strided.gather @!p1 [hbm4b:s7+s21], $0x3E80, s22, s21, $0x38;
	[tilespmem:$0x119C0] =	vst v63  }
0x19: {  	s23 =	simm.s32 @!p1 $0xBB80  }
0x1a: {  	[tilespmem:s23], [sflag:$0x4] =	stream.strided.gather @!p1 [hbm4b:s8+s21], $0x3E80, s22, s21, $0x38;
	[tilespmem:$0x119C0] =	vst v63  }
0x1b: {  	s21 =	simm.s32 @!p1 $0x0;
	s22 =	simm.s32 @!p1 $0x109A0  }
0x1c: {  	[tilespmem:s22], [sflag:$0x6] =	stream.linear.gather @!p1 [hbm4b:s9+s21], $0xFA0, $0x38;
	[tilespmem:$0x119C0] =	vst v63  }
0x1d: {  	s20 =	sand.u32 $0x1, s20;
	s21 =	simm.s32 $0x1  }
0x1e: {  	s26 =	sadd.s32 $0x1, s20;
	s21 =	simm.s32 @!p0 $0x0  }
0x1f: {  	_ =	swait.ge [sflag:s26], $0x3E80;
	s28 =	smul.u32 $0xFA00, s21  }
0x20: {  	[sflag:s26] =	ssyncset.done $0x0  }
0x21: {  	s29 =	sadd.s32 $0x3, s20;
	[sflag:s26] =	ssyncadd.s32 $0xFFFFC180;
	s23 =	sshrl.u32 s28, $0x2  }
0x22: {  	_ =	swait.ge [sflag:s29], $0x3E80;
	s24 =	sadd.s32 $0x2EF0, s23  }
0x23: {  	s21 =	smul.u32 $0x3E80, s21;
	s23 =	sadd.s32 $0xABF0, s23;
	[sflag:s29] =	ssyncset.done $0x0;
	v1 =	vmov s24  }
0x24: {  	s20 =	sadd.s32 $0x5, s20;
	[sflag:s29] =	ssyncadd.s32 $0xFFFFC180;
	v2 =	vmov s23  }
0x25: {  	s21 =	sshrl.u32 s21, $0x2;
	_ =	swait.ge [sflag:s20], $0xFA0  }
0x26: {  	s21 =	sadd.s32 $0xFA00, s21;
	[sflag:s20] =	ssyncset.done $0x0  }
0x27: {  	s30 =	simm.s32 $0x0;
	v3 =	vmov s21;
	[sflag:s20] =	ssyncadd.s32 $0xFFFFF060  }
0x28: {  	v6 =	vld.idx.msk [tilespmem:v1+s30+$0x0 ss:$0x1], $0xffff  }
0x29: {  	v7 =	vld.idx.msk [tilespmem:v2+s30+$0x0 ss:$0x1], $0xffff  }
0x2a: {  	v8 =	vld.idx.msk [tilespmem:v1+s30+$0xFFFFF060 ss:$0x1], $0xffff  }
0x2b: {  	v10 =	vld.idx.msk [tilespmem:v2+s30+$0xFFFFF060 ss:$0x1], $0xffff  }
0x2c: {  	v11 =	vld.idx.msk [tilespmem:v3+s30+$0x10 ss:$0x1], $0xffff  }
0x2d: {  	v12 =	vld.idx.msk [tilespmem:v2+s30+$0xFFFFE0C0 ss:$0x1], $0xffff  }
0x2e: {  	v14 =	vld.idx.msk [tilespmem:v1+s30+$0xFFFFE0C0 ss:$0x1], $0xffff  }
0x2f: {  	v15 =	vld.idx.msk [tilespmem:v3+s30+$0x0 ss:$0x1], $0xffff  }
0x30: {  	v16 =	vld.idx.msk [tilespmem:v2+s30+$0xFFFFD120 ss:$0x1], $0xffff  }
0x31: {  	s31 =	simm.s32 $0x20;
	v17 =	vld.idx.msk [tilespmem:v1+s30+$0xFFFFD120 ss:$0x1], $0xffff  }
0x32: {  	v27 =	vld.idx.msk [tilespmem:v2+s31+$0xFFFFE0C0 ss:$0x1], $0xffff  }
0x33: {  	v29 =	vld.idx.msk [tilespmem:v1+s31+$0xFFFFE0C0 ss:$0x1], $0xffff  }
0x34: {  	v25 =	vld.idx.msk [tilespmem:v3+s31+$0x10 ss:$0x1], $0xffff  }
0x35: {  	v13 =	vld.idx.msk [tilespmem:v2+s30+$0xFFFFD110 ss:$0x1], $0xffff  }
0x36: {  	v18 =	vld.idx.msk [tilespmem:v1+s30+$0xFFFFE0B0 ss:$0x1], $0xffff;
	v6 =	vsub.f32 v6, v7;
	v8 =	vsub.f32 v8, v10  }
0x37: {  	v10 =	vsub.f32 v14, v12;
	v12 =	vld.idx.msk [tilespmem:v1+s30+$0xFFFFD110 ss:$0x1], $0xffff;
	v14 =	vcvt.s32.f32 v11;
	vm0 =	veq.s32 v15, $0x1  }
0x38: {  	v7 =	vld.idx.msk [tilespmem:v2+s30+$0xFFFFE0B0 ss:$0x1], $0xffff;
	v16 =	vsub.f32 v17, v16;
	vm1 =	veq.s32 v11, $0x1;
	v27 =	vsub.f32 v29, v27  }
0x39: {  	v20 =	vld.idx.msk [tilespmem:v2+s30+$0xFFFFF050 ss:$0x1], $0xffff;
	v24 =	vsel vm0, $0x3F800000, v0;
	vm0 =	veq.s32 v25, $0x1;
	v6 =	vand.u32 $0x7FFFFFFF, v6  }
0x3a: {  	v22 =	vld.idx.msk [tilespmem:v1+s30+$0xFFFFF050 ss:$0x1], $0xffff;
	v8 =	vand.u32 $0x7FFFFFFF, v8;
	v10 =	vand.u32 $0x7FFFFFFF, v10;
	v19 =	vadd.f32 v6, v6  }
0x3b: {  	v23 =	vld.idx.msk [tilespmem:v1+s30+$0xFFFFFFF0 ss:$0x1], $0xffff;
	v5 =	vadd.f32 v24, v5;
	v6 =	vmin.f32 v6, $1.000000000e+00;
	v21 =	vadd.f32 v10, v10  }
0x3c: {  	v10 =	vmin.f32 v10, $1.000000000e+00;
	v19 =	vsub.f32 v19, v6;
	v12 =	vsub.f32 v12, v13;
	v13 =	vld.idx.msk [tilespmem:v2+s30+$0xFFFFFFF0 ss:$0x1], $0xffff  }
0x3d: {  	v16 =	vand.u32 $0x7FFFFFFF, v16;
	v11 =	vsub.f32 v21, v10;
	v7 =	vsub.f32 v18, v7  }
0x3e: {  	v17 =	vmul.f32 v19, v6;
	v6 =	vmin.f32 v16, $1.000000000e+00;
	v16 =	vadd.f32 v16, v16  }
0x3f: {  	v18 =	vsub.f32 v22, v20;
	v12 =	vand.u32 $0x7FFFFFFF, v12;
	v10 =	vmul.f32 v11, v10  }
0x40: {  	v11 =	vcvt.s32.f32 v15;
	v15 =	vsub.f32 v16, v6;
	v16 =	vadd.f32 v12, v12  }
0x41: {  	v7 =	vand.u32 $0x7FFFFFFF, v7;
	v12 =	vmin.f32 v12, $1.000000000e+00;
	v13 =	vsub.f32 v23, v13  }
0x42: {  	v20 =	vld.idx.msk [tilespmem:v1+s31+$0x0 ss:$0x1], $0xffff;
	v21 =	vmin.f32 v7, $1.000000000e+00;
	v15 =	vmul.f32 v15, v6;
	v6 =	vsub.f32 v16, v12  }
0x43: {  	v7 =	vadd.f32 v7, v7;
	v11 =	vadd.f32 v11, v4;
	v4 =	vand.u32 $0x7FFFFFFF, v13;
	v13 =	vld.idx.msk [tilespmem:v1+s31+$0xFFFFF060 ss:$0x1], $0xffff  }
0x44: {  	v60 =	vand.u32 $0x7FFFFFFF, v27;
	v22 =	vmin.f32 v8, $1.000000000e+00;
	v6 =	vmul.f32 v6, v12;
	v12 =	vld.idx.msk [tilespmem:v2+s31+$0xFFFFF060 ss:$0x1], $0xffff  }
0x45: {  	v19 =	vadd.f32 v8, v8;
	v18 =	vand.u32 $0x7FFFFFFF, v18;
	v7 =	vsub.f32 v7, v21;
	v16 =	vld.idx.msk [tilespmem:v2+s31+$0x0 ss:$0x1], $0xffff  }
0x46: {  	v8 =	vadd.f32 v4, v4;
	v26 =	vmin.f32 v4, $1.000000000e+00;
	v4 =	vadd.f32 v18, v18  }
0x47: {  	v57 =	vld.idx.msk [tilespmem:v2+s31+$0xFFFFE0B0 ss:$0x1], $0xffff;
	v27 =	vmin.f32 v60, $1.000000000e+00;
	v21 =	vmul.f32 v7, v21;
	v18 =	vmin.f32 v18, $1.000000000e+00  }
0x48: {  	v59 =	vld.idx.msk [tilespmem:v1+s31+$0xFFFFD110 ss:$0x1], $0xffff;
	v7 =	vadd.f32 v14, v11;
	v28 =	vmul.f32 v6, v24;
	v4 =	vsub.f32 v4, v18  }
0x49: {  	v23 =	vsel vm1, $0x3F800000, v0;
	v30 =	vsub.f32 v8, v26;
	v6 =	vld.idx.msk [tilespmem:v3+s31+$0x0 ss:$0x1], $0xffff;
	v12 =	vsub.f32 v13, v12  }
0x4a: {  	v11 =	vld.idx.msk [tilespmem:v1+s31+$0xFFFFD120 ss:$0x1], $0xffff;
	v8 =	vmul.f32 v17, v23;
	v14 =	vadd.f32 v28, v9;
	v13 =	vsub.f32 v20, v16  }
0x4b: {  	v17 =	vld.idx.msk [tilespmem:v2+s31+$0xFFFFD110 ss:$0x1], $0xffff;
	v16 =	vmul.f32 v4, v18;
	v9 =	vand.u32 $0x7FFFFFFF, v12;
	v12 =	vmul.f32 v21, v24  }
0x4c: {  	v19 =	vsub.f32 v19, v22;
	v5 =	vadd.f32 v23, v5;
	v63 =	vmul.f32 v10, v23;
	v18 =	vld.idx.msk [tilespmem:v2+s31+$0xFFFFD120 ss:$0x1], $0xffff  }
0x4d: {  	v20 =	vmul.f32 v30, v26;
	v16 =	vmul.f32 v16, v24;
	v21 =	vld.idx.msk [tilespmem:v1+s31+$0xFFFFE0B0 ss:$0x1], $0xffff;
	v12 =	vadd.f32 v12, v14  }
0x4e: {  	v4 =	vcvt.s32.f32 v25;
	v13 =	vand.u32 $0x7FFFFFFF, v13;
	vm1 =	veq.s32 v6, $0x1  }
0x4f: {  	v14 =	vadd.f32 v60, v60;
	v12 =	vadd.f32 v16, v12;
	v16 =	vmul.f32 v20, v24  }
0x50: {  	v61 =	vld.idx.msk [tilespmem:v2+s31+$0xFFFFF050 ss:$0x1], $0xffff;
	v17 =	vsub.f32 v59, v17;
	v58 =	vmin.f32 v13, $1.000000000e+00;
	v13 =	vadd.f32 v13, v13  }
0x51: {  	v20 =	vld.idx.msk [tilespmem:v1+s31+$0xFFFFF050 ss:$0x1], $0xffff;
	v62 =	vsub.f32 v14, v27;
	v14 =	vmul.f32 v15, v23;
	v12 =	vadd.f32 v16, v12  }
0x52: {  	v11 =	vsub.f32 v11, v18;
	v18 =	vsub.f32 v21, v57;
	v16 =	vmul.f32 v19, v22  }
0x53: {  	v17 =	vand.u32 $0x7FFFFFFF, v17;
	v13 =	vsub.f32 v13, v58;
	v21 =	vadd.f32 v14, v12;
	v12 =	vld.idx.msk [tilespmem:v1+s31+$0xFFFFFFF0 ss:$0x1], $0xffff  }
0x54: {  	v10 =	vand.u32 $0x7FFFFFFF, v11;
	v14 =	vand.u32 $0x7FFFFFFF, v18;
	v18 =	vmul.f32 v16, v23;
	v16 =	vld.idx.msk [tilespmem:v2+s31+$0xFFFFFFF0 ss:$0x1], $0xffff  }
0x55: {  	v11 =	vmul.f32 v13, v58;
	v13 =	vmin.f32 v10, $1.000000000e+00;
	v15 =	vadd.f32 v10, v10  }
0x56: {  	s20 =	simm.s32 $0x100;
	v10 =	vmul.f32 v62, v27;
	v19 =	vsub.f32 v20, v61;
	v20 =	vadd.f32 v63, v21  }
.LBB2_4:
0x57: {  	s21 =	sshra.s32 s20, $0x2;
	p1 =	seq.s32 s20, $0x3E00;
	s20 =	sadd.s32 $0x80, s20;
	v6 =	vcvt.s32.f32 v6;
	v15 =	vsub.f32 v15, v13;
	v21 =	vadd.f32 v9, v9  }
0x58: {  	v23 =	vadd.f32 v17, v17;
	v22 =	vld.idx.msk [tilespmem:v1+s21+$0x0 ss:$0x1], $0xffff;
	v19 =	vand.u32 $0x7FFFFFFF, v19;
	v18 =	vadd.f32 v18, v20  }
0x59: {  	v17 =	vmin.f32 v17, $1.000000000e+00;
	v12 =	vsub.f32 v12, v16;
	v20 =	vld.idx.msk [tilespmem:v2+s21+$0x0 ss:$0x1], $0xffff;
	v13 =	vmul.f32 v15, v13  }
0x5a: {  	v16 =	vsub.f32 v23, v17;
	v23 =	vmin.f32 v14, $1.000000000e+00;
	v15 =	vld.idx.msk [tilespmem:v1+s21+$0xFFFFF060 ss:$0x1], $0xffff;
	v18 =	vadd.f32 v8, v18  }
0x5b: {  	v25 =	vmin.f32 v9, $1.000000000e+00;
	v7 =	vadd.f32 v6, v7;
	v6 =	vand.u32 $0x7FFFFFFF, v12;
	v24 =	vld.idx.msk [tilespmem:v2+s21+$0xFFFFF060 ss:$0x1], $0xffff  }
0x5c: {  	v27 =	vsel vm0, $0x3F800000, v0;
	v8 =	vmul.f32 v16, v17;
	v9 =	vadd.f32 v6, v6;
	v26 =	vld.idx.msk [tilespmem:v3+s21+$0x10 ss:$0x1], $0xffff  }
0x5d: {  	v12 =	vadd.f32 v14, v14;
	v17 =	vsel vm1, $0x3F800000, v0;
	v14 =	vmin.f32 v6, $1.000000000e+00;
	v16 =	vld.idx.msk [tilespmem:v2+s21+$0xFFFFE0C0 ss:$0x1], $0xffff  }
0x5e: {  	v21 =	vsub.f32 v21, v25;
	v29 =	vmul.f32 v8, v17;
	v8 =	vadd.f32 v19, v19;
	v28 =	vld.idx.msk [tilespmem:v2+s21+$0xFFFFD110 ss:$0x1], $0xffff  }
0x5f: {  	v5 =	vadd.f32 v17, v5;
	v12 =	vsub.f32 v12, v23;
	v19 =	vmin.f32 v19, $1.000000000e+00;
	v30 =	vld.idx.msk [tilespmem:v1+s21+$0xFFFFE0C0 ss:$0x1], $0xffff  }
0x60: {  	v9 =	vsub.f32 v9, v14;
	v31 =	vsub.f32 v8, v19;
	v6 =	vld.idx.msk [tilespmem:v3+s21+$0x0 ss:$0x1], $0xffff  }
0x61: {  	v23 =	vmul.f32 v12, v23;
	v5 =	vadd.f32 v27, v5;
	v8 =	vmul.f32 v11, v27;
	v32 =	vld.idx.msk [tilespmem:v2+s21+$0xFFFFD120 ss:$0x1], $0xffff  }
0x62: {  	v20 =	vsub.f32 v22, v20;
	v15 =	vsub.f32 v15, v24;
	v19 =	vmul.f32 v31, v19;
	v11 =	vld.idx.msk [tilespmem:v1+s21+$0xFFFFD120 ss:$0x1], $0xffff  }
0x63: {  	v7 =	vadd.f32 v4, v7;
	v14 =	vmul.f32 v9, v14;
	v4 =	vcvt.s32.f32 v26;
	v22 =	vld.idx.msk [tilespmem:v2+s21+$0xFFFFE0B0 ss:$0x1], $0xffff  }
0x64: {  	v18 =	vadd.f32 v29, v18;
	v20 =	vand.u32 $0x7FFFFFFF, v20;
	v19 =	vmul.f32 v19, v17;
	v12 =	vld.idx.msk [tilespmem:v1+s21+$0xFFFFFFF0 ss:$0x1], $0xffff  }
0x65: {  	v9 =	vand.u32 $0x7FFFFFFF, v15;
	v15 =	vmul.f32 v23, v17;
	v16 =	vsub.f32 v30, v16;
	v24 =	vld.idx.msk [tilespmem:v1+s21+$0xFFFFE0B0 ss:$0x1], $0xffff  }
0x66: {  	v29 =	vmin.f32 v20, $1.000000000e+00;
	v20 =	vadd.f32 v20, v20;
	vm1 =	veq.s32 v6, $0x1;
	v23 =	vld.idx.msk [tilespmem:v1+s21+$0xFFFFD110 ss:$0x1], $0xffff  }
0x67: {  	vm0 =	veq.s32 v26, $0x1;
	v15 =	vadd.f32 v15, v18;
	v16 =	vand.u32 $0x7FFFFFFF, v16  }
0x68: {  	v18 =	vsub.f32 v20, v29;
	v30 =	vmin.f32 v16, $1.000000000e+00;
	v16 =	vadd.f32 v16, v16;
	v26 =	vld.idx.msk [tilespmem:v2+s21+$0xFFFFF050 ss:$0x1], $0xffff  }
0x69: {  	v14 =	vmul.f32 v14, v17;
	v15 =	vadd.f32 v19, v15;
	v11 =	vsub.f32 v11, v32;
	v20 =	vld.idx.msk [tilespmem:v1+s21+$0xFFFFF050 ss:$0x1], $0xffff  }
0x6a: {  	v17 =	vmul.f32 v13, v27;
	v32 =	vmul.f32 v10, v27;
	v31 =	vsub.f32 v16, v30  }
.Ltmp0:
0x6b: {  	v19 =	vmul.f32 v21, v25;
	v14 =	vadd.f32 v14, v15;
	v10 =	vand.u32 $0x7FFFFFFF, v11;
	(pc) =	sbr.rel @!p1 .LBB2_4-.Ltmp0, $4  }
0x6c: {  	v11 =	vmul.f32 v18, v29;
	v22 =	vsub.f32 v24, v22;
	v21 =	vsub.f32 v23, v28;
	v16 =	vld.idx.msk [tilespmem:v2+s21+$0xFFFFFFF0 ss:$0x1], $0xffff  }
0x6d: {  	v13 =	vmin.f32 v10, $1.000000000e+00;
	v15 =	vadd.f32 v10, v10;
	v23 =	vadd.f32 v17, v14  }
0x6e: {  	v18 =	vmul.f32 v19, v27;
	v14 =	vand.u32 $0x7FFFFFFF, v22;
	v17 =	vand.u32 $0x7FFFFFFF, v21  }
0x6f: {  	v10 =	vmul.f32 v31, v30;
	v19 =	vsub.f32 v20, v26;
	v20 =	vadd.f32 v32, v23  }
0x70: {  	v1 =	vadd.f32 v17, v17;
	v56 =	vmin.f32 v17, $1.000000000e+00  }
0x71: {  	v57 =	vadd.f32 v14, v14;
	v58 =	vmin.f32 v14, $1.000000000e+00;
	v2 =	vsub.f32 v12, v16  }
0x72: {  	v3 =	vand.u32 $0x7FFFFFFF, v19;
	v55 =	vadd.f32 v18, v20;
	v1 =	vsub.f32 v1, v56  }
0x73: {  	v61 =	vsel vm1, $0x3F800000, v0;
	v60 =	vadd.f32 v3, v3;
	v17 =	vsub.f32 v57, v58  }
0x74: {  	v3 =	vmin.f32 v3, $1.000000000e+00;
	v2 =	vand.u32 $0x7FFFFFFF, v2;
	v1 =	vmul.f32 v1, v56  }
0x75: {  	v8 =	vadd.f32 v8, v55;
	v59 =	vadd.f32 v2, v2;
	v2 =	vmin.f32 v2, $1.000000000e+00  }
0x76: {  	v16 =	vsub.f32 v60, v3;
	v14 =	vmul.f32 v17, v58;
	v1 =	vmul.f32 v1, v61  }
0x77: {  	v12 =	vsub.f32 v59, v2  }
0x78: {  	v3 =	vmul.f32 v16, v3;
	v1 =	vadd.f32 v1, v8;
	v8 =	vmul.f32 v14, v61  }
0x79: {  	v62 =	vsub.f32 v15, v13  }
0x7a: {  	v2 =	vmul.f32 v12, v2;
	v3 =	vmul.f32 v3, v61;
	v1 =	vadd.f32 v8, v1  }
0x7b: {  	v63 =	vmul.f32 v62, v13  }
0x7c: {  	v8 =	vadd.f32 v9, v9;
	v2 =	vmul.f32 v2, v61;
	v1 =	vadd.f32 v3, v1  }
0x7d: {  	v3 =	vmin.f32 v9, $1.000000000e+00;
	v9 =	vsel vm0, $0x3F800000, v0  }
0x7e: {  	v8 =	vsub.f32 v8, v3;
	v12 =	vmul.f32 v63, v9;
	v1 =	vadd.f32 v2, v1;
	_ =	sdelay $0x1  }
0x7f: {  	v2 =	vmul.f32 v10, v9;
	v3 =	vmul.f32 v8, v3;
	v1 =	vadd.f32 v12, v1  }
0x80: {  	v6 =	vcvt.s32.f32 v6  }
0x81: {  	v3 =	vmul.f32 v3, v9;
	v1 =	vadd.f32 v2, v1  }
0x82: {  	v6 =	vadd.f32 v6, v7  }
0x83: {  	v7 =	vmul.f32 v11, v9;
	v2 =	vadd.f32 v61, v5;
	v1 =	vadd.f32 v3, v1  }
0x84: {  	v4 =	vadd.f32 v4, v6  }
0x85: {  	v5 =	vadd.f32 v9, v2;
	v9 =	vadd.f32 v7, v1  }
0x86: {  	p1 =	seq.s32 s19, s3  }
.Ltmp1:
0x87: {  	_ = 	snop;
	(pc) =	sbr.rel @!p1 .LBB2_3-.Ltmp1, $2  }
0x88: {  	_ =	sdelay $0x2  }
0x89: {  	p0 =	por !p0, !p0  }
0x8a: {  	[tilespmem:$0x11940] =	vst v9  }
0x8b: {  	[tilespmem:$0x11950] =	vst v5  }
0x8c: {  	[tilespmem:$0x11960] =	vst v4  }
0x8d: {  	[tilespmem:$0x11970] =	vst v0  }
0x8e: {  	[tilespmem:$0x11980] =	vst v0  }
0x8f: {  	[tilespmem:$0x11990] =	vst v0;
	s18 =	sadd.s32 $0x1, s18  }
0x90: {  	[tilespmem:$0x119A0] =	vst v0;
	p0 =	sne.s32 s18, s11  }
.Ltmp2:
0x91: {  	[tilespmem:$0x119B0] =	vst v0;
	(pc) =	sbr.rel @p0 .LBB2_1-.Ltmp2, $4  }
0x92: {  	[hbm4b:s10+s2] =	stream.linear.scatter [tilespmem:s16], [sflag:$0x7], $0x80, $0x38;
	[tilespmem:$0x119C0] =	vst v63  }
0x93: {  	_ =	swait.ge [sflag:s17], $0x80  }
0x94: {  	[sflag:s17] =	ssyncset.done $0x0  }
0x95: {  	[sflag:s17] =	ssyncadd.s32 $0xFFFFFF80  }
0x96: {  	_ =	sfence.sel $0x180000  }
0x97: {  	[bflag:$0x0] =	sbarrier.arrive $0xFFFF  }
0x98: {  	p0 =	sne.s32 s1, $0x0;
	_ =	strace $0x9000004A  }
0x99: {  	s0 =	sadd.s32 @!p0 $0x100000, s0;
	[bflag:$0x2] =	sbarrier.arrive $0xFFFF  }
0x9a: {  	[sflag:s0] =	ssyncadd.tile.s32 @!p0 $0x1;
	_ =	shalt  }
.Lfunc_end2:
_tile_overlayer_lowered:
.L_overlay_start_2:
0x9b: {  	(tag) =	ssettag $0x2  }
0x9c: {  	s0 =	rddreg [dreg:$0x0];
	s2 =	stileid.u32  }
0x9d: {  	s1 =	rddreg [dreg:$0x1];
	p0 =	sne.s32 s2, $0x0  }
0x9e: {  	s3 =	rddreg [dreg:$0x2];
	[bflag:$0x3] =	sbarrier.arrive $0xFFFF;
	s2 =	simm.s32 @!p0 $0x1C07  }
0x9f: {  	[timem:s3], [sflag:s2] =	dma.local @!p0 [hbm:s0], s1  }
0xa0: {  	s0 =	simm.s32 @!p0 $0x7  }
0xa1: {  	_ =	swait.ge @!p0 [sflag:s0], s1  }
0xa2: {  	s1 =	ssub.s32 @!p0 $0x0, s1;
	[sflag:s0] =	ssyncset.done @!p0 $0x0  }
0xa3: {  	[sflag:s0] =	ssyncadd.s32 @!p0 s1  }
0xa4: {  	[bflag:$0x3] =	sbarrier.arrive $0xFFFF  }
0xa5: {  	_ =	shalt  }

</sc_bundles>
